<compile_context>
chip_gen: v7x
topology: tpu7x:2x2x1
jax: 0.10.2.dev20260603
libtpu: 0.0.44.dev20260713+nightly
codegen_flags: <defaults>
</compile_context>

<pallas_src>
import jax
import jax.numpy as jnp
from jax import lax
from jax.experimental import pallas as pl
from jax.experimental.pallas import tpu as pltpu
from jax.experimental.pallas import tpu_sc as plsc

L = 16
NW = 32
CHUNK_IDS = 1024
LOC_CAP = 768
CH_CAP = 64
RING = 16


def _extract_body(uid_hbm, iid_hbm, ut_hbm, it_hbm, uout_hbm, iout_hbm,
                  ids_v, bufa, bufb, loc, ch, tmp,
                  sema, semb, semw):
    nc = plsc.get_sparse_core_info().num_cores
    wid = lax.axis_index("s") * nc + lax.axis_index("c")
    iota = lax.iota(jnp.int32, L)
    n_ids = ut_hbm.shape[1]
    n_cols = (n_ids + 127) // 128
    last_chunk = (n_cols - 1) // 8
    max_col = n_cols - 1

    def fire(tab, c, buf, sem):
        for cc in range(8):
            col = jnp.minimum(c * 8 + cc, max_col)
            off = pl.multiple_of(col * 128, 128)
            pltpu.async_copy(tab.at[:, pl.ds(off, 128)], buf.at[cc], sem)

    def drain(tab, buf, sem):
        for cc in range(8):
            pltpu.make_async_copy(tab.at[:, pl.ds(0, 128)], buf.at[cc],
                                  sem).wait()

    def run_table(ids_hbm, tab, out_hbm, tot):
        pltpu.sync_copy(ids_hbm, ids_v)

        def bucket(i, cnt):
            v = ids_v[pl.ds(i * L, L)]
            ch_v = v >> 10
            m = (ch_v & (NW - 1)) == wid
            pack = ((ch_v >> 5) << 24) | ((i * L + iota) << 10) | (v & 1023)
            n = plsc.all_reduce_population_count(m)[0]
            plsc.store_compressed(loc.at[pl.ds(cnt, L)], pack, mask=m)
            return jnp.minimum(cnt + n, LOC_CAP)

        cnt = lax.fori_loop(0, ids_v.shape[0] // L, bucket, 0)
        nscan = (cnt + L - 1) // L

        def process(k, buf, tot):
            def scan(j, nm):
                v = loc[pl.ds(j * L, L)]
                m = ((v >> 24) == k) & ((j * L + iota) < cnt)
                n = plsc.all_reduce_population_count(m)[0]
                plsc.store_compressed(ch.at[pl.ds(nm, L)], v, mask=m)
                return jnp.minimum(nm + n, CH_CAP)

            nm = lax.fori_loop(0, nscan, scan, 0)

            def match(m, tot):
                v = ch[pl.ds(m, L)][0]
                c_in = v & 1023
                b = (v >> 10) & 16383
                ccv = jnp.broadcast_to(c_in >> 7, (L,))
                lv = jnp.broadcast_to(c_in & 127, (L,))
                g1 = plsc.load_gather(buf, [ccv, iota, lv])
                g2 = plsc.load_gather(buf, [ccv, iota + L, lv])
                slot = (tot & (RING - 1)) * 32

                @pl.when(tot >= RING)
                def _():
                    pltpu.make_async_copy(tmp.at[pl.ds(0, 32)],
                                          out_hbm.at[pl.ds(0, 32)],
                                          semw).wait()

                tmp[pl.ds(slot, L)] = g1
                tmp[pl.ds(slot + L, L)] = g2
                pltpu.async_copy(tmp.at[pl.ds(slot, 32)],
                                 out_hbm.at[pl.ds(b * 32, 32)], semw)
                return tot + 1

            return lax.fori_loop(0, nm, match, tot)

        fire(tab, wid, bufa, sema)

        def step(k2, tot):
            ka = 2 * k2
            kb = 2 * k2 + 1
            fire(tab, wid + kb * NW, bufb, semb)
            drain(tab, bufa, sema)
            fire(tab, wid + (kb + 1) * NW, bufa, sema)
            drain(tab, bufb, semb)
            return tot

        n_steps = (last_chunk // NW + 2) // 2
        tot = lax.fori_loop(0, n_steps, step, tot)
        drain(tab, bufa, sema)
        return tot

    tot = run_table(uid_hbm, ut_hbm, uout_hbm, 0)
    tot = run_table(iid_hbm, it_hbm, iout_hbm, tot)

    def final_drain(i, carry):
        pltpu.make_async_copy(tmp.at[pl.ds(0, 32)],
                              uout_hbm.at[pl.ds(0, 32)], semw).wait()
        return carry

    lax.fori_loop(0, jnp.minimum(tot, RING), final_drain, 0)


def _dot_body(uid_hbm, iid_hbm, uf_hbm, if_hbm, ub_hbm, ib_hbm, gb_hbm,
              out_hbm,
              uidx_v, iidx_v, uv, iv, ubv, ibv, outv, gbv, sem0, sem1):
    nc = plsc.get_sparse_core_info().num_cores
    wid = lax.axis_index("s") * nc + lax.axis_index("c")
    bpw = uidx_v.shape[0]
    base = wid * bpw
    d_dim = uv.shape[0] // bpw

    pltpu.sync_copy(uid_hbm.at[pl.ds(base, bpw)], uidx_v)
    pltpu.sync_copy(iid_hbm.at[pl.ds(base, bpw)], iidx_v)
    pltpu.sync_copy(gb_hbm, gbv)
    pltpu.sync_copy(uf_hbm.at[pl.ds(base * d_dim, bpw * d_dim)], uv)
    pltpu.sync_copy(if_hbm.at[pl.ds(base * d_dim, bpw * d_dim)], iv)
    h0 = pltpu.async_copy(ub_hbm.at[uidx_v], ubv, sem0)
    h1 = pltpu.async_copy(ib_hbm.at[iidx_v], ibv, sem1)
    h0.wait()
    h1.wait()

    gb = gbv[...]
    stride_iota = lax.iota(jnp.int32, L) * d_dim

    def body(g, carry):
        r0 = g * L
        acc = ubv[pl.ds(r0, L)] + ibv[pl.ds(r0, L)] + gb
        flat0 = r0 * d_dim
        for d in range(d_dim):
            idx = flat0 + d + stride_iota
            u = plsc.load_gather(uv, [idx])
            v = plsc.load_gather(iv, [idx])
            acc = acc + u * v
        outv[pl.ds(r0, L)] = 1.0 / (1.0 + jnp.exp(-acc))
        return carry

    lax.fori_loop(0, bpw // L, body, 0)
    pltpu.sync_copy(outv, out_hbm.at[pl.ds(base, bpw)])


def kernel(user_ids, item_ids, user_table, item_table, user_bias, item_bias,
           global_bias):
    batch = user_ids.shape[0]
    d_dim = user_table.shape[1]
    bpw = batch // NW
    mesh = plsc.VectorSubcoreMesh(core_axis_name="c", subcore_axis_name="s")

    extract = pl.kernel(
        _extract_body,
        mesh=mesh,
        out_type=(jax.ShapeDtypeStruct((batch * d_dim,), jnp.float32),
                  jax.ShapeDtypeStruct((batch * d_dim,), jnp.float32)),
        scratch_types=[
            pltpu.VMEM((batch,), jnp.int32),
            pltpu.VMEM((8, d_dim, 128), jnp.float32),
            pltpu.VMEM((8, d_dim, 128), jnp.float32),
            pltpu.VMEM((LOC_CAP + 2 * L,), jnp.int32),
            pltpu.VMEM((CH_CAP + 2 * L,), jnp.int32),
            pltpu.VMEM((RING * 32,), jnp.float32),
            pltpu.SemaphoreType.DMA,
            pltpu.SemaphoreType.DMA,
            pltpu.SemaphoreType.DMA,
        ],
        compiler_params=pltpu.CompilerParams(
            needs_layout_passes=False, use_tc_tiling_on_sc=True),
    )
    dot = pl.kernel(
        _dot_body,
        mesh=mesh,
        out_type=jax.ShapeDtypeStruct((batch,), jnp.float32),
        scratch_types=[
            pltpu.VMEM((bpw,), jnp.int32),
            pltpu.VMEM((bpw,), jnp.int32),
            pltpu.VMEM((bpw * d_dim,), jnp.float32),
            pltpu.VMEM((bpw * d_dim,), jnp.float32),
            pltpu.VMEM((bpw,), jnp.float32),
            pltpu.VMEM((bpw,), jnp.float32),
            pltpu.VMEM((bpw,), jnp.float32),
            pltpu.VMEM((L,), jnp.float32),
            pltpu.SemaphoreType.DMA,
            pltpu.SemaphoreType.DMA,
        ],
        compiler_params=pltpu.CompilerParams(
            needs_layout_passes=False, use_tc_tiling_on_sc=False),
    )

    uids = user_ids.astype(jnp.int32)
    iids = item_ids.astype(jnp.int32)
    uf, itf = extract(uids, iids, user_table.T, item_table.T)
    out = dot(uids, iids, uf, itf,
              user_bias.reshape(-1), item_bias.reshape(-1),
              jnp.broadcast_to(global_bias, (L,)))
    return out.reshape(batch, 1)

# --- scband reference (transcript-rebuilt; emitter-appended) ---
"""Pipeline reference for scband-bmf-58772332478808 (READ-ONLY COPY).

The authoritative reference and input builder live on the scoring server;
editing this copy changes nothing except your own understanding.
"""

import jax, jax.numpy as jnp
import numpy as np

N_USERS = 1000000
N_ITEMS = 1000000
EMBED_DIM = 32
BATCH = 16384

def setup_inputs(seed: int = 0) -> dict:
    key = jax.random.key(seed)
    k1, k2, k3, k4, k5, k6 = jax.random.split(key, 6)
    user_ids = jax.random.randint(k1, (BATCH,), 0, N_USERS, dtype=jnp.int64 if jax.config.jax_enable_x64 else jnp.int32)
    item_ids = jax.random.randint(k2, (BATCH,), 0, N_ITEMS, dtype=jnp.int64 if jax.config.jax_enable_x64 else jnp.int32)
    user_table = jax.random.normal(k3, (N_USERS, EMBED_DIM), dtype=jnp.float32) * 0.05
    item_table = jax.random.normal(k4, (N_ITEMS, EMBED_DIM), dtype=jnp.float32) * 0.05
    user_bias = jax.random.normal(k5, (N_USERS, 1), dtype=jnp.float32) * 0.05
    item_bias = jax.random.normal(k6, (N_ITEMS, 1), dtype=jnp.float32) * 0.05
    global_bias = jnp.zeros((1,), dtype=jnp.float32)
    return {
        "user_ids": user_ids,
        "item_ids": item_ids,
        "user_table": user_table,
        "item_table": item_table,
        "user_bias": user_bias,
        "item_bias": item_bias,
        "global_bias": global_bias,
    }

def reference(user_ids, item_ids, user_table, item_table, user_bias, item_bias, global_bias):
    user_emb = jnp.take(user_table, user_ids, axis=0)          # [B, D]
    item_emb = jnp.take(item_table, item_ids, axis=0)          # [B, D]
    user_b = jnp.take(user_bias, user_ids, axis=0)             # [B, 1]
    item_b = jnp.take(item_bias, item_ids, axis=0)             # [B, 1]
    dot_product = jnp.sum(user_emb * item_emb, axis=-1, keepdims=True)  # [B, 1]
    output = jax.nn.sigmoid(dot_product + user_b + item_b + global_bias)
    return output

if __name__ == "__main__":
    import jax
    _d = setup_inputs()
    print(jax.jit(kernel)(*tuple(_d.values())))

</pallas_src>

<mosaic_0001>
#map = affine_map<(d0, d1) -> (0)>
#map1 = affine_map<(d0, d1) -> (0, 0)>
module attributes {stable_mosaic.version = 14 : i64} {
  func.func @_extract_body(%arg0: i32, %arg1: i32, %arg2: memref<16384xi32, #tpu.memory_space<hbm>>, %arg3: memref<16384xi32, #tpu.memory_space<hbm>>, %arg4: memref<32x1000000xf32, #tpu.memory_space<hbm>>, %arg5: memref<32x1000000xf32, #tpu.memory_space<hbm>>, %arg6: memref<524288xf32, #tpu.memory_space<hbm>>, %arg7: memref<524288xf32, #tpu.memory_space<hbm>>, %arg8: memref<16384xi32, #tpu.memory_space<vmem>>, %arg9: memref<8x32x128xf32, #tpu.memory_space<vmem>>, %arg10: memref<8x32x128xf32, #tpu.memory_space<vmem>>, %arg11: memref<800xi32, #tpu.memory_space<vmem>>, %arg12: memref<96xi32, #tpu.memory_space<vmem>>, %arg13: memref<512xf32, #tpu.memory_space<vmem>>, %arg14: memref<!tpu.dma_semaphore, #tpu.memory_space<semaphore_mem>>, %arg15: memref<!tpu.dma_semaphore, #tpu.memory_space<semaphore_mem>>, %arg16: memref<!tpu.dma_semaphore, #tpu.memory_space<semaphore_mem>>) attributes {dimension_semantics = [#tpu.dimension_semantics<core_parallel>, #tpu.dimension_semantics<subcore_parallel>], iteration_bounds = array<i64: 2, 16>, scalar_prefetch = 0 : i64, scratch_operands = 9 : i64, tpu.core_type = #tpu.core_type<sc_vector_subcore>, window_params = [{transform_indices = #map}, {transform_indices = #map}, {transform_indices = #map1}, {transform_indices = #map1}, {transform_indices = #map}, {transform_indices = #map}]} {
    %mul3A = arith.constant 2 : i32
    %mul3A_0 = arith.muli %arg1, %mul3A : i32
    %add3A = arith.addi %mul3A_0, %arg0 : i32
    %iota3A = tpu.iota {dimensions = array<i32: 0>} : vector<16xi32>
    "tpu.region"() ({
      %run_scoped3A = tpu.sem_alloc : memref<!tpu.dma_semaphore, #tpu.memory_space<semaphore_mem>>
      tpu.enqueue_dma source(%arg2 : memref<16384xi32, #tpu.memory_space<hbm>>) target(%arg8 : memref<16384xi32, #tpu.memory_space<vmem>>) target_semaphore(%run_scoped3A : memref<!tpu.dma_semaphore, #tpu.memory_space<semaphore_mem>>)
      tpu.wait_dma2 semaphore(%run_scoped3A : memref<!tpu.dma_semaphore, #tpu.memory_space<semaphore_mem>>) src(%arg2 : memref<16384xi32, #tpu.memory_space<hbm>>) dst(%arg8 : memref<16384xi32, #tpu.memory_space<vmem>>)
      tpu.yield
    }) : () -> ()
    %scan3A = arith.constant 0 : i32
    %scan3A_1 = arith.constant 0 : i32
    %scan3A_2 = arith.constant 1024 : i32
    %scan3A_3 = arith.addi %scan3A_1, %scan3A_2 : i32
    %scan3A_4 = arith.constant 1 : i32
    %scan3A_5 = scf.for %scan3A_674 = %scan3A_1 to %scan3A_3 step %scan3A_4 iter_args(%scan3A_675 = %scan3A) -> (i32)  : i32 {
      %mul3A_676 = arith.constant 16 : i32
      %mul3A_677 = arith.muli %scan3A_674, %mul3A_676 : i32
      %get3A = arith.index_cast %mul3A_677 : i32 to index
      %get3A_678 = tpu.vector_load %arg8[%get3A] {strides = array<i32>} : memref<16384xi32, #tpu.memory_space<vmem>>, vector<16xi32>,
      %shift_right_arithmetic3A = arith.constant 10 : i32
      %shift_right_arithmetic3A_679 = vector.broadcast %shift_right_arithmetic3A : i32 to vector<16xi32>
      %shift_right_arithmetic3A_680 = arith.shrsi %get3A_678, %shift_right_arithmetic3A_679 : vector<16xi32>
      %and3A_681 = arith.constant 31 : i32
      %and3A_682 = vector.broadcast %and3A_681 : i32 to vector<16xi32>
      %and3A_683 = arith.andi %shift_right_arithmetic3A_680, %and3A_682 : vector<16xi32>
      %eq3A = vector.broadcast %add3A : i32 to vector<16xi32>
      %eq3A_684 = arith.cmpi eq, %and3A_683, %eq3A : vector<16xi32>
      %shift_right_arithmetic3A_685 = arith.constant 5 : i32
      %shift_right_arithmetic3A_686 = vector.broadcast %shift_right_arithmetic3A_685 : i32 to vector<16xi32>
      %shift_right_arithmetic3A_687 = arith.shrsi %shift_right_arithmetic3A_680, %shift_right_arithmetic3A_686 : vector<16xi32>
      %shift_left3A = arith.constant 24 : i32
      %shift_left3A_688 = vector.broadcast %shift_left3A : i32 to vector<16xi32>
      %shift_left3A_689 = arith.shli %shift_right_arithmetic3A_687, %shift_left3A_688 : vector<16xi32>
      %mul3A_690 = arith.constant 16 : i32
      %mul3A_691 = arith.muli %scan3A_674, %mul3A_690 : i32
      %add3A_692 = vector.broadcast %mul3A_691 : i32 to vector<16xi32>
      %add3A_693 = arith.addi %add3A_692, %iota3A : vector<16xi32>
      %shift_left3A_694 = arith.constant 10 : i32
      %shift_left3A_695 = vector.broadcast %shift_left3A_694 : i32 to vector<16xi32>
      %shift_left3A_696 = arith.shli %add3A_693, %shift_left3A_695 : vector<16xi32>
      %or3A = arith.ori %shift_left3A_689, %shift_left3A_696 : vector<16xi32>
      %and3A_697 = arith.constant 1023 : i32
      %and3A_698 = vector.broadcast %and3A_697 : i32 to vector<16xi32>
      %and3A_699 = arith.andi %get3A_678, %and3A_698 : vector<16xi32>
      %or3A_700 = arith.ori %or3A, %and3A_699 : vector<16xi32>
      %all_reduce_population_count3A = tpu.all_reduce %eq3A_684 {dim = 0 : i64, kind = #tpu.reduction_kind<sum>} : vector<16xi1> -> vector<16xi32>
      %slice3A = vector.extract_strided_slice %all_reduce_population_count3A {offsets = [0], sizes = [1], strides = [1]} : vector<16xi32> to vector<1xi32>
      %squeeze3A = vector.extract %slice3A[0] : i32 from vector<1xi32>
      %swap3A = arith.index_cast %scan3A_675 : i32 to index
      %swap3A_701 = tpu.vector_load %arg11[%swap3A] masked %eq3A_684 {strides = array<i32>} : memref<800xi32, #tpu.memory_space<vmem>>, vector<16xi32>, vector<16xi1>
      tpu.vector_store %arg11[%swap3A], %or3A_700 masked %eq3A_684 {strides = array<i32>} : memref<800xi32, #tpu.memory_space<vmem>>, vector<16xi32>, vector<16xi1>
      %add3A_702 = arith.addi %scan3A_675, %squeeze3A : i32
      %min3A_703 = arith.constant 768 : i32
      %min3A_704 = arith.minsi %add3A_702, %min3A_703 : i32
      scf.yield %min3A_704 : i32
    }
    %scan3A_6 = arith.constant 1024 : i32
    %add3A_7 = arith.constant 16 : i32
    %add3A_8 = arith.addi %scan3A_5, %add3A_7 : i32
    %sub3A = arith.constant 1 : i32
    %sub3A_9 = arith.subi %add3A_8, %sub3A : i32
    %jit3A = arith.constant 16 : i32
    %div3A = arith.divsi %sub3A_9, %jit3A : i32
    %sign3A = arith.constant 0 : i32
    %sign3A_10 = arith.cmpi sgt, %sub3A_9, %sign3A : i32
    %sign3A_11 = arith.extui %sign3A_10 : i1 to i32
    %sign3A_12 = arith.constant 0 : i32
    %sign3A_13 = arith.cmpi slt, %sub3A_9, %sign3A_12 : i32
    %sign3A_14 = arith.extui %sign3A_13 : i1 to i32
    %sign3A_15 = arith.subi %sign3A_11, %sign3A_14 : i32
    %sign3A_16 = arith.constant 0 : i32
    %sign3A_17 = arith.cmpi sgt, %jit3A, %sign3A_16 : i32
    %sign3A_18 = arith.extui %sign3A_17 : i1 to i32
    %sign3A_19 = arith.constant 0 : i32
    %sign3A_20 = arith.cmpi slt, %jit3A, %sign3A_19 : i32
    %sign3A_21 = arith.extui %sign3A_20 : i1 to i32
    %sign3A_22 = arith.subi %sign3A_18, %sign3A_21 : i32
    %ne3A = arith.cmpi ne, %sign3A_15, %sign3A_22 : i32
    %rem3A = arith.remsi %sub3A_9, %jit3A : i32
    %ne3A_23 = arith.constant 0 : i32
    %ne3A_24 = arith.cmpi ne, %rem3A, %ne3A_23 : i32
    %and3A = arith.andi %ne3A, %ne3A_24 : i1
    %sub3A_25 = arith.constant 1 : i32
    %sub3A_26 = arith.subi %div3A, %sub3A_25 : i32
    %select_n3A = arith.select %and3A, %sub3A_26, %div3A : i32
    %mul3A_27 = arith.constant 8 : i32
    %mul3A_28 = arith.muli %add3A, %mul3A_27 : i32
    %add3A_29 = arith.constant 0 : i32
    %add3A_30 = arith.addi %mul3A_28, %add3A_29 : i32
    %min3A = arith.constant 7812 : i32
    %min3A_31 = arith.minsi %add3A_30, %min3A : i32
    %mul3A_32 = arith.constant 128 : i32
    %mul3A_33 = arith.muli %min3A_31, %mul3A_32 : i32
    %multiple_of3A = tpu.assume_multiple %mul3A_33, 128 : i32
    %dma_start3A = arith.constant 0 : i32
    %dma_start3A_34 = arith.constant 0 : i32
    %dma_start3A_35 = arith.constant 0 : i32
    %dma_start3A_36 = tpu.memref_slice %arg9[%dma_start3A, %dma_start3A_34, %dma_start3A_35] : memref<8x32x128xf32, #tpu.memory_space<vmem>> -> memref<1x32x128xf32, #tpu.memory_space<vmem>>
    %dma_start3A_37 = tpu.memref_squeeze %dma_start3A_36 : memref<1x32x128xf32, #tpu.memory_space<vmem>> -> memref<32x128xf32, #tpu.memory_space<vmem>>
    %dma_start3A_38 = arith.constant 0 : i32
    %dma_start3A_39 = tpu.memref_slice %arg4[%dma_start3A_38, %multiple_of3A] : memref<32x1000000xf32, #tpu.memory_space<hbm>> -> memref<32x128xf32, #tpu.memory_space<hbm>>
    %dma_start3A_40 = arith.constant 0 : i32
    %dma_start3A_41 = arith.constant 0 : i32
    %dma_start3A_42 = tpu.memref_slice %arg9[%dma_start3A, %dma_start3A_40, %dma_start3A_41] : memref<8x32x128xf32, #tpu.memory_space<vmem>> -> memref<1x32x128xf32, #tpu.memory_space<vmem>>
    %dma_start3A_43 = tpu.memref_squeeze %dma_start3A_42 : memref<1x32x128xf32, #tpu.memory_space<vmem>> -> memref<32x128xf32, #tpu.memory_space<vmem>>
    %dma_start3A_44 = arith.constant 0 : i32
    %dma_start3A_45 = tpu.memref_slice %arg4[%dma_start3A_44, %multiple_of3A] : memref<32x1000000xf32, #tpu.memory_space<hbm>> -> memref<32x128xf32, #tpu.memory_space<hbm>>
    tpu.enqueue_dma source(%dma_start3A_45 : memref<32x128xf32, #tpu.memory_space<hbm>>) target(%dma_start3A_43 : memref<32x128xf32, #tpu.memory_space<vmem>>) target_semaphore(%arg14 : memref<!tpu.dma_semaphore, #tpu.memory_space<semaphore_mem>>)
    %mul3A_46 = arith.constant 8 : i32
    %mul3A_47 = arith.muli %add3A, %mul3A_46 : i32
    %add3A_48 = arith.constant 1 : i32
    %add3A_49 = arith.addi %mul3A_47, %add3A_48 : i32
    %min3A_50 = arith.constant 7812 : i32
    %min3A_51 = arith.minsi %add3A_49, %min3A_50 : i32
    %mul3A_52 = arith.constant 128 : i32
    %mul3A_53 = arith.muli %min3A_51, %mul3A_52 : i32
    %multiple_of3A_54 = tpu.assume_multiple %mul3A_53, 128 : i32
    %dma_start3A_55 = arith.constant 1 : i32
    %dma_start3A_56 = arith.constant 0 : i32
    %dma_start3A_57 = arith.constant 0 : i32
    %dma_start3A_58 = tpu.memref_slice %arg9[%dma_start3A_55, %dma_start3A_56, %dma_start3A_57] : memref<8x32x128xf32, #tpu.memory_space<vmem>> -> memref<1x32x128xf32, #tpu.memory_space<vmem>>
    %dma_start3A_59 = tpu.memref_squeeze %dma_start3A_58 : memref<1x32x128xf32, #tpu.memory_space<vmem>> -> memref<32x128xf32, #tpu.memory_space<vmem>>
    %dma_start3A_60 = arith.constant 0 : i32
    %dma_start3A_61 = tpu.memref_slice %arg4[%dma_start3A_60, %multiple_of3A_54] : memref<32x1000000xf32, #tpu.memory_space<hbm>> -> memref<32x128xf32, #tpu.memory_space<hbm>>
    %dma_start3A_62 = arith.constant 0 : i32
    %dma_start3A_63 = arith.constant 0 : i32
    %dma_start3A_64 = tpu.memref_slice %arg9[%dma_start3A_55, %dma_start3A_62, %dma_start3A_63] : memref<8x32x128xf32, #tpu.memory_space<vmem>> -> memref<1x32x128xf32, #tpu.memory_space<vmem>>
    %dma_start3A_65 = tpu.memref_squeeze %dma_start3A_64 : memref<1x32x128xf32, #tpu.memory_space<vmem>> -> memref<32x128xf32, #tpu.memory_space<vmem>>
    %dma_start3A_66 = arith.constant 0 : i32
    %dma_start3A_67 = tpu.memref_slice %arg4[%dma_start3A_66, %multiple_of3A_54] : memref<32x1000000xf32, #tpu.memory_space<hbm>> -> memref<32x128xf32, #tpu.memory_space<hbm>>
    tpu.enqueue_dma source(%dma_start3A_67 : memref<32x128xf32, #tpu.memory_space<hbm>>) target(%dma_start3A_65 : memref<32x128xf32, #tpu.memory_space<vmem>>) target_semaphore(%arg14 : memref<!tpu.dma_semaphore, #tpu.memory_space<semaphore_mem>>)
    %mul3A_68 = arith.constant 8 : i32
    %mul3A_69 = arith.muli %add3A, %mul3A_68 : i32
    %add3A_70 = arith.constant 2 : i32
    %add3A_71 = arith.addi %mul3A_69, %add3A_70 : i32
    %min3A_72 = arith.constant 7812 : i32
    %min3A_73 = arith.minsi %add3A_71, %min3A_72 : i32
    %mul3A_74 = arith.constant 128 : i32
    %mul3A_75 = arith.muli %min3A_73, %mul3A_74 : i32
    %multiple_of3A_76 = tpu.assume_multiple %mul3A_75, 128 : i32
    %dma_start3A_77 = arith.constant 2 : i32
    %dma_start3A_78 = arith.constant 0 : i32
    %dma_start3A_79 = arith.constant 0 : i32
    %dma_start3A_80 = tpu.memref_slice %arg9[%dma_start3A_77, %dma_start3A_78, %dma_start3A_79] : memref<8x32x128xf32, #tpu.memory_space<vmem>> -> memref<1x32x128xf32, #tpu.memory_space<vmem>>
    %dma_start3A_81 = tpu.memref_squeeze %dma_start3A_80 : memref<1x32x128xf32, #tpu.memory_space<vmem>> -> memref<32x128xf32, #tpu.memory_space<vmem>>
    %dma_start3A_82 = arith.constant 0 : i32
    %dma_start3A_83 = tpu.memref_slice %arg4[%dma_start3A_82, %multiple_of3A_76] : memref<32x1000000xf32, #tpu.memory_space<hbm>> -> memref<32x128xf32, #tpu.memory_space<hbm>>
    %dma_start3A_84 = arith.constant 0 : i32
    %dma_start3A_85 = arith.constant 0 : i32
    %dma_start3A_86 = tpu.memref_slice %arg9[%dma_start3A_77, %dma_start3A_84, %dma_start3A_85] : memref<8x32x128xf32, #tpu.memory_space<vmem>> -> memref<1x32x128xf32, #tpu.memory_space<vmem>>
    %dma_start3A_87 = tpu.memref_squeeze %dma_start3A_86 : memref<1x32x128xf32, #tpu.memory_space<vmem>> -> memref<32x128xf32, #tpu.memory_space<vmem>>
    %dma_start3A_88 = arith.constant 0 : i32
    %dma_start3A_89 = tpu.memref_slice %arg4[%dma_start3A_88, %multiple_of3A_76] : memref<32x1000000xf32, #tpu.memory_space<hbm>> -> memref<32x128xf32, #tpu.memory_space<hbm>>
    tpu.enqueue_dma source(%dma_start3A_89 : memref<32x128xf32, #tpu.memory_space<hbm>>) target(%dma_start3A_87 : memref<32x128xf32, #tpu.memory_space<vmem>>) target_semaphore(%arg14 : memref<!tpu.dma_semaphore, #tpu.memory_space<semaphore_mem>>)
    %mul3A_90 = arith.constant 8 : i32
    %mul3A_91 = arith.muli %add3A, %mul3A_90 : i32
    %add3A_92 = arith.constant 3 : i32
    %add3A_93 = arith.addi %mul3A_91, %add3A_92 : i32
    %min3A_94 = arith.constant 7812 : i32
    %min3A_95 = arith.minsi %add3A_93, %min3A_94 : i32
    %mul3A_96 = arith.constant 128 : i32
    %mul3A_97 = arith.muli %min3A_95, %mul3A_96 : i32
    %multiple_of3A_98 = tpu.assume_multiple %mul3A_97, 128 : i32
    %dma_start3A_99 = arith.constant 3 : i32
    %dma_start3A_100 = arith.constant 0 : i32
    %dma_start3A_101 = arith.constant 0 : i32
    %dma_start3A_102 = tpu.memref_slice %arg9[%dma_start3A_99, %dma_start3A_100, %dma_start3A_101] : memref<8x32x128xf32, #tpu.memory_space<vmem>> -> memref<1x32x128xf32, #tpu.memory_space<vmem>>
    %dma_start3A_103 = tpu.memref_squeeze %dma_start3A_102 : memref<1x32x128xf32, #tpu.memory_space<vmem>> -> memref<32x128xf32, #tpu.memory_space<vmem>>
    %dma_start3A_104 = arith.constant 0 : i32
    %dma_start3A_105 = tpu.memref_slice %arg4[%dma_start3A_104, %multiple_of3A_98] : memref<32x1000000xf32, #tpu.memory_space<hbm>> -> memref<32x128xf32, #tpu.memory_space<hbm>>
    %dma_start3A_106 = arith.constant 0 : i32
    %dma_start3A_107 = arith.constant 0 : i32
    %dma_start3A_108 = tpu.memref_slice %arg9[%dma_start3A_99, %dma_start3A_106, %dma_start3A_107] : memref<8x32x128xf32, #tpu.memory_space<vmem>> -> memref<1x32x128xf32, #tpu.memory_space<vmem>>
    %dma_start3A_109 = tpu.memref_squeeze %dma_start3A_108 : memref<1x32x128xf32, #tpu.memory_space<vmem>> -> memref<32x128xf32, #tpu.memory_space<vmem>>
    %dma_start3A_110 = arith.constant 0 : i32
    %dma_start3A_111 = tpu.memref_slice %arg4[%dma_start3A_110, %multiple_of3A_98] : memref<32x1000000xf32, #tpu.memory_space<hbm>> -> memref<32x128xf32, #tpu.memory_space<hbm>>
    tpu.enqueue_dma source(%dma_start3A_111 : memref<32x128xf32, #tpu.memory_space<hbm>>) target(%dma_start3A_109 : memref<32x128xf32, #tpu.memory_space<vmem>>) target_semaphore(%arg14 : memref<!tpu.dma_semaphore, #tpu.memory_space<semaphore_mem>>)
    %mul3A_112 = arith.constant 8 : i32
    %mul3A_113 = arith.muli %add3A, %mul3A_112 : i32
    %add3A_114 = arith.constant 4 : i32
    %add3A_115 = arith.addi %mul3A_113, %add3A_114 : i32
    %min3A_116 = arith.constant 7812 : i32
    %min3A_117 = arith.minsi %add3A_115, %min3A_116 : i32
    %mul3A_118 = arith.constant 128 : i32
    %mul3A_119 = arith.muli %min3A_117, %mul3A_118 : i32
    %multiple_of3A_120 = tpu.assume_multiple %mul3A_119, 128 : i32
    %dma_start3A_121 = arith.constant 4 : i32
    %dma_start3A_122 = arith.constant 0 : i32
    %dma_start3A_123 = arith.constant 0 : i32
    %dma_start3A_124 = tpu.memref_slice %arg9[%dma_start3A_121, %dma_start3A_122, %dma_start3A_123] : memref<8x32x128xf32, #tpu.memory_space<vmem>> -> memref<1x32x128xf32, #tpu.memory_space<vmem>>
    %dma_start3A_125 = tpu.memref_squeeze %dma_start3A_124 : memref<1x32x128xf32, #tpu.memory_space<vmem>> -> memref<32x128xf32, #tpu.memory_space<vmem>>
    %dma_start3A_126 = arith.constant 0 : i32
    %dma_start3A_127 = tpu.memref_slice %arg4[%dma_start3A_126, %multiple_of3A_120] : memref<32x1000000xf32, #tpu.memory_space<hbm>> -> memref<32x128xf32, #tpu.memory_space<hbm>>
    %dma_start3A_128 = arith.constant 0 : i32
    %dma_start3A_129 = arith.constant 0 : i32
    %dma_start3A_130 = tpu.memref_slice %arg9[%dma_start3A_121, %dma_start3A_128, %dma_start3A_129] : memref<8x32x128xf32, #tpu.memory_space<vmem>> -> memref<1x32x128xf32, #tpu.memory_space<vmem>>
    %dma_start3A_131 = tpu.memref_squeeze %dma_start3A_130 : memref<1x32x128xf32, #tpu.memory_space<vmem>> -> memref<32x128xf32, #tpu.memory_space<vmem>>
    %dma_start3A_132 = arith.constant 0 : i32
    %dma_start3A_133 = tpu.memref_slice %arg4[%dma_start3A_132, %multiple_of3A_120] : memref<32x1000000xf32, #tpu.memory_space<hbm>> -> memref<32x128xf32, #tpu.memory_space<hbm>>
    tpu.enqueue_dma source(%dma_start3A_133 : memref<32x128xf32, #tpu.memory_space<hbm>>) target(%dma_start3A_131 : memref<32x128xf32, #tpu.memory_space<vmem>>) target_semaphore(%arg14 : memref<!tpu.dma_semaphore, #tpu.memory_space<semaphore_mem>>)
    %mul3A_134 = arith.constant 8 : i32
    %mul3A_135 = arith.muli %add3A, %mul3A_134 : i32
    %add3A_136 = arith.constant 5 : i32
    %add3A_137 = arith.addi %mul3A_135, %add3A_136 : i32
    %min3A_138 = arith.constant 7812 : i32
    %min3A_139 = arith.minsi %add3A_137, %min3A_138 : i32
    %mul3A_140 = arith.constant 128 : i32
    %mul3A_141 = arith.muli %min3A_139, %mul3A_140 : i32
    %multiple_of3A_142 = tpu.assume_multiple %mul3A_141, 128 : i32
    %dma_start3A_143 = arith.constant 5 : i32
    %dma_start3A_144 = arith.constant 0 : i32
    %dma_start3A_145 = arith.constant 0 : i32
    %dma_start3A_146 = tpu.memref_slice %arg9[%dma_start3A_143, %dma_start3A_144, %dma_start3A_145] : memref<8x32x128xf32, #tpu.memory_space<vmem>> -> memref<1x32x128xf32, #tpu.memory_space<vmem>>
    %dma_start3A_147 = tpu.memref_squeeze %dma_start3A_146 : memref<1x32x128xf32, #tpu.memory_space<vmem>> -> memref<32x128xf32, #tpu.memory_space<vmem>>
    %dma_start3A_148 = arith.constant 0 : i32
    %dma_start3A_149 = tpu.memref_slice %arg4[%dma_start3A_148, %multiple_of3A_142] : memref<32x1000000xf32, #tpu.memory_space<hbm>> -> memref<32x128xf32, #tpu.memory_space<hbm>>
    %dma_start3A_150 = arith.constant 0 : i32
    %dma_start3A_151 = arith.constant 0 : i32
    %dma_start3A_152 = tpu.memref_slice %arg9[%dma_start3A_143, %dma_start3A_150, %dma_start3A_151] : memref<8x32x128xf32, #tpu.memory_space<vmem>> -> memref<1x32x128xf32, #tpu.memory_space<vmem>>
    %dma_start3A_153 = tpu.memref_squeeze %dma_start3A_152 : memref<1x32x128xf32, #tpu.memory_space<vmem>> -> memref<32x128xf32, #tpu.memory_space<vmem>>
    %dma_start3A_154 = arith.constant 0 : i32
    %dma_start3A_155 = tpu.memref_slice %arg4[%dma_start3A_154, %multiple_of3A_142] : memref<32x1000000xf32, #tpu.memory_space<hbm>> -> memref<32x128xf32, #tpu.memory_space<hbm>>
    tpu.enqueue_dma source(%dma_start3A_155 : memref<32x128xf32, #tpu.memory_space<hbm>>) target(%dma_start3A_153 : memref<32x128xf32, #tpu.memory_space<vmem>>) target_semaphore(%arg14 : memref<!tpu.dma_semaphore, #tpu.memory_space<semaphore_mem>>)
    %mul3A_156 = arith.constant 8 : i32
    %mul3A_157 = arith.muli %add3A, %mul3A_156 : i32
    %add3A_158 = arith.constant 6 : i32
    %add3A_159 = arith.addi %mul3A_157, %add3A_158 : i32
    %min3A_160 = arith.constant 7812 : i32
    %min3A_161 = arith.minsi %add3A_159, %min3A_160 : i32
    %mul3A_162 = arith.constant 128 : i32
    %mul3A_163 = arith.muli %min3A_161, %mul3A_162 : i32
    %multiple_of3A_164 = tpu.assume_multiple %mul3A_163, 128 : i32
    %dma_start3A_165 = arith.constant 6 : i32
    %dma_start3A_166 = arith.constant 0 : i32
    %dma_start3A_167 = arith.constant 0 : i32
    %dma_start3A_168 = tpu.memref_slice %arg9[%dma_start3A_165, %dma_start3A_166, %dma_start3A_167] : memref<8x32x128xf32, #tpu.memory_space<vmem>> -> memref<1x32x128xf32, #tpu.memory_space<vmem>>
    %dma_start3A_169 = tpu.memref_squeeze %dma_start3A_168 : memref<1x32x128xf32, #tpu.memory_space<vmem>> -> memref<32x128xf32, #tpu.memory_space<vmem>>
    %dma_start3A_170 = arith.constant 0 : i32
    %dma_start3A_171 = tpu.memref_slice %arg4[%dma_start3A_170, %multiple_of3A_164] : memref<32x1000000xf32, #tpu.memory_space<hbm>> -> memref<32x128xf32, #tpu.memory_space<hbm>>
    %dma_start3A_172 = arith.constant 0 : i32
    %dma_start3A_173 = arith.constant 0 : i32
    %dma_start3A_174 = tpu.memref_slice %arg9[%dma_start3A_165, %dma_start3A_172, %dma_start3A_173] : memref<8x32x128xf32, #tpu.memory_space<vmem>> -> memref<1x32x128xf32, #tpu.memory_space<vmem>>
    %dma_start3A_175 = tpu.memref_squeeze %dma_start3A_174 : memref<1x32x128xf32, #tpu.memory_space<vmem>> -> memref<32x128xf32, #tpu.memory_space<vmem>>
    %dma_start3A_176 = arith.constant 0 : i32
    %dma_start3A_177 = tpu.memref_slice %arg4[%dma_start3A_176, %multiple_of3A_164] : memref<32x1000000xf32, #tpu.memory_space<hbm>> -> memref<32x128xf32, #tpu.memory_space<hbm>>
    tpu.enqueue_dma source(%dma_start3A_177 : memref<32x128xf32, #tpu.memory_space<hbm>>) target(%dma_start3A_175 : memref<32x128xf32, #tpu.memory_space<vmem>>) target_semaphore(%arg14 : memref<!tpu.dma_semaphore, #tpu.memory_space<semaphore_mem>>)
    %mul3A_178 = arith.constant 8 : i32
    %mul3A_179 = arith.muli %add3A, %mul3A_178 : i32
    %add3A_180 = arith.constant 7 : i32
    %add3A_181 = arith.addi %mul3A_179, %add3A_180 : i32
    %min3A_182 = arith.constant 7812 : i32
    %min3A_183 = arith.minsi %add3A_181, %min3A_182 : i32
    %mul3A_184 = arith.constant 128 : i32
    %mul3A_185 = arith.muli %min3A_183, %mul3A_184 : i32
    %multiple_of3A_186 = tpu.assume_multiple %mul3A_185, 128 : i32
    %dma_start3A_187 = arith.constant 7 : i32
    %dma_start3A_188 = arith.constant 0 : i32
    %dma_start3A_189 = arith.constant 0 : i32
    %dma_start3A_190 = tpu.memref_slice %arg9[%dma_start3A_187, %dma_start3A_188, %dma_start3A_189] : memref<8x32x128xf32, #tpu.memory_space<vmem>> -> memref<1x32x128xf32, #tpu.memory_space<vmem>>
    %dma_start3A_191 = tpu.memref_squeeze %dma_start3A_190 : memref<1x32x128xf32, #tpu.memory_space<vmem>> -> memref<32x128xf32, #tpu.memory_space<vmem>>
    %dma_start3A_192 = arith.constant 0 : i32
    %dma_start3A_193 = tpu.memref_slice %arg4[%dma_start3A_192, %multiple_of3A_186] : memref<32x1000000xf32, #tpu.memory_space<hbm>> -> memref<32x128xf32, #tpu.memory_space<hbm>>
    %dma_start3A_194 = arith.constant 0 : i32
    %dma_start3A_195 = arith.constant 0 : i32
    %dma_start3A_196 = tpu.memref_slice %arg9[%dma_start3A_187, %dma_start3A_194, %dma_start3A_195] : memref<8x32x128xf32, #tpu.memory_space<vmem>> -> memref<1x32x128xf32, #tpu.memory_space<vmem>>
    %dma_start3A_197 = tpu.memref_squeeze %dma_start3A_196 : memref<1x32x128xf32, #tpu.memory_space<vmem>> -> memref<32x128xf32, #tpu.memory_space<vmem>>
    %dma_start3A_198 = arith.constant 0 : i32
    %dma_start3A_199 = tpu.memref_slice %arg4[%dma_start3A_198, %multiple_of3A_186] : memref<32x1000000xf32, #tpu.memory_space<hbm>> -> memref<32x128xf32, #tpu.memory_space<hbm>>
    tpu.enqueue_dma source(%dma_start3A_199 : memref<32x128xf32, #tpu.memory_space<hbm>>) target(%dma_start3A_197 : memref<32x128xf32, #tpu.memory_space<vmem>>) target_semaphore(%arg14 : memref<!tpu.dma_semaphore, #tpu.memory_space<semaphore_mem>>)
    %scan3A_200 = arith.constant 0 : i32
    %scan3A_201 = arith.constant 0 : i32
    %scan3A_202 = arith.constant 16 : i32
    %scan3A_203 = arith.addi %scan3A_201, %scan3A_202 : i32
    %scan3A_204 = arith.constant 1 : i32
    scf.for %scan3A_674 = %scan3A_201 to %scan3A_203 step %scan3A_204  : i32 {
      %mul3A_675 = arith.constant 2 : i32
      %mul3A_676 = arith.muli %mul3A_675, %scan3A_674 : i32
      %mul3A_677 = arith.constant 2 : i32
      %mul3A_678 = arith.muli %mul3A_677, %scan3A_674 : i32
      %add3A_679 = arith.constant 1 : i32
      %add3A_680 = arith.addi %mul3A_678, %add3A_679 : i32
      %mul3A_681 = arith.constant 32 : i32
      %mul3A_682 = arith.muli %add3A_680, %mul3A_681 : i32
      %add3A_683 = arith.addi %add3A, %mul3A_682 : i32
      %mul3A_684 = arith.constant 8 : i32
      %mul3A_685 = arith.muli %add3A_683, %mul3A_684 : i32
      %add3A_686 = arith.constant 0 : i32
      %add3A_687 = arith.addi %mul3A_685, %add3A_686 : i32
      %min3A_688 = arith.constant 7812 : i32
      %min3A_689 = arith.minsi %add3A_687, %min3A_688 : i32
      %mul3A_690 = arith.constant 128 : i32
      %mul3A_691 = arith.muli %min3A_689, %mul3A_690 : i32
      %multiple_of3A_692 = tpu.assume_multiple %mul3A_691, 128 : i32
      %dma_start3A_693 = arith.constant 0 : i32
      %dma_start3A_694 = arith.constant 0 : i32
      %dma_start3A_695 = arith.constant 0 : i32
      %dma_start3A_696 = tpu.memref_slice %arg10[%dma_start3A_693, %dma_start3A_694, %dma_start3A_695] : memref<8x32x128xf32, #tpu.memory_space<vmem>> -> memref<1x32x128xf32, #tpu.memory_space<vmem>>
      %dma_start3A_697 = tpu.memref_squeeze %dma_start3A_696 : memref<1x32x128xf32, #tpu.memory_space<vmem>> -> memref<32x128xf32, #tpu.memory_space<vmem>>
      %dma_start3A_698 = arith.constant 0 : i32
      %dma_start3A_699 = tpu.memref_slice %arg4[%dma_start3A_698, %multiple_of3A_692] : memref<32x1000000xf32, #tpu.memory_space<hbm>> -> memref<32x128xf32, #tpu.memory_space<hbm>>
      %dma_start3A_700 = arith.constant 0 : i32
      %dma_start3A_701 = arith.constant 0 : i32
      %dma_start3A_702 = tpu.memref_slice %arg10[%dma_start3A_693, %dma_start3A_700, %dma_start3A_701] : memref<8x32x128xf32, #tpu.memory_space<vmem>> -> memref<1x32x128xf32, #tpu.memory_space<vmem>>
      %dma_start3A_703 = tpu.memref_squeeze %dma_start3A_702 : memref<1x32x128xf32, #tpu.memory_space<vmem>> -> memref<32x128xf32, #tpu.memory_space<vmem>>
      %dma_start3A_704 = arith.constant 0 : i32
      %dma_start3A_705 = tpu.memref_slice %arg4[%dma_start3A_704, %multiple_of3A_692] : memref<32x1000000xf32, #tpu.memory_space<hbm>> -> memref<32x128xf32, #tpu.memory_space<hbm>>
      tpu.enqueue_dma source(%dma_start3A_705 : memref<32x128xf32, #tpu.memory_space<hbm>>) target(%dma_start3A_703 : memref<32x128xf32, #tpu.memory_space<vmem>>) target_semaphore(%arg15 : memref<!tpu.dma_semaphore, #tpu.memory_space<semaphore_mem>>)
      %mul3A_706 = arith.constant 8 : i32
      %mul3A_707 = arith.muli %add3A_683, %mul3A_706 : i32
      %add3A_708 = arith.constant 1 : i32
      %add3A_709 = arith.addi %mul3A_707, %add3A_708 : i32
      %min3A_710 = arith.constant 7812 : i32
      %min3A_711 = arith.minsi %add3A_709, %min3A_710 : i32
      %mul3A_712 = arith.constant 128 : i32
      %mul3A_713 = arith.muli %min3A_711, %mul3A_712 : i32
      %multiple_of3A_714 = tpu.assume_multiple %mul3A_713, 128 : i32
      %dma_start3A_715 = arith.constant 1 : i32
      %dma_start3A_716 = arith.constant 0 : i32
      %dma_start3A_717 = arith.constant 0 : i32
      %dma_start3A_718 = tpu.memref_slice %arg10[%dma_start3A_715, %dma_start3A_716, %dma_start3A_717] : memref<8x32x128xf32, #tpu.memory_space<vmem>> -> memref<1x32x128xf32, #tpu.memory_space<vmem>>
      %dma_start3A_719 = tpu.memref_squeeze %dma_start3A_718 : memref<1x32x128xf32, #tpu.memory_space<vmem>> -> memref<32x128xf32, #tpu.memory_space<vmem>>
      %dma_start3A_720 = arith.constant 0 : i32
      %dma_start3A_721 = tpu.memref_slice %arg4[%dma_start3A_720, %multiple_of3A_714] : memref<32x1000000xf32, #tpu.memory_space<hbm>> -> memref<32x128xf32, #tpu.memory_space<hbm>>
      %dma_start3A_722 = arith.constant 0 : i32
      %dma_start3A_723 = arith.constant 0 : i32
      %dma_start3A_724 = tpu.memref_slice %arg10[%dma_start3A_715, %dma_start3A_722, %dma_start3A_723] : memref<8x32x128xf32, #tpu.memory_space<vmem>> -> memref<1x32x128xf32, #tpu.memory_space<vmem>>
      %dma_start3A_725 = tpu.memref_squeeze %dma_start3A_724 : memref<1x32x128xf32, #tpu.memory_space<vmem>> -> memref<32x128xf32, #tpu.memory_space<vmem>>
      %dma_start3A_726 = arith.constant 0 : i32
      %dma_start3A_727 = tpu.memref_slice %arg4[%dma_start3A_726, %multiple_of3A_714] : memref<32x1000000xf32, #tpu.memory_space<hbm>> -> memref<32x128xf32, #tpu.memory_space<hbm>>
      tpu.enqueue_dma source(%dma_start3A_727 : memref<32x128xf32, #tpu.memory_space<hbm>>) target(%dma_start3A_725 : memref<32x128xf32, #tpu.memory_space<vmem>>) target_semaphore(%arg15 : memref<!tpu.dma_semaphore, #tpu.memory_space<semaphore_mem>>)
      %mul3A_728 = arith.constant 8 : i32
      %mul3A_729 = arith.muli %add3A_683, %mul3A_728 : i32
      %add3A_730 = arith.constant 2 : i32
      %add3A_731 = arith.addi %mul3A_729, %add3A_730 : i32
      %min3A_732 = arith.constant 7812 : i32
      %min3A_733 = arith.minsi %add3A_731, %min3A_732 : i32
      %mul3A_734 = arith.constant 128 : i32
      %mul3A_735 = arith.muli %min3A_733, %mul3A_734 : i32
      %multiple_of3A_736 = tpu.assume_multiple %mul3A_735, 128 : i32
      %dma_start3A_737 = arith.constant 2 : i32
      %dma_start3A_738 = arith.constant 0 : i32
      %dma_start3A_739 = arith.constant 0 : i32
      %dma_start3A_740 = tpu.memref_slice %arg10[%dma_start3A_737, %dma_start3A_738, %dma_start3A_739] : memref<8x32x128xf32, #tpu.memory_space<vmem>> -> memref<1x32x128xf32, #tpu.memory_space<vmem>>
      %dma_start3A_741 = tpu.memref_squeeze %dma_start3A_740 : memref<1x32x128xf32, #tpu.memory_space<vmem>> -> memref<32x128xf32, #tpu.memory_space<vmem>>
      %dma_start3A_742 = arith.constant 0 : i32
      %dma_start3A_743 = tpu.memref_slice %arg4[%dma_start3A_742, %multiple_of3A_736] : memref<32x1000000xf32, #tpu.memory_space<hbm>> -> memref<32x128xf32, #tpu.memory_space<hbm>>
      %dma_start3A_744 = arith.constant 0 : i32
      %dma_start3A_745 = arith.constant 0 : i32
      %dma_start3A_746 = tpu.memref_slice %arg10[%dma_start3A_737, %dma_start3A_744, %dma_start3A_745] : memref<8x32x128xf32, #tpu.memory_space<vmem>> -> memref<1x32x128xf32, #tpu.memory_space<vmem>>
      %dma_start3A_747 = tpu.memref_squeeze %dma_start3A_746 : memref<1x32x128xf32, #tpu.memory_space<vmem>> -> memref<32x128xf32, #tpu.memory_space<vmem>>
      %dma_start3A_748 = arith.constant 0 : i32
      %dma_start3A_749 = tpu.memref_slice %arg4[%dma_start3A_748, %multiple_of3A_736] : memref<32x1000000xf32, #tpu.memory_space<hbm>> -> memref<32x128xf32, #tpu.memory_space<hbm>>
      tpu.enqueue_dma source(%dma_start3A_749 : memref<32x128xf32, #tpu.memory_space<hbm>>) target(%dma_start3A_747 : memref<32x128xf32, #tpu.memory_space<vmem>>) target_semaphore(%arg15 : memref<!tpu.dma_semaphore, #tpu.memory_space<semaphore_mem>>)
      %mul3A_750 = arith.constant 8 : i32
      %mul3A_751 = arith.muli %add3A_683, %mul3A_750 : i32
      %add3A_752 = arith.constant 3 : i32
      %add3A_753 = arith.addi %mul3A_751, %add3A_752 : i32
      %min3A_754 = arith.constant 7812 : i32
      %min3A_755 = arith.minsi %add3A_753, %min3A_754 : i32
      %mul3A_756 = arith.constant 128 : i32
      %mul3A_757 = arith.muli %min3A_755, %mul3A_756 : i32
      %multiple_of3A_758 = tpu.assume_multiple %mul3A_757, 128 : i32
      %dma_start3A_759 = arith.constant 3 : i32
      %dma_start3A_760 = arith.constant 0 : i32
      %dma_start3A_761 = arith.constant 0 : i32
      %dma_start3A_762 = tpu.memref_slice %arg10[%dma_start3A_759, %dma_start3A_760, %dma_start3A_761] : memref<8x32x128xf32, #tpu.memory_space<vmem>> -> memref<1x32x128xf32, #tpu.memory_space<vmem>>
      %dma_start3A_763 = tpu.memref_squeeze %dma_start3A_762 : memref<1x32x128xf32, #tpu.memory_space<vmem>> -> memref<32x128xf32, #tpu.memory_space<vmem>>
      %dma_start3A_764 = arith.constant 0 : i32
      %dma_start3A_765 = tpu.memref_slice %arg4[%dma_start3A_764, %multiple_of3A_758] : memref<32x1000000xf32, #tpu.memory_space<hbm>> -> memref<32x128xf32, #tpu.memory_space<hbm>>
      %dma_start3A_766 = arith.constant 0 : i32
      %dma_start3A_767 = arith.constant 0 : i32
      %dma_start3A_768 = tpu.memref_slice %arg10[%dma_start3A_759, %dma_start3A_766, %dma_start3A_767] : memref<8x32x128xf32, #tpu.memory_space<vmem>> -> memref<1x32x128xf32, #tpu.memory_space<vmem>>
      %dma_start3A_769 = tpu.memref_squeeze %dma_start3A_768 : memref<1x32x128xf32, #tpu.memory_space<vmem>> -> memref<32x128xf32, #tpu.memory_space<vmem>>
      %dma_start3A_770 = arith.constant 0 : i32
      %dma_start3A_771 = tpu.memref_slice %arg4[%dma_start3A_770, %multiple_of3A_758] : memref<32x1000000xf32, #tpu.memory_space<hbm>> -> memref<32x128xf32, #tpu.memory_space<hbm>>
      tpu.enqueue_dma source(%dma_start3A_771 : memref<32x128xf32, #tpu.memory_space<hbm>>) target(%dma_start3A_769 : memref<32x128xf32, #tpu.memory_space<vmem>>) target_semaphore(%arg15 : memref<!tpu.dma_semaphore, #tpu.memory_space<semaphore_mem>>)
      %mul3A_772 = arith.constant 8 : i32
      %mul3A_773 = arith.muli %add3A_683, %mul3A_772 : i32
      %add3A_774 = arith.constant 4 : i32
      %add3A_775 = arith.addi %mul3A_773, %add3A_774 : i32
      %min3A_776 = arith.constant 7812 : i32
      %min3A_777 = arith.minsi %add3A_775, %min3A_776 : i32
      %mul3A_778 = arith.constant 128 : i32
      %mul3A_779 = arith.muli %min3A_777, %mul3A_778 : i32
      %multiple_of3A_780 = tpu.assume_multiple %mul3A_779, 128 : i32
      %dma_start3A_781 = arith.constant 4 : i32
      %dma_start3A_782 = arith.constant 0 : i32
      %dma_start3A_783 = arith.constant 0 : i32
      %dma_start3A_784 = tpu.memref_slice %arg10[%dma_start3A_781, %dma_start3A_782, %dma_start3A_783] : memref<8x32x128xf32, #tpu.memory_space<vmem>> -> memref<1x32x128xf32, #tpu.memory_space<vmem>>
      %dma_start3A_785 = tpu.memref_squeeze %dma_start3A_784 : memref<1x32x128xf32, #tpu.memory_space<vmem>> -> memref<32x128xf32, #tpu.memory_space<vmem>>
      %dma_start3A_786 = arith.constant 0 : i32
      %dma_start3A_787 = tpu.memref_slice %arg4[%dma_start3A_786, %multiple_of3A_780] : memref<32x1000000xf32, #tpu.memory_space<hbm>> -> memref<32x128xf32, #tpu.memory_space<hbm>>
      %dma_start3A_788 = arith.constant 0 : i32
      %dma_start3A_789 = arith.constant 0 : i32
      %dma_start3A_790 = tpu.memref_slice %arg10[%dma_start3A_781, %dma_start3A_788, %dma_start3A_789] : memref<8x32x128xf32, #tpu.memory_space<vmem>> -> memref<1x32x128xf32, #tpu.memory_space<vmem>>
      %dma_start3A_791 = tpu.memref_squeeze %dma_start3A_790 : memref<1x32x128xf32, #tpu.memory_space<vmem>> -> memref<32x128xf32, #tpu.memory_space<vmem>>
      %dma_start3A_792 = arith.constant 0 : i32
      %dma_start3A_793 = tpu.memref_slice %arg4[%dma_start3A_792, %multiple_of3A_780] : memref<32x1000000xf32, #tpu.memory_space<hbm>> -> memref<32x128xf32, #tpu.memory_space<hbm>>
      tpu.enqueue_dma source(%dma_start3A_793 : memref<32x128xf32, #tpu.memory_space<hbm>>) target(%dma_start3A_791 : memref<32x128xf32, #tpu.memory_space<vmem>>) target_semaphore(%arg15 : memref<!tpu.dma_semaphore, #tpu.memory_space<semaphore_mem>>)
      %mul3A_794 = arith.constant 8 : i32
      %mul3A_795 = arith.muli %add3A_683, %mul3A_794 : i32
      %add3A_796 = arith.constant 5 : i32
      %add3A_797 = arith.addi %mul3A_795, %add3A_796 : i32
      %min3A_798 = arith.constant 7812 : i32
      %min3A_799 = arith.minsi %add3A_797, %min3A_798 : i32
      %mul3A_800 = arith.constant 128 : i32
      %mul3A_801 = arith.muli %min3A_799, %mul3A_800 : i32
      %multiple_of3A_802 = tpu.assume_multiple %mul3A_801, 128 : i32
      %dma_start3A_803 = arith.constant 5 : i32
      %dma_start3A_804 = arith.constant 0 : i32
      %dma_start3A_805 = arith.constant 0 : i32
      %dma_start3A_806 = tpu.memref_slice %arg10[%dma_start3A_803, %dma_start3A_804, %dma_start3A_805] : memref<8x32x128xf32, #tpu.memory_space<vmem>> -> memref<1x32x128xf32, #tpu.memory_space<vmem>>
      %dma_start3A_807 = tpu.memref_squeeze %dma_start3A_806 : memref<1x32x128xf32, #tpu.memory_space<vmem>> -> memref<32x128xf32, #tpu.memory_space<vmem>>
      %dma_start3A_808 = arith.constant 0 : i32
      %dma_start3A_809 = tpu.memref_slice %arg4[%dma_start3A_808, %multiple_of3A_802] : memref<32x1000000xf32, #tpu.memory_space<hbm>> -> memref<32x128xf32, #tpu.memory_space<hbm>>
      %dma_start3A_810 = arith.constant 0 : i32
      %dma_start3A_811 = arith.constant 0 : i32
      %dma_start3A_812 = tpu.memref_slice %arg10[%dma_start3A_803, %dma_start3A_810, %dma_start3A_811] : memref<8x32x128xf32, #tpu.memory_space<vmem>> -> memref<1x32x128xf32, #tpu.memory_space<vmem>>
      %dma_start3A_813 = tpu.memref_squeeze %dma_start3A_812 : memref<1x32x128xf32, #tpu.memory_space<vmem>> -> memref<32x128xf32, #tpu.memory_space<vmem>>
      %dma_start3A_814 = arith.constant 0 : i32
      %dma_start3A_815 = tpu.memref_slice %arg4[%dma_start3A_814, %multiple_of3A_802] : memref<32x1000000xf32, #tpu.memory_space<hbm>> -> memref<32x128xf32, #tpu.memory_space<hbm>>
      tpu.enqueue_dma source(%dma_start3A_815 : memref<32x128xf32, #tpu.memory_space<hbm>>) target(%dma_start3A_813 : memref<32x128xf32, #tpu.memory_space<vmem>>) target_semaphore(%arg15 : memref<!tpu.dma_semaphore, #tpu.memory_space<semaphore_mem>>)
      %mul3A_816 = arith.constant 8 : i32
      %mul3A_817 = arith.muli %add3A_683, %mul3A_816 : i32
      %add3A_818 = arith.constant 6 : i32
      %add3A_819 = arith.addi %mul3A_817, %add3A_818 : i32
      %min3A_820 = arith.constant 7812 : i32
      %min3A_821 = arith.minsi %add3A_819, %min3A_820 : i32
      %mul3A_822 = arith.constant 128 : i32
      %mul3A_823 = arith.muli %min3A_821, %mul3A_822 : i32
      %multiple_of3A_824 = tpu.assume_multiple %mul3A_823, 128 : i32
      %dma_start3A_825 = arith.constant 6 : i32
      %dma_start3A_826 = arith.constant 0 : i32
      %dma_start3A_827 = arith.constant 0 : i32
      %dma_start3A_828 = tpu.memref_slice %arg10[%dma_start3A_825, %dma_start3A_826, %dma_start3A_827] : memref<8x32x128xf32, #tpu.memory_space<vmem>> -> memref<1x32x128xf32, #tpu.memory_space<vmem>>
      %dma_start3A_829 = tpu.memref_squeeze %dma_start3A_828 : memref<1x32x128xf32, #tpu.memory_space<vmem>> -> memref<32x128xf32, #tpu.memory_space<vmem>>
      %dma_start3A_830 = arith.constant 0 : i32
      %dma_start3A_831 = tpu.memref_slice %arg4[%dma_start3A_830, %multiple_of3A_824] : memref<32x1000000xf32, #tpu.memory_space<hbm>> -> memref<32x128xf32, #tpu.memory_space<hbm>>
      %dma_start3A_832 = arith.constant 0 : i32
      %dma_start3A_833 = arith.constant 0 : i32
      %dma_start3A_834 = tpu.memref_slice %arg10[%dma_start3A_825, %dma_start3A_832, %dma_start3A_833] : memref<8x32x128xf32, #tpu.memory_space<vmem>> -> memref<1x32x128xf32, #tpu.memory_space<vmem>>
      %dma_start3A_835 = tpu.memref_squeeze %dma_start3A_834 : memref<1x32x128xf32, #tpu.memory_space<vmem>> -> memref<32x128xf32, #tpu.memory_space<vmem>>
      %dma_start3A_836 = arith.constant 0 : i32
      %dma_start3A_837 = tpu.memref_slice %arg4[%dma_start3A_836, %multiple_of3A_824] : memref<32x1000000xf32, #tpu.memory_space<hbm>> -> memref<32x128xf32, #tpu.memory_space<hbm>>
      tpu.enqueue_dma source(%dma_start3A_837 : memref<32x128xf32, #tpu.memory_space<hbm>>) target(%dma_start3A_835 : memref<32x128xf32, #tpu.memory_space<vmem>>) target_semaphore(%arg15 : memref<!tpu.dma_semaphore, #tpu.memory_space<semaphore_mem>>)
      %mul3A_838 = arith.constant 8 : i32
      %mul3A_839 = arith.muli %add3A_683, %mul3A_838 : i32
      %add3A_840 = arith.constant 7 : i32
      %add3A_841 = arith.addi %mul3A_839, %add3A_840 : i32
      %min3A_842 = arith.constant 7812 : i32
      %min3A_843 = arith.minsi %add3A_841, %min3A_842 : i32
      %mul3A_844 = arith.constant 128 : i32
      %mul3A_845 = arith.muli %min3A_843, %mul3A_844 : i32
      %multiple_of3A_846 = tpu.assume_multiple %mul3A_845, 128 : i32
      %dma_start3A_847 = arith.constant 7 : i32
      %dma_start3A_848 = arith.constant 0 : i32
      %dma_start3A_849 = arith.constant 0 : i32
      %dma_start3A_850 = tpu.memref_slice %arg10[%dma_start3A_847, %dma_start3A_848, %dma_start3A_849] : memref<8x32x128xf32, #tpu.memory_space<vmem>> -> memref<1x32x128xf32, #tpu.memory_space<vmem>>
      %dma_start3A_851 = tpu.memref_squeeze %dma_start3A_850 : memref<1x32x128xf32, #tpu.memory_space<vmem>> -> memref<32x128xf32, #tpu.memory_space<vmem>>
      %dma_start3A_852 = arith.constant 0 : i32
      %dma_start3A_853 = tpu.memref_slice %arg4[%dma_start3A_852, %multiple_of3A_846] : memref<32x1000000xf32, #tpu.memory_space<hbm>> -> memref<32x128xf32, #tpu.memory_space<hbm>>
      %dma_start3A_854 = arith.constant 0 : i32
      %dma_start3A_855 = arith.constant 0 : i32
      %dma_start3A_856 = tpu.memref_slice %arg10[%dma_start3A_847, %dma_start3A_854, %dma_start3A_855] : memref<8x32x128xf32, #tpu.memory_space<vmem>> -> memref<1x32x128xf32, #tpu.memory_space<vmem>>
      %dma_start3A_857 = tpu.memref_squeeze %dma_start3A_856 : memref<1x32x128xf32, #tpu.memory_space<vmem>> -> memref<32x128xf32, #tpu.memory_space<vmem>>
      %dma_start3A_858 = arith.constant 0 : i32
      %dma_start3A_859 = tpu.memref_slice %arg4[%dma_start3A_858, %multiple_of3A_846] : memref<32x1000000xf32, #tpu.memory_space<hbm>> -> memref<32x128xf32, #tpu.memory_space<hbm>>
      tpu.enqueue_dma source(%dma_start3A_859 : memref<32x128xf32, #tpu.memory_space<hbm>>) target(%dma_start3A_857 : memref<32x128xf32, #tpu.memory_space<vmem>>) target_semaphore(%arg15 : memref<!tpu.dma_semaphore, #tpu.memory_space<semaphore_mem>>)
      %dma_wait3A_860 = arith.constant 0 : i32
      %dma_wait3A_861 = arith.constant 0 : i32
      %dma_wait3A_862 = arith.constant 0 : i32
      %dma_wait3A_863 = tpu.memref_slice %arg9[%dma_wait3A_860, %dma_wait3A_861, %dma_wait3A_862] : memref<8x32x128xf32, #tpu.memory_space<vmem>> -> memref<1x32x128xf32, #tpu.memory_space<vmem>>
      %dma_wait3A_864 = tpu.memref_squeeze %dma_wait3A_863 : memref<1x32x128xf32, #tpu.memory_space<vmem>> -> memref<32x128xf32, #tpu.memory_space<vmem>>
      %dma_wait3A_865 = arith.constant 0 : i32
      %dma_wait3A_866 = arith.constant 0 : i32
      %dma_wait3A_867 = tpu.memref_slice %arg4[%dma_wait3A_865, %dma_wait3A_866] : memref<32x1000000xf32, #tpu.memory_space<hbm>> -> memref<32x128xf32, #tpu.memory_space<hbm>>
      %dma_wait3A_868 = arith.constant 0 : i32
      %dma_wait3A_869 = arith.constant 0 : i32
      %dma_wait3A_870 = tpu.memref_slice %arg9[%dma_wait3A_860, %dma_wait3A_868, %dma_wait3A_869] : memref<8x32x128xf32, #tpu.memory_space<vmem>> -> memref<1x32x128xf32, #tpu.memory_space<vmem>>
      %dma_wait3A_871 = tpu.memref_squeeze %dma_wait3A_870 : memref<1x32x128xf32, #tpu.memory_space<vmem>> -> memref<32x128xf32, #tpu.memory_space<vmem>>
      %dma_wait3A_872 = arith.constant 0 : i32
      %dma_wait3A_873 = arith.constant 0 : i32
      %dma_wait3A_874 = tpu.memref_slice %arg4[%dma_wait3A_872, %dma_wait3A_873] : memref<32x1000000xf32, #tpu.memory_space<hbm>> -> memref<32x128xf32, #tpu.memory_space<hbm>>
      tpu.wait_dma2 semaphore(%arg14 : memref<!tpu.dma_semaphore, #tpu.memory_space<semaphore_mem>>) src(%dma_wait3A_874 : memref<32x128xf32, #tpu.memory_space<hbm>>) dst(%dma_wait3A_871 : memref<32x128xf32, #tpu.memory_space<vmem>>)
      %dma_wait3A_875 = arith.constant 1 : i32
      %dma_wait3A_876 = arith.constant 0 : i32
      %dma_wait3A_877 = arith.constant 0 : i32
      %dma_wait3A_878 = tpu.memref_slice %arg9[%dma_wait3A_875, %dma_wait3A_876, %dma_wait3A_877] : memref<8x32x128xf32, #tpu.memory_space<vmem>> -> memref<1x32x128xf32, #tpu.memory_space<vmem>>
      %dma_wait3A_879 = tpu.memref_squeeze %dma_wait3A_878 : memref<1x32x128xf32, #tpu.memory_space<vmem>> -> memref<32x128xf32, #tpu.memory_space<vmem>>
      %dma_wait3A_880 = arith.constant 0 : i32
      %dma_wait3A_881 = arith.constant 0 : i32
      %dma_wait3A_882 = tpu.memref_slice %arg4[%dma_wait3A_880, %dma_wait3A_881] : memref<32x1000000xf32, #tpu.memory_space<hbm>> -> memref<32x128xf32, #tpu.memory_space<hbm>>
      %dma_wait3A_883 = arith.constant 0 : i32
      %dma_wait3A_884 = arith.constant 0 : i32
      %dma_wait3A_885 = tpu.memref_slice %arg9[%dma_wait3A_875, %dma_wait3A_883, %dma_wait3A_884] : memref<8x32x128xf32, #tpu.memory_space<vmem>> -> memref<1x32x128xf32, #tpu.memory_space<vmem>>
      %dma_wait3A_886 = tpu.memref_squeeze %dma_wait3A_885 : memref<1x32x128xf32, #tpu.memory_space<vmem>> -> memref<32x128xf32, #tpu.memory_space<vmem>>
      %dma_wait3A_887 = arith.constant 0 : i32
      %dma_wait3A_888 = arith.constant 0 : i32
      %dma_wait3A_889 = tpu.memref_slice %arg4[%dma_wait3A_887, %dma_wait3A_888] : memref<32x1000000xf32, #tpu.memory_space<hbm>> -> memref<32x128xf32, #tpu.memory_space<hbm>>
      tpu.wait_dma2 semaphore(%arg14 : memref<!tpu.dma_semaphore, #tpu.memory_space<semaphore_mem>>) src(%dma_wait3A_889 : memref<32x128xf32, #tpu.memory_space<hbm>>) dst(%dma_wait3A_886 : memref<32x128xf32, #tpu.memory_space<vmem>>)
      %dma_wait3A_890 = arith.constant 2 : i32
      %dma_wait3A_891 = arith.constant 0 : i32
      %dma_wait3A_892 = arith.constant 0 : i32
      %dma_wait3A_893 = tpu.memref_slice %arg9[%dma_wait3A_890, %dma_wait3A_891, %dma_wait3A_892] : memref<8x32x128xf32, #tpu.memory_space<vmem>> -> memref<1x32x128xf32, #tpu.memory_space<vmem>>
      %dma_wait3A_894 = tpu.memref_squeeze %dma_wait3A_893 : memref<1x32x128xf32, #tpu.memory_space<vmem>> -> memref<32x128xf32, #tpu.memory_space<vmem>>
      %dma_wait3A_895 = arith.constant 0 : i32
      %dma_wait3A_896 = arith.constant 0 : i32
      %dma_wait3A_897 = tpu.memref_slice %arg4[%dma_wait3A_895, %dma_wait3A_896] : memref<32x1000000xf32, #tpu.memory_space<hbm>> -> memref<32x128xf32, #tpu.memory_space<hbm>>
      %dma_wait3A_898 = arith.constant 0 : i32
      %dma_wait3A_899 = arith.constant 0 : i32
      %dma_wait3A_900 = tpu.memref_slice %arg9[%dma_wait3A_890, %dma_wait3A_898, %dma_wait3A_899] : memref<8x32x128xf32, #tpu.memory_space<vmem>> -> memref<1x32x128xf32, #tpu.memory_space<vmem>>
      %dma_wait3A_901 = tpu.memref_squeeze %dma_wait3A_900 : memref<1x32x128xf32, #tpu.memory_space<vmem>> -> memref<32x128xf32, #tpu.memory_space<vmem>>
      %dma_wait3A_902 = arith.constant 0 : i32
      %dma_wait3A_903 = arith.constant 0 : i32
      %dma_wait3A_904 = tpu.memref_slice %arg4[%dma_wait3A_902, %dma_wait3A_903] : memref<32x1000000xf32, #tpu.memory_space<hbm>> -> memref<32x128xf32, #tpu.memory_space<hbm>>
      tpu.wait_dma2 semaphore(%arg14 : memref<!tpu.dma_semaphore, #tpu.memory_space<semaphore_mem>>) src(%dma_wait3A_904 : memref<32x128xf32, #tpu.memory_space<hbm>>) dst(%dma_wait3A_901 : memref<32x128xf32, #tpu.memory_space<vmem>>)
      %dma_wait3A_905 = arith.constant 3 : i32
      %dma_wait3A_906 = arith.constant 0 : i32
      %dma_wait3A_907 = arith.constant 0 : i32
      %dma_wait3A_908 = tpu.memref_slice %arg9[%dma_wait3A_905, %dma_wait3A_906, %dma_wait3A_907] : memref<8x32x128xf32, #tpu.memory_space<vmem>> -> memref<1x32x128xf32, #tpu.memory_space<vmem>>
      %dma_wait3A_909 = tpu.memref_squeeze %dma_wait3A_908 : memref<1x32x128xf32, #tpu.memory_space<vmem>> -> memref<32x128xf32, #tpu.memory_space<vmem>>
      %dma_wait3A_910 = arith.constant 0 : i32
      %dma_wait3A_911 = arith.constant 0 : i32
      %dma_wait3A_912 = tpu.memref_slice %arg4[%dma_wait3A_910, %dma_wait3A_911] : memref<32x1000000xf32, #tpu.memory_space<hbm>> -> memref<32x128xf32, #tpu.memory_space<hbm>>
      %dma_wait3A_913 = arith.constant 0 : i32
      %dma_wait3A_914 = arith.constant 0 : i32
      %dma_wait3A_915 = tpu.memref_slice %arg9[%dma_wait3A_905, %dma_wait3A_913, %dma_wait3A_914] : memref<8x32x128xf32, #tpu.memory_space<vmem>> -> memref<1x32x128xf32, #tpu.memory_space<vmem>>
      %dma_wait3A_916 = tpu.memref_squeeze %dma_wait3A_915 : memref<1x32x128xf32, #tpu.memory_space<vmem>> -> memref<32x128xf32, #tpu.memory_space<vmem>>
      %dma_wait3A_917 = arith.constant 0 : i32
      %dma_wait3A_918 = arith.constant 0 : i32
      %dma_wait3A_919 = tpu.memref_slice %arg4[%dma_wait3A_917, %dma_wait3A_918] : memref<32x1000000xf32, #tpu.memory_space<hbm>> -> memref<32x128xf32, #tpu.memory_space<hbm>>
      tpu.wait_dma2 semaphore(%arg14 : memref<!tpu.dma_semaphore, #tpu.memory_space<semaphore_mem>>) src(%dma_wait3A_919 : memref<32x128xf32, #tpu.memory_space<hbm>>) dst(%dma_wait3A_916 : memref<32x128xf32, #tpu.memory_space<vmem>>)
      %dma_wait3A_920 = arith.constant 4 : i32
      %dma_wait3A_921 = arith.constant 0 : i32
      %dma_wait3A_922 = arith.constant 0 : i32
      %dma_wait3A_923 = tpu.memref_slice %arg9[%dma_wait3A_920, %dma_wait3A_921, %dma_wait3A_922] : memref<8x32x128xf32, #tpu.memory_space<vmem>> -> memref<1x32x128xf32, #tpu.memory_space<vmem>>
      %dma_wait3A_924 = tpu.memref_squeeze %dma_wait3A_923 : memref<1x32x128xf32, #tpu.memory_space<vmem>> -> memref<32x128xf32, #tpu.memory_space<vmem>>
      %dma_wait3A_925 = arith.constant 0 : i32
      %dma_wait3A_926 = arith.constant 0 : i32
      %dma_wait3A_927 = tpu.memref_slice %arg4[%dma_wait3A_925, %dma_wait3A_926] : memref<32x1000000xf32, #tpu.memory_space<hbm>> -> memref<32x128xf32, #tpu.memory_space<hbm>>
      %dma_wait3A_928 = arith.constant 0 : i32
      %dma_wait3A_929 = arith.constant 0 : i32
      %dma_wait3A_930 = tpu.memref_slice %arg9[%dma_wait3A_920, %dma_wait3A_928, %dma_wait3A_929] : memref<8x32x128xf32, #tpu.memory_space<vmem>> -> memref<1x32x128xf32, #tpu.memory_space<vmem>>
      %dma_wait3A_931 = tpu.memref_squeeze %dma_wait3A_930 : memref<1x32x128xf32, #tpu.memory_space<vmem>> -> memref<32x128xf32, #tpu.memory_space<vmem>>
      %dma_wait3A_932 = arith.constant 0 : i32
      %dma_wait3A_933 = arith.constant 0 : i32
      %dma_wait3A_934 = tpu.memref_slice %arg4[%dma_wait3A_932, %dma_wait3A_933] : memref<32x1000000xf32, #tpu.memory_space<hbm>> -> memref<32x128xf32, #tpu.memory_space<hbm>>
      tpu.wait_dma2 semaphore(%arg14 : memref<!tpu.dma_semaphore, #tpu.memory_space<semaphore_mem>>) src(%dma_wait3A_934 : memref<32x128xf32, #tpu.memory_space<hbm>>) dst(%dma_wait3A_931 : memref<32x128xf32, #tpu.memory_space<vmem>>)
      %dma_wait3A_935 = arith.constant 5 : i32
      %dma_wait3A_936 = arith.constant 0 : i32
      %dma_wait3A_937 = arith.constant 0 : i32
      %dma_wait3A_938 = tpu.memref_slice %arg9[%dma_wait3A_935, %dma_wait3A_936, %dma_wait3A_937] : memref<8x32x128xf32, #tpu.memory_space<vmem>> -> memref<1x32x128xf32, #tpu.memory_space<vmem>>
      %dma_wait3A_939 = tpu.memref_squeeze %dma_wait3A_938 : memref<1x32x128xf32, #tpu.memory_space<vmem>> -> memref<32x128xf32, #tpu.memory_space<vmem>>
      %dma_wait3A_940 = arith.constant 0 : i32
      %dma_wait3A_941 = arith.constant 0 : i32
      %dma_wait3A_942 = tpu.memref_slice %arg4[%dma_wait3A_940, %dma_wait3A_941] : memref<32x1000000xf32, #tpu.memory_space<hbm>> -> memref<32x128xf32, #tpu.memory_space<hbm>>
      %dma_wait3A_943 = arith.constant 0 : i32
      %dma_wait3A_944 = arith.constant 0 : i32
      %dma_wait3A_945 = tpu.memref_slice %arg9[%dma_wait3A_935, %dma_wait3A_943, %dma_wait3A_944] : memref<8x32x128xf32, #tpu.memory_space<vmem>> -> memref<1x32x128xf32, #tpu.memory_space<vmem>>
      %dma_wait3A_946 = tpu.memref_squeeze %dma_wait3A_945 : memref<1x32x128xf32, #tpu.memory_space<vmem>> -> memref<32x128xf32, #tpu.memory_space<vmem>>
      %dma_wait3A_947 = arith.constant 0 : i32
      %dma_wait3A_948 = arith.constant 0 : i32
      %dma_wait3A_949 = tpu.memref_slice %arg4[%dma_wait3A_947, %dma_wait3A_948] : memref<32x1000000xf32, #tpu.memory_space<hbm>> -> memref<32x128xf32, #tpu.memory_space<hbm>>
      tpu.wait_dma2 semaphore(%arg14 : memref<!tpu.dma_semaphore, #tpu.memory_space<semaphore_mem>>) src(%dma_wait3A_949 : memref<32x128xf32, #tpu.memory_space<hbm>>) dst(%dma_wait3A_946 : memref<32x128xf32, #tpu.memory_space<vmem>>)
      %dma_wait3A_950 = arith.constant 6 : i32
      %dma_wait3A_951 = arith.constant 0 : i32
      %dma_wait3A_952 = arith.constant 0 : i32
      %dma_wait3A_953 = tpu.memref_slice %arg9[%dma_wait3A_950, %dma_wait3A_951, %dma_wait3A_952] : memref<8x32x128xf32, #tpu.memory_space<vmem>> -> memref<1x32x128xf32, #tpu.memory_space<vmem>>
      %dma_wait3A_954 = tpu.memref_squeeze %dma_wait3A_953 : memref<1x32x128xf32, #tpu.memory_space<vmem>> -> memref<32x128xf32, #tpu.memory_space<vmem>>
      %dma_wait3A_955 = arith.constant 0 : i32
      %dma_wait3A_956 = arith.constant 0 : i32
      %dma_wait3A_957 = tpu.memref_slice %arg4[%dma_wait3A_955, %dma_wait3A_956] : memref<32x1000000xf32, #tpu.memory_space<hbm>> -> memref<32x128xf32, #tpu.memory_space<hbm>>
      %dma_wait3A_958 = arith.constant 0 : i32
      %dma_wait3A_959 = arith.constant 0 : i32
      %dma_wait3A_960 = tpu.memref_slice %arg9[%dma_wait3A_950, %dma_wait3A_958, %dma_wait3A_959] : memref<8x32x128xf32, #tpu.memory_space<vmem>> -> memref<1x32x128xf32, #tpu.memory_space<vmem>>
      %dma_wait3A_961 = tpu.memref_squeeze %dma_wait3A_960 : memref<1x32x128xf32, #tpu.memory_space<vmem>> -> memref<32x128xf32, #tpu.memory_space<vmem>>
      %dma_wait3A_962 = arith.constant 0 : i32
      %dma_wait3A_963 = arith.constant 0 : i32
      %dma_wait3A_964 = tpu.memref_slice %arg4[%dma_wait3A_962, %dma_wait3A_963] : memref<32x1000000xf32, #tpu.memory_space<hbm>> -> memref<32x128xf32, #tpu.memory_space<hbm>>
      tpu.wait_dma2 semaphore(%arg14 : memref<!tpu.dma_semaphore, #tpu.memory_space<semaphore_mem>>) src(%dma_wait3A_964 : memref<32x128xf32, #tpu.memory_space<hbm>>) dst(%dma_wait3A_961 : memref<32x128xf32, #tpu.memory_space<vmem>>)
      %dma_wait3A_965 = arith.constant 7 : i32
      %dma_wait3A_966 = arith.constant 0 : i32
      %dma_wait3A_967 = arith.constant 0 : i32
      %dma_wait3A_968 = tpu.memref_slice %arg9[%dma_wait3A_965, %dma_wait3A_966, %dma_wait3A_967] : memref<8x32x128xf32, #tpu.memory_space<vmem>> -> memref<1x32x128xf32, #tpu.memory_space<vmem>>
      %dma_wait3A_969 = tpu.memref_squeeze %dma_wait3A_968 : memref<1x32x128xf32, #tpu.memory_space<vmem>> -> memref<32x128xf32, #tpu.memory_space<vmem>>
      %dma_wait3A_970 = arith.constant 0 : i32
      %dma_wait3A_971 = arith.constant 0 : i32
      %dma_wait3A_972 = tpu.memref_slice %arg4[%dma_wait3A_970, %dma_wait3A_971] : memref<32x1000000xf32, #tpu.memory_space<hbm>> -> memref<32x128xf32, #tpu.memory_space<hbm>>
      %dma_wait3A_973 = arith.constant 0 : i32
      %dma_wait3A_974 = arith.constant 0 : i32
      %dma_wait3A_975 = tpu.memref_slice %arg9[%dma_wait3A_965, %dma_wait3A_973, %dma_wait3A_974] : memref<8x32x128xf32, #tpu.memory_space<vmem>> -> memref<1x32x128xf32, #tpu.memory_space<vmem>>
      %dma_wait3A_976 = tpu.memref_squeeze %dma_wait3A_975 : memref<1x32x128xf32, #tpu.memory_space<vmem>> -> memref<32x128xf32, #tpu.memory_space<vmem>>
      %dma_wait3A_977 = arith.constant 0 : i32
      %dma_wait3A_978 = arith.constant 0 : i32
      %dma_wait3A_979 = tpu.memref_slice %arg4[%dma_wait3A_977, %dma_wait3A_978] : memref<32x1000000xf32, #tpu.memory_space<hbm>> -> memref<32x128xf32, #tpu.memory_space<hbm>>
      tpu.wait_dma2 semaphore(%arg14 : memref<!tpu.dma_semaphore, #tpu.memory_space<semaphore_mem>>) src(%dma_wait3A_979 : memref<32x128xf32, #tpu.memory_space<hbm>>) dst(%dma_wait3A_976 : memref<32x128xf32, #tpu.memory_space<vmem>>)
      %add3A_980 = arith.constant 1 : i32
      %add3A_981 = arith.addi %add3A_680, %add3A_980 : i32
      %mul3A_982 = arith.constant 32 : i32
      %mul3A_983 = arith.muli %add3A_981, %mul3A_982 : i32
      %add3A_984 = arith.addi %add3A, %mul3A_983 : i32
      %mul3A_985 = arith.constant 8 : i32
      %mul3A_986 = arith.muli %add3A_984, %mul3A_985 : i32
      %add3A_987 = arith.constant 0 : i32
      %add3A_988 = arith.addi %mul3A_986, %add3A_987 : i32
      %min3A_989 = arith.constant 7812 : i32
      %min3A_990 = arith.minsi %add3A_988, %min3A_989 : i32
      %mul3A_991 = arith.constant 128 : i32
      %mul3A_992 = arith.muli %min3A_990, %mul3A_991 : i32
      %multiple_of3A_993 = tpu.assume_multiple %mul3A_992, 128 : i32
      %dma_start3A_994 = arith.constant 0 : i32
      %dma_start3A_995 = arith.constant 0 : i32
      %dma_start3A_996 = arith.constant 0 : i32
      %dma_start3A_997 = tpu.memref_slice %arg9[%dma_start3A_994, %dma_start3A_995, %dma_start3A_996] : memref<8x32x128xf32, #tpu.memory_space<vmem>> -> memref<1x32x128xf32, #tpu.memory_space<vmem>>
      %dma_start3A_998 = tpu.memref_squeeze %dma_start3A_997 : memref<1x32x128xf32, #tpu.memory_space<vmem>> -> memref<32x128xf32, #tpu.memory_space<vmem>>
      %dma_start3A_999 = arith.constant 0 : i32
      %dma_start3A_1000 = tpu.memref_slice %arg4[%dma_start3A_999, %multiple_of3A_993] : memref<32x1000000xf32, #tpu.memory_space<hbm>> -> memref<32x128xf32, #tpu.memory_space<hbm>>
      %dma_start3A_1001 = arith.constant 0 : i32
      %dma_start3A_1002 = arith.constant 0 : i32
      %dma_start3A_1003 = tpu.memref_slice %arg9[%dma_start3A_994, %dma_start3A_1001, %dma_start3A_1002] : memref<8x32x128xf32, #tpu.memory_space<vmem>> -> memref<1x32x128xf32, #tpu.memory_space<vmem>>
      %dma_start3A_1004 = tpu.memref_squeeze %dma_start3A_1003 : memref<1x32x128xf32, #tpu.memory_space<vmem>> -> memref<32x128xf32, #tpu.memory_space<vmem>>
      %dma_start3A_1005 = arith.constant 0 : i32
      %dma_start3A_1006 = tpu.memref_slice %arg4[%dma_start3A_1005, %multiple_of3A_993] : memref<32x1000000xf32, #tpu.memory_space<hbm>> -> memref<32x128xf32, #tpu.memory_space<hbm>>
      tpu.enqueue_dma source(%dma_start3A_1006 : memref<32x128xf32, #tpu.memory_space<hbm>>) target(%dma_start3A_1004 : memref<32x128xf32, #tpu.memory_space<vmem>>) target_semaphore(%arg14 : memref<!tpu.dma_semaphore, #tpu.memory_space<semaphore_mem>>)
      %mul3A_1007 = arith.constant 8 : i32
      %mul3A_1008 = arith.muli %add3A_984, %mul3A_1007 : i32
      %add3A_1009 = arith.constant 1 : i32
      %add3A_1010 = arith.addi %mul3A_1008, %add3A_1009 : i32
      %min3A_1011 = arith.constant 7812 : i32
      %min3A_1012 = arith.minsi %add3A_1010, %min3A_1011 : i32
      %mul3A_1013 = arith.constant 128 : i32
      %mul3A_1014 = arith.muli %min3A_1012, %mul3A_1013 : i32
      %multiple_of3A_1015 = tpu.assume_multiple %mul3A_1014, 128 : i32
      %dma_start3A_1016 = arith.constant 1 : i32
      %dma_start3A_1017 = arith.constant 0 : i32
      %dma_start3A_1018 = arith.constant 0 : i32
      %dma_start3A_1019 = tpu.memref_slice %arg9[%dma_start3A_1016, %dma_start3A_1017, %dma_start3A_1018] : memref<8x32x128xf32, #tpu.memory_space<vmem>> -> memref<1x32x128xf32, #tpu.memory_space<vmem>>
      %dma_start3A_1020 = tpu.memref_squeeze %dma_start3A_1019 : memref<1x32x128xf32, #tpu.memory_space<vmem>> -> memref<32x128xf32, #tpu.memory_space<vmem>>
      %dma_start3A_1021 = arith.constant 0 : i32
      %dma_start3A_1022 = tpu.memref_slice %arg4[%dma_start3A_1021, %multiple_of3A_1015] : memref<32x1000000xf32, #tpu.memory_space<hbm>> -> memref<32x128xf32, #tpu.memory_space<hbm>>
      %dma_start3A_1023 = arith.constant 0 : i32
      %dma_start3A_1024 = arith.constant 0 : i32
      %dma_start3A_1025 = tpu.memref_slice %arg9[%dma_start3A_1016, %dma_start3A_1023, %dma_start3A_1024] : memref<8x32x128xf32, #tpu.memory_space<vmem>> -> memref<1x32x128xf32, #tpu.memory_space<vmem>>
      %dma_start3A_1026 = tpu.memref_squeeze %dma_start3A_1025 : memref<1x32x128xf32, #tpu.memory_space<vmem>> -> memref<32x128xf32, #tpu.memory_space<vmem>>
      %dma_start3A_1027 = arith.constant 0 : i32
      %dma_start3A_1028 = tpu.memref_slice %arg4[%dma_start3A_1027, %multiple_of3A_1015] : memref<32x1000000xf32, #tpu.memory_space<hbm>> -> memref<32x128xf32, #tpu.memory_space<hbm>>
      tpu.enqueue_dma source(%dma_start3A_1028 : memref<32x128xf32, #tpu.memory_space<hbm>>) target(%dma_start3A_1026 : memref<32x128xf32, #tpu.memory_space<vmem>>) target_semaphore(%arg14 : memref<!tpu.dma_semaphore, #tpu.memory_space<semaphore_mem>>)
      %mul3A_1029 = arith.constant 8 : i32
      %mul3A_1030 = arith.muli %add3A_984, %mul3A_1029 : i32
      %add3A_1031 = arith.constant 2 : i32
      %add3A_1032 = arith.addi %mul3A_1030, %add3A_1031 : i32
      %min3A_1033 = arith.constant 7812 : i32
      %min3A_1034 = arith.minsi %add3A_1032, %min3A_1033 : i32
      %mul3A_1035 = arith.constant 128 : i32
      %mul3A_1036 = arith.muli %min3A_1034, %mul3A_1035 : i32
      %multiple_of3A_1037 = tpu.assume_multiple %mul3A_1036, 128 : i32
      %dma_start3A_1038 = arith.constant 2 : i32
      %dma_start3A_1039 = arith.constant 0 : i32
      %dma_start3A_1040 = arith.constant 0 : i32
      %dma_start3A_1041 = tpu.memref_slice %arg9[%dma_start3A_1038, %dma_start3A_1039, %dma_start3A_1040] : memref<8x32x128xf32, #tpu.memory_space<vmem>> -> memref<1x32x128xf32, #tpu.memory_space<vmem>>
      %dma_start3A_1042 = tpu.memref_squeeze %dma_start3A_1041 : memref<1x32x128xf32, #tpu.memory_space<vmem>> -> memref<32x128xf32, #tpu.memory_space<vmem>>
      %dma_start3A_1043 = arith.constant 0 : i32
      %dma_start3A_1044 = tpu.memref_slice %arg4[%dma_start3A_1043, %multiple_of3A_1037] : memref<32x1000000xf32, #tpu.memory_space<hbm>> -> memref<32x128xf32, #tpu.memory_space<hbm>>
      %dma_start3A_1045 = arith.constant 0 : i32
      %dma_start3A_1046 = arith.constant 0 : i32
      %dma_start3A_1047 = tpu.memref_slice %arg9[%dma_start3A_1038, %dma_start3A_1045, %dma_start3A_1046] : memref<8x32x128xf32, #tpu.memory_space<vmem>> -> memref<1x32x128xf32, #tpu.memory_space<vmem>>
      %dma_start3A_1048 = tpu.memref_squeeze %dma_start3A_1047 : memref<1x32x128xf32, #tpu.memory_space<vmem>> -> memref<32x128xf32, #tpu.memory_space<vmem>>
      %dma_start3A_1049 = arith.constant 0 : i32
      %dma_start3A_1050 = tpu.memref_slice %arg4[%dma_start3A_1049, %multiple_of3A_1037] : memref<32x1000000xf32, #tpu.memory_space<hbm>> -> memref<32x128xf32, #tpu.memory_space<hbm>>
      tpu.enqueue_dma source(%dma_start3A_1050 : memref<32x128xf32, #tpu.memory_space<hbm>>) target(%dma_start3A_1048 : memref<32x128xf32, #tpu.memory_space<vmem>>) target_semaphore(%arg14 : memref<!tpu.dma_semaphore, #tpu.memory_space<semaphore_mem>>)
      %mul3A_1051 = arith.constant 8 : i32
      %mul3A_1052 = arith.muli %add3A_984, %mul3A_1051 : i32
      %add3A_1053 = arith.constant 3 : i32
      %add3A_1054 = arith.addi %mul3A_1052, %add3A_1053 : i32
      %min3A_1055 = arith.constant 7812 : i32
      %min3A_1056 = arith.minsi %add3A_1054, %min3A_1055 : i32
      %mul3A_1057 = arith.constant 128 : i32
      %mul3A_1058 = arith.muli %min3A_1056, %mul3A_1057 : i32
      %multiple_of3A_1059 = tpu.assume_multiple %mul3A_1058, 128 : i32
      %dma_start3A_1060 = arith.constant 3 : i32
      %dma_start3A_1061 = arith.constant 0 : i32
      %dma_start3A_1062 = arith.constant 0 : i32
      %dma_start3A_1063 = tpu.memref_slice %arg9[%dma_start3A_1060, %dma_start3A_1061, %dma_start3A_1062] : memref<8x32x128xf32, #tpu.memory_space<vmem>> -> memref<1x32x128xf32, #tpu.memory_space<vmem>>
      %dma_start3A_1064 = tpu.memref_squeeze %dma_start3A_1063 : memref<1x32x128xf32, #tpu.memory_space<vmem>> -> memref<32x128xf32, #tpu.memory_space<vmem>>
      %dma_start3A_1065 = arith.constant 0 : i32
      %dma_start3A_1066 = tpu.memref_slice %arg4[%dma_start3A_1065, %multiple_of3A_1059] : memref<32x1000000xf32, #tpu.memory_space<hbm>> -> memref<32x128xf32, #tpu.memory_space<hbm>>
      %dma_start3A_1067 = arith.constant 0 : i32
      %dma_start3A_1068 = arith.constant 0 : i32
      %dma_start3A_1069 = tpu.memref_slice %arg9[%dma_start3A_1060, %dma_start3A_1067, %dma_start3A_1068] : memref<8x32x128xf32, #tpu.memory_space<vmem>> -> memref<1x32x128xf32, #tpu.memory_space<vmem>>
      %dma_start3A_1070 = tpu.memref_squeeze %dma_start3A_1069 : memref<1x32x128xf32, #tpu.memory_space<vmem>> -> memref<32x128xf32, #tpu.memory_space<vmem>>
      %dma_start3A_1071 = arith.constant 0 : i32
      %dma_start3A_1072 = tpu.memref_slice %arg4[%dma_start3A_1071, %multiple_of3A_1059] : memref<32x1000000xf32, #tpu.memory_space<hbm>> -> memref<32x128xf32, #tpu.memory_space<hbm>>
      tpu.enqueue_dma source(%dma_start3A_1072 : memref<32x128xf32, #tpu.memory_space<hbm>>) target(%dma_start3A_1070 : memref<32x128xf32, #tpu.memory_space<vmem>>) target_semaphore(%arg14 : memref<!tpu.dma_semaphore, #tpu.memory_space<semaphore_mem>>)
      %mul3A_1073 = arith.constant 8 : i32
      %mul3A_1074 = arith.muli %add3A_984, %mul3A_1073 : i32
      %add3A_1075 = arith.constant 4 : i32
      %add3A_1076 = arith.addi %mul3A_1074, %add3A_1075 : i32
      %min3A_1077 = arith.constant 7812 : i32
      %min3A_1078 = arith.minsi %add3A_1076, %min3A_1077 : i32
      %mul3A_1079 = arith.constant 128 : i32
      %mul3A_1080 = arith.muli %min3A_1078, %mul3A_1079 : i32
      %multiple_of3A_1081 = tpu.assume_multiple %mul3A_1080, 128 : i32
      %dma_start3A_1082 = arith.constant 4 : i32
      %dma_start3A_1083 = arith.constant 0 : i32
      %dma_start3A_1084 = arith.constant 0 : i32
      %dma_start3A_1085 = tpu.memref_slice %arg9[%dma_start3A_1082, %dma_start3A_1083, %dma_start3A_1084] : memref<8x32x128xf32, #tpu.memory_space<vmem>> -> memref<1x32x128xf32, #tpu.memory_space<vmem>>
      %dma_start3A_1086 = tpu.memref_squeeze %dma_start3A_1085 : memref<1x32x128xf32, #tpu.memory_space<vmem>> -> memref<32x128xf32, #tpu.memory_space<vmem>>
      %dma_start3A_1087 = arith.constant 0 : i32
      %dma_start3A_1088 = tpu.memref_slice %arg4[%dma_start3A_1087, %multiple_of3A_1081] : memref<32x1000000xf32, #tpu.memory_space<hbm>> -> memref<32x128xf32, #tpu.memory_space<hbm>>
      %dma_start3A_1089 = arith.constant 0 : i32
      %dma_start3A_1090 = arith.constant 0 : i32
      %dma_start3A_1091 = tpu.memref_slice %arg9[%dma_start3A_1082, %dma_start3A_1089, %dma_start3A_1090] : memref<8x32x128xf32, #tpu.memory_space<vmem>> -> memref<1x32x128xf32, #tpu.memory_space<vmem>>
      %dma_start3A_1092 = tpu.memref_squeeze %dma_start3A_1091 : memref<1x32x128xf32, #tpu.memory_space<vmem>> -> memref<32x128xf32, #tpu.memory_space<vmem>>
      %dma_start3A_1093 = arith.constant 0 : i32
      %dma_start3A_1094 = tpu.memref_slice %arg4[%dma_start3A_1093, %multiple_of3A_1081] : memref<32x1000000xf32, #tpu.memory_space<hbm>> -> memref<32x128xf32, #tpu.memory_space<hbm>>
      tpu.enqueue_dma source(%dma_start3A_1094 : memref<32x128xf32, #tpu.memory_space<hbm>>) target(%dma_start3A_1092 : memref<32x128xf32, #tpu.memory_space<vmem>>) target_semaphore(%arg14 : memref<!tpu.dma_semaphore, #tpu.memory_space<semaphore_mem>>)
      %mul3A_1095 = arith.constant 8 : i32
      %mul3A_1096 = arith.muli %add3A_984, %mul3A_1095 : i32
      %add3A_1097 = arith.constant 5 : i32
      %add3A_1098 = arith.addi %mul3A_1096, %add3A_1097 : i32
      %min3A_1099 = arith.constant 7812 : i32
      %min3A_1100 = arith.minsi %add3A_1098, %min3A_1099 : i32
      %mul3A_1101 = arith.constant 128 : i32
      %mul3A_1102 = arith.muli %min3A_1100, %mul3A_1101 : i32
      %multiple_of3A_1103 = tpu.assume_multiple %mul3A_1102, 128 : i32
      %dma_start3A_1104 = arith.constant 5 : i32
      %dma_start3A_1105 = arith.constant 0 : i32
      %dma_start3A_1106 = arith.constant 0 : i32
      %dma_start3A_1107 = tpu.memref_slice %arg9[%dma_start3A_1104, %dma_start3A_1105, %dma_start3A_1106] : memref<8x32x128xf32, #tpu.memory_space<vmem>> -> memref<1x32x128xf32, #tpu.memory_space<vmem>>
      %dma_start3A_1108 = tpu.memref_squeeze %dma_start3A_1107 : memref<1x32x128xf32, #tpu.memory_space<vmem>> -> memref<32x128xf32, #tpu.memory_space<vmem>>
      %dma_start3A_1109 = arith.constant 0 : i32
      %dma_start3A_1110 = tpu.memref_slice %arg4[%dma_start3A_1109, %multiple_of3A_1103] : memref<32x1000000xf32, #tpu.memory_space<hbm>> -> memref<32x128xf32, #tpu.memory_space<hbm>>
      %dma_start3A_1111 = arith.constant 0 : i32
      %dma_start3A_1112 = arith.constant 0 : i32
      %dma_start3A_1113 = tpu.memref_slice %arg9[%dma_start3A_1104, %dma_start3A_1111, %dma_start3A_1112] : memref<8x32x128xf32, #tpu.memory_space<vmem>> -> memref<1x32x128xf32, #tpu.memory_space<vmem>>
      %dma_start3A_1114 = tpu.memref_squeeze %dma_start3A_1113 : memref<1x32x128xf32, #tpu.memory_space<vmem>> -> memref<32x128xf32, #tpu.memory_space<vmem>>
      %dma_start3A_1115 = arith.constant 0 : i32
      %dma_start3A_1116 = tpu.memref_slice %arg4[%dma_start3A_1115, %multiple_of3A_1103] : memref<32x1000000xf32, #tpu.memory_space<hbm>> -> memref<32x128xf32, #tpu.memory_space<hbm>>
      tpu.enqueue_dma source(%dma_start3A_1116 : memref<32x128xf32, #tpu.memory_space<hbm>>) target(%dma_start3A_1114 : memref<32x128xf32, #tpu.memory_space<vmem>>) target_semaphore(%arg14 : memref<!tpu.dma_semaphore, #tpu.memory_space<semaphore_mem>>)
      %mul3A_1117 = arith.constant 8 : i32
      %mul3A_1118 = arith.muli %add3A_984, %mul3A_1117 : i32
      %add3A_1119 = arith.constant 6 : i32
      %add3A_1120 = arith.addi %mul3A_1118, %add3A_1119 : i32
      %min3A_1121 = arith.constant 7812 : i32
      %min3A_1122 = arith.minsi %add3A_1120, %min3A_1121 : i32
      %mul3A_1123 = arith.constant 128 : i32
      %mul3A_1124 = arith.muli %min3A_1122, %mul3A_1123 : i32
      %multiple_of3A_1125 = tpu.assume_multiple %mul3A_1124, 128 : i32
      %dma_start3A_1126 = arith.constant 6 : i32
      %dma_start3A_1127 = arith.constant 0 : i32
      %dma_start3A_1128 = arith.constant 0 : i32
      %dma_start3A_1129 = tpu.memref_slice %arg9[%dma_start3A_1126, %dma_start3A_1127, %dma_start3A_1128] : memref<8x32x128xf32, #tpu.memory_space<vmem>> -> memref<1x32x128xf32, #tpu.memory_space<vmem>>
      %dma_start3A_1130 = tpu.memref_squeeze %dma_start3A_1129 : memref<1x32x128xf32, #tpu.memory_space<vmem>> -> memref<32x128xf32, #tpu.memory_space<vmem>>
      %dma_start3A_1131 = arith.constant 0 : i32
      %dma_start3A_1132 = tpu.memref_slice %arg4[%dma_start3A_1131, %multiple_of3A_1125] : memref<32x1000000xf32, #tpu.memory_space<hbm>> -> memref<32x128xf32, #tpu.memory_space<hbm>>
      %dma_start3A_1133 = arith.constant 0 : i32
      %dma_start3A_1134 = arith.constant 0 : i32
      %dma_start3A_1135 = tpu.memref_slice %arg9[%dma_start3A_1126, %dma_start3A_1133, %dma_start3A_1134] : memref<8x32x128xf32, #tpu.memory_space<vmem>> -> memref<1x32x128xf32, #tpu.memory_space<vmem>>
      %dma_start3A_1136 = tpu.memref_squeeze %dma_start3A_1135 : memref<1x32x128xf32, #tpu.memory_space<vmem>> -> memref<32x128xf32, #tpu.memory_space<vmem>>
      %dma_start3A_1137 = arith.constant 0 : i32
      %dma_start3A_1138 = tpu.memref_slice %arg4[%dma_start3A_1137, %multiple_of3A_1125] : memref<32x1000000xf32, #tpu.memory_space<hbm>> -> memref<32x128xf32, #tpu.memory_space<hbm>>
      tpu.enqueue_dma source(%dma_start3A_1138 : memref<32x128xf32, #tpu.memory_space<hbm>>) target(%dma_start3A_1136 : memref<32x128xf32, #tpu.memory_space<vmem>>) target_semaphore(%arg14 : memref<!tpu.dma_semaphore, #tpu.memory_space<semaphore_mem>>)
      %mul3A_1139 = arith.constant 8 : i32
      %mul3A_1140 = arith.muli %add3A_984, %mul3A_1139 : i32
      %add3A_1141 = arith.constant 7 : i32
      %add3A_1142 = arith.addi %mul3A_1140, %add3A_1141 : i32
      %min3A_1143 = arith.constant 7812 : i32
      %min3A_1144 = arith.minsi %add3A_1142, %min3A_1143 : i32
      %mul3A_1145 = arith.constant 128 : i32
      %mul3A_1146 = arith.muli %min3A_1144, %mul3A_1145 : i32
      %multiple_of3A_1147 = tpu.assume_multiple %mul3A_1146, 128 : i32
      %dma_start3A_1148 = arith.constant 7 : i32
      %dma_start3A_1149 = arith.constant 0 : i32
      %dma_start3A_1150 = arith.constant 0 : i32
      %dma_start3A_1151 = tpu.memref_slice %arg9[%dma_start3A_1148, %dma_start3A_1149, %dma_start3A_1150] : memref<8x32x128xf32, #tpu.memory_space<vmem>> -> memref<1x32x128xf32, #tpu.memory_space<vmem>>
      %dma_start3A_1152 = tpu.memref_squeeze %dma_start3A_1151 : memref<1x32x128xf32, #tpu.memory_space<vmem>> -> memref<32x128xf32, #tpu.memory_space<vmem>>
      %dma_start3A_1153 = arith.constant 0 : i32
      %dma_start3A_1154 = tpu.memref_slice %arg4[%dma_start3A_1153, %multiple_of3A_1147] : memref<32x1000000xf32, #tpu.memory_space<hbm>> -> memref<32x128xf32, #tpu.memory_space<hbm>>
      %dma_start3A_1155 = arith.constant 0 : i32
      %dma_start3A_1156 = arith.constant 0 : i32
      %dma_start3A_1157 = tpu.memref_slice %arg9[%dma_start3A_1148, %dma_start3A_1155, %dma_start3A_1156] : memref<8x32x128xf32, #tpu.memory_space<vmem>> -> memref<1x32x128xf32, #tpu.memory_space<vmem>>
      %dma_start3A_1158 = tpu.memref_squeeze %dma_start3A_1157 : memref<1x32x128xf32, #tpu.memory_space<vmem>> -> memref<32x128xf32, #tpu.memory_space<vmem>>
      %dma_start3A_1159 = arith.constant 0 : i32
      %dma_start3A_1160 = tpu.memref_slice %arg4[%dma_start3A_1159, %multiple_of3A_1147] : memref<32x1000000xf32, #tpu.memory_space<hbm>> -> memref<32x128xf32, #tpu.memory_space<hbm>>
      tpu.enqueue_dma source(%dma_start3A_1160 : memref<32x128xf32, #tpu.memory_space<hbm>>) target(%dma_start3A_1158 : memref<32x128xf32, #tpu.memory_space<vmem>>) target_semaphore(%arg14 : memref<!tpu.dma_semaphore, #tpu.memory_space<semaphore_mem>>)
      %dma_wait3A_1161 = arith.constant 0 : i32
      %dma_wait3A_1162 = arith.constant 0 : i32
      %dma_wait3A_1163 = arith.constant 0 : i32
      %dma_wait3A_1164 = tpu.memref_slice %arg10[%dma_wait3A_1161, %dma_wait3A_1162, %dma_wait3A_1163] : memref<8x32x128xf32, #tpu.memory_space<vmem>> -> memref<1x32x128xf32, #tpu.memory_space<vmem>>
      %dma_wait3A_1165 = tpu.memref_squeeze %dma_wait3A_1164 : memref<1x32x128xf32, #tpu.memory_space<vmem>> -> memref<32x128xf32, #tpu.memory_space<vmem>>
      %dma_wait3A_1166 = arith.constant 0 : i32
      %dma_wait3A_1167 = arith.constant 0 : i32
      %dma_wait3A_1168 = tpu.memref_slice %arg4[%dma_wait3A_1166, %dma_wait3A_1167] : memref<32x1000000xf32, #tpu.memory_space<hbm>> -> memref<32x128xf32, #tpu.memory_space<hbm>>
      %dma_wait3A_1169 = arith.constant 0 : i32
      %dma_wait3A_1170 = arith.constant 0 : i32
      %dma_wait3A_1171 = tpu.memref_slice %arg10[%dma_wait3A_1161, %dma_wait3A_1169, %dma_wait3A_1170] : memref<8x32x128xf32, #tpu.memory_space<vmem>> -> memref<1x32x128xf32, #tpu.memory_space<vmem>>
      %dma_wait3A_1172 = tpu.memref_squeeze %dma_wait3A_1171 : memref<1x32x128xf32, #tpu.memory_space<vmem>> -> memref<32x128xf32, #tpu.memory_space<vmem>>
      %dma_wait3A_1173 = arith.constant 0 : i32
      %dma_wait3A_1174 = arith.constant 0 : i32
      %dma_wait3A_1175 = tpu.memref_slice %arg4[%dma_wait3A_1173, %dma_wait3A_1174] : memref<32x1000000xf32, #tpu.memory_space<hbm>> -> memref<32x128xf32, #tpu.memory_space<hbm>>
      tpu.wait_dma2 semaphore(%arg15 : memref<!tpu.dma_semaphore, #tpu.memory_space<semaphore_mem>>) src(%dma_wait3A_1175 : memref<32x128xf32, #tpu.memory_space<hbm>>) dst(%dma_wait3A_1172 : memref<32x128xf32, #tpu.memory_space<vmem>>)
      %dma_wait3A_1176 = arith.constant 1 : i32
      %dma_wait3A_1177 = arith.constant 0 : i32
      %dma_wait3A_1178 = arith.constant 0 : i32
      %dma_wait3A_1179 = tpu.memref_slice %arg10[%dma_wait3A_1176, %dma_wait3A_1177, %dma_wait3A_1178] : memref<8x32x128xf32, #tpu.memory_space<vmem>> -> memref<1x32x128xf32, #tpu.memory_space<vmem>>
      %dma_wait3A_1180 = tpu.memref_squeeze %dma_wait3A_1179 : memref<1x32x128xf32, #tpu.memory_space<vmem>> -> memref<32x128xf32, #tpu.memory_space<vmem>>
      %dma_wait3A_1181 = arith.constant 0 : i32
      %dma_wait3A_1182 = arith.constant 0 : i32
      %dma_wait3A_1183 = tpu.memref_slice %arg4[%dma_wait3A_1181, %dma_wait3A_1182] : memref<32x1000000xf32, #tpu.memory_space<hbm>> -> memref<32x128xf32, #tpu.memory_space<hbm>>
      %dma_wait3A_1184 = arith.constant 0 : i32
      %dma_wait3A_1185 = arith.constant 0 : i32
      %dma_wait3A_1186 = tpu.memref_slice %arg10[%dma_wait3A_1176, %dma_wait3A_1184, %dma_wait3A_1185] : memref<8x32x128xf32, #tpu.memory_space<vmem>> -> memref<1x32x128xf32, #tpu.memory_space<vmem>>
      %dma_wait3A_1187 = tpu.memref_squeeze %dma_wait3A_1186 : memref<1x32x128xf32, #tpu.memory_space<vmem>> -> memref<32x128xf32, #tpu.memory_space<vmem>>
      %dma_wait3A_1188 = arith.constant 0 : i32
      %dma_wait3A_1189 = arith.constant 0 : i32
      %dma_wait3A_1190 = tpu.memref_slice %arg4[%dma_wait3A_1188, %dma_wait3A_1189] : memref<32x1000000xf32, #tpu.memory_space<hbm>> -> memref<32x128xf32, #tpu.memory_space<hbm>>
      tpu.wait_dma2 semaphore(%arg15 : memref<!tpu.dma_semaphore, #tpu.memory_space<semaphore_mem>>) src(%dma_wait3A_1190 : memref<32x128xf32, #tpu.memory_space<hbm>>) dst(%dma_wait3A_1187 : memref<32x128xf32, #tpu.memory_space<vmem>>)
      %dma_wait3A_1191 = arith.constant 2 : i32
      %dma_wait3A_1192 = arith.constant 0 : i32
      %dma_wait3A_1193 = arith.constant 0 : i32
      %dma_wait3A_1194 = tpu.memref_slice %arg10[%dma_wait3A_1191, %dma_wait3A_1192, %dma_wait3A_1193] : memref<8x32x128xf32, #tpu.memory_space<vmem>> -> memref<1x32x128xf32, #tpu.memory_space<vmem>>
      %dma_wait3A_1195 = tpu.memref_squeeze %dma_wait3A_1194 : memref<1x32x128xf32, #tpu.memory_space<vmem>> -> memref<32x128xf32, #tpu.memory_space<vmem>>
      %dma_wait3A_1196 = arith.constant 0 : i32
      %dma_wait3A_1197 = arith.constant 0 : i32
      %dma_wait3A_1198 = tpu.memref_slice %arg4[%dma_wait3A_1196, %dma_wait3A_1197] : memref<32x1000000xf32, #tpu.memory_space<hbm>> -> memref<32x128xf32, #tpu.memory_space<hbm>>
      %dma_wait3A_1199 = arith.constant 0 : i32
      %dma_wait3A_1200 = arith.constant 0 : i32
      %dma_wait3A_1201 = tpu.memref_slice %arg10[%dma_wait3A_1191, %dma_wait3A_1199, %dma_wait3A_1200] : memref<8x32x128xf32, #tpu.memory_space<vmem>> -> memref<1x32x128xf32, #tpu.memory_space<vmem>>
      %dma_wait3A_1202 = tpu.memref_squeeze %dma_wait3A_1201 : memref<1x32x128xf32, #tpu.memory_space<vmem>> -> memref<32x128xf32, #tpu.memory_space<vmem>>
      %dma_wait3A_1203 = arith.constant 0 : i32
      %dma_wait3A_1204 = arith.constant 0 : i32
      %dma_wait3A_1205 = tpu.memref_slice %arg4[%dma_wait3A_1203, %dma_wait3A_1204] : memref<32x1000000xf32, #tpu.memory_space<hbm>> -> memref<32x128xf32, #tpu.memory_space<hbm>>
      tpu.wait_dma2 semaphore(%arg15 : memref<!tpu.dma_semaphore, #tpu.memory_space<semaphore_mem>>) src(%dma_wait3A_1205 : memref<32x128xf32, #tpu.memory_space<hbm>>) dst(%dma_wait3A_1202 : memref<32x128xf32, #tpu.memory_space<vmem>>)
      %dma_wait3A_1206 = arith.constant 3 : i32
      %dma_wait3A_1207 = arith.constant 0 : i32
      %dma_wait3A_1208 = arith.constant 0 : i32
      %dma_wait3A_1209 = tpu.memref_slice %arg10[%dma_wait3A_1206, %dma_wait3A_1207, %dma_wait3A_1208] : memref<8x32x128xf32, #tpu.memory_space<vmem>> -> memref<1x32x128xf32, #tpu.memory_space<vmem>>
      %dma_wait3A_1210 = tpu.memref_squeeze %dma_wait3A_1209 : memref<1x32x128xf32, #tpu.memory_space<vmem>> -> memref<32x128xf32, #tpu.memory_space<vmem>>
      %dma_wait3A_1211 = arith.constant 0 : i32
      %dma_wait3A_1212 = arith.constant 0 : i32
      %dma_wait3A_1213 = tpu.memref_slice %arg4[%dma_wait3A_1211, %dma_wait3A_1212] : memref<32x1000000xf32, #tpu.memory_space<hbm>> -> memref<32x128xf32, #tpu.memory_space<hbm>>
      %dma_wait3A_1214 = arith.constant 0 : i32
      %dma_wait3A_1215 = arith.constant 0 : i32
      %dma_wait3A_1216 = tpu.memref_slice %arg10[%dma_wait3A_1206, %dma_wait3A_1214, %dma_wait3A_1215] : memref<8x32x128xf32, #tpu.memory_space<vmem>> -> memref<1x32x128xf32, #tpu.memory_space<vmem>>
      %dma_wait3A_1217 = tpu.memref_squeeze %dma_wait3A_1216 : memref<1x32x128xf32, #tpu.memory_space<vmem>> -> memref<32x128xf32, #tpu.memory_space<vmem>>
      %dma_wait3A_1218 = arith.constant 0 : i32
      %dma_wait3A_1219 = arith.constant 0 : i32
      %dma_wait3A_1220 = tpu.memref_slice %arg4[%dma_wait3A_1218, %dma_wait3A_1219] : memref<32x1000000xf32, #tpu.memory_space<hbm>> -> memref<32x128xf32, #tpu.memory_space<hbm>>
      tpu.wait_dma2 semaphore(%arg15 : memref<!tpu.dma_semaphore, #tpu.memory_space<semaphore_mem>>) src(%dma_wait3A_1220 : memref<32x128xf32, #tpu.memory_space<hbm>>) dst(%dma_wait3A_1217 : memref<32x128xf32, #tpu.memory_space<vmem>>)
      %dma_wait3A_1221 = arith.constant 4 : i32
      %dma_wait3A_1222 = arith.constant 0 : i32
      %dma_wait3A_1223 = arith.constant 0 : i32
      %dma_wait3A_1224 = tpu.memref_slice %arg10[%dma_wait3A_1221, %dma_wait3A_1222, %dma_wait3A_1223] : memref<8x32x128xf32, #tpu.memory_space<vmem>> -> memref<1x32x128xf32, #tpu.memory_space<vmem>>
      %dma_wait3A_1225 = tpu.memref_squeeze %dma_wait3A_1224 : memref<1x32x128xf32, #tpu.memory_space<vmem>> -> memref<32x128xf32, #tpu.memory_space<vmem>>
      %dma_wait3A_1226 = arith.constant 0 : i32
      %dma_wait3A_1227 = arith.constant 0 : i32
      %dma_wait3A_1228 = tpu.memref_slice %arg4[%dma_wait3A_1226, %dma_wait3A_1227] : memref<32x1000000xf32, #tpu.memory_space<hbm>> -> memref<32x128xf32, #tpu.memory_space<hbm>>
      %dma_wait3A_1229 = arith.constant 0 : i32
      %dma_wait3A_1230 = arith.constant 0 : i32
      %dma_wait3A_1231 = tpu.memref_slice %arg10[%dma_wait3A_1221, %dma_wait3A_1229, %dma_wait3A_1230] : memref<8x32x128xf32, #tpu.memory_space<vmem>> -> memref<1x32x128xf32, #tpu.memory_space<vmem>>
      %dma_wait3A_1232 = tpu.memref_squeeze %dma_wait3A_1231 : memref<1x32x128xf32, #tpu.memory_space<vmem>> -> memref<32x128xf32, #tpu.memory_space<vmem>>
      %dma_wait3A_1233 = arith.constant 0 : i32
      %dma_wait3A_1234 = arith.constant 0 : i32
      %dma_wait3A_1235 = tpu.memref_slice %arg4[%dma_wait3A_1233, %dma_wait3A_1234] : memref<32x1000000xf32, #tpu.memory_space<hbm>> -> memref<32x128xf32, #tpu.memory_space<hbm>>
      tpu.wait_dma2 semaphore(%arg15 : memref<!tpu.dma_semaphore, #tpu.memory_space<semaphore_mem>>) src(%dma_wait3A_1235 : memref<32x128xf32, #tpu.memory_space<hbm>>) dst(%dma_wait3A_1232 : memref<32x128xf32, #tpu.memory_space<vmem>>)
      %dma_wait3A_1236 = arith.constant 5 : i32
      %dma_wait3A_1237 = arith.constant 0 : i32
      %dma_wait3A_1238 = arith.constant 0 : i32
      %dma_wait3A_1239 = tpu.memref_slice %arg10[%dma_wait3A_1236, %dma_wait3A_1237, %dma_wait3A_1238] : memref<8x32x128xf32, #tpu.memory_space<vmem>> -> memref<1x32x128xf32, #tpu.memory_space<vmem>>
      %dma_wait3A_1240 = tpu.memref_squeeze %dma_wait3A_1239 : memref<1x32x128xf32, #tpu.memory_space<vmem>> -> memref<32x128xf32, #tpu.memory_space<vmem>>
      %dma_wait3A_1241 = arith.constant 0 : i32
      %dma_wait3A_1242 = arith.constant 0 : i32
      %dma_wait3A_1243 = tpu.memref_slice %arg4[%dma_wait3A_1241, %dma_wait3A_1242] : memref<32x1000000xf32, #tpu.memory_space<hbm>> -> memref<32x128xf32, #tpu.memory_space<hbm>>
      %dma_wait3A_1244 = arith.constant 0 : i32
      %dma_wait3A_1245 = arith.constant 0 : i32
      %dma_wait3A_1246 = tpu.memref_slice %arg10[%dma_wait3A_1236, %dma_wait3A_1244, %dma_wait3A_1245] : memref<8x32x128xf32, #tpu.memory_space<vmem>> -> memref<1x32x128xf32, #tpu.memory_space<vmem>>
      %dma_wait3A_1247 = tpu.memref_squeeze %dma_wait3A_1246 : memref<1x32x128xf32, #tpu.memory_space<vmem>> -> memref<32x128xf32, #tpu.memory_space<vmem>>
      %dma_wait3A_1248 = arith.constant 0 : i32
      %dma_wait3A_1249 = arith.constant 0 : i32
      %dma_wait3A_1250 = tpu.memref_slice %arg4[%dma_wait3A_1248, %dma_wait3A_1249] : memref<32x1000000xf32, #tpu.memory_space<hbm>> -> memref<32x128xf32, #tpu.memory_space<hbm>>
      tpu.wait_dma2 semaphore(%arg15 : memref<!tpu.dma_semaphore, #tpu.memory_space<semaphore_mem>>) src(%dma_wait3A_1250 : memref<32x128xf32, #tpu.memory_space<hbm>>) dst(%dma_wait3A_1247 : memref<32x128xf32, #tpu.memory_space<vmem>>)
      %dma_wait3A_1251 = arith.constant 6 : i32
      %dma_wait3A_1252 = arith.constant 0 : i32
      %dma_wait3A_1253 = arith.constant 0 : i32
      %dma_wait3A_1254 = tpu.memref_slice %arg10[%dma_wait3A_1251, %dma_wait3A_1252, %dma_wait3A_1253] : memref<8x32x128xf32, #tpu.memory_space<vmem>> -> memref<1x32x128xf32, #tpu.memory_space<vmem>>
      %dma_wait3A_1255 = tpu.memref_squeeze %dma_wait3A_1254 : memref<1x32x128xf32, #tpu.memory_space<vmem>> -> memref<32x128xf32, #tpu.memory_space<vmem>>
      %dma_wait3A_1256 = arith.constant 0 : i32
      %dma_wait3A_1257 = arith.constant 0 : i32
      %dma_wait3A_1258 = tpu.memref_slice %arg4[%dma_wait3A_1256, %dma_wait3A_1257] : memref<32x1000000xf32, #tpu.memory_space<hbm>> -> memref<32x128xf32, #tpu.memory_space<hbm>>
      %dma_wait3A_1259 = arith.constant 0 : i32
      %dma_wait3A_1260 = arith.constant 0 : i32
      %dma_wait3A_1261 = tpu.memref_slice %arg10[%dma_wait3A_1251, %dma_wait3A_1259, %dma_wait3A_1260] : memref<8x32x128xf32, #tpu.memory_space<vmem>> -> memref<1x32x128xf32, #tpu.memory_space<vmem>>
      %dma_wait3A_1262 = tpu.memref_squeeze %dma_wait3A_1261 : memref<1x32x128xf32, #tpu.memory_space<vmem>> -> memref<32x128xf32, #tpu.memory_space<vmem>>
      %dma_wait3A_1263 = arith.constant 0 : i32
      %dma_wait3A_1264 = arith.constant 0 : i32
      %dma_wait3A_1265 = tpu.memref_slice %arg4[%dma_wait3A_1263, %dma_wait3A_1264] : memref<32x1000000xf32, #tpu.memory_space<hbm>> -> memref<32x128xf32, #tpu.memory_space<hbm>>
      tpu.wait_dma2 semaphore(%arg15 : memref<!tpu.dma_semaphore, #tpu.memory_space<semaphore_mem>>) src(%dma_wait3A_1265 : memref<32x128xf32, #tpu.memory_space<hbm>>) dst(%dma_wait3A_1262 : memref<32x128xf32, #tpu.memory_space<vmem>>)
      %dma_wait3A_1266 = arith.constant 7 : i32
      %dma_wait3A_1267 = arith.constant 0 : i32
      %dma_wait3A_1268 = arith.constant 0 : i32
      %dma_wait3A_1269 = tpu.memref_slice %arg10[%dma_wait3A_1266, %dma_wait3A_1267, %dma_wait3A_1268] : memref<8x32x128xf32, #tpu.memory_space<vmem>> -> memref<1x32x128xf32, #tpu.memory_space<vmem>>
      %dma_wait3A_1270 = tpu.memref_squeeze %dma_wait3A_1269 : memref<1x32x128xf32, #tpu.memory_space<vmem>> -> memref<32x128xf32, #tpu.memory_space<vmem>>
      %dma_wait3A_1271 = arith.constant 0 : i32
      %dma_wait3A_1272 = arith.constant 0 : i32
      %dma_wait3A_1273 = tpu.memref_slice %arg4[%dma_wait3A_1271, %dma_wait3A_1272] : memref<32x1000000xf32, #tpu.memory_space<hbm>> -> memref<32x128xf32, #tpu.memory_space<hbm>>
      %dma_wait3A_1274 = arith.constant 0 : i32
      %dma_wait3A_1275 = arith.constant 0 : i32
      %dma_wait3A_1276 = tpu.memref_slice %arg10[%dma_wait3A_1266, %dma_wait3A_1274, %dma_wait3A_1275] : memref<8x32x128xf32, #tpu.memory_space<vmem>> -> memref<1x32x128xf32, #tpu.memory_space<vmem>>
      %dma_wait3A_1277 = tpu.memref_squeeze %dma_wait3A_1276 : memref<1x32x128xf32, #tpu.memory_space<vmem>> -> memref<32x128xf32, #tpu.memory_space<vmem>>
      %dma_wait3A_1278 = arith.constant 0 : i32
      %dma_wait3A_1279 = arith.constant 0 : i32
      %dma_wait3A_1280 = tpu.memref_slice %arg4[%dma_wait3A_1278, %dma_wait3A_1279] : memref<32x1000000xf32, #tpu.memory_space<hbm>> -> memref<32x128xf32, #tpu.memory_space<hbm>>
      tpu.wait_dma2 semaphore(%arg15 : memref<!tpu.dma_semaphore, #tpu.memory_space<semaphore_mem>>) src(%dma_wait3A_1280 : memref<32x128xf32, #tpu.memory_space<hbm>>) dst(%dma_wait3A_1277 : memref<32x128xf32, #tpu.memory_space<vmem>>)
    }
    %scan3A_205 = arith.constant 16 : i32
    %dma_wait3A = arith.constant 0 : i32
    %dma_wait3A_206 = arith.constant 0 : i32
    %dma_wait3A_207 = arith.constant 0 : i32
    %dma_wait3A_208 = tpu.memref_slice %arg9[%dma_wait3A, %dma_wait3A_206, %dma_wait3A_207] : memref<8x32x128xf32, #tpu.memory_space<vmem>> -> memref<1x32x128xf32, #tpu.memory_space<vmem>>
    %dma_wait3A_209 = tpu.memref_squeeze %dma_wait3A_208 : memref<1x32x128xf32, #tpu.memory_space<vmem>> -> memref<32x128xf32, #tpu.memory_space<vmem>>
    %dma_wait3A_210 = arith.constant 0 : i32
    %dma_wait3A_211 = arith.constant 0 : i32
    %dma_wait3A_212 = tpu.memref_slice %arg4[%dma_wait3A_210, %dma_wait3A_211] : memref<32x1000000xf32, #tpu.memory_space<hbm>> -> memref<32x128xf32, #tpu.memory_space<hbm>>
    %dma_wait3A_213 = arith.constant 0 : i32
    %dma_wait3A_214 = arith.constant 0 : i32
    %dma_wait3A_215 = tpu.memref_slice %arg9[%dma_wait3A, %dma_wait3A_213, %dma_wait3A_214] : memref<8x32x128xf32, #tpu.memory_space<vmem>> -> memref<1x32x128xf32, #tpu.memory_space<vmem>>
    %dma_wait3A_216 = tpu.memref_squeeze %dma_wait3A_215 : memref<1x32x128xf32, #tpu.memory_space<vmem>> -> memref<32x128xf32, #tpu.memory_space<vmem>>
    %dma_wait3A_217 = arith.constant 0 : i32
    %dma_wait3A_218 = arith.constant 0 : i32
    %dma_wait3A_219 = tpu.memref_slice %arg4[%dma_wait3A_217, %dma_wait3A_218] : memref<32x1000000xf32, #tpu.memory_space<hbm>> -> memref<32x128xf32, #tpu.memory_space<hbm>>
    tpu.wait_dma2 semaphore(%arg14 : memref<!tpu.dma_semaphore, #tpu.memory_space<semaphore_mem>>) src(%dma_wait3A_219 : memref<32x128xf32, #tpu.memory_space<hbm>>) dst(%dma_wait3A_216 : memref<32x128xf32, #tpu.memory_space<vmem>>)
    %dma_wait3A_220 = arith.constant 1 : i32
    %dma_wait3A_221 = arith.constant 0 : i32
    %dma_wait3A_222 = arith.constant 0 : i32
    %dma_wait3A_223 = tpu.memref_slice %arg9[%dma_wait3A_220, %dma_wait3A_221, %dma_wait3A_222] : memref<8x32x128xf32, #tpu.memory_space<vmem>> -> memref<1x32x128xf32, #tpu.memory_space<vmem>>
    %dma_wait3A_224 = tpu.memref_squeeze %dma_wait3A_223 : memref<1x32x128xf32, #tpu.memory_space<vmem>> -> memref<32x128xf32, #tpu.memory_space<vmem>>
    %dma_wait3A_225 = arith.constant 0 : i32
    %dma_wait3A_226 = arith.constant 0 : i32
    %dma_wait3A_227 = tpu.memref_slice %arg4[%dma_wait3A_225, %dma_wait3A_226] : memref<32x1000000xf32, #tpu.memory_space<hbm>> -> memref<32x128xf32, #tpu.memory_space<hbm>>
    %dma_wait3A_228 = arith.constant 0 : i32
    %dma_wait3A_229 = arith.constant 0 : i32
    %dma_wait3A_230 = tpu.memref_slice %arg9[%dma_wait3A_220, %dma_wait3A_228, %dma_wait3A_229] : memref<8x32x128xf32, #tpu.memory_space<vmem>> -> memref<1x32x128xf32, #tpu.memory_space<vmem>>
    %dma_wait3A_231 = tpu.memref_squeeze %dma_wait3A_230 : memref<1x32x128xf32, #tpu.memory_space<vmem>> -> memref<32x128xf32, #tpu.memory_space<vmem>>
    %dma_wait3A_232 = arith.constant 0 : i32
    %dma_wait3A_233 = arith.constant 0 : i32
    %dma_wait3A_234 = tpu.memref_slice %arg4[%dma_wait3A_232, %dma_wait3A_233] : memref<32x1000000xf32, #tpu.memory_space<hbm>> -> memref<32x128xf32, #tpu.memory_space<hbm>>
    tpu.wait_dma2 semaphore(%arg14 : memref<!tpu.dma_semaphore, #tpu.memory_space<semaphore_mem>>) src(%dma_wait3A_234 : memref<32x128xf32, #tpu.memory_space<hbm>>) dst(%dma_wait3A_231 : memref<32x128xf32, #tpu.memory_space<vmem>>)
    %dma_wait3A_235 = arith.constant 2 : i32
    %dma_wait3A_236 = arith.constant 0 : i32
    %dma_wait3A_237 = arith.constant 0 : i32
    %dma_wait3A_238 = tpu.memref_slice %arg9[%dma_wait3A_235, %dma_wait3A_236, %dma_wait3A_237] : memref<8x32x128xf32, #tpu.memory_space<vmem>> -> memref<1x32x128xf32, #tpu.memory_space<vmem>>
    %dma_wait3A_239 = tpu.memref_squeeze %dma_wait3A_238 : memref<1x32x128xf32, #tpu.memory_space<vmem>> -> memref<32x128xf32, #tpu.memory_space<vmem>>
    %dma_wait3A_240 = arith.constant 0 : i32
    %dma_wait3A_241 = arith.constant 0 : i32
    %dma_wait3A_242 = tpu.memref_slice %arg4[%dma_wait3A_240, %dma_wait3A_241] : memref<32x1000000xf32, #tpu.memory_space<hbm>> -> memref<32x128xf32, #tpu.memory_space<hbm>>
    %dma_wait3A_243 = arith.constant 0 : i32
    %dma_wait3A_244 = arith.constant 0 : i32
    %dma_wait3A_245 = tpu.memref_slice %arg9[%dma_wait3A_235, %dma_wait3A_243, %dma_wait3A_244] : memref<8x32x128xf32, #tpu.memory_space<vmem>> -> memref<1x32x128xf32, #tpu.memory_space<vmem>>
    %dma_wait3A_246 = tpu.memref_squeeze %dma_wait3A_245 : memref<1x32x128xf32, #tpu.memory_space<vmem>> -> memref<32x128xf32, #tpu.memory_space<vmem>>
    %dma_wait3A_247 = arith.constant 0 : i32
    %dma_wait3A_248 = arith.constant 0 : i32
    %dma_wait3A_249 = tpu.memref_slice %arg4[%dma_wait3A_247, %dma_wait3A_248] : memref<32x1000000xf32, #tpu.memory_space<hbm>> -> memref<32x128xf32, #tpu.memory_space<hbm>>
    tpu.wait_dma2 semaphore(%arg14 : memref<!tpu.dma_semaphore, #tpu.memory_space<semaphore_mem>>) src(%dma_wait3A_249 : memref<32x128xf32, #tpu.memory_space<hbm>>) dst(%dma_wait3A_246 : memref<32x128xf32, #tpu.memory_space<vmem>>)
    %dma_wait3A_250 = arith.constant 3 : i32
    %dma_wait3A_251 = arith.constant 0 : i32
    %dma_wait3A_252 = arith.constant 0 : i32
    %dma_wait3A_253 = tpu.memref_slice %arg9[%dma_wait3A_250, %dma_wait3A_251, %dma_wait3A_252] : memref<8x32x128xf32, #tpu.memory_space<vmem>> -> memref<1x32x128xf32, #tpu.memory_space<vmem>>
    %dma_wait3A_254 = tpu.memref_squeeze %dma_wait3A_253 : memref<1x32x128xf32, #tpu.memory_space<vmem>> -> memref<32x128xf32, #tpu.memory_space<vmem>>
    %dma_wait3A_255 = arith.constant 0 : i32
    %dma_wait3A_256 = arith.constant 0 : i32
    %dma_wait3A_257 = tpu.memref_slice %arg4[%dma_wait3A_255, %dma_wait3A_256] : memref<32x1000000xf32, #tpu.memory_space<hbm>> -> memref<32x128xf32, #tpu.memory_space<hbm>>
    %dma_wait3A_258 = arith.constant 0 : i32
    %dma_wait3A_259 = arith.constant 0 : i32
    %dma_wait3A_260 = tpu.memref_slice %arg9[%dma_wait3A_250, %dma_wait3A_258, %dma_wait3A_259] : memref<8x32x128xf32, #tpu.memory_space<vmem>> -> memref<1x32x128xf32, #tpu.memory_space<vmem>>
    %dma_wait3A_261 = tpu.memref_squeeze %dma_wait3A_260 : memref<1x32x128xf32, #tpu.memory_space<vmem>> -> memref<32x128xf32, #tpu.memory_space<vmem>>
    %dma_wait3A_262 = arith.constant 0 : i32
    %dma_wait3A_263 = arith.constant 0 : i32
    %dma_wait3A_264 = tpu.memref_slice %arg4[%dma_wait3A_262, %dma_wait3A_263] : memref<32x1000000xf32, #tpu.memory_space<hbm>> -> memref<32x128xf32, #tpu.memory_space<hbm>>
    tpu.wait_dma2 semaphore(%arg14 : memref<!tpu.dma_semaphore, #tpu.memory_space<semaphore_mem>>) src(%dma_wait3A_264 : memref<32x128xf32, #tpu.memory_space<hbm>>) dst(%dma_wait3A_261 : memref<32x128xf32, #tpu.memory_space<vmem>>)
    %dma_wait3A_265 = arith.constant 4 : i32
    %dma_wait3A_266 = arith.constant 0 : i32
    %dma_wait3A_267 = arith.constant 0 : i32
    %dma_wait3A_268 = tpu.memref_slice %arg9[%dma_wait3A_265, %dma_wait3A_266, %dma_wait3A_267] : memref<8x32x128xf32, #tpu.memory_space<vmem>> -> memref<1x32x128xf32, #tpu.memory_space<vmem>>
    %dma_wait3A_269 = tpu.memref_squeeze %dma_wait3A_268 : memref<1x32x128xf32, #tpu.memory_space<vmem>> -> memref<32x128xf32, #tpu.memory_space<vmem>>
    %dma_wait3A_270 = arith.constant 0 : i32
    %dma_wait3A_271 = arith.constant 0 : i32
    %dma_wait3A_272 = tpu.memref_slice %arg4[%dma_wait3A_270, %dma_wait3A_271] : memref<32x1000000xf32, #tpu.memory_space<hbm>> -> memref<32x128xf32, #tpu.memory_space<hbm>>
    %dma_wait3A_273 = arith.constant 0 : i32
    %dma_wait3A_274 = arith.constant 0 : i32
    %dma_wait3A_275 = tpu.memref_slice %arg9[%dma_wait3A_265, %dma_wait3A_273, %dma_wait3A_274] : memref<8x32x128xf32, #tpu.memory_space<vmem>> -> memref<1x32x128xf32, #tpu.memory_space<vmem>>
    %dma_wait3A_276 = tpu.memref_squeeze %dma_wait3A_275 : memref<1x32x128xf32, #tpu.memory_space<vmem>> -> memref<32x128xf32, #tpu.memory_space<vmem>>
    %dma_wait3A_277 = arith.constant 0 : i32
    %dma_wait3A_278 = arith.constant 0 : i32
    %dma_wait3A_279 = tpu.memref_slice %arg4[%dma_wait3A_277, %dma_wait3A_278] : memref<32x1000000xf32, #tpu.memory_space<hbm>> -> memref<32x128xf32, #tpu.memory_space<hbm>>
    tpu.wait_dma2 semaphore(%arg14 : memref<!tpu.dma_semaphore, #tpu.memory_space<semaphore_mem>>) src(%dma_wait3A_279 : memref<32x128xf32, #tpu.memory_space<hbm>>) dst(%dma_wait3A_276 : memref<32x128xf32, #tpu.memory_space<vmem>>)
    %dma_wait3A_280 = arith.constant 5 : i32
    %dma_wait3A_281 = arith.constant 0 : i32
    %dma_wait3A_282 = arith.constant 0 : i32
    %dma_wait3A_283 = tpu.memref_slice %arg9[%dma_wait3A_280, %dma_wait3A_281, %dma_wait3A_282] : memref<8x32x128xf32, #tpu.memory_space<vmem>> -> memref<1x32x128xf32, #tpu.memory_space<vmem>>
    %dma_wait3A_284 = tpu.memref_squeeze %dma_wait3A_283 : memref<1x32x128xf32, #tpu.memory_space<vmem>> -> memref<32x128xf32, #tpu.memory_space<vmem>>
    %dma_wait3A_285 = arith.constant 0 : i32
    %dma_wait3A_286 = arith.constant 0 : i32
    %dma_wait3A_287 = tpu.memref_slice %arg4[%dma_wait3A_285, %dma_wait3A_286] : memref<32x1000000xf32, #tpu.memory_space<hbm>> -> memref<32x128xf32, #tpu.memory_space<hbm>>
    %dma_wait3A_288 = arith.constant 0 : i32
    %dma_wait3A_289 = arith.constant 0 : i32
    %dma_wait3A_290 = tpu.memref_slice %arg9[%dma_wait3A_280, %dma_wait3A_288, %dma_wait3A_289] : memref<8x32x128xf32, #tpu.memory_space<vmem>> -> memref<1x32x128xf32, #tpu.memory_space<vmem>>
    %dma_wait3A_291 = tpu.memref_squeeze %dma_wait3A_290 : memref<1x32x128xf32, #tpu.memory_space<vmem>> -> memref<32x128xf32, #tpu.memory_space<vmem>>
    %dma_wait3A_292 = arith.constant 0 : i32
    %dma_wait3A_293 = arith.constant 0 : i32
    %dma_wait3A_294 = tpu.memref_slice %arg4[%dma_wait3A_292, %dma_wait3A_293] : memref<32x1000000xf32, #tpu.memory_space<hbm>> -> memref<32x128xf32, #tpu.memory_space<hbm>>
    tpu.wait_dma2 semaphore(%arg14 : memref<!tpu.dma_semaphore, #tpu.memory_space<semaphore_mem>>) src(%dma_wait3A_294 : memref<32x128xf32, #tpu.memory_space<hbm>>) dst(%dma_wait3A_291 : memref<32x128xf32, #tpu.memory_space<vmem>>)
    %dma_wait3A_295 = arith.constant 6 : i32
    %dma_wait3A_296 = arith.constant 0 : i32
    %dma_wait3A_297 = arith.constant 0 : i32
    %dma_wait3A_298 = tpu.memref_slice %arg9[%dma_wait3A_295, %dma_wait3A_296, %dma_wait3A_297] : memref<8x32x128xf32, #tpu.memory_space<vmem>> -> memref<1x32x128xf32, #tpu.memory_space<vmem>>
    %dma_wait3A_299 = tpu.memref_squeeze %dma_wait3A_298 : memref<1x32x128xf32, #tpu.memory_space<vmem>> -> memref<32x128xf32, #tpu.memory_space<vmem>>
    %dma_wait3A_300 = arith.constant 0 : i32
    %dma_wait3A_301 = arith.constant 0 : i32
    %dma_wait3A_302 = tpu.memref_slice %arg4[%dma_wait3A_300, %dma_wait3A_301] : memref<32x1000000xf32, #tpu.memory_space<hbm>> -> memref<32x128xf32, #tpu.memory_space<hbm>>
    %dma_wait3A_303 = arith.constant 0 : i32
    %dma_wait3A_304 = arith.constant 0 : i32
    %dma_wait3A_305 = tpu.memref_slice %arg9[%dma_wait3A_295, %dma_wait3A_303, %dma_wait3A_304] : memref<8x32x128xf32, #tpu.memory_space<vmem>> -> memref<1x32x128xf32, #tpu.memory_space<vmem>>
    %dma_wait3A_306 = tpu.memref_squeeze %dma_wait3A_305 : memref<1x32x128xf32, #tpu.memory_space<vmem>> -> memref<32x128xf32, #tpu.memory_space<vmem>>
    %dma_wait3A_307 = arith.constant 0 : i32
    %dma_wait3A_308 = arith.constant 0 : i32
    %dma_wait3A_309 = tpu.memref_slice %arg4[%dma_wait3A_307, %dma_wait3A_308] : memref<32x1000000xf32, #tpu.memory_space<hbm>> -> memref<32x128xf32, #tpu.memory_space<hbm>>
    tpu.wait_dma2 semaphore(%arg14 : memref<!tpu.dma_semaphore, #tpu.memory_space<semaphore_mem>>) src(%dma_wait3A_309 : memref<32x128xf32, #tpu.memory_space<hbm>>) dst(%dma_wait3A_306 : memref<32x128xf32, #tpu.memory_space<vmem>>)
    %dma_wait3A_310 = arith.constant 7 : i32
    %dma_wait3A_311 = arith.constant 0 : i32
    %dma_wait3A_312 = arith.constant 0 : i32
    %dma_wait3A_313 = tpu.memref_slice %arg9[%dma_wait3A_310, %dma_wait3A_311, %dma_wait3A_312] : memref<8x32x128xf32, #tpu.memory_space<vmem>> -> memref<1x32x128xf32, #tpu.memory_space<vmem>>
    %dma_wait3A_314 = tpu.memref_squeeze %dma_wait3A_313 : memref<1x32x128xf32, #tpu.memory_space<vmem>> -> memref<32x128xf32, #tpu.memory_space<vmem>>
    %dma_wait3A_315 = arith.constant 0 : i32
    %dma_wait3A_316 = arith.constant 0 : i32
    %dma_wait3A_317 = tpu.memref_slice %arg4[%dma_wait3A_315, %dma_wait3A_316] : memref<32x1000000xf32, #tpu.memory_space<hbm>> -> memref<32x128xf32, #tpu.memory_space<hbm>>
    %dma_wait3A_318 = arith.constant 0 : i32
    %dma_wait3A_319 = arith.constant 0 : i32
    %dma_wait3A_320 = tpu.memref_slice %arg9[%dma_wait3A_310, %dma_wait3A_318, %dma_wait3A_319] : memref<8x32x128xf32, #tpu.memory_space<vmem>> -> memref<1x32x128xf32, #tpu.memory_space<vmem>>
    %dma_wait3A_321 = tpu.memref_squeeze %dma_wait3A_320 : memref<1x32x128xf32, #tpu.memory_space<vmem>> -> memref<32x128xf32, #tpu.memory_space<vmem>>
    %dma_wait3A_322 = arith.constant 0 : i32
    %dma_wait3A_323 = arith.constant 0 : i32
    %dma_wait3A_324 = tpu.memref_slice %arg4[%dma_wait3A_322, %dma_wait3A_323] : memref<32x1000000xf32, #tpu.memory_space<hbm>> -> memref<32x128xf32, #tpu.memory_space<hbm>>
    tpu.wait_dma2 semaphore(%arg14 : memref<!tpu.dma_semaphore, #tpu.memory_space<semaphore_mem>>) src(%dma_wait3A_324 : memref<32x128xf32, #tpu.memory_space<hbm>>) dst(%dma_wait3A_321 : memref<32x128xf32, #tpu.memory_space<vmem>>)
    "tpu.region"() ({
      %run_scoped3A = tpu.sem_alloc : memref<!tpu.dma_semaphore, #tpu.memory_space<semaphore_mem>>
      tpu.enqueue_dma source(%arg3 : memref<16384xi32, #tpu.memory_space<hbm>>) target(%arg8 : memref<16384xi32, #tpu.memory_space<vmem>>) target_semaphore(%run_scoped3A : memref<!tpu.dma_semaphore, #tpu.memory_space<semaphore_mem>>)
      tpu.wait_dma2 semaphore(%run_scoped3A : memref<!tpu.dma_semaphore, #tpu.memory_space<semaphore_mem>>) src(%arg3 : memref<16384xi32, #tpu.memory_space<hbm>>) dst(%arg8 : memref<16384xi32, #tpu.memory_space<vmem>>)
      tpu.yield
    }) : () -> ()
    %scan3A_325 = arith.constant 0 : i32
    %scan3A_326 = arith.constant 0 : i32
    %scan3A_327 = arith.constant 1024 : i32
    %scan3A_328 = arith.addi %scan3A_326, %scan3A_327 : i32
    %scan3A_329 = arith.constant 1 : i32
    %scan3A_330 = scf.for %scan3A_674 = %scan3A_326 to %scan3A_328 step %scan3A_329 iter_args(%scan3A_675 = %scan3A_325) -> (i32)  : i32 {
      %mul3A_676 = arith.constant 16 : i32
      %mul3A_677 = arith.muli %scan3A_674, %mul3A_676 : i32
      %get3A = arith.index_cast %mul3A_677 : i32 to index
      %get3A_678 = tpu.vector_load %arg8[%get3A] {strides = array<i32>} : memref<16384xi32, #tpu.memory_space<vmem>>, vector<16xi32>,
      %shift_right_arithmetic3A = arith.constant 10 : i32
      %shift_right_arithmetic3A_679 = vector.broadcast %shift_right_arithmetic3A : i32 to vector<16xi32>
      %shift_right_arithmetic3A_680 = arith.shrsi %get3A_678, %shift_right_arithmetic3A_679 : vector<16xi32>
      %and3A_681 = arith.constant 31 : i32
      %and3A_682 = vector.broadcast %and3A_681 : i32 to vector<16xi32>
      %and3A_683 = arith.andi %shift_right_arithmetic3A_680, %and3A_682 : vector<16xi32>
      %eq3A = vector.broadcast %add3A : i32 to vector<16xi32>
      %eq3A_684 = arith.cmpi eq, %and3A_683, %eq3A : vector<16xi32>
      %shift_right_arithmetic3A_685 = arith.constant 5 : i32
      %shift_right_arithmetic3A_686 = vector.broadcast %shift_right_arithmetic3A_685 : i32 to vector<16xi32>
      %shift_right_arithmetic3A_687 = arith.shrsi %shift_right_arithmetic3A_680, %shift_right_arithmetic3A_686 : vector<16xi32>
      %shift_left3A = arith.constant 24 : i32
      %shift_left3A_688 = vector.broadcast %shift_left3A : i32 to vector<16xi32>
      %shift_left3A_689 = arith.shli %shift_right_arithmetic3A_687, %shift_left3A_688 : vector<16xi32>
      %mul3A_690 = arith.constant 16 : i32
      %mul3A_691 = arith.muli %scan3A_674, %mul3A_690 : i32
      %add3A_692 = vector.broadcast %mul3A_691 : i32 to vector<16xi32>
      %add3A_693 = arith.addi %add3A_692, %iota3A : vector<16xi32>
      %shift_left3A_694 = arith.constant 10 : i32
      %shift_left3A_695 = vector.broadcast %shift_left3A_694 : i32 to vector<16xi32>
      %shift_left3A_696 = arith.shli %add3A_693, %shift_left3A_695 : vector<16xi32>
      %or3A = arith.ori %shift_left3A_689, %shift_left3A_696 : vector<16xi32>
      %and3A_697 = arith.constant 1023 : i32
      %and3A_698 = vector.broadcast %and3A_697 : i32 to vector<16xi32>
      %and3A_699 = arith.andi %get3A_678, %and3A_698 : vector<16xi32>
      %or3A_700 = arith.ori %or3A, %and3A_699 : vector<16xi32>
      %all_reduce_population_count3A = tpu.all_reduce %eq3A_684 {dim = 0 : i64, kind = #tpu.reduction_kind<sum>} : vector<16xi1> -> vector<16xi32>
      %slice3A = vector.extract_strided_slice %all_reduce_population_count3A {offsets = [0], sizes = [1], strides = [1]} : vector<16xi32> to vector<1xi32>
      %squeeze3A = vector.extract %slice3A[0] : i32 from vector<1xi32>
      %swap3A = arith.index_cast %scan3A_675 : i32 to index
      %swap3A_701 = tpu.vector_load %arg11[%swap3A] masked %eq3A_684 {strides = array<i32>} : memref<800xi32, #tpu.memory_space<vmem>>, vector<16xi32>, vector<16xi1>
      tpu.vector_store %arg11[%swap3A], %or3A_700 masked %eq3A_684 {strides = array<i32>} : memref<800xi32, #tpu.memory_space<vmem>>, vector<16xi32>, vector<16xi1>
      %add3A_702 = arith.addi %scan3A_675, %squeeze3A : i32
      %min3A_703 = arith.constant 768 : i32
      %min3A_704 = arith.minsi %add3A_702, %min3A_703 : i32
      scf.yield %min3A_704 : i32
    }
    %scan3A_331 = arith.constant 1024 : i32
    %add3A_332 = arith.constant 16 : i32
    %add3A_333 = arith.addi %scan3A_330, %add3A_332 : i32
    %sub3A_334 = arith.constant 1 : i32
    %sub3A_335 = arith.subi %add3A_333, %sub3A_334 : i32
    %jit3A_336 = arith.constant 16 : i32
    %div3A_337 = arith.divsi %sub3A_335, %jit3A_336 : i32
    %sign3A_338 = arith.constant 0 : i32
    %sign3A_339 = arith.cmpi sgt, %sub3A_335, %sign3A_338 : i32
    %sign3A_340 = arith.extui %sign3A_339 : i1 to i32
    %sign3A_341 = arith.constant 0 : i32
    %sign3A_342 = arith.cmpi slt, %sub3A_335, %sign3A_341 : i32
    %sign3A_343 = arith.extui %sign3A_342 : i1 to i32
    %sign3A_344 = arith.subi %sign3A_340, %sign3A_343 : i32
    %sign3A_345 = arith.constant 0 : i32
    %sign3A_346 = arith.cmpi sgt, %jit3A_336, %sign3A_345 : i32
    %sign3A_347 = arith.extui %sign3A_346 : i1 to i32
    %sign3A_348 = arith.constant 0 : i32
    %sign3A_349 = arith.cmpi slt, %jit3A_336, %sign3A_348 : i32
    %sign3A_350 = arith.extui %sign3A_349 : i1 to i32
    %sign3A_351 = arith.subi %sign3A_347, %sign3A_350 : i32
    %ne3A_352 = arith.cmpi ne, %sign3A_344, %sign3A_351 : i32
    %rem3A_353 = arith.remsi %sub3A_335, %jit3A_336 : i32
    %ne3A_354 = arith.constant 0 : i32
    %ne3A_355 = arith.cmpi ne, %rem3A_353, %ne3A_354 : i32
    %and3A_356 = arith.andi %ne3A_352, %ne3A_355 : i1
    %sub3A_357 = arith.constant 1 : i32
    %sub3A_358 = arith.subi %div3A_337, %sub3A_357 : i32
    %select_n3A_359 = arith.select %and3A_356, %sub3A_358, %div3A_337 : i32
    %mul3A_360 = arith.constant 8 : i32
    %mul3A_361 = arith.muli %add3A, %mul3A_360 : i32
    %add3A_362 = arith.constant 0 : i32
    %add3A_363 = arith.addi %mul3A_361, %add3A_362 : i32
    %min3A_364 = arith.constant 7812 : i32
    %min3A_365 = arith.minsi %add3A_363, %min3A_364 : i32
    %mul3A_366 = arith.constant 128 : i32
    %mul3A_367 = arith.muli %min3A_365, %mul3A_366 : i32
    %multiple_of3A_368 = tpu.assume_multiple %mul3A_367, 128 : i32
    %dma_start3A_369 = arith.constant 0 : i32
    %dma_start3A_370 = arith.constant 0 : i32
    %dma_start3A_371 = arith.constant 0 : i32
    %dma_start3A_372 = tpu.memref_slice %arg9[%dma_start3A_369, %dma_start3A_370, %dma_start3A_371] : memref<8x32x128xf32, #tpu.memory_space<vmem>> -> memref<1x32x128xf32, #tpu.memory_space<vmem>>
    %dma_start3A_373 = tpu.memref_squeeze %dma_start3A_372 : memref<1x32x128xf32, #tpu.memory_space<vmem>> -> memref<32x128xf32, #tpu.memory_space<vmem>>
    %dma_start3A_374 = arith.constant 0 : i32
    %dma_start3A_375 = tpu.memref_slice %arg5[%dma_start3A_374, %multiple_of3A_368] : memref<32x1000000xf32, #tpu.memory_space<hbm>> -> memref<32x128xf32, #tpu.memory_space<hbm>>
    %dma_start3A_376 = arith.constant 0 : i32
    %dma_start3A_377 = arith.constant 0 : i32
    %dma_start3A_378 = tpu.memref_slice %arg9[%dma_start3A_369, %dma_start3A_376, %dma_start3A_377] : memref<8x32x128xf32, #tpu.memory_space<vmem>> -> memref<1x32x128xf32, #tpu.memory_space<vmem>>
    %dma_start3A_379 = tpu.memref_squeeze %dma_start3A_378 : memref<1x32x128xf32, #tpu.memory_space<vmem>> -> memref<32x128xf32, #tpu.memory_space<vmem>>
    %dma_start3A_380 = arith.constant 0 : i32
    %dma_start3A_381 = tpu.memref_slice %arg5[%dma_start3A_380, %multiple_of3A_368] : memref<32x1000000xf32, #tpu.memory_space<hbm>> -> memref<32x128xf32, #tpu.memory_space<hbm>>
    tpu.enqueue_dma source(%dma_start3A_381 : memref<32x128xf32, #tpu.memory_space<hbm>>) target(%dma_start3A_379 : memref<32x128xf32, #tpu.memory_space<vmem>>) target_semaphore(%arg14 : memref<!tpu.dma_semaphore, #tpu.memory_space<semaphore_mem>>)
    %mul3A_382 = arith.constant 8 : i32
    %mul3A_383 = arith.muli %add3A, %mul3A_382 : i32
    %add3A_384 = arith.constant 1 : i32
    %add3A_385 = arith.addi %mul3A_383, %add3A_384 : i32
    %min3A_386 = arith.constant 7812 : i32
    %min3A_387 = arith.minsi %add3A_385, %min3A_386 : i32
    %mul3A_388 = arith.constant 128 : i32
    %mul3A_389 = arith.muli %min3A_387, %mul3A_388 : i32
    %multiple_of3A_390 = tpu.assume_multiple %mul3A_389, 128 : i32
    %dma_start3A_391 = arith.constant 1 : i32
    %dma_start3A_392 = arith.constant 0 : i32
    %dma_start3A_393 = arith.constant 0 : i32
    %dma_start3A_394 = tpu.memref_slice %arg9[%dma_start3A_391, %dma_start3A_392, %dma_start3A_393] : memref<8x32x128xf32, #tpu.memory_space<vmem>> -> memref<1x32x128xf32, #tpu.memory_space<vmem>>
    %dma_start3A_395 = tpu.memref_squeeze %dma_start3A_394 : memref<1x32x128xf32, #tpu.memory_space<vmem>> -> memref<32x128xf32, #tpu.memory_space<vmem>>
    %dma_start3A_396 = arith.constant 0 : i32
    %dma_start3A_397 = tpu.memref_slice %arg5[%dma_start3A_396, %multiple_of3A_390] : memref<32x1000000xf32, #tpu.memory_space<hbm>> -> memref<32x128xf32, #tpu.memory_space<hbm>>
    %dma_start3A_398 = arith.constant 0 : i32
    %dma_start3A_399 = arith.constant 0 : i32
    %dma_start3A_400 = tpu.memref_slice %arg9[%dma_start3A_391, %dma_start3A_398, %dma_start3A_399] : memref<8x32x128xf32, #tpu.memory_space<vmem>> -> memref<1x32x128xf32, #tpu.memory_space<vmem>>
    %dma_start3A_401 = tpu.memref_squeeze %dma_start3A_400 : memref<1x32x128xf32, #tpu.memory_space<vmem>> -> memref<32x128xf32, #tpu.memory_space<vmem>>
    %dma_start3A_402 = arith.constant 0 : i32
    %dma_start3A_403 = tpu.memref_slice %arg5[%dma_start3A_402, %multiple_of3A_390] : memref<32x1000000xf32, #tpu.memory_space<hbm>> -> memref<32x128xf32, #tpu.memory_space<hbm>>
    tpu.enqueue_dma source(%dma_start3A_403 : memref<32x128xf32, #tpu.memory_space<hbm>>) target(%dma_start3A_401 : memref<32x128xf32, #tpu.memory_space<vmem>>) target_semaphore(%arg14 : memref<!tpu.dma_semaphore, #tpu.memory_space<semaphore_mem>>)
    %mul3A_404 = arith.constant 8 : i32
    %mul3A_405 = arith.muli %add3A, %mul3A_404 : i32
    %add3A_406 = arith.constant 2 : i32
    %add3A_407 = arith.addi %mul3A_405, %add3A_406 : i32
    %min3A_408 = arith.constant 7812 : i32
    %min3A_409 = arith.minsi %add3A_407, %min3A_408 : i32
    %mul3A_410 = arith.constant 128 : i32
    %mul3A_411 = arith.muli %min3A_409, %mul3A_410 : i32
    %multiple_of3A_412 = tpu.assume_multiple %mul3A_411, 128 : i32
    %dma_start3A_413 = arith.constant 2 : i32
    %dma_start3A_414 = arith.constant 0 : i32
    %dma_start3A_415 = arith.constant 0 : i32
    %dma_start3A_416 = tpu.memref_slice %arg9[%dma_start3A_413, %dma_start3A_414, %dma_start3A_415] : memref<8x32x128xf32, #tpu.memory_space<vmem>> -> memref<1x32x128xf32, #tpu.memory_space<vmem>>
    %dma_start3A_417 = tpu.memref_squeeze %dma_start3A_416 : memref<1x32x128xf32, #tpu.memory_space<vmem>> -> memref<32x128xf32, #tpu.memory_space<vmem>>
    %dma_start3A_418 = arith.constant 0 : i32
    %dma_start3A_419 = tpu.memref_slice %arg5[%dma_start3A_418, %multiple_of3A_412] : memref<32x1000000xf32, #tpu.memory_space<hbm>> -> memref<32x128xf32, #tpu.memory_space<hbm>>
    %dma_start3A_420 = arith.constant 0 : i32
    %dma_start3A_421 = arith.constant 0 : i32
    %dma_start3A_422 = tpu.memref_slice %arg9[%dma_start3A_413, %dma_start3A_420, %dma_start3A_421] : memref<8x32x128xf32, #tpu.memory_space<vmem>> -> memref<1x32x128xf32, #tpu.memory_space<vmem>>
    %dma_start3A_423 = tpu.memref_squeeze %dma_start3A_422 : memref<1x32x128xf32, #tpu.memory_space<vmem>> -> memref<32x128xf32, #tpu.memory_space<vmem>>
    %dma_start3A_424 = arith.constant 0 : i32
    %dma_start3A_425 = tpu.memref_slice %arg5[%dma_start3A_424, %multiple_of3A_412] : memref<32x1000000xf32, #tpu.memory_space<hbm>> -> memref<32x128xf32, #tpu.memory_space<hbm>>
    tpu.enqueue_dma source(%dma_start3A_425 : memref<32x128xf32, #tpu.memory_space<hbm>>) target(%dma_start3A_423 : memref<32x128xf32, #tpu.memory_space<vmem>>) target_semaphore(%arg14 : memref<!tpu.dma_semaphore, #tpu.memory_space<semaphore_mem>>)
    %mul3A_426 = arith.constant 8 : i32
    %mul3A_427 = arith.muli %add3A, %mul3A_426 : i32
    %add3A_428 = arith.constant 3 : i32
    %add3A_429 = arith.addi %mul3A_427, %add3A_428 : i32
    %min3A_430 = arith.constant 7812 : i32
    %min3A_431 = arith.minsi %add3A_429, %min3A_430 : i32
    %mul3A_432 = arith.constant 128 : i32
    %mul3A_433 = arith.muli %min3A_431, %mul3A_432 : i32
    %multiple_of3A_434 = tpu.assume_multiple %mul3A_433, 128 : i32
    %dma_start3A_435 = arith.constant 3 : i32
    %dma_start3A_436 = arith.constant 0 : i32
    %dma_start3A_437 = arith.constant 0 : i32
    %dma_start3A_438 = tpu.memref_slice %arg9[%dma_start3A_435, %dma_start3A_436, %dma_start3A_437] : memref<8x32x128xf32, #tpu.memory_space<vmem>> -> memref<1x32x128xf32, #tpu.memory_space<vmem>>
    %dma_start3A_439 = tpu.memref_squeeze %dma_start3A_438 : memref<1x32x128xf32, #tpu.memory_space<vmem>> -> memref<32x128xf32, #tpu.memory_space<vmem>>
    %dma_start3A_440 = arith.constant 0 : i32
    %dma_start3A_441 = tpu.memref_slice %arg5[%dma_start3A_440, %multiple_of3A_434] : memref<32x1000000xf32, #tpu.memory_space<hbm>> -> memref<32x128xf32, #tpu.memory_space<hbm>>
    %dma_start3A_442 = arith.constant 0 : i32
    %dma_start3A_443 = arith.constant 0 : i32
    %dma_start3A_444 = tpu.memref_slice %arg9[%dma_start3A_435, %dma_start3A_442, %dma_start3A_443] : memref<8x32x128xf32, #tpu.memory_space<vmem>> -> memref<1x32x128xf32, #tpu.memory_space<vmem>>
    %dma_start3A_445 = tpu.memref_squeeze %dma_start3A_444 : memref<1x32x128xf32, #tpu.memory_space<vmem>> -> memref<32x128xf32, #tpu.memory_space<vmem>>
    %dma_start3A_446 = arith.constant 0 : i32
    %dma_start3A_447 = tpu.memref_slice %arg5[%dma_start3A_446, %multiple_of3A_434] : memref<32x1000000xf32, #tpu.memory_space<hbm>> -> memref<32x128xf32, #tpu.memory_space<hbm>>
    tpu.enqueue_dma source(%dma_start3A_447 : memref<32x128xf32, #tpu.memory_space<hbm>>) target(%dma_start3A_445 : memref<32x128xf32, #tpu.memory_space<vmem>>) target_semaphore(%arg14 : memref<!tpu.dma_semaphore, #tpu.memory_space<semaphore_mem>>)
    %mul3A_448 = arith.constant 8 : i32
    %mul3A_449 = arith.muli %add3A, %mul3A_448 : i32
    %add3A_450 = arith.constant 4 : i32
    %add3A_451 = arith.addi %mul3A_449, %add3A_450 : i32
    %min3A_452 = arith.constant 7812 : i32
    %min3A_453 = arith.minsi %add3A_451, %min3A_452 : i32
    %mul3A_454 = arith.constant 128 : i32
    %mul3A_455 = arith.muli %min3A_453, %mul3A_454 : i32
    %multiple_of3A_456 = tpu.assume_multiple %mul3A_455, 128 : i32
    %dma_start3A_457 = arith.constant 4 : i32
    %dma_start3A_458 = arith.constant 0 : i32
    %dma_start3A_459 = arith.constant 0 : i32
    %dma_start3A_460 = tpu.memref_slice %arg9[%dma_start3A_457, %dma_start3A_458, %dma_start3A_459] : memref<8x32x128xf32, #tpu.memory_space<vmem>> -> memref<1x32x128xf32, #tpu.memory_space<vmem>>
    %dma_start3A_461 = tpu.memref_squeeze %dma_start3A_460 : memref<1x32x128xf32, #tpu.memory_space<vmem>> -> memref<32x128xf32, #tpu.memory_space<vmem>>
    %dma_start3A_462 = arith.constant 0 : i32
    %dma_start3A_463 = tpu.memref_slice %arg5[%dma_start3A_462, %multiple_of3A_456] : memref<32x1000000xf32, #tpu.memory_space<hbm>> -> memref<32x128xf32, #tpu.memory_space<hbm>>
    %dma_start3A_464 = arith.constant 0 : i32
    %dma_start3A_465 = arith.constant 0 : i32
    %dma_start3A_466 = tpu.memref_slice %arg9[%dma_start3A_457, %dma_start3A_464, %dma_start3A_465] : memref<8x32x128xf32, #tpu.memory_space<vmem>> -> memref<1x32x128xf32, #tpu.memory_space<vmem>>
    %dma_start3A_467 = tpu.memref_squeeze %dma_start3A_466 : memref<1x32x128xf32, #tpu.memory_space<vmem>> -> memref<32x128xf32, #tpu.memory_space<vmem>>
    %dma_start3A_468 = arith.constant 0 : i32
    %dma_start3A_469 = tpu.memref_slice %arg5[%dma_start3A_468, %multiple_of3A_456] : memref<32x1000000xf32, #tpu.memory_space<hbm>> -> memref<32x128xf32, #tpu.memory_space<hbm>>
    tpu.enqueue_dma source(%dma_start3A_469 : memref<32x128xf32, #tpu.memory_space<hbm>>) target(%dma_start3A_467 : memref<32x128xf32, #tpu.memory_space<vmem>>) target_semaphore(%arg14 : memref<!tpu.dma_semaphore, #tpu.memory_space<semaphore_mem>>)
    %mul3A_470 = arith.constant 8 : i32
    %mul3A_471 = arith.muli %add3A, %mul3A_470 : i32
    %add3A_472 = arith.constant 5 : i32
    %add3A_473 = arith.addi %mul3A_471, %add3A_472 : i32
    %min3A_474 = arith.constant 7812 : i32
    %min3A_475 = arith.minsi %add3A_473, %min3A_474 : i32
    %mul3A_476 = arith.constant 128 : i32
    %mul3A_477 = arith.muli %min3A_475, %mul3A_476 : i32
    %multiple_of3A_478 = tpu.assume_multiple %mul3A_477, 128 : i32
    %dma_start3A_479 = arith.constant 5 : i32
    %dma_start3A_480 = arith.constant 0 : i32
    %dma_start3A_481 = arith.constant 0 : i32
    %dma_start3A_482 = tpu.memref_slice %arg9[%dma_start3A_479, %dma_start3A_480, %dma_start3A_481] : memref<8x32x128xf32, #tpu.memory_space<vmem>> -> memref<1x32x128xf32, #tpu.memory_space<vmem>>
    %dma_start3A_483 = tpu.memref_squeeze %dma_start3A_482 : memref<1x32x128xf32, #tpu.memory_space<vmem>> -> memref<32x128xf32, #tpu.memory_space<vmem>>
    %dma_start3A_484 = arith.constant 0 : i32
    %dma_start3A_485 = tpu.memref_slice %arg5[%dma_start3A_484, %multiple_of3A_478] : memref<32x1000000xf32, #tpu.memory_space<hbm>> -> memref<32x128xf32, #tpu.memory_space<hbm>>
    %dma_start3A_486 = arith.constant 0 : i32
    %dma_start3A_487 = arith.constant 0 : i32
    %dma_start3A_488 = tpu.memref_slice %arg9[%dma_start3A_479, %dma_start3A_486, %dma_start3A_487] : memref<8x32x128xf32, #tpu.memory_space<vmem>> -> memref<1x32x128xf32, #tpu.memory_space<vmem>>
    %dma_start3A_489 = tpu.memref_squeeze %dma_start3A_488 : memref<1x32x128xf32, #tpu.memory_space<vmem>> -> memref<32x128xf32, #tpu.memory_space<vmem>>
    %dma_start3A_490 = arith.constant 0 : i32
    %dma_start3A_491 = tpu.memref_slice %arg5[%dma_start3A_490, %multiple_of3A_478] : memref<32x1000000xf32, #tpu.memory_space<hbm>> -> memref<32x128xf32, #tpu.memory_space<hbm>>
    tpu.enqueue_dma source(%dma_start3A_491 : memref<32x128xf32, #tpu.memory_space<hbm>>) target(%dma_start3A_489 : memref<32x128xf32, #tpu.memory_space<vmem>>) target_semaphore(%arg14 : memref<!tpu.dma_semaphore, #tpu.memory_space<semaphore_mem>>)
    %mul3A_492 = arith.constant 8 : i32
    %mul3A_493 = arith.muli %add3A, %mul3A_492 : i32
    %add3A_494 = arith.constant 6 : i32
    %add3A_495 = arith.addi %mul3A_493, %add3A_494 : i32
    %min3A_496 = arith.constant 7812 : i32
    %min3A_497 = arith.minsi %add3A_495, %min3A_496 : i32
    %mul3A_498 = arith.constant 128 : i32
    %mul3A_499 = arith.muli %min3A_497, %mul3A_498 : i32
    %multiple_of3A_500 = tpu.assume_multiple %mul3A_499, 128 : i32
    %dma_start3A_501 = arith.constant 6 : i32
    %dma_start3A_502 = arith.constant 0 : i32
    %dma_start3A_503 = arith.constant 0 : i32
    %dma_start3A_504 = tpu.memref_slice %arg9[%dma_start3A_501, %dma_start3A_502, %dma_start3A_503] : memref<8x32x128xf32, #tpu.memory_space<vmem>> -> memref<1x32x128xf32, #tpu.memory_space<vmem>>
    %dma_start3A_505 = tpu.memref_squeeze %dma_start3A_504 : memref<1x32x128xf32, #tpu.memory_space<vmem>> -> memref<32x128xf32, #tpu.memory_space<vmem>>
    %dma_start3A_506 = arith.constant 0 : i32
    %dma_start3A_507 = tpu.memref_slice %arg5[%dma_start3A_506, %multiple_of3A_500] : memref<32x1000000xf32, #tpu.memory_space<hbm>> -> memref<32x128xf32, #tpu.memory_space<hbm>>
    %dma_start3A_508 = arith.constant 0 : i32
    %dma_start3A_509 = arith.constant 0 : i32
    %dma_start3A_510 = tpu.memref_slice %arg9[%dma_start3A_501, %dma_start3A_508, %dma_start3A_509] : memref<8x32x128xf32, #tpu.memory_space<vmem>> -> memref<1x32x128xf32, #tpu.memory_space<vmem>>
    %dma_start3A_511 = tpu.memref_squeeze %dma_start3A_510 : memref<1x32x128xf32, #tpu.memory_space<vmem>> -> memref<32x128xf32, #tpu.memory_space<vmem>>
    %dma_start3A_512 = arith.constant 0 : i32
    %dma_start3A_513 = tpu.memref_slice %arg5[%dma_start3A_512, %multiple_of3A_500] : memref<32x1000000xf32, #tpu.memory_space<hbm>> -> memref<32x128xf32, #tpu.memory_space<hbm>>
    tpu.enqueue_dma source(%dma_start3A_513 : memref<32x128xf32, #tpu.memory_space<hbm>>) target(%dma_start3A_511 : memref<32x128xf32, #tpu.memory_space<vmem>>) target_semaphore(%arg14 : memref<!tpu.dma_semaphore, #tpu.memory_space<semaphore_mem>>)
    %mul3A_514 = arith.constant 8 : i32
    %mul3A_515 = arith.muli %add3A, %mul3A_514 : i32
    %add3A_516 = arith.constant 7 : i32
    %add3A_517 = arith.addi %mul3A_515, %add3A_516 : i32
    %min3A_518 = arith.constant 7812 : i32
    %min3A_519 = arith.minsi %add3A_517, %min3A_518 : i32
    %mul3A_520 = arith.constant 128 : i32
    %mul3A_521 = arith.muli %min3A_519, %mul3A_520 : i32
    %multiple_of3A_522 = tpu.assume_multiple %mul3A_521, 128 : i32
    %dma_start3A_523 = arith.constant 7 : i32
    %dma_start3A_524 = arith.constant 0 : i32
    %dma_start3A_525 = arith.constant 0 : i32
    %dma_start3A_526 = tpu.memref_slice %arg9[%dma_start3A_523, %dma_start3A_524, %dma_start3A_525] : memref<8x32x128xf32, #tpu.memory_space<vmem>> -> memref<1x32x128xf32, #tpu.memory_space<vmem>>
    %dma_start3A_527 = tpu.memref_squeeze %dma_start3A_526 : memref<1x32x128xf32, #tpu.memory_space<vmem>> -> memref<32x128xf32, #tpu.memory_space<vmem>>
    %dma_start3A_528 = arith.constant 0 : i32
    %dma_start3A_529 = tpu.memref_slice %arg5[%dma_start3A_528, %multiple_of3A_522] : memref<32x1000000xf32, #tpu.memory_space<hbm>> -> memref<32x128xf32, #tpu.memory_space<hbm>>
    %dma_start3A_530 = arith.constant 0 : i32
    %dma_start3A_531 = arith.constant 0 : i32
    %dma_start3A_532 = tpu.memref_slice %arg9[%dma_start3A_523, %dma_start3A_530, %dma_start3A_531] : memref<8x32x128xf32, #tpu.memory_space<vmem>> -> memref<1x32x128xf32, #tpu.memory_space<vmem>>
    %dma_start3A_533 = tpu.memref_squeeze %dma_start3A_532 : memref<1x32x128xf32, #tpu.memory_space<vmem>> -> memref<32x128xf32, #tpu.memory_space<vmem>>
    %dma_start3A_534 = arith.constant 0 : i32
    %dma_start3A_535 = tpu.memref_slice %arg5[%dma_start3A_534, %multiple_of3A_522] : memref<32x1000000xf32, #tpu.memory_space<hbm>> -> memref<32x128xf32, #tpu.memory_space<hbm>>
    tpu.enqueue_dma source(%dma_start3A_535 : memref<32x128xf32, #tpu.memory_space<hbm>>) target(%dma_start3A_533 : memref<32x128xf32, #tpu.memory_space<vmem>>) target_semaphore(%arg14 : memref<!tpu.dma_semaphore, #tpu.memory_space<semaphore_mem>>)
    %scan3A_536 = arith.constant 0 : i32
    %scan3A_537 = arith.constant 0 : i32
    %scan3A_538 = arith.constant 16 : i32
    %scan3A_539 = arith.addi %scan3A_537, %scan3A_538 : i32
    %scan3A_540 = arith.constant 1 : i32
    scf.for %scan3A_674 = %scan3A_537 to %scan3A_539 step %scan3A_540  : i32 {
      %mul3A_675 = arith.constant 2 : i32
      %mul3A_676 = arith.muli %mul3A_675, %scan3A_674 : i32
      %mul3A_677 = arith.constant 2 : i32
      %mul3A_678 = arith.muli %mul3A_677, %scan3A_674 : i32
      %add3A_679 = arith.constant 1 : i32
      %add3A_680 = arith.addi %mul3A_678, %add3A_679 : i32
      %mul3A_681 = arith.constant 32 : i32
      %mul3A_682 = arith.muli %add3A_680, %mul3A_681 : i32
      %add3A_683 = arith.addi %add3A, %mul3A_682 : i32
      %mul3A_684 = arith.constant 8 : i32
      %mul3A_685 = arith.muli %add3A_683, %mul3A_684 : i32
      %add3A_686 = arith.constant 0 : i32
      %add3A_687 = arith.addi %mul3A_685, %add3A_686 : i32
      %min3A_688 = arith.constant 7812 : i32
      %min3A_689 = arith.minsi %add3A_687, %min3A_688 : i32
      %mul3A_690 = arith.constant 128 : i32
      %mul3A_691 = arith.muli %min3A_689, %mul3A_690 : i32
      %multiple_of3A_692 = tpu.assume_multiple %mul3A_691, 128 : i32
      %dma_start3A_693 = arith.constant 0 : i32
      %dma_start3A_694 = arith.constant 0 : i32
      %dma_start3A_695 = arith.constant 0 : i32
      %dma_start3A_696 = tpu.memref_slice %arg10[%dma_start3A_693, %dma_start3A_694, %dma_start3A_695] : memref<8x32x128xf32, #tpu.memory_space<vmem>> -> memref<1x32x128xf32, #tpu.memory_space<vmem>>
      %dma_start3A_697 = tpu.memref_squeeze %dma_start3A_696 : memref<1x32x128xf32, #tpu.memory_space<vmem>> -> memref<32x128xf32, #tpu.memory_space<vmem>>
      %dma_start3A_698 = arith.constant 0 : i32
      %dma_start3A_699 = tpu.memref_slice %arg5[%dma_start3A_698, %multiple_of3A_692] : memref<32x1000000xf32, #tpu.memory_space<hbm>> -> memref<32x128xf32, #tpu.memory_space<hbm>>
      %dma_start3A_700 = arith.constant 0 : i32
      %dma_start3A_701 = arith.constant 0 : i32
      %dma_start3A_702 = tpu.memref_slice %arg10[%dma_start3A_693, %dma_start3A_700, %dma_start3A_701] : memref<8x32x128xf32, #tpu.memory_space<vmem>> -> memref<1x32x128xf32, #tpu.memory_space<vmem>>
      %dma_start3A_703 = tpu.memref_squeeze %dma_start3A_702 : memref<1x32x128xf32, #tpu.memory_space<vmem>> -> memref<32x128xf32, #tpu.memory_space<vmem>>
      %dma_start3A_704 = arith.constant 0 : i32
      %dma_start3A_705 = tpu.memref_slice %arg5[%dma_start3A_704, %multiple_of3A_692] : memref<32x1000000xf32, #tpu.memory_space<hbm>> -> memref<32x128xf32, #tpu.memory_space<hbm>>
      tpu.enqueue_dma source(%dma_start3A_705 : memref<32x128xf32, #tpu.memory_space<hbm>>) target(%dma_start3A_703 : memref<32x128xf32, #tpu.memory_space<vmem>>) target_semaphore(%arg15 : memref<!tpu.dma_semaphore, #tpu.memory_space<semaphore_mem>>)
      %mul3A_706 = arith.constant 8 : i32
      %mul3A_707 = arith.muli %add3A_683, %mul3A_706 : i32
      %add3A_708 = arith.constant 1 : i32
      %add3A_709 = arith.addi %mul3A_707, %add3A_708 : i32
      %min3A_710 = arith.constant 7812 : i32
      %min3A_711 = arith.minsi %add3A_709, %min3A_710 : i32
      %mul3A_712 = arith.constant 128 : i32
      %mul3A_713 = arith.muli %min3A_711, %mul3A_712 : i32
      %multiple_of3A_714 = tpu.assume_multiple %mul3A_713, 128 : i32
      %dma_start3A_715 = arith.constant 1 : i32
      %dma_start3A_716 = arith.constant 0 : i32
      %dma_start3A_717 = arith.constant 0 : i32
      %dma_start3A_718 = tpu.memref_slice %arg10[%dma_start3A_715, %dma_start3A_716, %dma_start3A_717] : memref<8x32x128xf32, #tpu.memory_space<vmem>> -> memref<1x32x128xf32, #tpu.memory_space<vmem>>
      %dma_start3A_719 = tpu.memref_squeeze %dma_start3A_718 : memref<1x32x128xf32, #tpu.memory_space<vmem>> -> memref<32x128xf32, #tpu.memory_space<vmem>>
      %dma_start3A_720 = arith.constant 0 : i32
      %dma_start3A_721 = tpu.memref_slice %arg5[%dma_start3A_720, %multiple_of3A_714] : memref<32x1000000xf32, #tpu.memory_space<hbm>> -> memref<32x128xf32, #tpu.memory_space<hbm>>
      %dma_start3A_722 = arith.constant 0 : i32
      %dma_start3A_723 = arith.constant 0 : i32
      %dma_start3A_724 = tpu.memref_slice %arg10[%dma_start3A_715, %dma_start3A_722, %dma_start3A_723] : memref<8x32x128xf32, #tpu.memory_space<vmem>> -> memref<1x32x128xf32, #tpu.memory_space<vmem>>
      %dma_start3A_725 = tpu.memref_squeeze %dma_start3A_724 : memref<1x32x128xf32, #tpu.memory_space<vmem>> -> memref<32x128xf32, #tpu.memory_space<vmem>>
      %dma_start3A_726 = arith.constant 0 : i32
      %dma_start3A_727 = tpu.memref_slice %arg5[%dma_start3A_726, %multiple_of3A_714] : memref<32x1000000xf32, #tpu.memory_space<hbm>> -> memref<32x128xf32, #tpu.memory_space<hbm>>
      tpu.enqueue_dma source(%dma_start3A_727 : memref<32x128xf32, #tpu.memory_space<hbm>>) target(%dma_start3A_725 : memref<32x128xf32, #tpu.memory_space<vmem>>) target_semaphore(%arg15 : memref<!tpu.dma_semaphore, #tpu.memory_space<semaphore_mem>>)
      %mul3A_728 = arith.constant 8 : i32
      %mul3A_729 = arith.muli %add3A_683, %mul3A_728 : i32
      %add3A_730 = arith.constant 2 : i32
      %add3A_731 = arith.addi %mul3A_729, %add3A_730 : i32
      %min3A_732 = arith.constant 7812 : i32
      %min3A_733 = arith.minsi %add3A_731, %min3A_732 : i32
      %mul3A_734 = arith.constant 128 : i32
      %mul3A_735 = arith.muli %min3A_733, %mul3A_734 : i32
      %multiple_of3A_736 = tpu.assume_multiple %mul3A_735, 128 : i32
      %dma_start3A_737 = arith.constant 2 : i32
      %dma_start3A_738 = arith.constant 0 : i32
      %dma_start3A_739 = arith.constant 0 : i32
      %dma_start3A_740 = tpu.memref_slice %arg10[%dma_start3A_737, %dma_start3A_738, %dma_start3A_739] : memref<8x32x128xf32, #tpu.memory_space<vmem>> -> memref<1x32x128xf32, #tpu.memory_space<vmem>>
      %dma_start3A_741 = tpu.memref_squeeze %dma_start3A_740 : memref<1x32x128xf32, #tpu.memory_space<vmem>> -> memref<32x128xf32, #tpu.memory_space<vmem>>
      %dma_start3A_742 = arith.constant 0 : i32
      %dma_start3A_743 = tpu.memref_slice %arg5[%dma_start3A_742, %multiple_of3A_736] : memref<32x1000000xf32, #tpu.memory_space<hbm>> -> memref<32x128xf32, #tpu.memory_space<hbm>>
      %dma_start3A_744 = arith.constant 0 : i32
      %dma_start3A_745 = arith.constant 0 : i32
      %dma_start3A_746 = tpu.memref_slice %arg10[%dma_start3A_737, %dma_start3A_744, %dma_start3A_745] : memref<8x32x128xf32, #tpu.memory_space<vmem>> -> memref<1x32x128xf32, #tpu.memory_space<vmem>>
      %dma_start3A_747 = tpu.memref_squeeze %dma_start3A_746 : memref<1x32x128xf32, #tpu.memory_space<vmem>> -> memref<32x128xf32, #tpu.memory_space<vmem>>
      %dma_start3A_748 = arith.constant 0 : i32
      %dma_start3A_749 = tpu.memref_slice %arg5[%dma_start3A_748, %multiple_of3A_736] : memref<32x1000000xf32, #tpu.memory_space<hbm>> -> memref<32x128xf32, #tpu.memory_space<hbm>>
      tpu.enqueue_dma source(%dma_start3A_749 : memref<32x128xf32, #tpu.memory_space<hbm>>) target(%dma_start3A_747 : memref<32x128xf32, #tpu.memory_space<vmem>>) target_semaphore(%arg15 : memref<!tpu.dma_semaphore, #tpu.memory_space<semaphore_mem>>)
      %mul3A_750 = arith.constant 8 : i32
      %mul3A_751 = arith.muli %add3A_683, %mul3A_750 : i32
      %add3A_752 = arith.constant 3 : i32
      %add3A_753 = arith.addi %mul3A_751, %add3A_752 : i32
      %min3A_754 = arith.constant 7812 : i32
      %min3A_755 = arith.minsi %add3A_753, %min3A_754 : i32
      %mul3A_756 = arith.constant 128 : i32
      %mul3A_757 = arith.muli %min3A_755, %mul3A_756 : i32
      %multiple_of3A_758 = tpu.assume_multiple %mul3A_757, 128 : i32
      %dma_start3A_759 = arith.constant 3 : i32
      %dma_start3A_760 = arith.constant 0 : i32
      %dma_start3A_761 = arith.constant 0 : i32
      %dma_start3A_762 = tpu.memref_slice %arg10[%dma_start3A_759, %dma_start3A_760, %dma_start3A_761] : memref<8x32x128xf32, #tpu.memory_space<vmem>> -> memref<1x32x128xf32, #tpu.memory_space<vmem>>
      %dma_start3A_763 = tpu.memref_squeeze %dma_start3A_762 : memref<1x32x128xf32, #tpu.memory_space<vmem>> -> memref<32x128xf32, #tpu.memory_space<vmem>>
      %dma_start3A_764 = arith.constant 0 : i32
      %dma_start3A_765 = tpu.memref_slice %arg5[%dma_start3A_764, %multiple_of3A_758] : memref<32x1000000xf32, #tpu.memory_space<hbm>> -> memref<32x128xf32, #tpu.memory_space<hbm>>
      %dma_start3A_766 = arith.constant 0 : i32
      %dma_start3A_767 = arith.constant 0 : i32
      %dma_start3A_768 = tpu.memref_slice %arg10[%dma_start3A_759, %dma_start3A_766, %dma_start3A_767] : memref<8x32x128xf32, #tpu.memory_space<vmem>> -> memref<1x32x128xf32, #tpu.memory_space<vmem>>
      %dma_start3A_769 = tpu.memref_squeeze %dma_start3A_768 : memref<1x32x128xf32, #tpu.memory_space<vmem>> -> memref<32x128xf32, #tpu.memory_space<vmem>>
      %dma_start3A_770 = arith.constant 0 : i32
      %dma_start3A_771 = tpu.memref_slice %arg5[%dma_start3A_770, %multiple_of3A_758] : memref<32x1000000xf32, #tpu.memory_space<hbm>> -> memref<32x128xf32, #tpu.memory_space<hbm>>
      tpu.enqueue_dma source(%dma_start3A_771 : memref<32x128xf32, #tpu.memory_space<hbm>>) target(%dma_start3A_769 : memref<32x128xf32, #tpu.memory_space<vmem>>) target_semaphore(%arg15 : memref<!tpu.dma_semaphore, #tpu.memory_space<semaphore_mem>>)
      %mul3A_772 = arith.constant 8 : i32
      %mul3A_773 = arith.muli %add3A_683, %mul3A_772 : i32
      %add3A_774 = arith.constant 4 : i32
      %add3A_775 = arith.addi %mul3A_773, %add3A_774 : i32
      %min3A_776 = arith.constant 7812 : i32
      %min3A_777 = arith.minsi %add3A_775, %min3A_776 : i32
      %mul3A_778 = arith.constant 128 : i32
      %mul3A_779 = arith.muli %min3A_777, %mul3A_778 : i32
      %multiple_of3A_780 = tpu.assume_multiple %mul3A_779, 128 : i32
      %dma_start3A_781 = arith.constant 4 : i32
      %dma_start3A_782 = arith.constant 0 : i32
      %dma_start3A_783 = arith.constant 0 : i32
      %dma_start3A_784 = tpu.memref_slice %arg10[%dma_start3A_781, %dma_start3A_782, %dma_start3A_783] : memref<8x32x128xf32, #tpu.memory_space<vmem>> -> memref<1x32x128xf32, #tpu.memory_space<vmem>>
      %dma_start3A_785 = tpu.memref_squeeze %dma_start3A_784 : memref<1x32x128xf32, #tpu.memory_space<vmem>> -> memref<32x128xf32, #tpu.memory_space<vmem>>
      %dma_start3A_786 = arith.constant 0 : i32
      %dma_start3A_787 = tpu.memref_slice %arg5[%dma_start3A_786, %multiple_of3A_780] : memref<32x1000000xf32, #tpu.memory_space<hbm>> -> memref<32x128xf32, #tpu.memory_space<hbm>>
      %dma_start3A_788 = arith.constant 0 : i32
      %dma_start3A_789 = arith.constant 0 : i32
      %dma_start3A_790 = tpu.memref_slice %arg10[%dma_start3A_781, %dma_start3A_788, %dma_start3A_789] : memref<8x32x128xf32, #tpu.memory_space<vmem>> -> memref<1x32x128xf32, #tpu.memory_space<vmem>>
      %dma_start3A_791 = tpu.memref_squeeze %dma_start3A_790 : memref<1x32x128xf32, #tpu.memory_space<vmem>> -> memref<32x128xf32, #tpu.memory_space<vmem>>
      %dma_start3A_792 = arith.constant 0 : i32
      %dma_start3A_793 = tpu.memref_slice %arg5[%dma_start3A_792, %multiple_of3A_780] : memref<32x1000000xf32, #tpu.memory_space<hbm>> -> memref<32x128xf32, #tpu.memory_space<hbm>>
      tpu.enqueue_dma source(%dma_start3A_793 : memref<32x128xf32, #tpu.memory_space<hbm>>) target(%dma_start3A_791 : memref<32x128xf32, #tpu.memory_space<vmem>>) target_semaphore(%arg15 : memref<!tpu.dma_semaphore, #tpu.memory_space<semaphore_mem>>)
      %mul3A_794 = arith.constant 8 : i32
      %mul3A_795 = arith.muli %add3A_683, %mul3A_794 : i32
      %add3A_796 = arith.constant 5 : i32
      %add3A_797 = arith.addi %mul3A_795, %add3A_796 : i32
      %min3A_798 = arith.constant 7812 : i32
      %min3A_799 = arith.minsi %add3A_797, %min3A_798 : i32
      %mul3A_800 = arith.constant 128 : i32
      %mul3A_801 = arith.muli %min3A_799, %mul3A_800 : i32
      %multiple_of3A_802 = tpu.assume_multiple %mul3A_801, 128 : i32
      %dma_start3A_803 = arith.constant 5 : i32
      %dma_start3A_804 = arith.constant 0 : i32
      %dma_start3A_805 = arith.constant 0 : i32
      %dma_start3A_806 = tpu.memref_slice %arg10[%dma_start3A_803, %dma_start3A_804, %dma_start3A_805] : memref<8x32x128xf32, #tpu.memory_space<vmem>> -> memref<1x32x128xf32, #tpu.memory_space<vmem>>
      %dma_start3A_807 = tpu.memref_squeeze %dma_start3A_806 : memref<1x32x128xf32, #tpu.memory_space<vmem>> -> memref<32x128xf32, #tpu.memory_space<vmem>>
      %dma_start3A_808 = arith.constant 0 : i32
      %dma_start3A_809 = tpu.memref_slice %arg5[%dma_start3A_808, %multiple_of3A_802] : memref<32x1000000xf32, #tpu.memory_space<hbm>> -> memref<32x128xf32, #tpu.memory_space<hbm>>
      %dma_start3A_810 = arith.constant 0 : i32
      %dma_start3A_811 = arith.constant 0 : i32
      %dma_start3A_812 = tpu.memref_slice %arg10[%dma_start3A_803, %dma_start3A_810, %dma_start3A_811] : memref<8x32x128xf32, #tpu.memory_space<vmem>> -> memref<1x32x128xf32, #tpu.memory_space<vmem>>
      %dma_start3A_813 = tpu.memref_squeeze %dma_start3A_812 : memref<1x32x128xf32, #tpu.memory_space<vmem>> -> memref<32x128xf32, #tpu.memory_space<vmem>>
      %dma_start3A_814 = arith.constant 0 : i32
      %dma_start3A_815 = tpu.memref_slice %arg5[%dma_start3A_814, %multiple_of3A_802] : memref<32x1000000xf32, #tpu.memory_space<hbm>> -> memref<32x128xf32, #tpu.memory_space<hbm>>
      tpu.enqueue_dma source(%dma_start3A_815 : memref<32x128xf32, #tpu.memory_space<hbm>>) target(%dma_start3A_813 : memref<32x128xf32, #tpu.memory_space<vmem>>) target_semaphore(%arg15 : memref<!tpu.dma_semaphore, #tpu.memory_space<semaphore_mem>>)
      %mul3A_816 = arith.constant 8 : i32
      %mul3A_817 = arith.muli %add3A_683, %mul3A_816 : i32
      %add3A_818 = arith.constant 6 : i32
      %add3A_819 = arith.addi %mul3A_817, %add3A_818 : i32
      %min3A_820 = arith.constant 7812 : i32
      %min3A_821 = arith.minsi %add3A_819, %min3A_820 : i32
      %mul3A_822 = arith.constant 128 : i32
      %mul3A_823 = arith.muli %min3A_821, %mul3A_822 : i32
      %multiple_of3A_824 = tpu.assume_multiple %mul3A_823, 128 : i32
      %dma_start3A_825 = arith.constant 6 : i32
      %dma_start3A_826 = arith.constant 0 : i32
      %dma_start3A_827 = arith.constant 0 : i32
      %dma_start3A_828 = tpu.memref_slice %arg10[%dma_start3A_825, %dma_start3A_826, %dma_start3A_827] : memref<8x32x128xf32, #tpu.memory_space<vmem>> -> memref<1x32x128xf32, #tpu.memory_space<vmem>>
      %dma_start3A_829 = tpu.memref_squeeze %dma_start3A_828 : memref<1x32x128xf32, #tpu.memory_space<vmem>> -> memref<32x128xf32, #tpu.memory_space<vmem>>
      %dma_start3A_830 = arith.constant 0 : i32
      %dma_start3A_831 = tpu.memref_slice %arg5[%dma_start3A_830, %multiple_of3A_824] : memref<32x1000000xf32, #tpu.memory_space<hbm>> -> memref<32x128xf32, #tpu.memory_space<hbm>>
      %dma_start3A_832 = arith.constant 0 : i32
      %dma_start3A_833 = arith.constant 0 : i32
      %dma_start3A_834 = tpu.memref_slice %arg10[%dma_start3A_825, %dma_start3A_832, %dma_start3A_833] : memref<8x32x128xf32, #tpu.memory_space<vmem>> -> memref<1x32x128xf32, #tpu.memory_space<vmem>>
      %dma_start3A_835 = tpu.memref_squeeze %dma_start3A_834 : memref<1x32x128xf32, #tpu.memory_space<vmem>> -> memref<32x128xf32, #tpu.memory_space<vmem>>
      %dma_start3A_836 = arith.constant 0 : i32
      %dma_start3A_837 = tpu.memref_slice %arg5[%dma_start3A_836, %multiple_of3A_824] : memref<32x1000000xf32, #tpu.memory_space<hbm>> -> memref<32x128xf32, #tpu.memory_space<hbm>>
      tpu.enqueue_dma source(%dma_start3A_837 : memref<32x128xf32, #tpu.memory_space<hbm>>) target(%dma_start3A_835 : memref<32x128xf32, #tpu.memory_space<vmem>>) target_semaphore(%arg15 : memref<!tpu.dma_semaphore, #tpu.memory_space<semaphore_mem>>)
      %mul3A_838 = arith.constant 8 : i32
      %mul3A_839 = arith.muli %add3A_683, %mul3A_838 : i32
      %add3A_840 = arith.constant 7 : i32
      %add3A_841 = arith.addi %mul3A_839, %add3A_840 : i32
      %min3A_842 = arith.constant 7812 : i32
      %min3A_843 = arith.minsi %add3A_841, %min3A_842 : i32
      %mul3A_844 = arith.constant 128 : i32
      %mul3A_845 = arith.muli %min3A_843, %mul3A_844 : i32
      %multiple_of3A_846 = tpu.assume_multiple %mul3A_845, 128 : i32
      %dma_start3A_847 = arith.constant 7 : i32
      %dma_start3A_848 = arith.constant 0 : i32
      %dma_start3A_849 = arith.constant 0 : i32
      %dma_start3A_850 = tpu.memref_slice %arg10[%dma_start3A_847, %dma_start3A_848, %dma_start3A_849] : memref<8x32x128xf32, #tpu.memory_space<vmem>> -> memref<1x32x128xf32, #tpu.memory_space<vmem>>
      %dma_start3A_851 = tpu.memref_squeeze %dma_start3A_850 : memref<1x32x128xf32, #tpu.memory_space<vmem>> -> memref<32x128xf32, #tpu.memory_space<vmem>>
      %dma_start3A_852 = arith.constant 0 : i32
      %dma_start3A_853 = tpu.memref_slice %arg5[%dma_start3A_852, %multiple_of3A_846] : memref<32x1000000xf32, #tpu.memory_space<hbm>> -> memref<32x128xf32, #tpu.memory_space<hbm>>
      %dma_start3A_854 = arith.constant 0 : i32
      %dma_start3A_855 = arith.constant 0 : i32
      %dma_start3A_856 = tpu.memref_slice %arg10[%dma_start3A_847, %dma_start3A_854, %dma_start3A_855] : memref<8x32x128xf32, #tpu.memory_space<vmem>> -> memref<1x32x128xf32, #tpu.memory_space<vmem>>
      %dma_start3A_857 = tpu.memref_squeeze %dma_start3A_856 : memref<1x32x128xf32, #tpu.memory_space<vmem>> -> memref<32x128xf32, #tpu.memory_space<vmem>>
      %dma_start3A_858 = arith.constant 0 : i32
      %dma_start3A_859 = tpu.memref_slice %arg5[%dma_start3A_858, %multiple_of3A_846] : memref<32x1000000xf32, #tpu.memory_space<hbm>> -> memref<32x128xf32, #tpu.memory_space<hbm>>
      tpu.enqueue_dma source(%dma_start3A_859 : memref<32x128xf32, #tpu.memory_space<hbm>>) target(%dma_start3A_857 : memref<32x128xf32, #tpu.memory_space<vmem>>) target_semaphore(%arg15 : memref<!tpu.dma_semaphore, #tpu.memory_space<semaphore_mem>>)
      %dma_wait3A_860 = arith.constant 0 : i32
      %dma_wait3A_861 = arith.constant 0 : i32
      %dma_wait3A_862 = arith.constant 0 : i32
      %dma_wait3A_863 = tpu.memref_slice %arg9[%dma_wait3A_860, %dma_wait3A_861, %dma_wait3A_862] : memref<8x32x128xf32, #tpu.memory_space<vmem>> -> memref<1x32x128xf32, #tpu.memory_space<vmem>>
      %dma_wait3A_864 = tpu.memref_squeeze %dma_wait3A_863 : memref<1x32x128xf32, #tpu.memory_space<vmem>> -> memref<32x128xf32, #tpu.memory_space<vmem>>
      %dma_wait3A_865 = arith.constant 0 : i32
      %dma_wait3A_866 = arith.constant 0 : i32
      %dma_wait3A_867 = tpu.memref_slice %arg5[%dma_wait3A_865, %dma_wait3A_866] : memref<32x1000000xf32, #tpu.memory_space<hbm>> -> memref<32x128xf32, #tpu.memory_space<hbm>>
      %dma_wait3A_868 = arith.constant 0 : i32
      %dma_wait3A_869 = arith.constant 0 : i32
      %dma_wait3A_870 = tpu.memref_slice %arg9[%dma_wait3A_860, %dma_wait3A_868, %dma_wait3A_869] : memref<8x32x128xf32, #tpu.memory_space<vmem>> -> memref<1x32x128xf32, #tpu.memory_space<vmem>>
      %dma_wait3A_871 = tpu.memref_squeeze %dma_wait3A_870 : memref<1x32x128xf32, #tpu.memory_space<vmem>> -> memref<32x128xf32, #tpu.memory_space<vmem>>
      %dma_wait3A_872 = arith.constant 0 : i32
      %dma_wait3A_873 = arith.constant 0 : i32
      %dma_wait3A_874 = tpu.memref_slice %arg5[%dma_wait3A_872, %dma_wait3A_873] : memref<32x1000000xf32, #tpu.memory_space<hbm>> -> memref<32x128xf32, #tpu.memory_space<hbm>>
      tpu.wait_dma2 semaphore(%arg14 : memref<!tpu.dma_semaphore, #tpu.memory_space<semaphore_mem>>) src(%dma_wait3A_874 : memref<32x128xf32, #tpu.memory_space<hbm>>) dst(%dma_wait3A_871 : memref<32x128xf32, #tpu.memory_space<vmem>>)
      %dma_wait3A_875 = arith.constant 1 : i32
      %dma_wait3A_876 = arith.constant 0 : i32
      %dma_wait3A_877 = arith.constant 0 : i32
      %dma_wait3A_878 = tpu.memref_slice %arg9[%dma_wait3A_875, %dma_wait3A_876, %dma_wait3A_877] : memref<8x32x128xf32, #tpu.memory_space<vmem>> -> memref<1x32x128xf32, #tpu.memory_space<vmem>>
      %dma_wait3A_879 = tpu.memref_squeeze %dma_wait3A_878 : memref<1x32x128xf32, #tpu.memory_space<vmem>> -> memref<32x128xf32, #tpu.memory_space<vmem>>
      %dma_wait3A_880 = arith.constant 0 : i32
      %dma_wait3A_881 = arith.constant 0 : i32
      %dma_wait3A_882 = tpu.memref_slice %arg5[%dma_wait3A_880, %dma_wait3A_881] : memref<32x1000000xf32, #tpu.memory_space<hbm>> -> memref<32x128xf32, #tpu.memory_space<hbm>>
      %dma_wait3A_883 = arith.constant 0 : i32
      %dma_wait3A_884 = arith.constant 0 : i32
      %dma_wait3A_885 = tpu.memref_slice %arg9[%dma_wait3A_875, %dma_wait3A_883, %dma_wait3A_884] : memref<8x32x128xf32, #tpu.memory_space<vmem>> -> memref<1x32x128xf32, #tpu.memory_space<vmem>>
      %dma_wait3A_886 = tpu.memref_squeeze %dma_wait3A_885 : memref<1x32x128xf32, #tpu.memory_space<vmem>> -> memref<32x128xf32, #tpu.memory_space<vmem>>
      %dma_wait3A_887 = arith.constant 0 : i32
      %dma_wait3A_888 = arith.constant 0 : i32
      %dma_wait3A_889 = tpu.memref_slice %arg5[%dma_wait3A_887, %dma_wait3A_888] : memref<32x1000000xf32, #tpu.memory_space<hbm>> -> memref<32x128xf32, #tpu.memory_space<hbm>>
      tpu.wait_dma2 semaphore(%arg14 : memref<!tpu.dma_semaphore, #tpu.memory_space<semaphore_mem>>) src(%dma_wait3A_889 : memref<32x128xf32, #tpu.memory_space<hbm>>) dst(%dma_wait3A_886 : memref<32x128xf32, #tpu.memory_space<vmem>>)
      %dma_wait3A_890 = arith.constant 2 : i32
      %dma_wait3A_891 = arith.constant 0 : i32
      %dma_wait3A_892 = arith.constant 0 : i32
      %dma_wait3A_893 = tpu.memref_slice %arg9[%dma_wait3A_890, %dma_wait3A_891, %dma_wait3A_892] : memref<8x32x128xf32, #tpu.memory_space<vmem>> -> memref<1x32x128xf32, #tpu.memory_space<vmem>>
      %dma_wait3A_894 = tpu.memref_squeeze %dma_wait3A_893 : memref<1x32x128xf32, #tpu.memory_space<vmem>> -> memref<32x128xf32, #tpu.memory_space<vmem>>
      %dma_wait3A_895 = arith.constant 0 : i32
      %dma_wait3A_896 = arith.constant 0 : i32
      %dma_wait3A_897 = tpu.memref_slice %arg5[%dma_wait3A_895, %dma_wait3A_896] : memref<32x1000000xf32, #tpu.memory_space<hbm>> -> memref<32x128xf32, #tpu.memory_space<hbm>>
      %dma_wait3A_898 = arith.constant 0 : i32
      %dma_wait3A_899 = arith.constant 0 : i32
      %dma_wait3A_900 = tpu.memref_slice %arg9[%dma_wait3A_890, %dma_wait3A_898, %dma_wait3A_899] : memref<8x32x128xf32, #tpu.memory_space<vmem>> -> memref<1x32x128xf32, #tpu.memory_space<vmem>>
      %dma_wait3A_901 = tpu.memref_squeeze %dma_wait3A_900 : memref<1x32x128xf32, #tpu.memory_space<vmem>> -> memref<32x128xf32, #tpu.memory_space<vmem>>
      %dma_wait3A_902 = arith.constant 0 : i32
      %dma_wait3A_903 = arith.constant 0 : i32
      %dma_wait3A_904 = tpu.memref_slice %arg5[%dma_wait3A_902, %dma_wait3A_903] : memref<32x1000000xf32, #tpu.memory_space<hbm>> -> memref<32x128xf32, #tpu.memory_space<hbm>>
      tpu.wait_dma2 semaphore(%arg14 : memref<!tpu.dma_semaphore, #tpu.memory_space<semaphore_mem>>) src(%dma_wait3A_904 : memref<32x128xf32, #tpu.memory_space<hbm>>) dst(%dma_wait3A_901 : memref<32x128xf32, #tpu.memory_space<vmem>>)
      %dma_wait3A_905 = arith.constant 3 : i32
      %dma_wait3A_906 = arith.constant 0 : i32
      %dma_wait3A_907 = arith.constant 0 : i32
      %dma_wait3A_908 = tpu.memref_slice %arg9[%dma_wait3A_905, %dma_wait3A_906, %dma_wait3A_907] : memref<8x32x128xf32, #tpu.memory_space<vmem>> -> memref<1x32x128xf32, #tpu.memory_space<vmem>>
      %dma_wait3A_909 = tpu.memref_squeeze %dma_wait3A_908 : memref<1x32x128xf32, #tpu.memory_space<vmem>> -> memref<32x128xf32, #tpu.memory_space<vmem>>
      %dma_wait3A_910 = arith.constant 0 : i32
      %dma_wait3A_911 = arith.constant 0 : i32
      %dma_wait3A_912 = tpu.memref_slice %arg5[%dma_wait3A_910, %dma_wait3A_911] : memref<32x1000000xf32, #tpu.memory_space<hbm>> -> memref<32x128xf32, #tpu.memory_space<hbm>>
      %dma_wait3A_913 = arith.constant 0 : i32
      %dma_wait3A_914 = arith.constant 0 : i32
      %dma_wait3A_915 = tpu.memref_slice %arg9[%dma_wait3A_905, %dma_wait3A_913, %dma_wait3A_914] : memref<8x32x128xf32, #tpu.memory_space<vmem>> -> memref<1x32x128xf32, #tpu.memory_space<vmem>>
      %dma_wait3A_916 = tpu.memref_squeeze %dma_wait3A_915 : memref<1x32x128xf32, #tpu.memory_space<vmem>> -> memref<32x128xf32, #tpu.memory_space<vmem>>
      %dma_wait3A_917 = arith.constant 0 : i32
      %dma_wait3A_918 = arith.constant 0 : i32
      %dma_wait3A_919 = tpu.memref_slice %arg5[%dma_wait3A_917, %dma_wait3A_918] : memref<32x1000000xf32, #tpu.memory_space<hbm>> -> memref<32x128xf32, #tpu.memory_space<hbm>>
      tpu.wait_dma2 semaphore(%arg14 : memref<!tpu.dma_semaphore, #tpu.memory_space<semaphore_mem>>) src(%dma_wait3A_919 : memref<32x128xf32, #tpu.memory_space<hbm>>) dst(%dma_wait3A_916 : memref<32x128xf32, #tpu.memory_space<vmem>>)
      %dma_wait3A_920 = arith.constant 4 : i32
      %dma_wait3A_921 = arith.constant 0 : i32
      %dma_wait3A_922 = arith.constant 0 : i32
      %dma_wait3A_923 = tpu.memref_slice %arg9[%dma_wait3A_920, %dma_wait3A_921, %dma_wait3A_922] : memref<8x32x128xf32, #tpu.memory_space<vmem>> -> memref<1x32x128xf32, #tpu.memory_space<vmem>>
      %dma_wait3A_924 = tpu.memref_squeeze %dma_wait3A_923 : memref<1x32x128xf32, #tpu.memory_space<vmem>> -> memref<32x128xf32, #tpu.memory_space<vmem>>
      %dma_wait3A_925 = arith.constant 0 : i32
      %dma_wait3A_926 = arith.constant 0 : i32
      %dma_wait3A_927 = tpu.memref_slice %arg5[%dma_wait3A_925, %dma_wait3A_926] : memref<32x1000000xf32, #tpu.memory_space<hbm>> -> memref<32x128xf32, #tpu.memory_space<hbm>>
      %dma_wait3A_928 = arith.constant 0 : i32
      %dma_wait3A_929 = arith.constant 0 : i32
      %dma_wait3A_930 = tpu.memref_slice %arg9[%dma_wait3A_920, %dma_wait3A_928, %dma_wait3A_929] : memref<8x32x128xf32, #tpu.memory_space<vmem>> -> memref<1x32x128xf32, #tpu.memory_space<vmem>>
      %dma_wait3A_931 = tpu.memref_squeeze %dma_wait3A_930 : memref<1x32x128xf32, #tpu.memory_space<vmem>> -> memref<32x128xf32, #tpu.memory_space<vmem>>
      %dma_wait3A_932 = arith.constant 0 : i32
      %dma_wait3A_933 = arith.constant 0 : i32
      %dma_wait3A_934 = tpu.memref_slice %arg5[%dma_wait3A_932, %dma_wait3A_933] : memref<32x1000000xf32, #tpu.memory_space<hbm>> -> memref<32x128xf32, #tpu.memory_space<hbm>>
      tpu.wait_dma2 semaphore(%arg14 : memref<!tpu.dma_semaphore, #tpu.memory_space<semaphore_mem>>) src(%dma_wait3A_934 : memref<32x128xf32, #tpu.memory_space<hbm>>) dst(%dma_wait3A_931 : memref<32x128xf32, #tpu.memory_space<vmem>>)
      %dma_wait3A_935 = arith.constant 5 : i32
      %dma_wait3A_936 = arith.constant 0 : i32
      %dma_wait3A_937 = arith.constant 0 : i32
      %dma_wait3A_938 = tpu.memref_slice %arg9[%dma_wait3A_935, %dma_wait3A_936, %dma_wait3A_937] : memref<8x32x128xf32, #tpu.memory_space<vmem>> -> memref<1x32x128xf32, #tpu.memory_space<vmem>>
      %dma_wait3A_939 = tpu.memref_squeeze %dma_wait3A_938 : memref<1x32x128xf32, #tpu.memory_space<vmem>> -> memref<32x128xf32, #tpu.memory_space<vmem>>
      %dma_wait3A_940 = arith.constant 0 : i32
      %dma_wait3A_941 = arith.constant 0 : i32
      %dma_wait3A_942 = tpu.memref_slice %arg5[%dma_wait3A_940, %dma_wait3A_941] : memref<32x1000000xf32, #tpu.memory_space<hbm>> -> memref<32x128xf32, #tpu.memory_space<hbm>>
      %dma_wait3A_943 = arith.constant 0 : i32
      %dma_wait3A_944 = arith.constant 0 : i32
      %dma_wait3A_945 = tpu.memref_slice %arg9[%dma_wait3A_935, %dma_wait3A_943, %dma_wait3A_944] : memref<8x32x128xf32, #tpu.memory_space<vmem>> -> memref<1x32x128xf32, #tpu.memory_space<vmem>>
      %dma_wait3A_946 = tpu.memref_squeeze %dma_wait3A_945 : memref<1x32x128xf32, #tpu.memory_space<vmem>> -> memref<32x128xf32, #tpu.memory_space<vmem>>
      %dma_wait3A_947 = arith.constant 0 : i32
      %dma_wait3A_948 = arith.constant 0 : i32
      %dma_wait3A_949 = tpu.memref_slice %arg5[%dma_wait3A_947, %dma_wait3A_948] : memref<32x1000000xf32, #tpu.memory_space<hbm>> -> memref<32x128xf32, #tpu.memory_space<hbm>>
      tpu.wait_dma2 semaphore(%arg14 : memref<!tpu.dma_semaphore, #tpu.memory_space<semaphore_mem>>) src(%dma_wait3A_949 : memref<32x128xf32, #tpu.memory_space<hbm>>) dst(%dma_wait3A_946 : memref<32x128xf32, #tpu.memory_space<vmem>>)
      %dma_wait3A_950 = arith.constant 6 : i32
      %dma_wait3A_951 = arith.constant 0 : i32
      %dma_wait3A_952 = arith.constant 0 : i32
      %dma_wait3A_953 = tpu.memref_slice %arg9[%dma_wait3A_950, %dma_wait3A_951, %dma_wait3A_952] : memref<8x32x128xf32, #tpu.memory_space<vmem>> -> memref<1x32x128xf32, #tpu.memory_space<vmem>>
      %dma_wait3A_954 = tpu.memref_squeeze %dma_wait3A_953 : memref<1x32x128xf32, #tpu.memory_space<vmem>> -> memref<32x128xf32, #tpu.memory_space<vmem>>
      %dma_wait3A_955 = arith.constant 0 : i32
      %dma_wait3A_956 = arith.constant 0 : i32
      %dma_wait3A_957 = tpu.memref_slice %arg5[%dma_wait3A_955, %dma_wait3A_956] : memref<32x1000000xf32, #tpu.memory_space<hbm>> -> memref<32x128xf32, #tpu.memory_space<hbm>>
      %dma_wait3A_958 = arith.constant 0 : i32
      %dma_wait3A_959 = arith.constant 0 : i32
      %dma_wait3A_960 = tpu.memref_slice %arg9[%dma_wait3A_950, %dma_wait3A_958, %dma_wait3A_959] : memref<8x32x128xf32, #tpu.memory_space<vmem>> -> memref<1x32x128xf32, #tpu.memory_space<vmem>>
      %dma_wait3A_961 = tpu.memref_squeeze %dma_wait3A_960 : memref<1x32x128xf32, #tpu.memory_space<vmem>> -> memref<32x128xf32, #tpu.memory_space<vmem>>
      %dma_wait3A_962 = arith.constant 0 : i32
      %dma_wait3A_963 = arith.constant 0 : i32
      %dma_wait3A_964 = tpu.memref_slice %arg5[%dma_wait3A_962, %dma_wait3A_963] : memref<32x1000000xf32, #tpu.memory_space<hbm>> -> memref<32x128xf32, #tpu.memory_space<hbm>>
      tpu.wait_dma2 semaphore(%arg14 : memref<!tpu.dma_semaphore, #tpu.memory_space<semaphore_mem>>) src(%dma_wait3A_964 : memref<32x128xf32, #tpu.memory_space<hbm>>) dst(%dma_wait3A_961 : memref<32x128xf32, #tpu.memory_space<vmem>>)
      %dma_wait3A_965 = arith.constant 7 : i32
      %dma_wait3A_966 = arith.constant 0 : i32
      %dma_wait3A_967 = arith.constant 0 : i32
      %dma_wait3A_968 = tpu.memref_slice %arg9[%dma_wait3A_965, %dma_wait3A_966, %dma_wait3A_967] : memref<8x32x128xf32, #tpu.memory_space<vmem>> -> memref<1x32x128xf32, #tpu.memory_space<vmem>>
      %dma_wait3A_969 = tpu.memref_squeeze %dma_wait3A_968 : memref<1x32x128xf32, #tpu.memory_space<vmem>> -> memref<32x128xf32, #tpu.memory_space<vmem>>
      %dma_wait3A_970 = arith.constant 0 : i32
      %dma_wait3A_971 = arith.constant 0 : i32
      %dma_wait3A_972 = tpu.memref_slice %arg5[%dma_wait3A_970, %dma_wait3A_971] : memref<32x1000000xf32, #tpu.memory_space<hbm>> -> memref<32x128xf32, #tpu.memory_space<hbm>>
      %dma_wait3A_973 = arith.constant 0 : i32
      %dma_wait3A_974 = arith.constant 0 : i32
      %dma_wait3A_975 = tpu.memref_slice %arg9[%dma_wait3A_965, %dma_wait3A_973, %dma_wait3A_974] : memref<8x32x128xf32, #tpu.memory_space<vmem>> -> memref<1x32x128xf32, #tpu.memory_space<vmem>>
      %dma_wait3A_976 = tpu.memref_squeeze %dma_wait3A_975 : memref<1x32x128xf32, #tpu.memory_space<vmem>> -> memref<32x128xf32, #tpu.memory_space<vmem>>
      %dma_wait3A_977 = arith.constant 0 : i32
      %dma_wait3A_978 = arith.constant 0 : i32
      %dma_wait3A_979 = tpu.memref_slice %arg5[%dma_wait3A_977, %dma_wait3A_978] : memref<32x1000000xf32, #tpu.memory_space<hbm>> -> memref<32x128xf32, #tpu.memory_space<hbm>>
      tpu.wait_dma2 semaphore(%arg14 : memref<!tpu.dma_semaphore, #tpu.memory_space<semaphore_mem>>) src(%dma_wait3A_979 : memref<32x128xf32, #tpu.memory_space<hbm>>) dst(%dma_wait3A_976 : memref<32x128xf32, #tpu.memory_space<vmem>>)
      %add3A_980 = arith.constant 1 : i32
      %add3A_981 = arith.addi %add3A_680, %add3A_980 : i32
      %mul3A_982 = arith.constant 32 : i32
      %mul3A_983 = arith.muli %add3A_981, %mul3A_982 : i32
      %add3A_984 = arith.addi %add3A, %mul3A_983 : i32
      %mul3A_985 = arith.constant 8 : i32
      %mul3A_986 = arith.muli %add3A_984, %mul3A_985 : i32
      %add3A_987 = arith.constant 0 : i32
      %add3A_988 = arith.addi %mul3A_986, %add3A_987 : i32
      %min3A_989 = arith.constant 7812 : i32
      %min3A_990 = arith.minsi %add3A_988, %min3A_989 : i32
      %mul3A_991 = arith.constant 128 : i32
      %mul3A_992 = arith.muli %min3A_990, %mul3A_991 : i32
      %multiple_of3A_993 = tpu.assume_multiple %mul3A_992, 128 : i32
      %dma_start3A_994 = arith.constant 0 : i32
      %dma_start3A_995 = arith.constant 0 : i32
      %dma_start3A_996 = arith.constant 0 : i32
      %dma_start3A_997 = tpu.memref_slice %arg9[%dma_start3A_994, %dma_start3A_995, %dma_start3A_996] : memref<8x32x128xf32, #tpu.memory_space<vmem>> -> memref<1x32x128xf32, #tpu.memory_space<vmem>>
      %dma_start3A_998 = tpu.memref_squeeze %dma_start3A_997 : memref<1x32x128xf32, #tpu.memory_space<vmem>> -> memref<32x128xf32, #tpu.memory_space<vmem>>
      %dma_start3A_999 = arith.constant 0 : i32
      %dma_start3A_1000 = tpu.memref_slice %arg5[%dma_start3A_999, %multiple_of3A_993] : memref<32x1000000xf32, #tpu.memory_space<hbm>> -> memref<32x128xf32, #tpu.memory_space<hbm>>
      %dma_start3A_1001 = arith.constant 0 : i32
      %dma_start3A_1002 = arith.constant 0 : i32
      %dma_start3A_1003 = tpu.memref_slice %arg9[%dma_start3A_994, %dma_start3A_1001, %dma_start3A_1002] : memref<8x32x128xf32, #tpu.memory_space<vmem>> -> memref<1x32x128xf32, #tpu.memory_space<vmem>>
      %dma_start3A_1004 = tpu.memref_squeeze %dma_start3A_1003 : memref<1x32x128xf32, #tpu.memory_space<vmem>> -> memref<32x128xf32, #tpu.memory_space<vmem>>
      %dma_start3A_1005 = arith.constant 0 : i32
      %dma_start3A_1006 = tpu.memref_slice %arg5[%dma_start3A_1005, %multiple_of3A_993] : memref<32x1000000xf32, #tpu.memory_space<hbm>> -> memref<32x128xf32, #tpu.memory_space<hbm>>
      tpu.enqueue_dma source(%dma_start3A_1006 : memref<32x128xf32, #tpu.memory_space<hbm>>) target(%dma_start3A_1004 : memref<32x128xf32, #tpu.memory_space<vmem>>) target_semaphore(%arg14 : memref<!tpu.dma_semaphore, #tpu.memory_space<semaphore_mem>>)
      %mul3A_1007 = arith.constant 8 : i32
      %mul3A_1008 = arith.muli %add3A_984, %mul3A_1007 : i32
      %add3A_1009 = arith.constant 1 : i32
      %add3A_1010 = arith.addi %mul3A_1008, %add3A_1009 : i32
      %min3A_1011 = arith.constant 7812 : i32
      %min3A_1012 = arith.minsi %add3A_1010, %min3A_1011 : i32
      %mul3A_1013 = arith.constant 128 : i32
      %mul3A_1014 = arith.muli %min3A_1012, %mul3A_1013 : i32
      %multiple_of3A_1015 = tpu.assume_multiple %mul3A_1014, 128 : i32
      %dma_start3A_1016 = arith.constant 1 : i32
      %dma_start3A_1017 = arith.constant 0 : i32
      %dma_start3A_1018 = arith.constant 0 : i32
      %dma_start3A_1019 = tpu.memref_slice %arg9[%dma_start3A_1016, %dma_start3A_1017, %dma_start3A_1018] : memref<8x32x128xf32, #tpu.memory_space<vmem>> -> memref<1x32x128xf32, #tpu.memory_space<vmem>>
      %dma_start3A_1020 = tpu.memref_squeeze %dma_start3A_1019 : memref<1x32x128xf32, #tpu.memory_space<vmem>> -> memref<32x128xf32, #tpu.memory_space<vmem>>
      %dma_start3A_1021 = arith.constant 0 : i32
      %dma_start3A_1022 = tpu.memref_slice %arg5[%dma_start3A_1021, %multiple_of3A_1015] : memref<32x1000000xf32, #tpu.memory_space<hbm>> -> memref<32x128xf32, #tpu.memory_space<hbm>>
      %dma_start3A_1023 = arith.constant 0 : i32
      %dma_start3A_1024 = arith.constant 0 : i32
      %dma_start3A_1025 = tpu.memref_slice %arg9[%dma_start3A_1016, %dma_start3A_1023, %dma_start3A_1024] : memref<8x32x128xf32, #tpu.memory_space<vmem>> -> memref<1x32x128xf32, #tpu.memory_space<vmem>>
      %dma_start3A_1026 = tpu.memref_squeeze %dma_start3A_1025 : memref<1x32x128xf32, #tpu.memory_space<vmem>> -> memref<32x128xf32, #tpu.memory_space<vmem>>
      %dma_start3A_1027 = arith.constant 0 : i32
      %dma_start3A_1028 = tpu.memref_slice %arg5[%dma_start3A_1027, %multiple_of3A_1015] : memref<32x1000000xf32, #tpu.memory_space<hbm>> -> memref<32x128xf32, #tpu.memory_space<hbm>>
      tpu.enqueue_dma source(%dma_start3A_1028 : memref<32x128xf32, #tpu.memory_space<hbm>>) target(%dma_start3A_1026 : memref<32x128xf32, #tpu.memory_space<vmem>>) target_semaphore(%arg14 : memref<!tpu.dma_semaphore, #tpu.memory_space<semaphore_mem>>)
      %mul3A_1029 = arith.constant 8 : i32
      %mul3A_1030 = arith.muli %add3A_984, %mul3A_1029 : i32
      %add3A_1031 = arith.constant 2 : i32
      %add3A_1032 = arith.addi %mul3A_1030, %add3A_1031 : i32
      %min3A_1033 = arith.constant 7812 : i32
      %min3A_1034 = arith.minsi %add3A_1032, %min3A_1033 : i32
      %mul3A_1035 = arith.constant 128 : i32
      %mul3A_1036 = arith.muli %min3A_1034, %mul3A_1035 : i32
      %multiple_of3A_1037 = tpu.assume_multiple %mul3A_1036, 128 : i32
      %dma_start3A_1038 = arith.constant 2 : i32
      %dma_start3A_1039 = arith.constant 0 : i32
      %dma_start3A_1040 = arith.constant 0 : i32
      %dma_start3A_1041 = tpu.memref_slice %arg9[%dma_start3A_1038, %dma_start3A_1039, %dma_start3A_1040] : memref<8x32x128xf32, #tpu.memory_space<vmem>> -> memref<1x32x128xf32, #tpu.memory_space<vmem>>
      %dma_start3A_1042 = tpu.memref_squeeze %dma_start3A_1041 : memref<1x32x128xf32, #tpu.memory_space<vmem>> -> memref<32x128xf32, #tpu.memory_space<vmem>>
      %dma_start3A_1043 = arith.constant 0 : i32
      %dma_start3A_1044 = tpu.memref_slice %arg5[%dma_start3A_1043, %multiple_of3A_1037] : memref<32x1000000xf32, #tpu.memory_space<hbm>> -> memref<32x128xf32, #tpu.memory_space<hbm>>
      %dma_start3A_1045 = arith.constant 0 : i32
      %dma_start3A_1046 = arith.constant 0 : i32
      %dma_start3A_1047 = tpu.memref_slice %arg9[%dma_start3A_1038, %dma_start3A_1045, %dma_start3A_1046] : memref<8x32x128xf32, #tpu.memory_space<vmem>> -> memref<1x32x128xf32, #tpu.memory_space<vmem>>
      %dma_start3A_1048 = tpu.memref_squeeze %dma_start3A_1047 : memref<1x32x128xf32, #tpu.memory_space<vmem>> -> memref<32x128xf32, #tpu.memory_space<vmem>>
      %dma_start3A_1049 = arith.constant 0 : i32
      %dma_start3A_1050 = tpu.memref_slice %arg5[%dma_start3A_1049, %multiple_of3A_1037] : memref<32x1000000xf32, #tpu.memory_space<hbm>> -> memref<32x128xf32, #tpu.memory_space<hbm>>
      tpu.enqueue_dma source(%dma_start3A_1050 : memref<32x128xf32, #tpu.memory_space<hbm>>) target(%dma_start3A_1048 : memref<32x128xf32, #tpu.memory_space<vmem>>) target_semaphore(%arg14 : memref<!tpu.dma_semaphore, #tpu.memory_space<semaphore_mem>>)
      %mul3A_1051 = arith.constant 8 : i32
      %mul3A_1052 = arith.muli %add3A_984, %mul3A_1051 : i32
      %add3A_1053 = arith.constant 3 : i32
      %add3A_1054 = arith.addi %mul3A_1052, %add3A_1053 : i32
      %min3A_1055 = arith.constant 7812 : i32
      %min3A_1056 = arith.minsi %add3A_1054, %min3A_1055 : i32
      %mul3A_1057 = arith.constant 128 : i32
      %mul3A_1058 = arith.muli %min3A_1056, %mul3A_1057 : i32
      %multiple_of3A_1059 = tpu.assume_multiple %mul3A_1058, 128 : i32
      %dma_start3A_1060 = arith.constant 3 : i32
      %dma_start3A_1061 = arith.constant 0 : i32
      %dma_start3A_1062 = arith.constant 0 : i32
      %dma_start3A_1063 = tpu.memref_slice %arg9[%dma_start3A_1060, %dma_start3A_1061, %dma_start3A_1062] : memref<8x32x128xf32, #tpu.memory_space<vmem>> -> memref<1x32x128xf32, #tpu.memory_space<vmem>>
      %dma_start3A_1064 = tpu.memref_squeeze %dma_start3A_1063 : memref<1x32x128xf32, #tpu.memory_space<vmem>> -> memref<32x128xf32, #tpu.memory_space<vmem>>
      %dma_start3A_1065 = arith.constant 0 : i32
      %dma_start3A_1066 = tpu.memref_slice %arg5[%dma_start3A_1065, %multiple_of3A_1059] : memref<32x1000000xf32, #tpu.memory_space<hbm>> -> memref<32x128xf32, #tpu.memory_space<hbm>>
      %dma_start3A_1067 = arith.constant 0 : i32
      %dma_start3A_1068 = arith.constant 0 : i32
      %dma_start3A_1069 = tpu.memref_slice %arg9[%dma_start3A_1060, %dma_start3A_1067, %dma_start3A_1068] : memref<8x32x128xf32, #tpu.memory_space<vmem>> -> memref<1x32x128xf32, #tpu.memory_space<vmem>>
      %dma_start3A_1070 = tpu.memref_squeeze %dma_start3A_1069 : memref<1x32x128xf32, #tpu.memory_space<vmem>> -> memref<32x128xf32, #tpu.memory_space<vmem>>
      %dma_start3A_1071 = arith.constant 0 : i32
      %dma_start3A_1072 = tpu.memref_slice %arg5[%dma_start3A_1071, %multiple_of3A_1059] : memref<32x1000000xf32, #tpu.memory_space<hbm>> -> memref<32x128xf32, #tpu.memory_space<hbm>>
      tpu.enqueue_dma source(%dma_start3A_1072 : memref<32x128xf32, #tpu.memory_space<hbm>>) target(%dma_start3A_1070 : memref<32x128xf32, #tpu.memory_space<vmem>>) target_semaphore(%arg14 : memref<!tpu.dma_semaphore, #tpu.memory_space<semaphore_mem>>)
      %mul3A_1073 = arith.constant 8 : i32
      %mul3A_1074 = arith.muli %add3A_984, %mul3A_1073 : i32
      %add3A_1075 = arith.constant 4 : i32
      %add3A_1076 = arith.addi %mul3A_1074, %add3A_1075 : i32
      %min3A_1077 = arith.constant 7812 : i32
      %min3A_1078 = arith.minsi %add3A_1076, %min3A_1077 : i32
      %mul3A_1079 = arith.constant 128 : i32
      %mul3A_1080 = arith.muli %min3A_1078, %mul3A_1079 : i32
      %multiple_of3A_1081 = tpu.assume_multiple %mul3A_1080, 128 : i32
      %dma_start3A_1082 = arith.constant 4 : i32
      %dma_start3A_1083 = arith.constant 0 : i32
      %dma_start3A_1084 = arith.constant 0 : i32
      %dma_start3A_1085 = tpu.memref_slice %arg9[%dma_start3A_1082, %dma_start3A_1083, %dma_start3A_1084] : memref<8x32x128xf32, #tpu.memory_space<vmem>> -> memref<1x32x128xf32, #tpu.memory_space<vmem>>
      %dma_start3A_1086 = tpu.memref_squeeze %dma_start3A_1085 : memref<1x32x128xf32, #tpu.memory_space<vmem>> -> memref<32x128xf32, #tpu.memory_space<vmem>>
      %dma_start3A_1087 = arith.constant 0 : i32
      %dma_start3A_1088 = tpu.memref_slice %arg5[%dma_start3A_1087, %multiple_of3A_1081] : memref<32x1000000xf32, #tpu.memory_space<hbm>> -> memref<32x128xf32, #tpu.memory_space<hbm>>
      %dma_start3A_1089 = arith.constant 0 : i32
      %dma_start3A_1090 = arith.constant 0 : i32
      %dma_start3A_1091 = tpu.memref_slice %arg9[%dma_start3A_1082, %dma_start3A_1089, %dma_start3A_1090] : memref<8x32x128xf32, #tpu.memory_space<vmem>> -> memref<1x32x128xf32, #tpu.memory_space<vmem>>
      %dma_start3A_1092 = tpu.memref_squeeze %dma_start3A_1091 : memref<1x32x128xf32, #tpu.memory_space<vmem>> -> memref<32x128xf32, #tpu.memory_space<vmem>>
      %dma_start3A_1093 = arith.constant 0 : i32
      %dma_start3A_1094 = tpu.memref_slice %arg5[%dma_start3A_1093, %multiple_of3A_1081] : memref<32x1000000xf32, #tpu.memory_space<hbm>> -> memref<32x128xf32, #tpu.memory_space<hbm>>
      tpu.enqueue_dma source(%dma_start3A_1094 : memref<32x128xf32, #tpu.memory_space<hbm>>) target(%dma_start3A_1092 : memref<32x128xf32, #tpu.memory_space<vmem>>) target_semaphore(%arg14 : memref<!tpu.dma_semaphore, #tpu.memory_space<semaphore_mem>>)
      %mul3A_1095 = arith.constant 8 : i32
      %mul3A_1096 = arith.muli %add3A_984, %mul3A_1095 : i32
      %add3A_1097 = arith.constant 5 : i32
      %add3A_1098 = arith.addi %mul3A_1096, %add3A_1097 : i32
      %min3A_1099 = arith.constant 7812 : i32
      %min3A_1100 = arith.minsi %add3A_1098, %min3A_1099 : i32
      %mul3A_1101 = arith.constant 128 : i32
      %mul3A_1102 = arith.muli %min3A_1100, %mul3A_1101 : i32
      %multiple_of3A_1103 = tpu.assume_multiple %mul3A_1102, 128 : i32
      %dma_start3A_1104 = arith.constant 5 : i32
      %dma_start3A_1105 = arith.constant 0 : i32
      %dma_start3A_1106 = arith.constant 0 : i32
      %dma_start3A_1107 = tpu.memref_slice %arg9[%dma_start3A_1104, %dma_start3A_1105, %dma_start3A_1106] : memref<8x32x128xf32, #tpu.memory_space<vmem>> -> memref<1x32x128xf32, #tpu.memory_space<vmem>>
      %dma_start3A_1108 = tpu.memref_squeeze %dma_start3A_1107 : memref<1x32x128xf32, #tpu.memory_space<vmem>> -> memref<32x128xf32, #tpu.memory_space<vmem>>
      %dma_start3A_1109 = arith.constant 0 : i32
      %dma_start3A_1110 = tpu.memref_slice %arg5[%dma_start3A_1109, %multiple_of3A_1103] : memref<32x1000000xf32, #tpu.memory_space<hbm>> -> memref<32x128xf32, #tpu.memory_space<hbm>>
      %dma_start3A_1111 = arith.constant 0 : i32
      %dma_start3A_1112 = arith.constant 0 : i32
      %dma_start3A_1113 = tpu.memref_slice %arg9[%dma_start3A_1104, %dma_start3A_1111, %dma_start3A_1112] : memref<8x32x128xf32, #tpu.memory_space<vmem>> -> memref<1x32x128xf32, #tpu.memory_space<vmem>>
      %dma_start3A_1114 = tpu.memref_squeeze %dma_start3A_1113 : memref<1x32x128xf32, #tpu.memory_space<vmem>> -> memref<32x128xf32, #tpu.memory_space<vmem>>
      %dma_start3A_1115 = arith.constant 0 : i32
      %dma_start3A_1116 = tpu.memref_slice %arg5[%dma_start3A_1115, %multiple_of3A_1103] : memref<32x1000000xf32, #tpu.memory_space<hbm>> -> memref<32x128xf32, #tpu.memory_space<hbm>>
      tpu.enqueue_dma source(%dma_start3A_1116 : memref<32x128xf32, #tpu.memory_space<hbm>>) target(%dma_start3A_1114 : memref<32x128xf32, #tpu.memory_space<vmem>>) target_semaphore(%arg14 : memref<!tpu.dma_semaphore, #tpu.memory_space<semaphore_mem>>)
      %mul3A_1117 = arith.constant 8 : i32
      %mul3A_1118 = arith.muli %add3A_984, %mul3A_1117 : i32
      %add3A_1119 = arith.constant 6 : i32
      %add3A_1120 = arith.addi %mul3A_1118, %add3A_1119 : i32
      %min3A_1121 = arith.constant 7812 : i32
      %min3A_1122 = arith.minsi %add3A_1120, %min3A_1121 : i32
      %mul3A_1123 = arith.constant 128 : i32
      %mul3A_1124 = arith.muli %min3A_1122, %mul3A_1123 : i32
      %multiple_of3A_1125 = tpu.assume_multiple %mul3A_1124, 128 : i32
      %dma_start3A_1126 = arith.constant 6 : i32
      %dma_start3A_1127 = arith.constant 0 : i32
      %dma_start3A_1128 = arith.constant 0 : i32
      %dma_start3A_1129 = tpu.memref_slice %arg9[%dma_start3A_1126, %dma_start3A_1127, %dma_start3A_1128] : memref<8x32x128xf32, #tpu.memory_space<vmem>> -> memref<1x32x128xf32, #tpu.memory_space<vmem>>
      %dma_start3A_1130 = tpu.memref_squeeze %dma_start3A_1129 : memref<1x32x128xf32, #tpu.memory_space<vmem>> -> memref<32x128xf32, #tpu.memory_space<vmem>>
      %dma_start3A_1131 = arith.constant 0 : i32
      %dma_start3A_1132 = tpu.memref_slice %arg5[%dma_start3A_1131, %multiple_of3A_1125] : memref<32x1000000xf32, #tpu.memory_space<hbm>> -> memref<32x128xf32, #tpu.memory_space<hbm>>
      %dma_start3A_1133 = arith.constant 0 : i32
      %dma_start3A_1134 = arith.constant 0 : i32
      %dma_start3A_1135 = tpu.memref_slice %arg9[%dma_start3A_1126, %dma_start3A_1133, %dma_start3A_1134] : memref<8x32x128xf32, #tpu.memory_space<vmem>> -> memref<1x32x128xf32, #tpu.memory_space<vmem>>
      %dma_start3A_1136 = tpu.memref_squeeze %dma_start3A_1135 : memref<1x32x128xf32, #tpu.memory_space<vmem>> -> memref<32x128xf32, #tpu.memory_space<vmem>>
      %dma_start3A_1137 = arith.constant 0 : i32
      %dma_start3A_1138 = tpu.memref_slice %arg5[%dma_start3A_1137, %multiple_of3A_1125] : memref<32x1000000xf32, #tpu.memory_space<hbm>> -> memref<32x128xf32, #tpu.memory_space<hbm>>
      tpu.enqueue_dma source(%dma_start3A_1138 : memref<32x128xf32, #tpu.memory_space<hbm>>) target(%dma_start3A_1136 : memref<32x128xf32, #tpu.memory_space<vmem>>) target_semaphore(%arg14 : memref<!tpu.dma_semaphore, #tpu.memory_space<semaphore_mem>>)
      %mul3A_1139 = arith.constant 8 : i32
      %mul3A_1140 = arith.muli %add3A_984, %mul3A_1139 : i32
      %add3A_1141 = arith.constant 7 : i32
      %add3A_1142 = arith.addi %mul3A_1140, %add3A_1141 : i32
      %min3A_1143 = arith.constant 7812 : i32
      %min3A_1144 = arith.minsi %add3A_1142, %min3A_1143 : i32
      %mul3A_1145 = arith.constant 128 : i32
      %mul3A_1146 = arith.muli %min3A_1144, %mul3A_1145 : i32
      %multiple_of3A_1147 = tpu.assume_multiple %mul3A_1146, 128 : i32
      %dma_start3A_1148 = arith.constant 7 : i32
      %dma_start3A_1149 = arith.constant 0 : i32
      %dma_start3A_1150 = arith.constant 0 : i32
      %dma_start3A_1151 = tpu.memref_slice %arg9[%dma_start3A_1148, %dma_start3A_1149, %dma_start3A_1150] : memref<8x32x128xf32, #tpu.memory_space<vmem>> -> memref<1x32x128xf32, #tpu.memory_space<vmem>>
      %dma_start3A_1152 = tpu.memref_squeeze %dma_start3A_1151 : memref<1x32x128xf32, #tpu.memory_space<vmem>> -> memref<32x128xf32, #tpu.memory_space<vmem>>
      %dma_start3A_1153 = arith.constant 0 : i32
      %dma_start3A_1154 = tpu.memref_slice %arg5[%dma_start3A_1153, %multiple_of3A_1147] : memref<32x1000000xf32, #tpu.memory_space<hbm>> -> memref<32x128xf32, #tpu.memory_space<hbm>>
      %dma_start3A_1155 = arith.constant 0 : i32
      %dma_start3A_1156 = arith.constant 0 : i32
      %dma_start3A_1157 = tpu.memref_slice %arg9[%dma_start3A_1148, %dma_start3A_1155, %dma_start3A_1156] : memref<8x32x128xf32, #tpu.memory_space<vmem>> -> memref<1x32x128xf32, #tpu.memory_space<vmem>>
      %dma_start3A_1158 = tpu.memref_squeeze %dma_start3A_1157 : memref<1x32x128xf32, #tpu.memory_space<vmem>> -> memref<32x128xf32, #tpu.memory_space<vmem>>
      %dma_start3A_1159 = arith.constant 0 : i32
      %dma_start3A_1160 = tpu.memref_slice %arg5[%dma_start3A_1159, %multiple_of3A_1147] : memref<32x1000000xf32, #tpu.memory_space<hbm>> -> memref<32x128xf32, #tpu.memory_space<hbm>>
      tpu.enqueue_dma source(%dma_start3A_1160 : memref<32x128xf32, #tpu.memory_space<hbm>>) target(%dma_start3A_1158 : memref<32x128xf32, #tpu.memory_space<vmem>>) target_semaphore(%arg14 : memref<!tpu.dma_semaphore, #tpu.memory_space<semaphore_mem>>)
      %dma_wait3A_1161 = arith.constant 0 : i32
      %dma_wait3A_1162 = arith.constant 0 : i32
      %dma_wait3A_1163 = arith.constant 0 : i32
      %dma_wait3A_1164 = tpu.memref_slice %arg10[%dma_wait3A_1161, %dma_wait3A_1162, %dma_wait3A_1163] : memref<8x32x128xf32, #tpu.memory_space<vmem>> -> memref<1x32x128xf32, #tpu.memory_space<vmem>>
      %dma_wait3A_1165 = tpu.memref_squeeze %dma_wait3A_1164 : memref<1x32x128xf32, #tpu.memory_space<vmem>> -> memref<32x128xf32, #tpu.memory_space<vmem>>
      %dma_wait3A_1166 = arith.constant 0 : i32
      %dma_wait3A_1167 = arith.constant 0 : i32
      %dma_wait3A_1168 = tpu.memref_slice %arg5[%dma_wait3A_1166, %dma_wait3A_1167] : memref<32x1000000xf32, #tpu.memory_space<hbm>> -> memref<32x128xf32, #tpu.memory_space<hbm>>
      %dma_wait3A_1169 = arith.constant 0 : i32
      %dma_wait3A_1170 = arith.constant 0 : i32
      %dma_wait3A_1171 = tpu.memref_slice %arg10[%dma_wait3A_1161, %dma_wait3A_1169, %dma_wait3A_1170] : memref<8x32x128xf32, #tpu.memory_space<vmem>> -> memref<1x32x128xf32, #tpu.memory_space<vmem>>
      %dma_wait3A_1172 = tpu.memref_squeeze %dma_wait3A_1171 : memref<1x32x128xf32, #tpu.memory_space<vmem>> -> memref<32x128xf32, #tpu.memory_space<vmem>>
      %dma_wait3A_1173 = arith.constant 0 : i32
      %dma_wait3A_1174 = arith.constant 0 : i32
      %dma_wait3A_1175 = tpu.memref_slice %arg5[%dma_wait3A_1173, %dma_wait3A_1174] : memref<32x1000000xf32, #tpu.memory_space<hbm>> -> memref<32x128xf32, #tpu.memory_space<hbm>>
      tpu.wait_dma2 semaphore(%arg15 : memref<!tpu.dma_semaphore, #tpu.memory_space<semaphore_mem>>) src(%dma_wait3A_1175 : memref<32x128xf32, #tpu.memory_space<hbm>>) dst(%dma_wait3A_1172 : memref<32x128xf32, #tpu.memory_space<vmem>>)
      %dma_wait3A_1176 = arith.constant 1 : i32
      %dma_wait3A_1177 = arith.constant 0 : i32
      %dma_wait3A_1178 = arith.constant 0 : i32
      %dma_wait3A_1179 = tpu.memref_slice %arg10[%dma_wait3A_1176, %dma_wait3A_1177, %dma_wait3A_1178] : memref<8x32x128xf32, #tpu.memory_space<vmem>> -> memref<1x32x128xf32, #tpu.memory_space<vmem>>
      %dma_wait3A_1180 = tpu.memref_squeeze %dma_wait3A_1179 : memref<1x32x128xf32, #tpu.memory_space<vmem>> -> memref<32x128xf32, #tpu.memory_space<vmem>>
      %dma_wait3A_1181 = arith.constant 0 : i32
      %dma_wait3A_1182 = arith.constant 0 : i32
      %dma_wait3A_1183 = tpu.memref_slice %arg5[%dma_wait3A_1181, %dma_wait3A_1182] : memref<32x1000000xf32, #tpu.memory_space<hbm>> -> memref<32x128xf32, #tpu.memory_space<hbm>>
      %dma_wait3A_1184 = arith.constant 0 : i32
      %dma_wait3A_1185 = arith.constant 0 : i32
      %dma_wait3A_1186 = tpu.memref_slice %arg10[%dma_wait3A_1176, %dma_wait3A_1184, %dma_wait3A_1185] : memref<8x32x128xf32, #tpu.memory_space<vmem>> -> memref<1x32x128xf32, #tpu.memory_space<vmem>>
      %dma_wait3A_1187 = tpu.memref_squeeze %dma_wait3A_1186 : memref<1x32x128xf32, #tpu.memory_space<vmem>> -> memref<32x128xf32, #tpu.memory_space<vmem>>
      %dma_wait3A_1188 = arith.constant 0 : i32
      %dma_wait3A_1189 = arith.constant 0 : i32
      %dma_wait3A_1190 = tpu.memref_slice %arg5[%dma_wait3A_1188, %dma_wait3A_1189] : memref<32x1000000xf32, #tpu.memory_space<hbm>> -> memref<32x128xf32, #tpu.memory_space<hbm>>
      tpu.wait_dma2 semaphore(%arg15 : memref<!tpu.dma_semaphore, #tpu.memory_space<semaphore_mem>>) src(%dma_wait3A_1190 : memref<32x128xf32, #tpu.memory_space<hbm>>) dst(%dma_wait3A_1187 : memref<32x128xf32, #tpu.memory_space<vmem>>)
      %dma_wait3A_1191 = arith.constant 2 : i32
      %dma_wait3A_1192 = arith.constant 0 : i32
      %dma_wait3A_1193 = arith.constant 0 : i32
      %dma_wait3A_1194 = tpu.memref_slice %arg10[%dma_wait3A_1191, %dma_wait3A_1192, %dma_wait3A_1193] : memref<8x32x128xf32, #tpu.memory_space<vmem>> -> memref<1x32x128xf32, #tpu.memory_space<vmem>>
      %dma_wait3A_1195 = tpu.memref_squeeze %dma_wait3A_1194 : memref<1x32x128xf32, #tpu.memory_space<vmem>> -> memref<32x128xf32, #tpu.memory_space<vmem>>
      %dma_wait3A_1196 = arith.constant 0 : i32
      %dma_wait3A_1197 = arith.constant 0 : i32
      %dma_wait3A_1198 = tpu.memref_slice %arg5[%dma_wait3A_1196, %dma_wait3A_1197] : memref<32x1000000xf32, #tpu.memory_space<hbm>> -> memref<32x128xf32, #tpu.memory_space<hbm>>
      %dma_wait3A_1199 = arith.constant 0 : i32
      %dma_wait3A_1200 = arith.constant 0 : i32
      %dma_wait3A_1201 = tpu.memref_slice %arg10[%dma_wait3A_1191, %dma_wait3A_1199, %dma_wait3A_1200] : memref<8x32x128xf32, #tpu.memory_space<vmem>> -> memref<1x32x128xf32, #tpu.memory_space<vmem>>
      %dma_wait3A_1202 = tpu.memref_squeeze %dma_wait3A_1201 : memref<1x32x128xf32, #tpu.memory_space<vmem>> -> memref<32x128xf32, #tpu.memory_space<vmem>>
      %dma_wait3A_1203 = arith.constant 0 : i32
      %dma_wait3A_1204 = arith.constant 0 : i32
      %dma_wait3A_1205 = tpu.memref_slice %arg5[%dma_wait3A_1203, %dma_wait3A_1204] : memref<32x1000000xf32, #tpu.memory_space<hbm>> -> memref<32x128xf32, #tpu.memory_space<hbm>>
      tpu.wait_dma2 semaphore(%arg15 : memref<!tpu.dma_semaphore, #tpu.memory_space<semaphore_mem>>) src(%dma_wait3A_1205 : memref<32x128xf32, #tpu.memory_space<hbm>>) dst(%dma_wait3A_1202 : memref<32x128xf32, #tpu.memory_space<vmem>>)
      %dma_wait3A_1206 = arith.constant 3 : i32
      %dma_wait3A_1207 = arith.constant 0 : i32
      %dma_wait3A_1208 = arith.constant 0 : i32
      %dma_wait3A_1209 = tpu.memref_slice %arg10[%dma_wait3A_1206, %dma_wait3A_1207, %dma_wait3A_1208] : memref<8x32x128xf32, #tpu.memory_space<vmem>> -> memref<1x32x128xf32, #tpu.memory_space<vmem>>
      %dma_wait3A_1210 = tpu.memref_squeeze %dma_wait3A_1209 : memref<1x32x128xf32, #tpu.memory_space<vmem>> -> memref<32x128xf32, #tpu.memory_space<vmem>>
      %dma_wait3A_1211 = arith.constant 0 : i32
      %dma_wait3A_1212 = arith.constant 0 : i32
      %dma_wait3A_1213 = tpu.memref_slice %arg5[%dma_wait3A_1211, %dma_wait3A_1212] : memref<32x1000000xf32, #tpu.memory_space<hbm>> -> memref<32x128xf32, #tpu.memory_space<hbm>>
      %dma_wait3A_1214 = arith.constant 0 : i32
      %dma_wait3A_1215 = arith.constant 0 : i32
      %dma_wait3A_1216 = tpu.memref_slice %arg10[%dma_wait3A_1206, %dma_wait3A_1214, %dma_wait3A_1215] : memref<8x32x128xf32, #tpu.memory_space<vmem>> -> memref<1x32x128xf32, #tpu.memory_space<vmem>>
      %dma_wait3A_1217 = tpu.memref_squeeze %dma_wait3A_1216 : memref<1x32x128xf32, #tpu.memory_space<vmem>> -> memref<32x128xf32, #tpu.memory_space<vmem>>
      %dma_wait3A_1218 = arith.constant 0 : i32
      %dma_wait3A_1219 = arith.constant 0 : i32
      %dma_wait3A_1220 = tpu.memref_slice %arg5[%dma_wait3A_1218, %dma_wait3A_1219] : memref<32x1000000xf32, #tpu.memory_space<hbm>> -> memref<32x128xf32, #tpu.memory_space<hbm>>
      tpu.wait_dma2 semaphore(%arg15 : memref<!tpu.dma_semaphore, #tpu.memory_space<semaphore_mem>>) src(%dma_wait3A_1220 : memref<32x128xf32, #tpu.memory_space<hbm>>) dst(%dma_wait3A_1217 : memref<32x128xf32, #tpu.memory_space<vmem>>)
      %dma_wait3A_1221 = arith.constant 4 : i32
      %dma_wait3A_1222 = arith.constant 0 : i32
      %dma_wait3A_1223 = arith.constant 0 : i32
      %dma_wait3A_1224 = tpu.memref_slice %arg10[%dma_wait3A_1221, %dma_wait3A_1222, %dma_wait3A_1223] : memref<8x32x128xf32, #tpu.memory_space<vmem>> -> memref<1x32x128xf32, #tpu.memory_space<vmem>>
      %dma_wait3A_1225 = tpu.memref_squeeze %dma_wait3A_1224 : memref<1x32x128xf32, #tpu.memory_space<vmem>> -> memref<32x128xf32, #tpu.memory_space<vmem>>
      %dma_wait3A_1226 = arith.constant 0 : i32
      %dma_wait3A_1227 = arith.constant 0 : i32
      %dma_wait3A_1228 = tpu.memref_slice %arg5[%dma_wait3A_1226, %dma_wait3A_1227] : memref<32x1000000xf32, #tpu.memory_space<hbm>> -> memref<32x128xf32, #tpu.memory_space<hbm>>
      %dma_wait3A_1229 = arith.constant 0 : i32
      %dma_wait3A_1230 = arith.constant 0 : i32
      %dma_wait3A_1231 = tpu.memref_slice %arg10[%dma_wait3A_1221, %dma_wait3A_1229, %dma_wait3A_1230] : memref<8x32x128xf32, #tpu.memory_space<vmem>> -> memref<1x32x128xf32, #tpu.memory_space<vmem>>
      %dma_wait3A_1232 = tpu.memref_squeeze %dma_wait3A_1231 : memref<1x32x128xf32, #tpu.memory_space<vmem>> -> memref<32x128xf32, #tpu.memory_space<vmem>>
      %dma_wait3A_1233 = arith.constant 0 : i32
      %dma_wait3A_1234 = arith.constant 0 : i32
      %dma_wait3A_1235 = tpu.memref_slice %arg5[%dma_wait3A_1233, %dma_wait3A_1234] : memref<32x1000000xf32, #tpu.memory_space<hbm>> -> memref<32x128xf32, #tpu.memory_space<hbm>>
      tpu.wait_dma2 semaphore(%arg15 : memref<!tpu.dma_semaphore, #tpu.memory_space<semaphore_mem>>) src(%dma_wait3A_1235 : memref<32x128xf32, #tpu.memory_space<hbm>>) dst(%dma_wait3A_1232 : memref<32x128xf32, #tpu.memory_space<vmem>>)
      %dma_wait3A_1236 = arith.constant 5 : i32
      %dma_wait3A_1237 = arith.constant 0 : i32
      %dma_wait3A_1238 = arith.constant 0 : i32
      %dma_wait3A_1239 = tpu.memref_slice %arg10[%dma_wait3A_1236, %dma_wait3A_1237, %dma_wait3A_1238] : memref<8x32x128xf32, #tpu.memory_space<vmem>> -> memref<1x32x128xf32, #tpu.memory_space<vmem>>
      %dma_wait3A_1240 = tpu.memref_squeeze %dma_wait3A_1239 : memref<1x32x128xf32, #tpu.memory_space<vmem>> -> memref<32x128xf32, #tpu.memory_space<vmem>>
      %dma_wait3A_1241 = arith.constant 0 : i32
      %dma_wait3A_1242 = arith.constant 0 : i32
      %dma_wait3A_1243 = tpu.memref_slice %arg5[%dma_wait3A_1241, %dma_wait3A_1242] : memref<32x1000000xf32, #tpu.memory_space<hbm>> -> memref<32x128xf32, #tpu.memory_space<hbm>>
      %dma_wait3A_1244 = arith.constant 0 : i32
      %dma_wait3A_1245 = arith.constant 0 : i32
      %dma_wait3A_1246 = tpu.memref_slice %arg10[%dma_wait3A_1236, %dma_wait3A_1244, %dma_wait3A_1245] : memref<8x32x128xf32, #tpu.memory_space<vmem>> -> memref<1x32x128xf32, #tpu.memory_space<vmem>>
      %dma_wait3A_1247 = tpu.memref_squeeze %dma_wait3A_1246 : memref<1x32x128xf32, #tpu.memory_space<vmem>> -> memref<32x128xf32, #tpu.memory_space<vmem>>
      %dma_wait3A_1248 = arith.constant 0 : i32
      %dma_wait3A_1249 = arith.constant 0 : i32
      %dma_wait3A_1250 = tpu.memref_slice %arg5[%dma_wait3A_1248, %dma_wait3A_1249] : memref<32x1000000xf32, #tpu.memory_space<hbm>> -> memref<32x128xf32, #tpu.memory_space<hbm>>
      tpu.wait_dma2 semaphore(%arg15 : memref<!tpu.dma_semaphore, #tpu.memory_space<semaphore_mem>>) src(%dma_wait3A_1250 : memref<32x128xf32, #tpu.memory_space<hbm>>) dst(%dma_wait3A_1247 : memref<32x128xf32, #tpu.memory_space<vmem>>)
      %dma_wait3A_1251 = arith.constant 6 : i32
      %dma_wait3A_1252 = arith.constant 0 : i32
      %dma_wait3A_1253 = arith.constant 0 : i32
      %dma_wait3A_1254 = tpu.memref_slice %arg10[%dma_wait3A_1251, %dma_wait3A_1252, %dma_wait3A_1253] : memref<8x32x128xf32, #tpu.memory_space<vmem>> -> memref<1x32x128xf32, #tpu.memory_space<vmem>>
      %dma_wait3A_1255 = tpu.memref_squeeze %dma_wait3A_1254 : memref<1x32x128xf32, #tpu.memory_space<vmem>> -> memref<32x128xf32, #tpu.memory_space<vmem>>
      %dma_wait3A_1256 = arith.constant 0 : i32
      %dma_wait3A_1257 = arith.constant 0 : i32
      %dma_wait3A_1258 = tpu.memref_slice %arg5[%dma_wait3A_1256, %dma_wait3A_1257] : memref<32x1000000xf32, #tpu.memory_space<hbm>> -> memref<32x128xf32, #tpu.memory_space<hbm>>
      %dma_wait3A_1259 = arith.constant 0 : i32
      %dma_wait3A_1260 = arith.constant 0 : i32
      %dma_wait3A_1261 = tpu.memref_slice %arg10[%dma_wait3A_1251, %dma_wait3A_1259, %dma_wait3A_1260] : memref<8x32x128xf32, #tpu.memory_space<vmem>> -> memref<1x32x128xf32, #tpu.memory_space<vmem>>
      %dma_wait3A_1262 = tpu.memref_squeeze %dma_wait3A_1261 : memref<1x32x128xf32, #tpu.memory_space<vmem>> -> memref<32x128xf32, #tpu.memory_space<vmem>>
      %dma_wait3A_1263 = arith.constant 0 : i32
      %dma_wait3A_1264 = arith.constant 0 : i32
      %dma_wait3A_1265 = tpu.memref_slice %arg5[%dma_wait3A_1263, %dma_wait3A_1264] : memref<32x1000000xf32, #tpu.memory_space<hbm>> -> memref<32x128xf32, #tpu.memory_space<hbm>>
      tpu.wait_dma2 semaphore(%arg15 : memref<!tpu.dma_semaphore, #tpu.memory_space<semaphore_mem>>) src(%dma_wait3A_1265 : memref<32x128xf32, #tpu.memory_space<hbm>>) dst(%dma_wait3A_1262 : memref<32x128xf32, #tpu.memory_space<vmem>>)
      %dma_wait3A_1266 = arith.constant 7 : i32
      %dma_wait3A_1267 = arith.constant 0 : i32
      %dma_wait3A_1268 = arith.constant 0 : i32
      %dma_wait3A_1269 = tpu.memref_slice %arg10[%dma_wait3A_1266, %dma_wait3A_1267, %dma_wait3A_1268] : memref<8x32x128xf32, #tpu.memory_space<vmem>> -> memref<1x32x128xf32, #tpu.memory_space<vmem>>
      %dma_wait3A_1270 = tpu.memref_squeeze %dma_wait3A_1269 : memref<1x32x128xf32, #tpu.memory_space<vmem>> -> memref<32x128xf32, #tpu.memory_space<vmem>>
      %dma_wait3A_1271 = arith.constant 0 : i32
      %dma_wait3A_1272 = arith.constant 0 : i32
      %dma_wait3A_1273 = tpu.memref_slice %arg5[%dma_wait3A_1271, %dma_wait3A_1272] : memref<32x1000000xf32, #tpu.memory_space<hbm>> -> memref<32x128xf32, #tpu.memory_space<hbm>>
      %dma_wait3A_1274 = arith.constant 0 : i32
      %dma_wait3A_1275 = arith.constant 0 : i32
      %dma_wait3A_1276 = tpu.memref_slice %arg10[%dma_wait3A_1266, %dma_wait3A_1274, %dma_wait3A_1275] : memref<8x32x128xf32, #tpu.memory_space<vmem>> -> memref<1x32x128xf32, #tpu.memory_space<vmem>>
      %dma_wait3A_1277 = tpu.memref_squeeze %dma_wait3A_1276 : memref<1x32x128xf32, #tpu.memory_space<vmem>> -> memref<32x128xf32, #tpu.memory_space<vmem>>
      %dma_wait3A_1278 = arith.constant 0 : i32
      %dma_wait3A_1279 = arith.constant 0 : i32
      %dma_wait3A_1280 = tpu.memref_slice %arg5[%dma_wait3A_1278, %dma_wait3A_1279] : memref<32x1000000xf32, #tpu.memory_space<hbm>> -> memref<32x128xf32, #tpu.memory_space<hbm>>
      tpu.wait_dma2 semaphore(%arg15 : memref<!tpu.dma_semaphore, #tpu.memory_space<semaphore_mem>>) src(%dma_wait3A_1280 : memref<32x128xf32, #tpu.memory_space<hbm>>) dst(%dma_wait3A_1277 : memref<32x128xf32, #tpu.memory_space<vmem>>)
    }
    %scan3A_541 = arith.constant 16 : i32
    %dma_wait3A_542 = arith.constant 0 : i32
    %dma_wait3A_543 = arith.constant 0 : i32
    %dma_wait3A_544 = arith.constant 0 : i32
    %dma_wait3A_545 = tpu.memref_slice %arg9[%dma_wait3A_542, %dma_wait3A_543, %dma_wait3A_544] : memref<8x32x128xf32, #tpu.memory_space<vmem>> -> memref<1x32x128xf32, #tpu.memory_space<vmem>>
    %dma_wait3A_546 = tpu.memref_squeeze %dma_wait3A_545 : memref<1x32x128xf32, #tpu.memory_space<vmem>> -> memref<32x128xf32, #tpu.memory_space<vmem>>
    %dma_wait3A_547 = arith.constant 0 : i32
    %dma_wait3A_548 = arith.constant 0 : i32
    %dma_wait3A_549 = tpu.memref_slice %arg5[%dma_wait3A_547, %dma_wait3A_548] : memref<32x1000000xf32, #tpu.memory_space<hbm>> -> memref<32x128xf32, #tpu.memory_space<hbm>>
    %dma_wait3A_550 = arith.constant 0 : i32
    %dma_wait3A_551 = arith.constant 0 : i32
    %dma_wait3A_552 = tpu.memref_slice %arg9[%dma_wait3A_542, %dma_wait3A_550, %dma_wait3A_551] : memref<8x32x128xf32, #tpu.memory_space<vmem>> -> memref<1x32x128xf32, #tpu.memory_space<vmem>>
    %dma_wait3A_553 = tpu.memref_squeeze %dma_wait3A_552 : memref<1x32x128xf32, #tpu.memory_space<vmem>> -> memref<32x128xf32, #tpu.memory_space<vmem>>
    %dma_wait3A_554 = arith.constant 0 : i32
    %dma_wait3A_555 = arith.constant 0 : i32
    %dma_wait3A_556 = tpu.memref_slice %arg5[%dma_wait3A_554, %dma_wait3A_555] : memref<32x1000000xf32, #tpu.memory_space<hbm>> -> memref<32x128xf32, #tpu.memory_space<hbm>>
    tpu.wait_dma2 semaphore(%arg14 : memref<!tpu.dma_semaphore, #tpu.memory_space<semaphore_mem>>) src(%dma_wait3A_556 : memref<32x128xf32, #tpu.memory_space<hbm>>) dst(%dma_wait3A_553 : memref<32x128xf32, #tpu.memory_space<vmem>>)
    %dma_wait3A_557 = arith.constant 1 : i32
    %dma_wait3A_558 = arith.constant 0 : i32
    %dma_wait3A_559 = arith.constant 0 : i32
    %dma_wait3A_560 = tpu.memref_slice %arg9[%dma_wait3A_557, %dma_wait3A_558, %dma_wait3A_559] : memref<8x32x128xf32, #tpu.memory_space<vmem>> -> memref<1x32x128xf32, #tpu.memory_space<vmem>>
    %dma_wait3A_561 = tpu.memref_squeeze %dma_wait3A_560 : memref<1x32x128xf32, #tpu.memory_space<vmem>> -> memref<32x128xf32, #tpu.memory_space<vmem>>
    %dma_wait3A_562 = arith.constant 0 : i32
    %dma_wait3A_563 = arith.constant 0 : i32
    %dma_wait3A_564 = tpu.memref_slice %arg5[%dma_wait3A_562, %dma_wait3A_563] : memref<32x1000000xf32, #tpu.memory_space<hbm>> -> memref<32x128xf32, #tpu.memory_space<hbm>>
    %dma_wait3A_565 = arith.constant 0 : i32
    %dma_wait3A_566 = arith.constant 0 : i32
    %dma_wait3A_567 = tpu.memref_slice %arg9[%dma_wait3A_557, %dma_wait3A_565, %dma_wait3A_566] : memref<8x32x128xf32, #tpu.memory_space<vmem>> -> memref<1x32x128xf32, #tpu.memory_space<vmem>>
    %dma_wait3A_568 = tpu.memref_squeeze %dma_wait3A_567 : memref<1x32x128xf32, #tpu.memory_space<vmem>> -> memref<32x128xf32, #tpu.memory_space<vmem>>
    %dma_wait3A_569 = arith.constant 0 : i32
    %dma_wait3A_570 = arith.constant 0 : i32
    %dma_wait3A_571 = tpu.memref_slice %arg5[%dma_wait3A_569, %dma_wait3A_570] : memref<32x1000000xf32, #tpu.memory_space<hbm>> -> memref<32x128xf32, #tpu.memory_space<hbm>>
    tpu.wait_dma2 semaphore(%arg14 : memref<!tpu.dma_semaphore, #tpu.memory_space<semaphore_mem>>) src(%dma_wait3A_571 : memref<32x128xf32, #tpu.memory_space<hbm>>) dst(%dma_wait3A_568 : memref<32x128xf32, #tpu.memory_space<vmem>>)
    %dma_wait3A_572 = arith.constant 2 : i32
    %dma_wait3A_573 = arith.constant 0 : i32
    %dma_wait3A_574 = arith.constant 0 : i32
    %dma_wait3A_575 = tpu.memref_slice %arg9[%dma_wait3A_572, %dma_wait3A_573, %dma_wait3A_574] : memref<8x32x128xf32, #tpu.memory_space<vmem>> -> memref<1x32x128xf32, #tpu.memory_space<vmem>>
    %dma_wait3A_576 = tpu.memref_squeeze %dma_wait3A_575 : memref<1x32x128xf32, #tpu.memory_space<vmem>> -> memref<32x128xf32, #tpu.memory_space<vmem>>
    %dma_wait3A_577 = arith.constant 0 : i32
    %dma_wait3A_578 = arith.constant 0 : i32
    %dma_wait3A_579 = tpu.memref_slice %arg5[%dma_wait3A_577, %dma_wait3A_578] : memref<32x1000000xf32, #tpu.memory_space<hbm>> -> memref<32x128xf32, #tpu.memory_space<hbm>>
    %dma_wait3A_580 = arith.constant 0 : i32
    %dma_wait3A_581 = arith.constant 0 : i32
    %dma_wait3A_582 = tpu.memref_slice %arg9[%dma_wait3A_572, %dma_wait3A_580, %dma_wait3A_581] : memref<8x32x128xf32, #tpu.memory_space<vmem>> -> memref<1x32x128xf32, #tpu.memory_space<vmem>>
    %dma_wait3A_583 = tpu.memref_squeeze %dma_wait3A_582 : memref<1x32x128xf32, #tpu.memory_space<vmem>> -> memref<32x128xf32, #tpu.memory_space<vmem>>
    %dma_wait3A_584 = arith.constant 0 : i32
    %dma_wait3A_585 = arith.constant 0 : i32
    %dma_wait3A_586 = tpu.memref_slice %arg5[%dma_wait3A_584, %dma_wait3A_585] : memref<32x1000000xf32, #tpu.memory_space<hbm>> -> memref<32x128xf32, #tpu.memory_space<hbm>>
    tpu.wait_dma2 semaphore(%arg14 : memref<!tpu.dma_semaphore, #tpu.memory_space<semaphore_mem>>) src(%dma_wait3A_586 : memref<32x128xf32, #tpu.memory_space<hbm>>) dst(%dma_wait3A_583 : memref<32x128xf32, #tpu.memory_space<vmem>>)
    %dma_wait3A_587 = arith.constant 3 : i32
    %dma_wait3A_588 = arith.constant 0 : i32
    %dma_wait3A_589 = arith.constant 0 : i32
    %dma_wait3A_590 = tpu.memref_slice %arg9[%dma_wait3A_587, %dma_wait3A_588, %dma_wait3A_589] : memref<8x32x128xf32, #tpu.memory_space<vmem>> -> memref<1x32x128xf32, #tpu.memory_space<vmem>>
    %dma_wait3A_591 = tpu.memref_squeeze %dma_wait3A_590 : memref<1x32x128xf32, #tpu.memory_space<vmem>> -> memref<32x128xf32, #tpu.memory_space<vmem>>
    %dma_wait3A_592 = arith.constant 0 : i32
    %dma_wait3A_593 = arith.constant 0 : i32
    %dma_wait3A_594 = tpu.memref_slice %arg5[%dma_wait3A_592, %dma_wait3A_593] : memref<32x1000000xf32, #tpu.memory_space<hbm>> -> memref<32x128xf32, #tpu.memory_space<hbm>>
    %dma_wait3A_595 = arith.constant 0 : i32
    %dma_wait3A_596 = arith.constant 0 : i32
    %dma_wait3A_597 = tpu.memref_slice %arg9[%dma_wait3A_587, %dma_wait3A_595, %dma_wait3A_596] : memref<8x32x128xf32, #tpu.memory_space<vmem>> -> memref<1x32x128xf32, #tpu.memory_space<vmem>>
    %dma_wait3A_598 = tpu.memref_squeeze %dma_wait3A_597 : memref<1x32x128xf32, #tpu.memory_space<vmem>> -> memref<32x128xf32, #tpu.memory_space<vmem>>
    %dma_wait3A_599 = arith.constant 0 : i32
    %dma_wait3A_600 = arith.constant 0 : i32
    %dma_wait3A_601 = tpu.memref_slice %arg5[%dma_wait3A_599, %dma_wait3A_600] : memref<32x1000000xf32, #tpu.memory_space<hbm>> -> memref<32x128xf32, #tpu.memory_space<hbm>>
    tpu.wait_dma2 semaphore(%arg14 : memref<!tpu.dma_semaphore, #tpu.memory_space<semaphore_mem>>) src(%dma_wait3A_601 : memref<32x128xf32, #tpu.memory_space<hbm>>) dst(%dma_wait3A_598 : memref<32x128xf32, #tpu.memory_space<vmem>>)
    %dma_wait3A_602 = arith.constant 4 : i32
    %dma_wait3A_603 = arith.constant 0 : i32
    %dma_wait3A_604 = arith.constant 0 : i32
    %dma_wait3A_605 = tpu.memref_slice %arg9[%dma_wait3A_602, %dma_wait3A_603, %dma_wait3A_604] : memref<8x32x128xf32, #tpu.memory_space<vmem>> -> memref<1x32x128xf32, #tpu.memory_space<vmem>>
    %dma_wait3A_606 = tpu.memref_squeeze %dma_wait3A_605 : memref<1x32x128xf32, #tpu.memory_space<vmem>> -> memref<32x128xf32, #tpu.memory_space<vmem>>
    %dma_wait3A_607 = arith.constant 0 : i32
    %dma_wait3A_608 = arith.constant 0 : i32
    %dma_wait3A_609 = tpu.memref_slice %arg5[%dma_wait3A_607, %dma_wait3A_608] : memref<32x1000000xf32, #tpu.memory_space<hbm>> -> memref<32x128xf32, #tpu.memory_space<hbm>>
    %dma_wait3A_610 = arith.constant 0 : i32
    %dma_wait3A_611 = arith.constant 0 : i32
    %dma_wait3A_612 = tpu.memref_slice %arg9[%dma_wait3A_602, %dma_wait3A_610, %dma_wait3A_611] : memref<8x32x128xf32, #tpu.memory_space<vmem>> -> memref<1x32x128xf32, #tpu.memory_space<vmem>>
    %dma_wait3A_613 = tpu.memref_squeeze %dma_wait3A_612 : memref<1x32x128xf32, #tpu.memory_space<vmem>> -> memref<32x128xf32, #tpu.memory_space<vmem>>
    %dma_wait3A_614 = arith.constant 0 : i32
    %dma_wait3A_615 = arith.constant 0 : i32
    %dma_wait3A_616 = tpu.memref_slice %arg5[%dma_wait3A_614, %dma_wait3A_615] : memref<32x1000000xf32, #tpu.memory_space<hbm>> -> memref<32x128xf32, #tpu.memory_space<hbm>>
    tpu.wait_dma2 semaphore(%arg14 : memref<!tpu.dma_semaphore, #tpu.memory_space<semaphore_mem>>) src(%dma_wait3A_616 : memref<32x128xf32, #tpu.memory_space<hbm>>) dst(%dma_wait3A_613 : memref<32x128xf32, #tpu.memory_space<vmem>>)
    %dma_wait3A_617 = arith.constant 5 : i32
    %dma_wait3A_618 = arith.constant 0 : i32
    %dma_wait3A_619 = arith.constant 0 : i32
    %dma_wait3A_620 = tpu.memref_slice %arg9[%dma_wait3A_617, %dma_wait3A_618, %dma_wait3A_619] : memref<8x32x128xf32, #tpu.memory_space<vmem>> -> memref<1x32x128xf32, #tpu.memory_space<vmem>>
    %dma_wait3A_621 = tpu.memref_squeeze %dma_wait3A_620 : memref<1x32x128xf32, #tpu.memory_space<vmem>> -> memref<32x128xf32, #tpu.memory_space<vmem>>
    %dma_wait3A_622 = arith.constant 0 : i32
    %dma_wait3A_623 = arith.constant 0 : i32
    %dma_wait3A_624 = tpu.memref_slice %arg5[%dma_wait3A_622, %dma_wait3A_623] : memref<32x1000000xf32, #tpu.memory_space<hbm>> -> memref<32x128xf32, #tpu.memory_space<hbm>>
    %dma_wait3A_625 = arith.constant 0 : i32
    %dma_wait3A_626 = arith.constant 0 : i32
    %dma_wait3A_627 = tpu.memref_slice %arg9[%dma_wait3A_617, %dma_wait3A_625, %dma_wait3A_626] : memref<8x32x128xf32, #tpu.memory_space<vmem>> -> memref<1x32x128xf32, #tpu.memory_space<vmem>>
    %dma_wait3A_628 = tpu.memref_squeeze %dma_wait3A_627 : memref<1x32x128xf32, #tpu.memory_space<vmem>> -> memref<32x128xf32, #tpu.memory_space<vmem>>
    %dma_wait3A_629 = arith.constant 0 : i32
    %dma_wait3A_630 = arith.constant 0 : i32
    %dma_wait3A_631 = tpu.memref_slice %arg5[%dma_wait3A_629, %dma_wait3A_630] : memref<32x1000000xf32, #tpu.memory_space<hbm>> -> memref<32x128xf32, #tpu.memory_space<hbm>>
    tpu.wait_dma2 semaphore(%arg14 : memref<!tpu.dma_semaphore, #tpu.memory_space<semaphore_mem>>) src(%dma_wait3A_631 : memref<32x128xf32, #tpu.memory_space<hbm>>) dst(%dma_wait3A_628 : memref<32x128xf32, #tpu.memory_space<vmem>>)
    %dma_wait3A_632 = arith.constant 6 : i32
    %dma_wait3A_633 = arith.constant 0 : i32
    %dma_wait3A_634 = arith.constant 0 : i32
    %dma_wait3A_635 = tpu.memref_slice %arg9[%dma_wait3A_632, %dma_wait3A_633, %dma_wait3A_634] : memref<8x32x128xf32, #tpu.memory_space<vmem>> -> memref<1x32x128xf32, #tpu.memory_space<vmem>>
    %dma_wait3A_636 = tpu.memref_squeeze %dma_wait3A_635 : memref<1x32x128xf32, #tpu.memory_space<vmem>> -> memref<32x128xf32, #tpu.memory_space<vmem>>
    %dma_wait3A_637 = arith.constant 0 : i32
    %dma_wait3A_638 = arith.constant 0 : i32
    %dma_wait3A_639 = tpu.memref_slice %arg5[%dma_wait3A_637, %dma_wait3A_638] : memref<32x1000000xf32, #tpu.memory_space<hbm>> -> memref<32x128xf32, #tpu.memory_space<hbm>>
    %dma_wait3A_640 = arith.constant 0 : i32
    %dma_wait3A_641 = arith.constant 0 : i32
    %dma_wait3A_642 = tpu.memref_slice %arg9[%dma_wait3A_632, %dma_wait3A_640, %dma_wait3A_641] : memref<8x32x128xf32, #tpu.memory_space<vmem>> -> memref<1x32x128xf32, #tpu.memory_space<vmem>>
    %dma_wait3A_643 = tpu.memref_squeeze %dma_wait3A_642 : memref<1x32x128xf32, #tpu.memory_space<vmem>> -> memref<32x128xf32, #tpu.memory_space<vmem>>
    %dma_wait3A_644 = arith.constant 0 : i32
    %dma_wait3A_645 = arith.constant 0 : i32
    %dma_wait3A_646 = tpu.memref_slice %arg5[%dma_wait3A_644, %dma_wait3A_645] : memref<32x1000000xf32, #tpu.memory_space<hbm>> -> memref<32x128xf32, #tpu.memory_space<hbm>>
    tpu.wait_dma2 semaphore(%arg14 : memref<!tpu.dma_semaphore, #tpu.memory_space<semaphore_mem>>) src(%dma_wait3A_646 : memref<32x128xf32, #tpu.memory_space<hbm>>) dst(%dma_wait3A_643 : memref<32x128xf32, #tpu.memory_space<vmem>>)
    %dma_wait3A_647 = arith.constant 7 : i32
    %dma_wait3A_648 = arith.constant 0 : i32
    %dma_wait3A_649 = arith.constant 0 : i32
    %dma_wait3A_650 = tpu.memref_slice %arg9[%dma_wait3A_647, %dma_wait3A_648, %dma_wait3A_649] : memref<8x32x128xf32, #tpu.memory_space<vmem>> -> memref<1x32x128xf32, #tpu.memory_space<vmem>>
    %dma_wait3A_651 = tpu.memref_squeeze %dma_wait3A_650 : memref<1x32x128xf32, #tpu.memory_space<vmem>> -> memref<32x128xf32, #tpu.memory_space<vmem>>
    %dma_wait3A_652 = arith.constant 0 : i32
    %dma_wait3A_653 = arith.constant 0 : i32
    %dma_wait3A_654 = tpu.memref_slice %arg5[%dma_wait3A_652, %dma_wait3A_653] : memref<32x1000000xf32, #tpu.memory_space<hbm>> -> memref<32x128xf32, #tpu.memory_space<hbm>>
    %dma_wait3A_655 = arith.constant 0 : i32
    %dma_wait3A_656 = arith.constant 0 : i32
    %dma_wait3A_657 = tpu.memref_slice %arg9[%dma_wait3A_647, %dma_wait3A_655, %dma_wait3A_656] : memref<8x32x128xf32, #tpu.memory_space<vmem>> -> memref<1x32x128xf32, #tpu.memory_space<vmem>>
    %dma_wait3A_658 = tpu.memref_squeeze %dma_wait3A_657 : memref<1x32x128xf32, #tpu.memory_space<vmem>> -> memref<32x128xf32, #tpu.memory_space<vmem>>
    %dma_wait3A_659 = arith.constant 0 : i32
    %dma_wait3A_660 = arith.constant 0 : i32
    %dma_wait3A_661 = tpu.memref_slice %arg5[%dma_wait3A_659, %dma_wait3A_660] : memref<32x1000000xf32, #tpu.memory_space<hbm>> -> memref<32x128xf32, #tpu.memory_space<hbm>>
    tpu.wait_dma2 semaphore(%arg14 : memref<!tpu.dma_semaphore, #tpu.memory_space<semaphore_mem>>) src(%dma_wait3A_661 : memref<32x128xf32, #tpu.memory_space<hbm>>) dst(%dma_wait3A_658 : memref<32x128xf32, #tpu.memory_space<vmem>>)
    %min3A_662 = arith.constant 0 : i32
    %min3A_663 = arith.constant 16 : i32
    %min3A_664 = arith.minsi %min3A_662, %min3A_663 : i32
    %while3A = arith.constant 0 : i32
    %while3A_665 = arith.constant 0 : i32
    %while3A_666 = arith.subi %min3A_664, %while3A_665 : i32
    %while3A_667 = arith.addi %while3A_665, %while3A_666 : i32
    %while3A_668 = arith.constant 1 : i32
    %while3A_669 = arith.divsi %while3A_666, %while3A_668 : i32
    %while3A_670 = arith.muli %while3A_669, %while3A_668 : i32
    %while3A_671 = arith.addi %while3A_665, %while3A_670 : i32
    %while3A_672 = arith.constant 1 : i32
    scf.for %while3A_674 = %while3A_665 to %while3A_671 step %while3A_672  : i32 {
      %dma_wait3A_675 = arith.constant 0 : i32
      %dma_wait3A_676 = tpu.memref_slice %arg13[%dma_wait3A_675] : memref<512xf32, #tpu.memory_space<vmem>> -> memref<32xf32, #tpu.memory_space<vmem>>
      %dma_wait3A_677 = arith.constant 0 : i32
      %dma_wait3A_678 = tpu.memref_slice %arg6[%dma_wait3A_677] : memref<524288xf32, #tpu.memory_space<hbm>> -> memref<32xf32, #tpu.memory_space<hbm>>
      %dma_wait3A_679 = arith.constant 0 : i32
      %dma_wait3A_680 = tpu.memref_slice %arg6[%dma_wait3A_679] : memref<524288xf32, #tpu.memory_space<hbm>> -> memref<32xf32, #tpu.memory_space<hbm>>
      %dma_wait3A_681 = arith.constant 0 : i32
      %dma_wait3A_682 = tpu.memref_slice %arg13[%dma_wait3A_681] : memref<512xf32, #tpu.memory_space<vmem>> -> memref<32xf32, #tpu.memory_space<vmem>>
      tpu.wait_dma2 semaphore(%arg16 : memref<!tpu.dma_semaphore, #tpu.memory_space<semaphore_mem>>) src(%dma_wait3A_682 : memref<32xf32, #tpu.memory_space<vmem>>) dst(%dma_wait3A_680 : memref<32xf32, #tpu.memory_space<hbm>>)
    }
    %while3A_673 = arith.constant 1 : i32
    scf.for %while3A_674 = %while3A_671 to %while3A_667 step %while3A_673  : i32 {
      %dma_wait3A_675 = arith.constant 0 : i32
      %dma_wait3A_676 = tpu.memref_slice %arg13[%dma_wait3A_675] : memref<512xf32, #tpu.memory_space<vmem>> -> memref<32xf32, #tpu.memory_space<vmem>>
      %dma_wait3A_677 = arith.constant 0 : i32
      %dma_wait3A_678 = tpu.memref_slice %arg6[%dma_wait3A_677] : memref<524288xf32, #tpu.memory_space<hbm>> -> memref<32xf32, #tpu.memory_space<hbm>>
      %dma_wait3A_679 = arith.constant 0 : i32
      %dma_wait3A_680 = tpu.memref_slice %arg6[%dma_wait3A_679] : memref<524288xf32, #tpu.memory_space<hbm>> -> memref<32xf32, #tpu.memory_space<hbm>>
      %dma_wait3A_681 = arith.constant 0 : i32
      %dma_wait3A_682 = tpu.memref_slice %arg13[%dma_wait3A_681] : memref<512xf32, #tpu.memory_space<vmem>> -> memref<32xf32, #tpu.memory_space<vmem>>
      tpu.wait_dma2 semaphore(%arg16 : memref<!tpu.dma_semaphore, #tpu.memory_space<semaphore_mem>>) src(%dma_wait3A_682 : memref<32xf32, #tpu.memory_space<vmem>>) dst(%dma_wait3A_680 : memref<32xf32, #tpu.memory_space<hbm>>)
    }
    return
  }
}

#map = affine_map<(d0, d1) -> (0)>
module attributes {stable_mosaic.version = 14 : i64} {
  func.func @_dot_body(%arg0: i32, %arg1: i32, %arg2: memref<16384xi32, #tpu.memory_space<hbm>>, %arg3: memref<16384xi32, #tpu.memory_space<hbm>>, %arg4: memref<524288xf32, #tpu.memory_space<hbm>>, %arg5: memref<524288xf32, #tpu.memory_space<hbm>>, %arg6: memref<1000000xf32, #tpu.memory_space<hbm>>, %arg7: memref<1000000xf32, #tpu.memory_space<hbm>>, %arg8: memref<16xf32, #tpu.memory_space<hbm>>, %arg9: memref<16384xf32, #tpu.memory_space<hbm>>, %arg10: memref<512xi32, #tpu.memory_space<vmem>>, %arg11: memref<512xi32, #tpu.memory_space<vmem>>, %arg12: memref<16384xf32, #tpu.memory_space<vmem>>, %arg13: memref<16384xf32, #tpu.memory_space<vmem>>, %arg14: memref<512xf32, #tpu.memory_space<vmem>>, %arg15: memref<512xf32, #tpu.memory_space<vmem>>, %arg16: memref<512xf32, #tpu.memory_space<vmem>>, %arg17: memref<16xf32, #tpu.memory_space<vmem>>, %arg18: memref<!tpu.dma_semaphore, #tpu.memory_space<semaphore_mem>>, %arg19: memref<!tpu.dma_semaphore, #tpu.memory_space<semaphore_mem>>) attributes {dimension_semantics = [#tpu.dimension_semantics<core_parallel>, #tpu.dimension_semantics<subcore_parallel>], iteration_bounds = array<i64: 2, 16>, scalar_prefetch = 0 : i64, scratch_operands = 10 : i64, tpu.core_type = #tpu.core_type<sc_vector_subcore>, window_params = [{transform_indices = #map}, {transform_indices = #map}, {transform_indices = #map}, {transform_indices = #map}, {transform_indices = #map}, {transform_indices = #map}, {transform_indices = #map}, {transform_indices = #map}]} {
    %mul3A = arith.constant 2 : i32
    %mul3A_0 = arith.muli %arg1, %mul3A : i32
    %add3A = arith.addi %mul3A_0, %arg0 : i32
    %mul3A_1 = arith.constant 512 : i32
    %mul3A_2 = arith.muli %add3A, %mul3A_1 : i32
    "tpu.region"() ({
      %run_scoped3A = tpu.sem_alloc : memref<!tpu.dma_semaphore, #tpu.memory_space<semaphore_mem>>
      %dma_start3A_22 = tpu.memref_slice %arg2[%mul3A_2] : memref<16384xi32, #tpu.memory_space<hbm>> -> memref<512xi32, #tpu.memory_space<hbm>>
      %dma_start3A_23 = tpu.memref_slice %arg2[%mul3A_2] : memref<16384xi32, #tpu.memory_space<hbm>> -> memref<512xi32, #tpu.memory_space<hbm>>
      tpu.enqueue_dma source(%dma_start3A_23 : memref<512xi32, #tpu.memory_space<hbm>>) target(%arg10 : memref<512xi32, #tpu.memory_space<vmem>>) target_semaphore(%run_scoped3A : memref<!tpu.dma_semaphore, #tpu.memory_space<semaphore_mem>>)
      %dma_wait3A_24 = tpu.memref_slice %arg2[%mul3A_2] : memref<16384xi32, #tpu.memory_space<hbm>> -> memref<512xi32, #tpu.memory_space<hbm>>
      %dma_wait3A_25 = tpu.memref_slice %arg2[%mul3A_2] : memref<16384xi32, #tpu.memory_space<hbm>> -> memref<512xi32, #tpu.memory_space<hbm>>
      tpu.wait_dma2 semaphore(%run_scoped3A : memref<!tpu.dma_semaphore, #tpu.memory_space<semaphore_mem>>) src(%dma_wait3A_25 : memref<512xi32, #tpu.memory_space<hbm>>) dst(%arg10 : memref<512xi32, #tpu.memory_space<vmem>>)
      tpu.yield
    }) : () -> ()
    "tpu.region"() ({
      %run_scoped3A = tpu.sem_alloc : memref<!tpu.dma_semaphore, #tpu.memory_space<semaphore_mem>>
      %dma_start3A_22 = tpu.memref_slice %arg3[%mul3A_2] : memref<16384xi32, #tpu.memory_space<hbm>> -> memref<512xi32, #tpu.memory_space<hbm>>
      %dma_start3A_23 = tpu.memref_slice %arg3[%mul3A_2] : memref<16384xi32, #tpu.memory_space<hbm>> -> memref<512xi32, #tpu.memory_space<hbm>>
      tpu.enqueue_dma source(%dma_start3A_23 : memref<512xi32, #tpu.memory_space<hbm>>) target(%arg11 : memref<512xi32, #tpu.memory_space<vmem>>) target_semaphore(%run_scoped3A : memref<!tpu.dma_semaphore, #tpu.memory_space<semaphore_mem>>)
      %dma_wait3A_24 = tpu.memref_slice %arg3[%mul3A_2] : memref<16384xi32, #tpu.memory_space<hbm>> -> memref<512xi32, #tpu.memory_space<hbm>>
      %dma_wait3A_25 = tpu.memref_slice %arg3[%mul3A_2] : memref<16384xi32, #tpu.memory_space<hbm>> -> memref<512xi32, #tpu.memory_space<hbm>>
      tpu.wait_dma2 semaphore(%run_scoped3A : memref<!tpu.dma_semaphore, #tpu.memory_space<semaphore_mem>>) src(%dma_wait3A_25 : memref<512xi32, #tpu.memory_space<hbm>>) dst(%arg11 : memref<512xi32, #tpu.memory_space<vmem>>)
      tpu.yield
    }) : () -> ()
    "tpu.region"() ({
      %run_scoped3A = tpu.sem_alloc : memref<!tpu.dma_semaphore, #tpu.memory_space<semaphore_mem>>
      tpu.enqueue_dma source(%arg8 : memref<16xf32, #tpu.memory_space<hbm>>) target(%arg17 : memref<16xf32, #tpu.memory_space<vmem>>) target_semaphore(%run_scoped3A : memref<!tpu.dma_semaphore, #tpu.memory_space<semaphore_mem>>)
      tpu.wait_dma2 semaphore(%run_scoped3A : memref<!tpu.dma_semaphore, #tpu.memory_space<semaphore_mem>>) src(%arg8 : memref<16xf32, #tpu.memory_space<hbm>>) dst(%arg17 : memref<16xf32, #tpu.memory_space<vmem>>)
      tpu.yield
    }) : () -> ()
    %mul3A_3 = arith.constant 32 : i32
    %mul3A_4 = arith.muli %mul3A_2, %mul3A_3 : i32
    "tpu.region"() ({
      %run_scoped3A = tpu.sem_alloc : memref<!tpu.dma_semaphore, #tpu.memory_space<semaphore_mem>>
      %dma_start3A_22 = tpu.memref_slice %arg4[%mul3A_4] : memref<524288xf32, #tpu.memory_space<hbm>> -> memref<16384xf32, #tpu.memory_space<hbm>>
      %dma_start3A_23 = tpu.memref_slice %arg4[%mul3A_4] : memref<524288xf32, #tpu.memory_space<hbm>> -> memref<16384xf32, #tpu.memory_space<hbm>>
      tpu.enqueue_dma source(%dma_start3A_23 : memref<16384xf32, #tpu.memory_space<hbm>>) target(%arg12 : memref<16384xf32, #tpu.memory_space<vmem>>) target_semaphore(%run_scoped3A : memref<!tpu.dma_semaphore, #tpu.memory_space<semaphore_mem>>)
      %dma_wait3A_24 = tpu.memref_slice %arg4[%mul3A_4] : memref<524288xf32, #tpu.memory_space<hbm>> -> memref<16384xf32, #tpu.memory_space<hbm>>
      %dma_wait3A_25 = tpu.memref_slice %arg4[%mul3A_4] : memref<524288xf32, #tpu.memory_space<hbm>> -> memref<16384xf32, #tpu.memory_space<hbm>>
      tpu.wait_dma2 semaphore(%run_scoped3A : memref<!tpu.dma_semaphore, #tpu.memory_space<semaphore_mem>>) src(%dma_wait3A_25 : memref<16384xf32, #tpu.memory_space<hbm>>) dst(%arg12 : memref<16384xf32, #tpu.memory_space<vmem>>)
      tpu.yield
    }) : () -> ()
    %mul3A_5 = arith.constant 32 : i32
    %mul3A_6 = arith.muli %mul3A_2, %mul3A_5 : i32
    "tpu.region"() ({
      %run_scoped3A = tpu.sem_alloc : memref<!tpu.dma_semaphore, #tpu.memory_space<semaphore_mem>>
      %dma_start3A_22 = tpu.memref_slice %arg5[%mul3A_6] : memref<524288xf32, #tpu.memory_space<hbm>> -> memref<16384xf32, #tpu.memory_space<hbm>>
      %dma_start3A_23 = tpu.memref_slice %arg5[%mul3A_6] : memref<524288xf32, #tpu.memory_space<hbm>> -> memref<16384xf32, #tpu.memory_space<hbm>>
      tpu.enqueue_dma source(%dma_start3A_23 : memref<16384xf32, #tpu.memory_space<hbm>>) target(%arg13 : memref<16384xf32, #tpu.memory_space<vmem>>) target_semaphore(%run_scoped3A : memref<!tpu.dma_semaphore, #tpu.memory_space<semaphore_mem>>)
      %dma_wait3A_24 = tpu.memref_slice %arg5[%mul3A_6] : memref<524288xf32, #tpu.memory_space<hbm>> -> memref<16384xf32, #tpu.memory_space<hbm>>
      %dma_wait3A_25 = tpu.memref_slice %arg5[%mul3A_6] : memref<524288xf32, #tpu.memory_space<hbm>> -> memref<16384xf32, #tpu.memory_space<hbm>>
      tpu.wait_dma2 semaphore(%run_scoped3A : memref<!tpu.dma_semaphore, #tpu.memory_space<semaphore_mem>>) src(%dma_wait3A_25 : memref<16384xf32, #tpu.memory_space<hbm>>) dst(%arg13 : memref<16384xf32, #tpu.memory_space<vmem>>)
      tpu.yield
    }) : () -> ()
    %dma_start3A = arith.constant 0 : i32
    %dma_start3A_7 = tpu.memref_slice %arg6[%dma_start3A] : memref<1000000xf32, #tpu.memory_space<hbm>> -> memref<1000000xf32, #tpu.memory_space<hbm>>
    tpu.enqueue_indirect_dma source(%dma_start3A_7 : memref<1000000xf32, #tpu.memory_space<hbm>>) target(%arg14 : memref<512xf32, #tpu.memory_space<vmem>>) offsets(%arg10 : memref<512xi32, #tpu.memory_space<vmem>>) semaphore(%arg18 : memref<!tpu.dma_semaphore, #tpu.memory_space<semaphore_mem>>)
    %dma_start3A_8 = arith.constant 0 : i32
    %dma_start3A_9 = tpu.memref_slice %arg7[%dma_start3A_8] : memref<1000000xf32, #tpu.memory_space<hbm>> -> memref<1000000xf32, #tpu.memory_space<hbm>>
    tpu.enqueue_indirect_dma source(%dma_start3A_9 : memref<1000000xf32, #tpu.memory_space<hbm>>) target(%arg15 : memref<512xf32, #tpu.memory_space<vmem>>) offsets(%arg11 : memref<512xi32, #tpu.memory_space<vmem>>) semaphore(%arg19 : memref<!tpu.dma_semaphore, #tpu.memory_space<semaphore_mem>>)
    %dma_wait3A = arith.constant 0 : i32
    %dma_wait3A_10 = tpu.memref_slice %arg6[%dma_wait3A] : memref<1000000xf32, #tpu.memory_space<hbm>> -> memref<1000000xf32, #tpu.memory_space<hbm>>
    tpu.wait_indirect_dma semaphore(%arg18 : memref<!tpu.dma_semaphore, #tpu.memory_space<semaphore_mem>>) src(%dma_wait3A_10 : memref<1000000xf32, #tpu.memory_space<hbm>>) dst(%arg14 : memref<512xf32, #tpu.memory_space<vmem>>)
    %dma_wait3A_11 = arith.constant 0 : i32
    %dma_wait3A_12 = tpu.memref_slice %arg7[%dma_wait3A_11] : memref<1000000xf32, #tpu.memory_space<hbm>> -> memref<1000000xf32, #tpu.memory_space<hbm>>
    tpu.wait_indirect_dma semaphore(%arg19 : memref<!tpu.dma_semaphore, #tpu.memory_space<semaphore_mem>>) src(%dma_wait3A_12 : memref<1000000xf32, #tpu.memory_space<hbm>>) dst(%arg15 : memref<512xf32, #tpu.memory_space<vmem>>)
    %get3A = arith.constant 0 : index
    %get3A_13 = tpu.vector_load %arg17[%get3A] {strides = array<i32>} : memref<16xf32, #tpu.memory_space<vmem>>, vector<16xf32>,
    %iota3A = tpu.iota {dimensions = array<i32: 0>} : vector<16xi32>
    %mul3A_14 = arith.constant 32 : i32
    %mul3A_15 = vector.broadcast %mul3A_14 : i32 to vector<16xi32>
    %mul3A_16 = arith.muli %iota3A, %mul3A_15 : vector<16xi32>
    %scan3A = arith.constant 0 : i32
    %scan3A_17 = arith.constant 0 : i32
    %scan3A_18 = arith.constant 32 : i32
    %scan3A_19 = arith.addi %scan3A_17, %scan3A_18 : i32
    %scan3A_20 = arith.constant 1 : i32
    scf.for %scan3A_22 = %scan3A_17 to %scan3A_19 step %scan3A_20  : i32 {
      %mul3A_23 = arith.constant 16 : i32
      %mul3A_24 = arith.muli %scan3A_22, %mul3A_23 : i32
      %get3A_25 = arith.index_cast %mul3A_24 : i32 to index
      %get3A_26 = tpu.vector_load %arg14[%get3A_25] {strides = array<i32>} : memref<512xf32, #tpu.memory_space<vmem>>, vector<16xf32>,
      %get3A_27 = arith.index_cast %mul3A_24 : i32 to index
      %get3A_28 = tpu.vector_load %arg15[%get3A_27] {strides = array<i32>} : memref<512xf32, #tpu.memory_space<vmem>>, vector<16xf32>,
      %add3A_29 = arith.addf %get3A_26, %get3A_28 : vector<16xf32>
      %add3A_30 = arith.addf %add3A_29, %get3A_13 : vector<16xf32>
      %mul3A_31 = arith.constant 32 : i32
      %mul3A_32 = arith.muli %mul3A_24, %mul3A_31 : i32
      %add3A_33 = arith.constant 0 : i32
      %add3A_34 = arith.addi %mul3A_32, %add3A_33 : i32
      %add3A_35 = vector.broadcast %add3A_34 : i32 to vector<16xi32>
      %add3A_36 = arith.addi %add3A_35, %mul3A_16 : vector<16xi32>
      %gather3A = tpu.vector_load_idx %arg12[%add3A_36] : memref<16384xf32, #tpu.memory_space<vmem>>[vector<16xi32>], vector<16xf32>,
      %gather3A_37 = tpu.vector_load_idx %arg13[%add3A_36] : memref<16384xf32, #tpu.memory_space<vmem>>[vector<16xi32>], vector<16xf32>,
      %mul3A_38 = arith.mulf %gather3A, %gather3A_37 : vector<16xf32>
      %add3A_39 = arith.addf %add3A_30, %mul3A_38 : vector<16xf32>
      %add3A_40 = arith.constant 1 : i32
      %add3A_41 = arith.addi %mul3A_32, %add3A_40 : i32
      %add3A_42 = vector.broadcast %add3A_41 : i32 to vector<16xi32>
      %add3A_43 = arith.addi %add3A_42, %mul3A_16 : vector<16xi32>
      %gather3A_44 = tpu.vector_load_idx %arg12[%add3A_43] : memref<16384xf32, #tpu.memory_space<vmem>>[vector<16xi32>], vector<16xf32>,
      %gather3A_45 = tpu.vector_load_idx %arg13[%add3A_43] : memref<16384xf32, #tpu.memory_space<vmem>>[vector<16xi32>], vector<16xf32>,
      %mul3A_46 = arith.mulf %gather3A_44, %gather3A_45 : vector<16xf32>
      %add3A_47 = arith.addf %add3A_39, %mul3A_46 : vector<16xf32>
      %add3A_48 = arith.constant 2 : i32
      %add3A_49 = arith.addi %mul3A_32, %add3A_48 : i32
      %add3A_50 = vector.broadcast %add3A_49 : i32 to vector<16xi32>
      %add3A_51 = arith.addi %add3A_50, %mul3A_16 : vector<16xi32>
      %gather3A_52 = tpu.vector_load_idx %arg12[%add3A_51] : memref<16384xf32, #tpu.memory_space<vmem>>[vector<16xi32>], vector<16xf32>,
      %gather3A_53 = tpu.vector_load_idx %arg13[%add3A_51] : memref<16384xf32, #tpu.memory_space<vmem>>[vector<16xi32>], vector<16xf32>,
      %mul3A_54 = arith.mulf %gather3A_52, %gather3A_53 : vector<16xf32>
      %add3A_55 = arith.addf %add3A_47, %mul3A_54 : vector<16xf32>
      %add3A_56 = arith.constant 3 : i32
      %add3A_57 = arith.addi %mul3A_32, %add3A_56 : i32
      %add3A_58 = vector.broadcast %add3A_57 : i32 to vector<16xi32>
      %add3A_59 = arith.addi %add3A_58, %mul3A_16 : vector<16xi32>
      %gather3A_60 = tpu.vector_load_idx %arg12[%add3A_59] : memref<16384xf32, #tpu.memory_space<vmem>>[vector<16xi32>], vector<16xf32>,
      %gather3A_61 = tpu.vector_load_idx %arg13[%add3A_59] : memref<16384xf32, #tpu.memory_space<vmem>>[vector<16xi32>], vector<16xf32>,
      %mul3A_62 = arith.mulf %gather3A_60, %gather3A_61 : vector<16xf32>
      %add3A_63 = arith.addf %add3A_55, %mul3A_62 : vector<16xf32>
      %add3A_64 = arith.constant 4 : i32
      %add3A_65 = arith.addi %mul3A_32, %add3A_64 : i32
      %add3A_66 = vector.broadcast %add3A_65 : i32 to vector<16xi32>
      %add3A_67 = arith.addi %add3A_66, %mul3A_16 : vector<16xi32>
      %gather3A_68 = tpu.vector_load_idx %arg12[%add3A_67] : memref<16384xf32, #tpu.memory_space<vmem>>[vector<16xi32>], vector<16xf32>,
      %gather3A_69 = tpu.vector_load_idx %arg13[%add3A_67] : memref<16384xf32, #tpu.memory_space<vmem>>[vector<16xi32>], vector<16xf32>,
      %mul3A_70 = arith.mulf %gather3A_68, %gather3A_69 : vector<16xf32>
      %add3A_71 = arith.addf %add3A_63, %mul3A_70 : vector<16xf32>
      %add3A_72 = arith.constant 5 : i32
      %add3A_73 = arith.addi %mul3A_32, %add3A_72 : i32
      %add3A_74 = vector.broadcast %add3A_73 : i32 to vector<16xi32>
      %add3A_75 = arith.addi %add3A_74, %mul3A_16 : vector<16xi32>
      %gather3A_76 = tpu.vector_load_idx %arg12[%add3A_75] : memref<16384xf32, #tpu.memory_space<vmem>>[vector<16xi32>], vector<16xf32>,
      %gather3A_77 = tpu.vector_load_idx %arg13[%add3A_75] : memref<16384xf32, #tpu.memory_space<vmem>>[vector<16xi32>], vector<16xf32>,
      %mul3A_78 = arith.mulf %gather3A_76, %gather3A_77 : vector<16xf32>
      %add3A_79 = arith.addf %add3A_71, %mul3A_78 : vector<16xf32>
      %add3A_80 = arith.constant 6 : i32
      %add3A_81 = arith.addi %mul3A_32, %add3A_80 : i32
      %add3A_82 = vector.broadcast %add3A_81 : i32 to vector<16xi32>
      %add3A_83 = arith.addi %add3A_82, %mul3A_16 : vector<16xi32>
      %gather3A_84 = tpu.vector_load_idx %arg12[%add3A_83] : memref<16384xf32, #tpu.memory_space<vmem>>[vector<16xi32>], vector<16xf32>,
      %gather3A_85 = tpu.vector_load_idx %arg13[%add3A_83] : memref<16384xf32, #tpu.memory_space<vmem>>[vector<16xi32>], vector<16xf32>,
      %mul3A_86 = arith.mulf %gather3A_84, %gather3A_85 : vector<16xf32>
      %add3A_87 = arith.addf %add3A_79, %mul3A_86 : vector<16xf32>
      %add3A_88 = arith.constant 7 : i32
      %add3A_89 = arith.addi %mul3A_32, %add3A_88 : i32
      %add3A_90 = vector.broadcast %add3A_89 : i32 to vector<16xi32>
      %add3A_91 = arith.addi %add3A_90, %mul3A_16 : vector<16xi32>
      %gather3A_92 = tpu.vector_load_idx %arg12[%add3A_91] : memref<16384xf32, #tpu.memory_space<vmem>>[vector<16xi32>], vector<16xf32>,
      %gather3A_93 = tpu.vector_load_idx %arg13[%add3A_91] : memref<16384xf32, #tpu.memory_space<vmem>>[vector<16xi32>], vector<16xf32>,
      %mul3A_94 = arith.mulf %gather3A_92, %gather3A_93 : vector<16xf32>
      %add3A_95 = arith.addf %add3A_87, %mul3A_94 : vector<16xf32>
      %add3A_96 = arith.constant 8 : i32
      %add3A_97 = arith.addi %mul3A_32, %add3A_96 : i32
      %add3A_98 = vector.broadcast %add3A_97 : i32 to vector<16xi32>
      %add3A_99 = arith.addi %add3A_98, %mul3A_16 : vector<16xi32>
      %gather3A_100 = tpu.vector_load_idx %arg12[%add3A_99] : memref<16384xf32, #tpu.memory_space<vmem>>[vector<16xi32>], vector<16xf32>,
      %gather3A_101 = tpu.vector_load_idx %arg13[%add3A_99] : memref<16384xf32, #tpu.memory_space<vmem>>[vector<16xi32>], vector<16xf32>,
      %mul3A_102 = arith.mulf %gather3A_100, %gather3A_101 : vector<16xf32>
      %add3A_103 = arith.addf %add3A_95, %mul3A_102 : vector<16xf32>
      %add3A_104 = arith.constant 9 : i32
      %add3A_105 = arith.addi %mul3A_32, %add3A_104 : i32
      %add3A_106 = vector.broadcast %add3A_105 : i32 to vector<16xi32>
      %add3A_107 = arith.addi %add3A_106, %mul3A_16 : vector<16xi32>
      %gather3A_108 = tpu.vector_load_idx %arg12[%add3A_107] : memref<16384xf32, #tpu.memory_space<vmem>>[vector<16xi32>], vector<16xf32>,
      %gather3A_109 = tpu.vector_load_idx %arg13[%add3A_107] : memref<16384xf32, #tpu.memory_space<vmem>>[vector<16xi32>], vector<16xf32>,
      %mul3A_110 = arith.mulf %gather3A_108, %gather3A_109 : vector<16xf32>
      %add3A_111 = arith.addf %add3A_103, %mul3A_110 : vector<16xf32>
      %add3A_112 = arith.constant 10 : i32
      %add3A_113 = arith.addi %mul3A_32, %add3A_112 : i32
      %add3A_114 = vector.broadcast %add3A_113 : i32 to vector<16xi32>
      %add3A_115 = arith.addi %add3A_114, %mul3A_16 : vector<16xi32>
      %gather3A_116 = tpu.vector_load_idx %arg12[%add3A_115] : memref<16384xf32, #tpu.memory_space<vmem>>[vector<16xi32>], vector<16xf32>,
      %gather3A_117 = tpu.vector_load_idx %arg13[%add3A_115] : memref<16384xf32, #tpu.memory_space<vmem>>[vector<16xi32>], vector<16xf32>,
      %mul3A_118 = arith.mulf %gather3A_116, %gather3A_117 : vector<16xf32>
      %add3A_119 = arith.addf %add3A_111, %mul3A_118 : vector<16xf32>
      %add3A_120 = arith.constant 11 : i32
      %add3A_121 = arith.addi %mul3A_32, %add3A_120 : i32
      %add3A_122 = vector.broadcast %add3A_121 : i32 to vector<16xi32>
      %add3A_123 = arith.addi %add3A_122, %mul3A_16 : vector<16xi32>
      %gather3A_124 = tpu.vector_load_idx %arg12[%add3A_123] : memref<16384xf32, #tpu.memory_space<vmem>>[vector<16xi32>], vector<16xf32>,
      %gather3A_125 = tpu.vector_load_idx %arg13[%add3A_123] : memref<16384xf32, #tpu.memory_space<vmem>>[vector<16xi32>], vector<16xf32>,
      %mul3A_126 = arith.mulf %gather3A_124, %gather3A_125 : vector<16xf32>
      %add3A_127 = arith.addf %add3A_119, %mul3A_126 : vector<16xf32>
      %add3A_128 = arith.constant 12 : i32
      %add3A_129 = arith.addi %mul3A_32, %add3A_128 : i32
      %add3A_130 = vector.broadcast %add3A_129 : i32 to vector<16xi32>
      %add3A_131 = arith.addi %add3A_130, %mul3A_16 : vector<16xi32>
      %gather3A_132 = tpu.vector_load_idx %arg12[%add3A_131] : memref<16384xf32, #tpu.memory_space<vmem>>[vector<16xi32>], vector<16xf32>,
      %gather3A_133 = tpu.vector_load_idx %arg13[%add3A_131] : memref<16384xf32, #tpu.memory_space<vmem>>[vector<16xi32>], vector<16xf32>,
      %mul3A_134 = arith.mulf %gather3A_132, %gather3A_133 : vector<16xf32>
      %add3A_135 = arith.addf %add3A_127, %mul3A_134 : vector<16xf32>
      %add3A_136 = arith.constant 13 : i32
      %add3A_137 = arith.addi %mul3A_32, %add3A_136 : i32
      %add3A_138 = vector.broadcast %add3A_137 : i32 to vector<16xi32>
      %add3A_139 = arith.addi %add3A_138, %mul3A_16 : vector<16xi32>
      %gather3A_140 = tpu.vector_load_idx %arg12[%add3A_139] : memref<16384xf32, #tpu.memory_space<vmem>>[vector<16xi32>], vector<16xf32>,
      %gather3A_141 = tpu.vector_load_idx %arg13[%add3A_139] : memref<16384xf32, #tpu.memory_space<vmem>>[vector<16xi32>], vector<16xf32>,
      %mul3A_142 = arith.mulf %gather3A_140, %gather3A_141 : vector<16xf32>
      %add3A_143 = arith.addf %add3A_135, %mul3A_142 : vector<16xf32>
      %add3A_144 = arith.constant 14 : i32
      %add3A_145 = arith.addi %mul3A_32, %add3A_144 : i32
      %add3A_146 = vector.broadcast %add3A_145 : i32 to vector<16xi32>
      %add3A_147 = arith.addi %add3A_146, %mul3A_16 : vector<16xi32>
      %gather3A_148 = tpu.vector_load_idx %arg12[%add3A_147] : memref<16384xf32, #tpu.memory_space<vmem>>[vector<16xi32>], vector<16xf32>,
      %gather3A_149 = tpu.vector_load_idx %arg13[%add3A_147] : memref<16384xf32, #tpu.memory_space<vmem>>[vector<16xi32>], vector<16xf32>,
      %mul3A_150 = arith.mulf %gather3A_148, %gather3A_149 : vector<16xf32>
      %add3A_151 = arith.addf %add3A_143, %mul3A_150 : vector<16xf32>
      %add3A_152 = arith.constant 15 : i32
      %add3A_153 = arith.addi %mul3A_32, %add3A_152 : i32
      %add3A_154 = vector.broadcast %add3A_153 : i32 to vector<16xi32>
      %add3A_155 = arith.addi %add3A_154, %mul3A_16 : vector<16xi32>
      %gather3A_156 = tpu.vector_load_idx %arg12[%add3A_155] : memref<16384xf32, #tpu.memory_space<vmem>>[vector<16xi32>], vector<16xf32>,
      %gather3A_157 = tpu.vector_load_idx %arg13[%add3A_155] : memref<16384xf32, #tpu.memory_space<vmem>>[vector<16xi32>], vector<16xf32>,
      %mul3A_158 = arith.mulf %gather3A_156, %gather3A_157 : vector<16xf32>
      %add3A_159 = arith.addf %add3A_151, %mul3A_158 : vector<16xf32>
      %add3A_160 = arith.constant 16 : i32
      %add3A_161 = arith.addi %mul3A_32, %add3A_160 : i32
      %add3A_162 = vector.broadcast %add3A_161 : i32 to vector<16xi32>
      %add3A_163 = arith.addi %add3A_162, %mul3A_16 : vector<16xi32>
      %gather3A_164 = tpu.vector_load_idx %arg12[%add3A_163] : memref<16384xf32, #tpu.memory_space<vmem>>[vector<16xi32>], vector<16xf32>,
      %gather3A_165 = tpu.vector_load_idx %arg13[%add3A_163] : memref<16384xf32, #tpu.memory_space<vmem>>[vector<16xi32>], vector<16xf32>,
      %mul3A_166 = arith.mulf %gather3A_164, %gather3A_165 : vector<16xf32>
      %add3A_167 = arith.addf %add3A_159, %mul3A_166 : vector<16xf32>
      %add3A_168 = arith.constant 17 : i32
      %add3A_169 = arith.addi %mul3A_32, %add3A_168 : i32
      %add3A_170 = vector.broadcast %add3A_169 : i32 to vector<16xi32>
      %add3A_171 = arith.addi %add3A_170, %mul3A_16 : vector<16xi32>
      %gather3A_172 = tpu.vector_load_idx %arg12[%add3A_171] : memref<16384xf32, #tpu.memory_space<vmem>>[vector<16xi32>], vector<16xf32>,
      %gather3A_173 = tpu.vector_load_idx %arg13[%add3A_171] : memref<16384xf32, #tpu.memory_space<vmem>>[vector<16xi32>], vector<16xf32>,
      %mul3A_174 = arith.mulf %gather3A_172, %gather3A_173 : vector<16xf32>
      %add3A_175 = arith.addf %add3A_167, %mul3A_174 : vector<16xf32>
      %add3A_176 = arith.constant 18 : i32
      %add3A_177 = arith.addi %mul3A_32, %add3A_176 : i32
      %add3A_178 = vector.broadcast %add3A_177 : i32 to vector<16xi32>
      %add3A_179 = arith.addi %add3A_178, %mul3A_16 : vector<16xi32>
      %gather3A_180 = tpu.vector_load_idx %arg12[%add3A_179] : memref<16384xf32, #tpu.memory_space<vmem>>[vector<16xi32>], vector<16xf32>,
      %gather3A_181 = tpu.vector_load_idx %arg13[%add3A_179] : memref<16384xf32, #tpu.memory_space<vmem>>[vector<16xi32>], vector<16xf32>,
      %mul3A_182 = arith.mulf %gather3A_180, %gather3A_181 : vector<16xf32>
      %add3A_183 = arith.addf %add3A_175, %mul3A_182 : vector<16xf32>
      %add3A_184 = arith.constant 19 : i32
      %add3A_185 = arith.addi %mul3A_32, %add3A_184 : i32
      %add3A_186 = vector.broadcast %add3A_185 : i32 to vector<16xi32>
      %add3A_187 = arith.addi %add3A_186, %mul3A_16 : vector<16xi32>
      %gather3A_188 = tpu.vector_load_idx %arg12[%add3A_187] : memref<16384xf32, #tpu.memory_space<vmem>>[vector<16xi32>], vector<16xf32>,
      %gather3A_189 = tpu.vector_load_idx %arg13[%add3A_187] : memref<16384xf32, #tpu.memory_space<vmem>>[vector<16xi32>], vector<16xf32>,
      %mul3A_190 = arith.mulf %gather3A_188, %gather3A_189 : vector<16xf32>
      %add3A_191 = arith.addf %add3A_183, %mul3A_190 : vector<16xf32>
      %add3A_192 = arith.constant 20 : i32
      %add3A_193 = arith.addi %mul3A_32, %add3A_192 : i32
      %add3A_194 = vector.broadcast %add3A_193 : i32 to vector<16xi32>
      %add3A_195 = arith.addi %add3A_194, %mul3A_16 : vector<16xi32>
      %gather3A_196 = tpu.vector_load_idx %arg12[%add3A_195] : memref<16384xf32, #tpu.memory_space<vmem>>[vector<16xi32>], vector<16xf32>,
      %gather3A_197 = tpu.vector_load_idx %arg13[%add3A_195] : memref<16384xf32, #tpu.memory_space<vmem>>[vector<16xi32>], vector<16xf32>,
      %mul3A_198 = arith.mulf %gather3A_196, %gather3A_197 : vector<16xf32>
      %add3A_199 = arith.addf %add3A_191, %mul3A_198 : vector<16xf32>
      %add3A_200 = arith.constant 21 : i32
      %add3A_201 = arith.addi %mul3A_32, %add3A_200 : i32
      %add3A_202 = vector.broadcast %add3A_201 : i32 to vector<16xi32>
      %add3A_203 = arith.addi %add3A_202, %mul3A_16 : vector<16xi32>
      %gather3A_204 = tpu.vector_load_idx %arg12[%add3A_203] : memref<16384xf32, #tpu.memory_space<vmem>>[vector<16xi32>], vector<16xf32>,
      %gather3A_205 = tpu.vector_load_idx %arg13[%add3A_203] : memref<16384xf32, #tpu.memory_space<vmem>>[vector<16xi32>], vector<16xf32>,
      %mul3A_206 = arith.mulf %gather3A_204, %gather3A_205 : vector<16xf32>
      %add3A_207 = arith.addf %add3A_199, %mul3A_206 : vector<16xf32>
      %add3A_208 = arith.constant 22 : i32
      %add3A_209 = arith.addi %mul3A_32, %add3A_208 : i32
      %add3A_210 = vector.broadcast %add3A_209 : i32 to vector<16xi32>
      %add3A_211 = arith.addi %add3A_210, %mul3A_16 : vector<16xi32>
      %gather3A_212 = tpu.vector_load_idx %arg12[%add3A_211] : memref<16384xf32, #tpu.memory_space<vmem>>[vector<16xi32>], vector<16xf32>,
      %gather3A_213 = tpu.vector_load_idx %arg13[%add3A_211] : memref<16384xf32, #tpu.memory_space<vmem>>[vector<16xi32>], vector<16xf32>,
      %mul3A_214 = arith.mulf %gather3A_212, %gather3A_213 : vector<16xf32>
      %add3A_215 = arith.addf %add3A_207, %mul3A_214 : vector<16xf32>
      %add3A_216 = arith.constant 23 : i32
      %add3A_217 = arith.addi %mul3A_32, %add3A_216 : i32
      %add3A_218 = vector.broadcast %add3A_217 : i32 to vector<16xi32>
      %add3A_219 = arith.addi %add3A_218, %mul3A_16 : vector<16xi32>
      %gather3A_220 = tpu.vector_load_idx %arg12[%add3A_219] : memref<16384xf32, #tpu.memory_space<vmem>>[vector<16xi32>], vector<16xf32>,
      %gather3A_221 = tpu.vector_load_idx %arg13[%add3A_219] : memref<16384xf32, #tpu.memory_space<vmem>>[vector<16xi32>], vector<16xf32>,
      %mul3A_222 = arith.mulf %gather3A_220, %gather3A_221 : vector<16xf32>
      %add3A_223 = arith.addf %add3A_215, %mul3A_222 : vector<16xf32>
      %add3A_224 = arith.constant 24 : i32
      %add3A_225 = arith.addi %mul3A_32, %add3A_224 : i32
      %add3A_226 = vector.broadcast %add3A_225 : i32 to vector<16xi32>
      %add3A_227 = arith.addi %add3A_226, %mul3A_16 : vector<16xi32>
      %gather3A_228 = tpu.vector_load_idx %arg12[%add3A_227] : memref<16384xf32, #tpu.memory_space<vmem>>[vector<16xi32>], vector<16xf32>,
      %gather3A_229 = tpu.vector_load_idx %arg13[%add3A_227] : memref<16384xf32, #tpu.memory_space<vmem>>[vector<16xi32>], vector<16xf32>,
      %mul3A_230 = arith.mulf %gather3A_228, %gather3A_229 : vector<16xf32>
      %add3A_231 = arith.addf %add3A_223, %mul3A_230 : vector<16xf32>
      %add3A_232 = arith.constant 25 : i32
      %add3A_233 = arith.addi %mul3A_32, %add3A_232 : i32
      %add3A_234 = vector.broadcast %add3A_233 : i32 to vector<16xi32>
      %add3A_235 = arith.addi %add3A_234, %mul3A_16 : vector<16xi32>
      %gather3A_236 = tpu.vector_load_idx %arg12[%add3A_235] : memref<16384xf32, #tpu.memory_space<vmem>>[vector<16xi32>], vector<16xf32>,
      %gather3A_237 = tpu.vector_load_idx %arg13[%add3A_235] : memref<16384xf32, #tpu.memory_space<vmem>>[vector<16xi32>], vector<16xf32>,
      %mul3A_238 = arith.mulf %gather3A_236, %gather3A_237 : vector<16xf32>
      %add3A_239 = arith.addf %add3A_231, %mul3A_238 : vector<16xf32>
      %add3A_240 = arith.constant 26 : i32
      %add3A_241 = arith.addi %mul3A_32, %add3A_240 : i32
      %add3A_242 = vector.broadcast %add3A_241 : i32 to vector<16xi32>
      %add3A_243 = arith.addi %add3A_242, %mul3A_16 : vector<16xi32>
      %gather3A_244 = tpu.vector_load_idx %arg12[%add3A_243] : memref<16384xf32, #tpu.memory_space<vmem>>[vector<16xi32>], vector<16xf32>,
      %gather3A_245 = tpu.vector_load_idx %arg13[%add3A_243] : memref<16384xf32, #tpu.memory_space<vmem>>[vector<16xi32>], vector<16xf32>,
      %mul3A_246 = arith.mulf %gather3A_244, %gather3A_245 : vector<16xf32>
      %add3A_247 = arith.addf %add3A_239, %mul3A_246 : vector<16xf32>
      %add3A_248 = arith.constant 27 : i32
      %add3A_249 = arith.addi %mul3A_32, %add3A_248 : i32
      %add3A_250 = vector.broadcast %add3A_249 : i32 to vector<16xi32>
      %add3A_251 = arith.addi %add3A_250, %mul3A_16 : vector<16xi32>
      %gather3A_252 = tpu.vector_load_idx %arg12[%add3A_251] : memref<16384xf32, #tpu.memory_space<vmem>>[vector<16xi32>], vector<16xf32>,
      %gather3A_253 = tpu.vector_load_idx %arg13[%add3A_251] : memref<16384xf32, #tpu.memory_space<vmem>>[vector<16xi32>], vector<16xf32>,
      %mul3A_254 = arith.mulf %gather3A_252, %gather3A_253 : vector<16xf32>
      %add3A_255 = arith.addf %add3A_247, %mul3A_254 : vector<16xf32>
      %add3A_256 = arith.constant 28 : i32
      %add3A_257 = arith.addi %mul3A_32, %add3A_256 : i32
      %add3A_258 = vector.broadcast %add3A_257 : i32 to vector<16xi32>
      %add3A_259 = arith.addi %add3A_258, %mul3A_16 : vector<16xi32>
      %gather3A_260 = tpu.vector_load_idx %arg12[%add3A_259] : memref<16384xf32, #tpu.memory_space<vmem>>[vector<16xi32>], vector<16xf32>,
      %gather3A_261 = tpu.vector_load_idx %arg13[%add3A_259] : memref<16384xf32, #tpu.memory_space<vmem>>[vector<16xi32>], vector<16xf32>,
      %mul3A_262 = arith.mulf %gather3A_260, %gather3A_261 : vector<16xf32>
      %add3A_263 = arith.addf %add3A_255, %mul3A_262 : vector<16xf32>
      %add3A_264 = arith.constant 29 : i32
      %add3A_265 = arith.addi %mul3A_32, %add3A_264 : i32
      %add3A_266 = vector.broadcast %add3A_265 : i32 to vector<16xi32>
      %add3A_267 = arith.addi %add3A_266, %mul3A_16 : vector<16xi32>
      %gather3A_268 = tpu.vector_load_idx %arg12[%add3A_267] : memref<16384xf32, #tpu.memory_space<vmem>>[vector<16xi32>], vector<16xf32>,
      %gather3A_269 = tpu.vector_load_idx %arg13[%add3A_267] : memref<16384xf32, #tpu.memory_space<vmem>>[vector<16xi32>], vector<16xf32>,
      %mul3A_270 = arith.mulf %gather3A_268, %gather3A_269 : vector<16xf32>
      %add3A_271 = arith.addf %add3A_263, %mul3A_270 : vector<16xf32>
      %add3A_272 = arith.constant 30 : i32
      %add3A_273 = arith.addi %mul3A_32, %add3A_272 : i32
      %add3A_274 = vector.broadcast %add3A_273 : i32 to vector<16xi32>
      %add3A_275 = arith.addi %add3A_274, %mul3A_16 : vector<16xi32>
      %gather3A_276 = tpu.vector_load_idx %arg12[%add3A_275] : memref<16384xf32, #tpu.memory_space<vmem>>[vector<16xi32>], vector<16xf32>,
      %gather3A_277 = tpu.vector_load_idx %arg13[%add3A_275] : memref<16384xf32, #tpu.memory_space<vmem>>[vector<16xi32>], vector<16xf32>,
      %mul3A_278 = arith.mulf %gather3A_276, %gather3A_277 : vector<16xf32>
      %add3A_279 = arith.addf %add3A_271, %mul3A_278 : vector<16xf32>
      %add3A_280 = arith.constant 31 : i32
      %add3A_281 = arith.addi %mul3A_32, %add3A_280 : i32
      %add3A_282 = vector.broadcast %add3A_281 : i32 to vector<16xi32>
      %add3A_283 = arith.addi %add3A_282, %mul3A_16 : vector<16xi32>
      %gather3A_284 = tpu.vector_load_idx %arg12[%add3A_283] : memref<16384xf32, #tpu.memory_space<vmem>>[vector<16xi32>], vector<16xf32>,
      %gather3A_285 = tpu.vector_load_idx %arg13[%add3A_283] : memref<16384xf32, #tpu.memory_space<vmem>>[vector<16xi32>], vector<16xf32>,
      %mul3A_286 = arith.mulf %gather3A_284, %gather3A_285 : vector<16xf32>
      %add3A_287 = arith.addf %add3A_279, %mul3A_286 : vector<16xf32>
      %neg3A = arith.constant 0.000000e+00 : f32
      %neg3A_288 = vector.broadcast %neg3A : f32 to vector<16xf32>
      %neg3A_289 = arith.subf %neg3A_288, %add3A_287 : vector<16xf32>
      %exp3A = math.exp %neg3A_289 : vector<16xf32>
      %add3A_290 = arith.constant 1.000000e+00 : f32
      %add3A_291 = vector.broadcast %add3A_290 : f32 to vector<16xf32>
      %add3A_292 = arith.addf %add3A_291, %exp3A : vector<16xf32>
      %div3A = arith.constant 1.000000e+00 : f32
      %div3A_293 = vector.broadcast %div3A : f32 to vector<16xf32>
      %div3A_294 = arith.divf %div3A_293, %add3A_292 : vector<16xf32>
      %swap3A = arith.index_cast %mul3A_24 : i32 to index
      %swap3A_295 = tpu.vector_load %arg16[%swap3A] {strides = array<i32>} : memref<512xf32, #tpu.memory_space<vmem>>, vector<16xf32>,
      tpu.vector_store %arg16[%swap3A], %div3A_294 {strides = array<i32>} : memref<512xf32, #tpu.memory_space<vmem>>, vector<16xf32>,
    }
    %scan3A_21 = arith.constant 32 : i32
    "tpu.region"() ({
      %run_scoped3A = tpu.sem_alloc : memref<!tpu.dma_semaphore, #tpu.memory_space<semaphore_mem>>
      %dma_start3A_22 = tpu.memref_slice %arg9[%mul3A_2] : memref<16384xf32, #tpu.memory_space<hbm>> -> memref<512xf32, #tpu.memory_space<hbm>>
      %dma_start3A_23 = tpu.memref_slice %arg9[%mul3A_2] : memref<16384xf32, #tpu.memory_space<hbm>> -> memref<512xf32, #tpu.memory_space<hbm>>
      tpu.enqueue_dma source(%arg16 : memref<512xf32, #tpu.memory_space<vmem>>) target(%dma_start3A_23 : memref<512xf32, #tpu.memory_space<hbm>>) target_semaphore(%run_scoped3A : memref<!tpu.dma_semaphore, #tpu.memory_space<semaphore_mem>>)
      %dma_wait3A_24 = tpu.memref_slice %arg9[%mul3A_2] : memref<16384xf32, #tpu.memory_space<hbm>> -> memref<512xf32, #tpu.memory_space<hbm>>
      %dma_wait3A_25 = tpu.memref_slice %arg9[%mul3A_2] : memref<16384xf32, #tpu.memory_space<hbm>> -> memref<512xf32, #tpu.memory_space<hbm>>
      tpu.wait_dma2 semaphore(%run_scoped3A : memref<!tpu.dma_semaphore, #tpu.memory_space<semaphore_mem>>) src(%arg16 : memref<512xf32, #tpu.memory_space<vmem>>) dst(%dma_wait3A_25 : memref<512xf32, #tpu.memory_space<hbm>>)
      tpu.yield
    }) : () -> ()
    return
  }
}

</mosaic_0001>

<sc_bundles>
// kernel: kernel.4.cloned.1.call-start
scs
__scs_entry_jumppad:
0x0: {  	(pc) =	sbr.rel $0x88, $3  }
0x1: {  	(tag) =	ssettag $0x0;
	lr =	simm.s32 $0x1  }
0x2: {  	[smem:$0x3F9A] =	sst lr;
	_ =	strace $0xD0000000  }
0x3: {  	_ = 	snop  }
0x4: {  	_ = 	snop  }
0x5: {  	_ = 	snop  }
0x6: {  	_ = 	snop  }
0x7: {  	_ = 	snop  }
__scs_overlays_trampoline_lowered:
0x8: {  	[smem:$0x3FA9] =	sst s0  }
0x9: {  	[smem:$0x3FAA] =	sst s1  }
0xa: {  	[smem:$0x3FAB] =	sst s2  }
0xb: {  	[smem:$0x3FAC] =	sst s3  }
0xc: {  	[smem:$0x3FAD] =	sst s4  }
0xd: {  	[smem:$0x3FAE] =	sst s5  }
0xe: {  	[smem:$0x3FAF] =	sst s6  }
0xf: {  	[smem:$0x3FB0] =	sst s7  }
0x10: {  	[smem:$0x3FB1] =	sst s8  }
0x11: {  	[smem:$0x3FB2] =	sst s9;
	s0 =	simm.s32 @!p0 $0x0  }
0x12: {  	s1 =	sld [smem:$0x3F98];
	s0 =	simm.s32 @p0 $0x1  }
0x13: {  	[smem:$0x3FB3] =	sst s0;
	s0 =	simm.s32 @!p1 $0x0  }
0x14: {  	s2 =	sld [smem:$0x3F97];
	s0 =	simm.s32 @p1 $0x1  }
0x15: {  	[smem:$0x3FB4] =	sst s0;
	s0 =	simm.s32 @!p2 $0x0  }
0x16: {  	s3 =	sld [smem:$0x3FDB];
	s0 =	simm.s32 @p2 $0x1  }
0x17: {  	s4 =	simm.s32 $0x1BF5;
	[smem:$0x3FB6] =	sst s0  }
0x18: {  	s0 =	sld [smem:$0x3F99];
	_ =	swait.ge [sflag:s4], $0x0  }
0x19: {  	s7 =	sld [smem:$0x3F9A]  }
0x1a: {  	s8 =	sadd.s32 $0xFFFFE003, lr  }
0x1b: {  	s9 =	sadd.s32 $0xFFFFFEF7, lr;
	s5 =	simm.s32 $0xFFFFFFFF;
	p2 =	slt.u32 s8, $0xFFFFF086  }
0x1c: {  	p1 =	slt.u32 s9, $0xF7A;
	s5 =	simm.s32 @!p2 $0x0  }
0x1d: {  	s5 =	simm.s32 @p1 $0x1;
	p0 =	seq.s32 s7, s2  }
0x1e: {  	s7 =	smul.u32 @!p0 $0xF7A, s2;
	p2 =	seq.s32 @!p0 s5, $0x0  }
0x1f: {  	s9 =	smul.u32 $0xF7A, s1;
	s8 =	simm.s32 @!p0 $0x1BF5;
	p2 =	por !p2, p0  }
0x20: {  	[sflag:s8] =	ssyncset.s32 @!p0 $0xFFFFF086;
	s6 =	sadd.s32 @!p0 s3, s7;
	s7 =	simm.s32 @!p0 $0x108  }
0x21: {  	s3 =	sadd.s32 s3, s9;
	s6 =	sadd.s32 @!p0 $0x88, s6;
	s7 =	simm.s32 @p2 $0x1082  }
0x22: {  	[simem:s7], [sflag:s8] =	dma.local @!p0 [hbm:s6], $0xF7A  }
0x23: {  	s9 =	sor.u32 $0xD0000000, s2;
	s6 =	simm.s32 $0x108;
	_ =	swait.ge @!p0 [sflag:s8], $0x0  }
0x24: {  	s3 =	sadd.s32 $0x88, s3;
	s6 =	simm.s32 @!p1 $0x1082;
	[sflag:s4] =	ssyncset.s32 $0xFFFFF086  }
0x25: {  	[simem:s6], [sflag:s4] =	dma.local [hbm:s3], $0xF7A  }
0x26: {  	[smem:$0x3F9A] =	sst s1;
	(tag) =	ssettag s2;
	_ =	strace s9  }
0x27: {  	s1 =	sld [smem:$0x3FAA]  }
0x28: {  	s2 =	sld [smem:$0x3FAB]  }
0x29: {  	s4 =	sld [smem:$0x3FAD]  }
0x2a: {  	p0 =	seq.s32 s5, $0x0;
	s5 =	sld [smem:$0x3FAE]  }
0x2b: {  	s6 =	sld [smem:$0x3FAF]  }
0x2c: {  	s7 =	sld [smem:$0x3FB0]  }
0x2d: {  	s3 =	simm.s32 $0x108;
	s8 =	sld [smem:$0x3FB1]  }
0x2e: {  	s3 =	simm.s32 @!p0 $0x1082;
	s9 =	sld [smem:$0x3FB2]  }
0x2f: {  	lr =	sadd.s32 s0, s3;
	s0 =	sld [smem:$0x3FA9]  }
0x30: {  	s3 =	sld [smem:$0x3FAC]  }
0x31: {  	[smem:$0x3FB5] =	sst s10  }
0x32: {  	s10 =	sld [smem:$0x3FB3];
	_ =	sdelay $0x3  }
0x33: {  	p0 =	seq.s32 s10, $0x1;
	s10 =	sld [smem:$0x3FB5];
	_ =	sdelay $0x3  }
0x34: {  	[smem:$0x3FB5] =	sst s10  }
0x35: {  	s10 =	sld [smem:$0x3FB4];
	_ =	sdelay $0x3  }
0x36: {  	p1 =	seq.s32 s10, $0x1;
	s10 =	sld [smem:$0x3FB5];
	_ =	sdelay $0x3  }
0x37: {  	[smem:$0x3FB5] =	sst s10  }
0x38: {  	s10 =	sld [smem:$0x3FB6]  }
0x39: {  	_ = 	snop;
	(pc) =	sbr.ind lr, $3  }
0x3a: {  	_ = 	snop  }
0x3b: {  	_ = 	snop  }
0x3c: {  	p2 =	seq.s32 s10, $0x1;
	s10 =	sld [smem:$0x3FB5]  }
0x3d: {  	_ =	shalt  }
0x3e: {  	_ =	shalt  }
0x3f: {  	_ =	shalt  }
0x40: {  	_ =	shalt  }
0x41: {  	_ =	shalt  }
0x42: {  	_ =	shalt  }
0x43: {  	_ =	shalt  }
0x44: {  	_ =	shalt  }
0x45: {  	_ =	shalt  }
0x46: {  	_ =	shalt  }
0x47: {  	_ =	shalt  }
0x48: {  	_ =	shalt  }
0x49: {  	_ =	shalt  }
0x4a: {  	_ =	shalt  }
0x4b: {  	_ =	shalt  }
0x4c: {  	_ =	shalt  }
0x4d: {  	_ =	shalt  }
0x4e: {  	_ =	shalt  }
0x4f: {  	_ =	shalt  }
0x50: {  	_ =	shalt  }
0x51: {  	_ =	shalt  }
0x52: {  	_ =	shalt  }
0x53: {  	_ =	shalt  }
0x54: {  	_ =	shalt  }
0x55: {  	_ =	shalt  }
0x56: {  	_ =	shalt  }
0x57: {  	_ =	shalt  }
0x58: {  	_ =	shalt  }
0x59: {  	_ =	shalt  }
0x5a: {  	_ =	shalt  }
0x5b: {  	_ =	shalt  }
0x5c: {  	_ =	shalt  }
0x5d: {  	_ =	shalt  }
0x5e: {  	_ =	shalt  }
0x5f: {  	_ =	shalt  }
0x60: {  	_ =	shalt  }
0x61: {  	_ =	shalt  }
0x62: {  	_ =	shalt  }
0x63: {  	_ =	shalt  }
0x64: {  	_ =	shalt  }
0x65: {  	_ =	shalt  }
0x66: {  	_ =	shalt  }
0x67: {  	_ =	shalt  }
0x68: {  	_ =	shalt  }
0x69: {  	_ =	shalt  }
0x6a: {  	_ =	shalt  }
0x6b: {  	_ =	shalt  }
0x6c: {  	_ =	shalt  }
0x6d: {  	_ =	shalt  }
0x6e: {  	_ =	shalt  }
0x6f: {  	_ =	shalt  }
0x70: {  	_ =	shalt  }
0x71: {  	_ =	shalt  }
0x72: {  	_ =	shalt  }
0x73: {  	_ =	shalt  }
0x74: {  	_ =	shalt  }
0x75: {  	_ =	shalt  }
0x76: {  	_ =	shalt  }
0x77: {  	_ =	shalt  }
0x78: {  	_ =	shalt  }
0x79: {  	_ =	shalt  }
0x7a: {  	_ =	shalt  }
0x7b: {  	_ =	shalt  }
0x7c: {  	_ =	shalt  }
0x7d: {  	_ =	shalt  }
0x7e: {  	_ =	shalt  }
0x7f: {  	_ =	shalt  }
0x80: {  	_ =	shalt  }
0x81: {  	_ =	shalt  }
0x82: {  	_ =	shalt  }
0x83: {  	_ =	shalt  }
0x84: {  	_ =	shalt  }
0x85: {  	_ =	shalt  }
0x86: {  	_ =	shalt  }
0x87: {  	_ =	shalt  }
.Lfunc_end0:
.L_simem_size_0:
called_computation_lowered:
.L_overlay_start_0:
0x88: {  	s2 =	sld [smem:$0x3FD9]  }
0x89: {  	s3 =	sld [smem:$0x3FFE];
	_ =	sdelay $0x1  }
0x8a: {  	s1 =	srdreg.scid  }
0x8b: {  	s0 =	sand.u32 $0x1, s1  }
0x8c: {  	s18 =	sshll.u32 s0, $0xA;
	s2 =	sadd.s32 s3, s2  }
0x8d: {  	s2 =	sadd.s32 s2, s18  }
0x8e: {  	[smem:$0x3FC1] =	sst s2  }
0x8f: {  	_ = 	snop  }
0x90: {  	s2 =	sld [smem:$0x3FC9]  }
0x91: {  	s19 =	sld [smem:$0x3FC8]  }
0x92: {  	s4 =	sld [smem:$0x3FC7]  }
0x93: {  	s5 =	sld [smem:$0x3FC6];
	(tm) =	ssettm $0x1  }
0x94: {  	s6 =	sld [smem:$0x3FFB];
	_ =	sdelay $0x3  }
0x95: {  	_ =	strace s6  }
0x96: {  	s6 =	sld [smem:$0x3FFC];
	_ =	sdelay $0x3  }
0x97: {  	_ =	strace s6  }
0x98: {  	s6 =	sld [smem:$0x3FFD];
	_ =	sdelay $0x3  }
0x99: {  	_ =	strace s6  }
0x9a: {  	_ =	strace $0x8FFFFFFF  }
0x9b: {  	s20 =	sld [smem:$0x3FDB];
	_ =	sdelay $0x1  }
0x9c: {  	s7 =	simm.s32 $_scs_section_size  }
0x9d: {  	s8 =	simm.s32 $_size__tile_overlayer_lowered;
	s9 =	simm.s32 $_tile_overlayer_lowered  }
0x9e: {  	s23 =	simm.s32 $0x1BFF;
	s22 =	sshll.u32 s9, $0x1;
	s6 =	sadd.s32 s7, s20  }
0x9f: {  	s10 =	simm.s32 $0x0;
	s21 =	sshll.u32 s8, $0x1;
	s8 =	sadd.s32 s22, s6  }
0xa0: {  	[timem:s10], [sflag:s23] =	dma.local [hbm:s8], s21  }
0xa1: {  	_ =	swait.ge [sflag:s23], s21  }
0xa2: {  	s7 =	ssub.s32 $0x0, s21;
	[sflag:s23] =	ssyncset.done $0x0  }
0xa3: {  	[sflag:s23] =	ssyncadd.s32 s7;
	_ =	sdelay $0x1  }
0xa4: {  	s24 =	simm.s32 $0x1B8B  }
0xa5: {  	_ =	swait.ge [sflag:s24], $0x1  }
0xa6: {  	[sflag:s24] =	ssyncset.done $0x0  }
0xa7: {  	s25 =	simm.s32 $0x1B8E;
	[sflag:s24] =	ssyncadd.s32 $0xFFFFFFFF  }
0xa8: {  	s26 =	simm.s32 $execute0_lowered;
	[smem:$0x3FD2] =	sst s25  }
0xa9: {  	s7 =	sshll.u32 s26, $0x1;
	_ =	strace $0x80000046;
	[dreg:$0x1] =	wrdreg $0xFFFFFFFF  }
0xaa: {  	s28 =	simm.s32 $_size_execute0_lowered;
	s6 =	sadd.s32 s6, s7;
	[dreg:$0x0] =	wrdreg $0x0  }
0xab: {  	s7 =	sshll.u32 s28, $0x1;
	[dreg:$0x2] =	wrdreg s6  }
0xac: {  	[dreg:$0x3] =	wrdreg s7  }
0xad: {  	[dreg:$0x4] =	wrdreg $0xC0  }
0xae: {  	_ =	task [dreg:s10], $0x5FFFF  }
0xaf: {  	[dreg:$0x1] =	wrdreg $0xFFFFFFFF  }
0xb0: {  	[dreg:$0x0] =	wrdreg $0x60  }
0xb1: {  	[dreg:$0x2] =	wrdreg s2  }
0xb2: {  	[dreg:$0x3] =	wrdreg s19  }
0xb3: {  	[dreg:$0x4] =	wrdreg s4  }
0xb4: {  	[dreg:$0x5] =	wrdreg s5  }
0xb5: {  	[dreg:$0x6] =	wrdreg $0x9  }
0xb6: {  	_ =	task.clear_ibuf [dreg:s10], $0x7FFFF;
	_ =	strace $0x90000046  }
0xb7: {  	s29 =	simm.s32 $0x9;
	_ =	strace $0x80000048  }
0xb8: {  	_ =	swait.ge [sflag:s29], $0x1  }
0xb9: {  	[sflag:s29] =	ssyncadd.s32 $0xFFFFFFFF  }
0xba: {  	_ =	strace $0x90000048  }
0xbb: {  	_ =	sfence  }
0xbc: {  	s30 =	sld [smem:$0x0];
	_ =	sdelay $0x2  }
0xbd: {  	s31 =	sshll.u32 s1, $0xD;
	s1 =	sshrl.u32 s1, $0x2  }
0xbe: {  	s3 =	sand.u32 $0x4000, s31;
	s1 =	sadd.s32 s1, s30  }
0xbf: {  	s0 =	sor.u32 s3, s0;
	s1 =	sshll.u32 s1, $0x11  }
0xc0: {  	s0 =	sor.u32 s1, s0  }
0xc1: {  	s0 =	sadd.s32 $0x8F2B, s0  }
0xc2: {  	[sflag:s0] =	ssyncadd.remote.s32 $0x1  }
0xc3: {  	_ =	sfence.sel $0xFFFF  }
0xc4: {  	[dreg:$0x0] =	wrdreg $0xFFFFFFFF;
	(pc) =	sbr.abs _section_cstart, $3  }
0xc5: {  	[dreg:$0x1] =	wrdreg $0xFFFFFFFF  }
0xc6: {  	_ =	task.clear_ibuf [dreg:s10], $0x2FFFF;
	_ =	strace $0x9FFFFFFF  }
0xc7: {  	(tm) =	ssettm $0x7FFFFFFF  }
tec
execute0_lowered:
.L_overlay_start_1:
0x0: {  	(tag) =	ssettag $0x1  }
0x1: {  	s4 =	rddreg [dreg:$0x2]  }
0x2: {  	s5 =	rddreg [dreg:$0x3]  }
0x3: {  	s0 =	srdreg.scid;
	s13 =	stileid.u32  }
0x4: {  	s3 =	simm.s32 $0x0;
	s28 =	simm.s32 $0x7A1400;
	s30 =	simm.s32 $0x7000  }
0x5: {  	s0 =	sand.u32 $0x1, s0;
	s1 =	sshll.u32 s13, $0x1;
	[smem:$0x7FF] =	sst s3  }
0x6: {  	s13 =	sshll.u32 s13, $0x4;
	s3 =	simm.s32 $0xA000;
	s6 =	sor.u32 s0, s1  }
0x7: {  	s2 =	ssub.s32 $0x2, s0;
	_ =	strace $0x80000047;
	s26 =	sshll.u32 s6, $0xA  }
0x8: {  	s0 =	sshll.u32 s0, $0x3;
	s25 =	sshrl.u32 s2, $0x1;
	s29 =	sadd.s32 s4, s26  }
0x9: {  	s31 =	sor.u32 $0x80, s26;
	s20 =	sadd.s32 s5, s26;
	[dreg:$0x5] =	wrdreg s29  }
0xa: {  	s7 =	sor.u32 $0x100, s26;
	s9 =	sadd.s32 s4, s31;
	[dreg:$0xd] =	wrdreg s20  }
0xb: {  	s8 =	sor.u32 $0x180, s26;
	s12 =	sadd.s32 s4, s7;
	[dreg:$0x6] =	wrdreg s9  }
0xc: {  	s10 =	sor.u32 $0x280, s26;
	s14 =	sadd.s32 s4, s8;
	[dreg:$0x7] =	wrdreg s12  }
0xd: {  	s11 =	sor.u32 $0x300, s26;
	s16 =	sadd.s32 s4, s10;
	[dreg:$0x8] =	wrdreg s14  }
0xe: {  	s18 =	sor.u32 $0x380, s26;
	s17 =	sadd.s32 s4, s11;
	[dreg:$0xa] =	wrdreg s16  }
0xf: {  	s1 =	ssub.s32 s2, s25;
	s19 =	sadd.s32 s4, s18;
	[dreg:$0xb] =	wrdreg s17  }
0x10: {  	s15 =	sor.u32 $0x200, s26;
	s21 =	sadd.s32 s5, s31;
	[dreg:$0xc] =	wrdreg s19  }
0x11: {  	s2 =	simm.s32 $0x8000;
	s22 =	sadd.s32 s5, s7;
	[dreg:$0xe] =	wrdreg s21  }
0x12: {  	s23 =	sadd.s32 s5, s8;
	s24 =	sadd.s32 s5, s15;
	[dreg:$0xf] =	wrdreg s22  }
0x13: {  	s25 =	sadd.s32 s5, s10;
	s26 =	sadd.s32 s5, s11;
	[dreg:$0x10] =	wrdreg s23  }
0x14: {  	s29 =	sadd.s32 s5, s18;
	s31 =	smax.u32 s1, $0x1;
	[dreg:$0x11] =	wrdreg s24  }
0x15: {  	s1 =	simm.s32 $0x9000;
	s7 =	simm.s32 $0xB000;
	[dreg:$0x12] =	wrdreg s25  }
0x16: {  	s8 =	simm.s32 $0xC000;
	s10 =	simm.s32 $0xE000;
	[dreg:$0x13] =	wrdreg s26  }
0x17: {  	s11 =	simm.s32 $0xF000;
	s18 =	simm.s32 $0x2;
	[dreg:$0x14] =	wrdreg s29  }
0x18: {  	s12 =	sadd.s32 s4, s15;
	s14 =	sor.u32 s0, s13;
	[dreg:$0x15] =	wrdreg s31  }
0x19: {  	s26 =	simm.s32 $0x400;
	s24 =	simm.s32 $0x4000;
	s0 =	simm.s32 $0x5000  }
0x1a: {  	s25 =	simm.s32 $0x6000;
	s9 =	simm.s32 $0xD000;
	s13 =	simm.s32 $0x11000  }
0x1b: {  	v1 =	vlaneseq.u32;
	s15 =	simm.s32 $0x12000;
	s16 =	simm.s32 $0x13000;
	s17 =	simm.s32 $0x1  }
0x1c: {  	v1 =	vmul.u32 $0x400, v1;
	v0 =	vmov s6;
	s19 =	simm.s32 $0x0;
	[dreg:$0x9] =	wrdreg s12;
	s12 =	simm.s32 $0x10000  }
.LBB2_1:
0x1d: {  	[dreg:$0x16] =	wrdreg s19  }
0x1e: {  	s6 =	rddreg [dreg:$0x0];
	s29 =	simm.s32 $0x0;
	s31 =	simm.s32 $0x3  }
0x1f: {  	[tilespmem:s29], [sflag:$0x3] =	stream.linear.gather [hbm4b:s6+s29], $0x4000, $0x38;
	[tilespmem:$0x14380] =	vst v63  }
0x20: {  	_ =	swait.ge [sflag:s31], $0x4000  }
0x21: {  	[sflag:s31] =	ssyncset.done $0x0  }
0x22: {  	[sflag:s31] =	ssyncadd.s32 $0xFFFFC000  }
0x23: {  	v2 =	vld [tilespmem:s29+$0x0];
	_ =	sdelay $0x4  }
0x24: {  	v3 =	vshrl.u32 v2, $0xA  }
0x25: {  	v3 =	vand.u32 $0x1F, v3  }
0x26: {  	vm0 =	veq.s32 v3, v0  }
0x27: {  	v3 =	vmpcnt.ones.xlane vm0;
	_ =	sdelay $0x1  }
0x28: {  	(v2sf) =	vpush v3, $0x0;
	v3 =	vmov s29  }
0x29: {  	v4 =	vshll.u32 v2, $0x9;
	v3 =	vshll.u32 v3, $0xA  }
0x2a: {  	v4 =	vand.u32 $0xFF000000, v4;
	v3 =	vor.u32 v1, v3  }
0x2b: {  	v2 =	vand.u32 $0x3FF, v2;
	v3 =	vadd.s32 v3, v4  }
0x2c: {  	v2 =	vor.u32 v2, v3  }
0x2d: {  	s6 =	simm.s32 $0x10;
	[tilespmem:s29+$0x14000] =	vst.msk vm0, v2  }
0x2e: {  	v2 =	vld [tilespmem:s6+$0x0];
	_ =	sdelay $0x4  }
0x2f: {  	v3 =	vshrl.u32 v2, $0xA  }
0x30: {  	v3 =	vand.u32 $0x1F, v3  }
0x31: {  	v62 =	vmov s6;
	vm0 =	veq.s32 v3, v0  }
0x32: {  	v4 =	vshll.u32 v62, $0xA;
	v5 =	vshll.u32 v2, $0x9;
	v63 =	vmpcnt.ones.xlane vm0  }
0x33: {  	v4 =	vor.u32 v1, v4;
	v3 =	vand.u32 $0xFF000000, v5;
	s20 =	spop (v2sf)  }
0x34: {  	v2 =	vand.u32 $0x3FF, v2;
	v3 =	vadd.s32 v4, v3;
	s20 =	sadd.s32 $0x0, s20;
	(v2sf) =	vpush v63, $0x0  }
0x35: {  	s21 =	simm.s32 $0x20;
	v2 =	vor.u32 v2, v3;
	p1 =	slt.s32 s20, $0x300  }
.LBB2_2:
0x36: {  	p0 =	sne.s32 s21, $0x3FF0  }
0x37: {  	s20 =	simm.s32 @!p1 $0x300;
	s22 =	smov.u32 s21;
	s21 =	sadd.s32 $0x10, s21  }
0x38: {  	s6 =	sadd.s32 $0x10, s6;
	[tilespmem:s20+$0x14000] =	vst.msk vm0, v2  }
0x39: {  	v2 =	vld [tilespmem:s6+$0x0];
	_ =	sdelay $0x3  }
0x3a: {  	v3 =	vmov s22  }
0x3b: {  	v3 =	vshll.u32 v3, $0xA;
	v4 =	vshrl.u32 v2, $0xA;
	v5 =	vshll.u32 v2, $0x9  }
0x3c: {  	v3 =	vor.u32 v1, v3;
	v4 =	vand.u32 $0x1F, v4;
	v5 =	vand.u32 $0xFF000000, v5  }
0x3d: {  	v2 =	vand.u32 $0x3FF, v2;
	vm0 =	veq.s32 v4, v0;
	v3 =	vadd.s32 v3, v5  }
.Ltmp0:
0x3e: {  	v2 =	vor.u32 v2, v3;
	v3 =	vmpcnt.ones.xlane vm0;
	(pc) =	sbr.rel @p0 .LBB2_2-.Ltmp0, $4  }
0x3f: {  	_ = 	snop  }
0x40: {  	(v2sf) =	vpush v3, $0x0;
	s22 =	spop (v2sf)  }
0x41: {  	s20 =	sadd.s32 s20, s22  }
0x42: {  	p1 =	slt.s32 s20, $0x300  }
0x43: {  	s20 =	simm.s32 @!p1 $0x300  }
0x44: {  	s6 =	rddreg [dreg:$0x5];
	[tilespmem:s20+$0x14000] =	vst.msk vm0, v2  }
0x45: {  	[tilespmem:s24], [sflag:$0x1] =	stream.strided.gather [hbm4b:s6+s26], $0x1000, s28, s26, $0x38;
	[tilespmem:$0x14380] =	vst v63  }
0x46: {  	s19 =	rddreg [dreg:$0x6]  }
0x47: {  	[tilespmem:s0], [sflag:$0x1] =	stream.strided.gather [hbm4b:s19+s26], $0x1000, s28, s26, $0x38;
	[tilespmem:$0x14380] =	vst v63  }
0x48: {  	s20 =	rddreg [dreg:$0x7]  }
0x49: {  	[tilespmem:s25], [sflag:$0x1] =	stream.strided.gather [hbm4b:s20+s26], $0x1000, s28, s26, $0x38;
	[tilespmem:$0x14380] =	vst v63  }
0x4a: {  	s21 =	rddreg [dreg:$0x8];
	s19 =	sadd.s32 $0x0, s14  }
0x4b: {  	[tilespmem:s30], [sflag:$0x1] =	stream.strided.gather [hbm4b:s21+s26], $0x1000, s28, s26, $0x38;
	[tilespmem:$0x14380] =	vst v63  }
0x4c: {  	s22 =	rddreg [dreg:$0x9];
	s6 =	sadd.s32 $0x100, s19  }
0x4d: {  	[tilespmem:s2], [sflag:$0x1] =	stream.strided.gather [hbm4b:s22+s26], $0x1000, s28, s26, $0x38;
	[tilespmem:$0x14380] =	vst v63  }
0x4e: {  	s23 =	rddreg [dreg:$0xa];
	p0 =	slt.s32 s6, $0x1E84;
	s21 =	sadd.s32 $0x101, s19  }
0x4f: {  	[tilespmem:s1], [sflag:$0x1] =	stream.strided.gather [hbm4b:s23+s26], $0x1000, s28, s26, $0x38;
	[tilespmem:$0x14380] =	vst v63  }
0x50: {  	s29 =	rddreg [dreg:$0xb];
	s6 =	simm.s32 @!p0 $0x1E84;
	p1 =	slt.s32 s21, $0x1E84  }
0x51: {  	[tilespmem:s3], [sflag:$0x1] =	stream.strided.gather [hbm4b:s29+s26], $0x1000, s28, s26, $0x38;
	[tilespmem:$0x14380] =	vst v63  }
0x52: {  	s31 =	rddreg [dreg:$0xc];
	s6 =	sshll.u32 s6, $0x7;
	s21 =	simm.s32 @!p1 $0x1E84  }
0x53: {  	[tilespmem:s7], [sflag:$0x1] =	stream.strided.gather [hbm4b:s31+s26], $0x1000, s28, s26, $0x38;
	[tilespmem:$0x14380] =	vst v63  }
0x54: {  	s6 =	sadd.s32 s4, s6;
	s22 =	sadd.s32 $0x102, s19;
	s21 =	sshll.u32 s21, $0x7  }
0x55: {  	[tilespmem:s8], [sflag:$0x2] =	stream.strided.gather [hbm4b:s6+s26], $0x1000, s28, s26, $0x38;
	[tilespmem:$0x14380] =	vst v63  }
0x56: {  	p0 =	slt.s32 s22, $0x1E84;
	s21 =	sadd.s32 s4, s21;
	s6 =	sadd.s32 $0x103, s19  }
0x57: {  	[tilespmem:s9], [sflag:$0x2] =	stream.strided.gather [hbm4b:s21+s26], $0x1000, s28, s26, $0x38;
	[tilespmem:$0x14380] =	vst v63  }
0x58: {  	s22 =	simm.s32 @!p0 $0x1E84;
	p0 =	slt.s32 s6, $0x1E84;
	s21 =	sadd.s32 $0x104, s19  }
0x59: {  	s22 =	sshll.u32 s22, $0x7;
	s6 =	simm.s32 @!p0 $0x1E84;
	p0 =	slt.s32 s21, $0x1E84  }
0x5a: {  	s22 =	sadd.s32 s4, s22;
	s6 =	sshll.u32 s6, $0x7;
	s21 =	simm.s32 @!p0 $0x1E84  }
0x5b: {  	[tilespmem:s10], [sflag:$0x2] =	stream.strided.gather [hbm4b:s22+s26], $0x1000, s28, s26, $0x38;
	[tilespmem:$0x14380] =	vst v63  }
0x5c: {  	s22 =	sadd.s32 $0x105, s19;
	s6 =	sadd.s32 s4, s6;
	s21 =	sshll.u32 s21, $0x7  }
0x5d: {  	[tilespmem:s11], [sflag:$0x2] =	stream.strided.gather [hbm4b:s6+s26], $0x1000, s28, s26, $0x38;
	[tilespmem:$0x14380] =	vst v63  }
0x5e: {  	p0 =	slt.s32 s22, $0x1E84;
	s6 =	sadd.s32 $0x106, s19;
	s21 =	sadd.s32 s4, s21  }
0x5f: {  	[tilespmem:s12], [sflag:$0x2] =	stream.strided.gather [hbm4b:s21+s26], $0x1000, s28, s26, $0x38;
	[tilespmem:$0x14380] =	vst v63  }
0x60: {  	s22 =	simm.s32 @!p0 $0x1E84;
	p0 =	slt.s32 s6, $0x1E84;
	s21 =	sadd.s32 $0x107, s19  }
0x61: {  	s22 =	sshll.u32 s22, $0x7;
	s6 =	simm.s32 @!p0 $0x1E84;
	p0 =	slt.s32 s21, $0x1E84  }
0x62: {  	s22 =	sadd.s32 s4, s22;
	s6 =	sshll.u32 s6, $0x7;
	s21 =	simm.s32 @!p0 $0x1E84  }
0x63: {  	[tilespmem:s13], [sflag:$0x2] =	stream.strided.gather [hbm4b:s22+s26], $0x1000, s28, s26, $0x38;
	[tilespmem:$0x14380] =	vst v63  }
0x64: {  	s6 =	sadd.s32 s4, s6;
	s21 =	sshll.u32 s21, $0x7  }
0x65: {  	[tilespmem:s15], [sflag:$0x2] =	stream.strided.gather [hbm4b:s6+s26], $0x1000, s28, s26, $0x38;
	[tilespmem:$0x14380] =	vst v63  }
0x66: {  	s23 =	spop (v2sf);
	s6 =	sadd.s32 s4, s21  }
0x67: {  	[tilespmem:s16], [sflag:$0x2] =	stream.strided.gather [hbm4b:s6+s26], $0x1000, s28, s26, $0x38;
	[tilespmem:$0x14380] =	vst v63  }
0x68: {  	_ =	swait.ge [sflag:s17], $0x1000  }
0x69: {  	[sflag:s17] =	ssyncset.done $0x0  }
0x6a: {  	[sflag:s17] =	ssyncadd.s32 $0xFFFFF000  }
0x6b: {  	_ =	swait.ge [sflag:s17], $0x1000  }
0x6c: {  	[sflag:s17] =	ssyncset.done $0x0  }
0x6d: {  	[sflag:s17] =	ssyncadd.s32 $0xFFFFF000  }
0x6e: {  	_ =	swait.ge [sflag:s17], $0x1000  }
0x6f: {  	[sflag:s17] =	ssyncset.done $0x0  }
0x70: {  	[sflag:s17] =	ssyncadd.s32 $0xFFFFF000  }
0x71: {  	_ =	swait.ge [sflag:s17], $0x1000  }
0x72: {  	[sflag:s17] =	ssyncset.done $0x0  }
0x73: {  	[sflag:s17] =	ssyncadd.s32 $0xFFFFF000  }
0x74: {  	_ =	swait.ge [sflag:s17], $0x1000  }
0x75: {  	[sflag:s17] =	ssyncset.done $0x0  }
0x76: {  	[sflag:s17] =	ssyncadd.s32 $0xFFFFF000  }
0x77: {  	_ =	swait.ge [sflag:s17], $0x1000  }
0x78: {  	[sflag:s17] =	ssyncset.done $0x0  }
0x79: {  	[sflag:s17] =	ssyncadd.s32 $0xFFFFF000  }
0x7a: {  	_ =	swait.ge [sflag:s17], $0x1000  }
0x7b: {  	s20 =	sadd.s32 $0x207, s19;
	s6 =	sadd.s32 $0x200, s19;
	[sflag:s17] =	ssyncset.done $0x0  }
0x7c: {  	s22 =	sadd.s32 $0x202, s19;
	p0 =	slt.s32 s6, $0x1E84;
	[sflag:s17] =	ssyncadd.s32 $0xFFFFF000  }
0x7d: {  	s21 =	sadd.s32 $0x201, s19;
	s6 =	simm.s32 @!p0 $0x1E84;
	_ =	swait.ge [sflag:s17], $0x1000  }
0x7e: {  	p0 =	slt.s32 s21, $0x1E84;
	s6 =	sshll.u32 s6, $0x7;
	[sflag:s17] =	ssyncset.done $0x0  }
0x7f: {  	s21 =	simm.s32 @!p0 $0x1E84;
	s6 =	sadd.s32 s4, s6;
	[sflag:s17] =	ssyncadd.s32 $0xFFFFF000  }
0x80: {  	[tilespmem:s24], [sflag:$0x1] =	stream.strided.gather [hbm4b:s6+s26], $0x1000, s28, s26, $0x38;
	[tilespmem:$0x14380] =	vst v63  }
0x81: {  	p0 =	slt.s32 s22, $0x1E84;
	s24 =	sshll.u32 s21, $0x7;
	s21 =	sadd.s32 $0x203, s19  }
0x82: {  	s22 =	simm.s32 @!p0 $0x1E84;
	p0 =	slt.s32 s21, $0x1E84;
	s6 =	sadd.s32 s4, s24  }
0x83: {  	[tilespmem:s0], [sflag:$0x1] =	stream.strided.gather [hbm4b:s6+s26], $0x1000, s28, s26, $0x38;
	[tilespmem:$0x14380] =	vst v63  }
0x84: {  	s22 =	sshll.u32 s22, $0x7;
	s21 =	simm.s32 @!p0 $0x1E84;
	s6 =	sadd.s32 $0x204, s19  }
0x85: {  	s22 =	sadd.s32 s4, s22;
	s21 =	sshll.u32 s21, $0x7;
	p0 =	slt.s32 s6, $0x1E84  }
0x86: {  	[tilespmem:s25], [sflag:$0x1] =	stream.strided.gather [hbm4b:s22+s26], $0x1000, s28, s26, $0x38;
	[tilespmem:$0x14380] =	vst v63  }
0x87: {  	s22 =	sadd.s32 $0x205, s19;
	s6 =	simm.s32 @!p0 $0x1E84;
	s21 =	sadd.s32 s4, s21  }
0x88: {  	[tilespmem:s30], [sflag:$0x1] =	stream.strided.gather [hbm4b:s21+s26], $0x1000, s28, s26, $0x38;
	[tilespmem:$0x14380] =	vst v63  }
0x89: {  	p0 =	slt.s32 s22, $0x1E84;
	s6 =	sshll.u32 s6, $0x7;
	s21 =	sadd.s32 $0x206, s19  }
0x8a: {  	s22 =	simm.s32 @!p0 $0x1E84;
	s6 =	sadd.s32 s4, s6;
	p0 =	slt.s32 s21, $0x1E84  }
0x8b: {  	s22 =	sshll.u32 s22, $0x7;
	s21 =	simm.s32 @!p0 $0x1E84;
	p0 =	slt.s32 s20, $0x1E84  }
0x8c: {  	[tilespmem:s2], [sflag:$0x1] =	stream.strided.gather [hbm4b:s6+s26], $0x1000, s28, s26, $0x38;
	[tilespmem:$0x14380] =	vst v63  }
0x8d: {  	s30 =	sadd.s32 s4, s22;
	s29 =	sshll.u32 s21, $0x7;
	s20 =	simm.s32 @!p0 $0x1E84  }
0x8e: {  	[tilespmem:s1], [sflag:$0x1] =	stream.strided.gather [hbm4b:s30+s26], $0x1000, s28, s26, $0x38;
	[tilespmem:$0x14380] =	vst v63  }
0x8f: {  	s20 =	sshll.u32 s20, $0x7;
	s6 =	sadd.s32 s4, s29  }
0x90: {  	[tilespmem:s3], [sflag:$0x1] =	stream.strided.gather [hbm4b:s6+s26], $0x1000, s28, s26, $0x38;
	[tilespmem:$0x14380] =	vst v63  }
0x91: {  	s31 =	sadd.s32 s4, s20  }
0x92: {  	[tilespmem:s7], [sflag:$0x1] =	stream.strided.gather [hbm4b:s31+s26], $0x1000, s28, s26, $0x38;
	[tilespmem:$0x14380] =	vst v63  }
0x93: {  	_ =	swait.ge [sflag:s18], $0x1000  }
0x94: {  	[sflag:s18] =	ssyncset.done $0x0  }
0x95: {  	[sflag:s18] =	ssyncadd.s32 $0xFFFFF000  }
0x96: {  	_ =	swait.ge [sflag:s18], $0x1000  }
0x97: {  	[sflag:s18] =	ssyncset.done $0x0  }
0x98: {  	[sflag:s18] =	ssyncadd.s32 $0xFFFFF000  }
0x99: {  	_ =	swait.ge [sflag:s18], $0x1000  }
0x9a: {  	[sflag:s18] =	ssyncset.done $0x0  }
0x9b: {  	[sflag:s18] =	ssyncadd.s32 $0xFFFFF000  }
0x9c: {  	_ =	swait.ge [sflag:s18], $0x1000  }
0x9d: {  	[sflag:s18] =	ssyncset.done $0x0  }
0x9e: {  	s0 =	simm.s32 $0x5000;
	[sflag:s18] =	ssyncadd.s32 $0xFFFFF000  }
0x9f: {  	s22 =	simm.s32 $0x400;
	s20 =	sadd.s32 $0x200, s14;
	_ =	swait.ge [sflag:s18], $0x1000  }
0xa0: {  	s6 =	sadd.s32 $0x100, s20;
	s23 =	sadd.s32 $0x101, s20;
	[sflag:s18] =	ssyncset.done $0x0  }
0xa1: {  	p0 =	slt.s32 s6, $0x1E84;
	p1 =	slt.s32 s23, $0x1E84;
	[sflag:s18] =	ssyncadd.s32 $0xFFFFF000  }
0xa2: {  	s6 =	simm.s32 @!p0 $0x1E84;
	s23 =	simm.s32 @!p1 $0x1E84;
	_ =	swait.ge [sflag:s18], $0x1000  }
0xa3: {  	s21 =	sshll.u32 s6, $0x7;
	s6 =	sshll.u32 s23, $0x7;
	[sflag:s18] =	ssyncset.done $0x0  }
.LBB2_4:
0xa4: {  	s23 =	sadd.s32 s4, s21  }
0xa5: {  	s24 =	sadd.s32 $0x102, s20;
	[sflag:s18] =	ssyncadd.s32 $0xFFFFF000;
	s21 =	smov.u32 s22  }
0xa6: {  	s25 =	sadd.s32 $0x103, s20;
	p0 =	slt.s32 s24, $0x1E84;
	_ =	swait.ge [sflag:s18], $0x1000  }
0xa7: {  	s6 =	sadd.s32 s4, s6;
	s24 =	simm.s32 @!p0 $0x1E84;
	[sflag:s18] =	ssyncset.done $0x0  }
0xa8: {  	p0 =	slt.s32 s25, $0x1E84;
	s24 =	sshll.u32 s24, $0x7;
	[sflag:s18] =	ssyncadd.s32 $0xFFFFF000  }
0xa9: {  	s19 =	sadd.s32 $0x105, s20;
	s25 =	simm.s32 @!p0 $0x1E84;
	_ =	swait.ge [sflag:s18], $0x1000  }
0xaa: {  	s29 =	sadd.s32 $0x104, s20;
	s25 =	sshll.u32 s25, $0x7;
	[sflag:s18] =	ssyncset.done $0x0  }
0xab: {  	p1 =	slt.s32 s19, $0x1E84;
	p0 =	slt.s32 s29, $0x1E84;
	[sflag:s18] =	ssyncadd.s32 $0xFFFFF000  }
0xac: {  	[tilespmem:s8], [sflag:$0x2] =	stream.strided.gather [hbm4b:s23+s26], $0x1000, s28, s26, $0x38;
	[tilespmem:$0x14380] =	vst v63  }
0xad: {  	s19 =	simm.s32 @!p1 $0x1E84;
	s29 =	simm.s32 @!p0 $0x1E84;
	s23 =	sadd.s32 $0x106, s20  }
0xae: {  	[tilespmem:s9], [sflag:$0x2] =	stream.strided.gather [hbm4b:s6+s26], $0x1000, s28, s26, $0x38;
	[tilespmem:$0x14380] =	vst v63  }
0xaf: {  	s19 =	sshll.u32 s19, $0x7;
	s6 =	sadd.s32 s4, s24;
	s24 =	sshll.u32 s29, $0x7  }
0xb0: {  	[tilespmem:s10], [sflag:$0x2] =	stream.strided.gather [hbm4b:s6+s26], $0x1000, s28, s26, $0x38;
	[tilespmem:$0x14380] =	vst v63  }
0xb1: {  	p0 =	slt.s32 s23, $0x1E84;
	s6 =	sadd.s32 s4, s25;
	s25 =	sadd.s32 $0x107, s20  }
0xb2: {  	[tilespmem:s11], [sflag:$0x2] =	stream.strided.gather [hbm4b:s6+s26], $0x1000, s28, s26, $0x38;
	[tilespmem:$0x14380] =	vst v63  }
0xb3: {  	s23 =	simm.s32 @!p0 $0x1E84;
	p0 =	slt.s32 s25, $0x1E84;
	s6 =	sadd.s32 s4, s24  }
0xb4: {  	[tilespmem:s12], [sflag:$0x2] =	stream.strided.gather [hbm4b:s6+s26], $0x1000, s28, s26, $0x38;
	[tilespmem:$0x14380] =	vst v63  }
0xb5: {  	s25 =	simm.s32 @!p0 $0x1E84;
	s6 =	sadd.s32 s4, s19;
	s19 =	sshll.u32 s23, $0x7  }
0xb6: {  	[tilespmem:s13], [sflag:$0x2] =	stream.strided.gather [hbm4b:s6+s26], $0x1000, s28, s26, $0x38;
	[tilespmem:$0x14380] =	vst v63  }
0xb7: {  	s23 =	sadd.s32 $0x200, s20;
	s6 =	sadd.s32 s4, s19;
	s19 =	sshll.u32 s25, $0x7  }
0xb8: {  	[tilespmem:s15], [sflag:$0x2] =	stream.strided.gather [hbm4b:s6+s26], $0x1000, s28, s26, $0x38;
	[tilespmem:$0x14380] =	vst v63  }
0xb9: {  	p0 =	slt.s32 s23, $0x1E84;
	s6 =	sadd.s32 s4, s19;
	s19 =	sadd.s32 $0x201, s20  }
0xba: {  	[tilespmem:s16], [sflag:$0x2] =	stream.strided.gather [hbm4b:s6+s26], $0x1000, s28, s26, $0x38;
	[tilespmem:$0x14380] =	vst v63  }
0xbb: {  	s23 =	simm.s32 @!p0 $0x1E84;
	p0 =	slt.s32 s19, $0x1E84;
	_ =	swait.ge [sflag:s17], $0x1000  }
0xbc: {  	s24 =	sshll.u32 s23, $0x7;
	s19 =	simm.s32 @!p0 $0x1E84;
	[sflag:s17] =	ssyncset.done $0x0  }
0xbd: {  	s6 =	sshll.u32 s19, $0x7;
	s19 =	sadd.s32 $0x202, s20;
	[sflag:s17] =	ssyncadd.s32 $0xFFFFF000  }
0xbe: {  	s23 =	sadd.s32 $0x203, s20;
	p0 =	slt.s32 s19, $0x1E84;
	_ =	swait.ge [sflag:s17], $0x1000  }
0xbf: {  	s19 =	simm.s32 @!p0 $0x1E84;
	p0 =	slt.s32 s23, $0x1E84;
	[sflag:s17] =	ssyncset.done $0x0  }
0xc0: {  	s19 =	sshll.u32 s19, $0x7;
	s23 =	simm.s32 @!p0 $0x1E84;
	[sflag:s17] =	ssyncadd.s32 $0xFFFFF000  }
0xc1: {  	s25 =	sshll.u32 s23, $0x7;
	s23 =	sadd.s32 $0x204, s20;
	_ =	swait.ge [sflag:s17], $0x1000  }
0xc2: {  	s29 =	sadd.s32 $0x205, s20;
	p0 =	slt.s32 s23, $0x1E84;
	[sflag:s17] =	ssyncset.done $0x0  }
0xc3: {  	s23 =	simm.s32 @!p0 $0x1E84;
	p0 =	slt.s32 s29, $0x1E84;
	[sflag:s17] =	ssyncadd.s32 $0xFFFFF000  }
0xc4: {  	s30 =	sshll.u32 s23, $0x7;
	s29 =	simm.s32 @!p0 $0x1E84;
	_ =	swait.ge [sflag:s17], $0x1000  }
0xc5: {  	s23 =	sadd.s32 $0x206, s20;
	s29 =	sshll.u32 s29, $0x7;
	[sflag:s17] =	ssyncset.done $0x0  }
0xc6: {  	s20 =	sadd.s32 $0x207, s20;
	p0 =	slt.s32 s23, $0x1E84;
	[sflag:s17] =	ssyncadd.s32 $0xFFFFF000  }
0xc7: {  	s23 =	simm.s32 @!p0 $0x1E84;
	p0 =	slt.s32 s20, $0x1E84;
	_ =	swait.ge [sflag:s17], $0x1000  }
0xc8: {  	s31 =	sshll.u32 s23, $0x7;
	s20 =	simm.s32 @!p0 $0x1E84;
	[sflag:s17] =	ssyncset.done $0x0  }
0xc9: {  	s23 =	sadd.s32 $0x200, s22;
	s20 =	sshll.u32 s20, $0x7;
	[sflag:s17] =	ssyncadd.s32 $0xFFFFF000  }
0xca: {  	p0 =	sne.s32 s22, $0x1E00;
	_ =	swait.ge [sflag:s17], $0x1000  }
0xcb: {  	[sflag:s17] =	ssyncset.done $0x0  }
0xcc: {  	[sflag:s17] =	ssyncadd.s32 $0xFFFFF000  }
0xcd: {  	_ =	swait.ge [sflag:s17], $0x1000  }
0xce: {  	[sflag:s17] =	ssyncset.done $0x0  }
0xcf: {  	[sflag:s17] =	ssyncadd.s32 $0xFFFFF000  }
0xd0: {  	_ =	swait.ge [sflag:s17], $0x1000  }
0xd1: {  	s22 =	sadd.s32 s4, s24;
	s24 =	simm.s32 $0x4000;
	[sflag:s17] =	ssyncset.done $0x0  }
0xd2: {  	s6 =	sadd.s32 s4, s6;
	[sflag:s17] =	ssyncadd.s32 $0xFFFFF000  }
0xd3: {  	[tilespmem:s24], [sflag:$0x1] =	stream.strided.gather [hbm4b:s22+s26], $0x1000, s28, s26, $0x38;
	[tilespmem:$0x14380] =	vst v63  }
0xd4: {  	s19 =	sadd.s32 s4, s19  }
0xd5: {  	[tilespmem:s0], [sflag:$0x1] =	stream.strided.gather [hbm4b:s6+s26], $0x1000, s28, s26, $0x38;
	[tilespmem:$0x14380] =	vst v63  }
0xd6: {  	s6 =	sadd.s32 s4, s25;
	s25 =	simm.s32 $0x6000  }
0xd7: {  	[tilespmem:s25], [sflag:$0x1] =	stream.strided.gather [hbm4b:s19+s26], $0x1000, s28, s26, $0x38;
	[tilespmem:$0x14380] =	vst v63  }
0xd8: {  	s19 =	sadd.s32 s4, s30;
	s30 =	simm.s32 $0x7000  }
0xd9: {  	[tilespmem:s30], [sflag:$0x1] =	stream.strided.gather [hbm4b:s6+s26], $0x1000, s28, s26, $0x38;
	[tilespmem:$0x14380] =	vst v63  }
0xda: {  	s6 =	sadd.s32 s4, s29  }
0xdb: {  	[tilespmem:s2], [sflag:$0x1] =	stream.strided.gather [hbm4b:s19+s26], $0x1000, s28, s26, $0x38;
	[tilespmem:$0x14380] =	vst v63  }
0xdc: {  	s19 =	sadd.s32 s4, s31  }
0xdd: {  	[tilespmem:s1], [sflag:$0x1] =	stream.strided.gather [hbm4b:s6+s26], $0x1000, s28, s26, $0x38;
	[tilespmem:$0x14380] =	vst v63  }
0xde: {  	s6 =	sadd.s32 s4, s20  }
0xdf: {  	[tilespmem:s3], [sflag:$0x1] =	stream.strided.gather [hbm4b:s19+s26], $0x1000, s28, s26, $0x38;
	[tilespmem:$0x14380] =	vst v63  }
0xe0: {  	_ = 	snop  }
0xe1: {  	[tilespmem:s7], [sflag:$0x1] =	stream.strided.gather [hbm4b:s6+s26], $0x1000, s28, s26, $0x38;
	[tilespmem:$0x14380] =	vst v63  }
0xe2: {  	_ =	swait.ge [sflag:s18], $0x1000  }
0xe3: {  	[sflag:s18] =	ssyncset.done $0x0  }
0xe4: {  	[sflag:s18] =	ssyncadd.s32 $0xFFFFF000  }
0xe5: {  	_ =	swait.ge [sflag:s18], $0x1000  }
0xe6: {  	[sflag:s18] =	ssyncset.done $0x0  }
0xe7: {  	[sflag:s18] =	ssyncadd.s32 $0xFFFFF000  }
0xe8: {  	_ =	swait.ge [sflag:s18], $0x1000  }
0xe9: {  	[sflag:s18] =	ssyncset.done $0x0  }
0xea: {  	[sflag:s18] =	ssyncadd.s32 $0xFFFFF000  }
0xeb: {  	_ =	swait.ge [sflag:s18], $0x1000  }
0xec: {  	[sflag:s18] =	ssyncset.done $0x0  }
0xed: {  	s22 =	smov.u32 s23;
	[sflag:s18] =	ssyncadd.s32 $0xFFFFF000  }
.Ltmp1:
0xee: {  	s20 =	sadd.s32 s21, s14;
	_ =	swait.ge [sflag:s18], $0x1000;
	(pc) =	sbr.rel @p0 .LBB2_4-.Ltmp1, $4  }
0xef: {  	s19 =	sadd.s32 $0x101, s20;
	s6 =	sadd.s32 $0x100, s20;
	[sflag:s18] =	ssyncset.done $0x0  }
0xf0: {  	p2 =	slt.s32 s19, $0x1E84;
	p1 =	slt.s32 s6, $0x1E84;
	[sflag:s18] =	ssyncadd.s32 $0xFFFFF000  }
0xf1: {  	s19 =	simm.s32 @!p2 $0x1E84;
	s6 =	simm.s32 @!p1 $0x1E84;
	_ =	swait.ge [sflag:s18], $0x1000  }
0xf2: {  	s21 =	sshll.u32 s6, $0x7;
	s6 =	sshll.u32 s19, $0x7;
	[sflag:s18] =	ssyncset.done $0x0  }
0xf3: {  	[sflag:s18] =	ssyncadd.s32 $0xFFFFF000  }
0xf4: {  	_ =	swait.ge [sflag:s18], $0x1000  }
0xf5: {  	[sflag:s18] =	ssyncset.done $0x0  }
0xf6: {  	[sflag:s18] =	ssyncadd.s32 $0xFFFFF000  }
0xf7: {  	_ =	swait.ge [sflag:s18], $0x1000  }
0xf8: {  	[sflag:s18] =	ssyncset.done $0x0  }
0xf9: {  	s19 =	sadd.s32 s4, s21;
	[sflag:s18] =	ssyncadd.s32 $0xFFFFF000  }
0xfa: {  	[tilespmem:s8], [sflag:$0x2] =	stream.strided.gather [hbm4b:s19+s26], $0x1000, s28, s26, $0x38;
	[tilespmem:$0x14380] =	vst v63  }
0xfb: {  	s6 =	sadd.s32 s4, s6;
	s19 =	sadd.s32 $0x102, s20  }
0xfc: {  	[tilespmem:s9], [sflag:$0x2] =	stream.strided.gather [hbm4b:s6+s26], $0x1000, s28, s26, $0x38;
	[tilespmem:$0x14380] =	vst v63  }
0xfd: {  	p0 =	slt.s32 s19, $0x1E84;
	s6 =	sadd.s32 $0x103, s20  }
0xfe: {  	s19 =	simm.s32 @!p0 $0x1E84;
	p0 =	slt.s32 s6, $0x1E84  }
0xff: {  	s19 =	sshll.u32 s19, $0x7;
	s6 =	simm.s32 @!p0 $0x1E84  }
0x100: {  	s19 =	sadd.s32 s4, s19;
	s6 =	sshll.u32 s6, $0x7  }
0x101: {  	[tilespmem:s10], [sflag:$0x2] =	stream.strided.gather [hbm4b:s19+s26], $0x1000, s28, s26, $0x38;
	[tilespmem:$0x14380] =	vst v63  }
0x102: {  	s19 =	sadd.s32 $0x104, s20;
	s6 =	sadd.s32 s4, s6  }
0x103: {  	[tilespmem:s11], [sflag:$0x2] =	stream.strided.gather [hbm4b:s6+s26], $0x1000, s28, s26, $0x38;
	[tilespmem:$0x14380] =	vst v63  }
0x104: {  	p0 =	slt.s32 s19, $0x1E84;
	s6 =	sadd.s32 $0x105, s20  }
0x105: {  	s19 =	simm.s32 @!p0 $0x1E84;
	p1 =	slt.s32 s6, $0x1E84  }
0x106: {  	s19 =	sshll.u32 s19, $0x7;
	s6 =	simm.s32 @!p1 $0x1E84  }
0x107: {  	s19 =	sadd.s32 s4, s19;
	s6 =	sshll.u32 s6, $0x7  }
0x108: {  	[tilespmem:s12], [sflag:$0x2] =	stream.strided.gather [hbm4b:s19+s26], $0x1000, s28, s26, $0x38;
	[tilespmem:$0x14380] =	vst v63  }
0x109: {  	s19 =	sadd.s32 $0x106, s20;
	s6 =	sadd.s32 s4, s6  }
0x10a: {  	[tilespmem:s13], [sflag:$0x2] =	stream.strided.gather [hbm4b:s6+s26], $0x1000, s28, s26, $0x38;
	[tilespmem:$0x14380] =	vst v63  }
0x10b: {  	p0 =	slt.s32 s19, $0x1E84;
	s6 =	sadd.s32 $0x107, s20  }
0x10c: {  	s19 =	simm.s32 @!p0 $0x1E84;
	p0 =	slt.s32 s6, $0x1E84  }
0x10d: {  	s19 =	sshll.u32 s19, $0x7;
	s6 =	simm.s32 @!p0 $0x1E84  }
0x10e: {  	s19 =	sadd.s32 s4, s19;
	s6 =	sshll.u32 s6, $0x7  }
0x10f: {  	[tilespmem:s15], [sflag:$0x2] =	stream.strided.gather [hbm4b:s19+s26], $0x1000, s28, s26, $0x38;
	[tilespmem:$0x14380] =	vst v63  }
0x110: {  	s6 =	sadd.s32 s4, s6  }
0x111: {  	[tilespmem:s16], [sflag:$0x2] =	stream.strided.gather [hbm4b:s6+s26], $0x1000, s28, s26, $0x38;
	[tilespmem:$0x14380] =	vst v63  }
0x112: {  	_ =	swait.ge [sflag:s17], $0x1000  }
0x113: {  	[sflag:s17] =	ssyncset.done $0x0  }
0x114: {  	[sflag:s17] =	ssyncadd.s32 $0xFFFFF000  }
0x115: {  	_ =	swait.ge [sflag:s17], $0x1000  }
0x116: {  	[sflag:s17] =	ssyncset.done $0x0  }
0x117: {  	[sflag:s17] =	ssyncadd.s32 $0xFFFFF000  }
0x118: {  	_ =	swait.ge [sflag:s17], $0x1000  }
0x119: {  	[sflag:s17] =	ssyncset.done $0x0  }
0x11a: {  	[sflag:s17] =	ssyncadd.s32 $0xFFFFF000  }
0x11b: {  	_ =	swait.ge [sflag:s17], $0x1000  }
0x11c: {  	[sflag:s17] =	ssyncset.done $0x0  }
0x11d: {  	[sflag:s17] =	ssyncadd.s32 $0xFFFFF000  }
0x11e: {  	_ =	swait.ge [sflag:s17], $0x1000  }
0x11f: {  	[sflag:s17] =	ssyncset.done $0x0  }
0x120: {  	[sflag:s17] =	ssyncadd.s32 $0xFFFFF000  }
0x121: {  	_ =	swait.ge [sflag:s17], $0x1000  }
0x122: {  	[sflag:s17] =	ssyncset.done $0x0  }
0x123: {  	[sflag:s17] =	ssyncadd.s32 $0xFFFFF000  }
0x124: {  	_ =	swait.ge [sflag:s17], $0x1000  }
0x125: {  	s6 =	sadd.s32 $0x200, s20;
	[sflag:s17] =	ssyncset.done $0x0  }
0x126: {  	p0 =	slt.s32 s6, $0x1E84;
	[sflag:s17] =	ssyncadd.s32 $0xFFFFF000  }
0x127: {  	s6 =	simm.s32 @!p0 $0x1E84;
	_ =	swait.ge [sflag:s17], $0x1000  }
0x128: {  	s19 =	sadd.s32 $0x201, s20;
	s6 =	sshll.u32 s6, $0x7;
	[sflag:s17] =	ssyncset.done $0x0  }
0x129: {  	p0 =	slt.s32 s19, $0x1E84;
	s6 =	sadd.s32 s4, s6;
	[sflag:s17] =	ssyncadd.s32 $0xFFFFF000  }
0x12a: {  	[tilespmem:s24], [sflag:$0x1] =	stream.strided.gather [hbm4b:s6+s26], $0x1000, s28, s26, $0x38;
	[tilespmem:$0x14380] =	vst v63  }
0x12b: {  	s19 =	simm.s32 @!p0 $0x1E84;
	s6 =	sadd.s32 $0x202, s20  }
0x12c: {  	s19 =	sshll.u32 s19, $0x7;
	p0 =	slt.s32 s6, $0x1E84  }
0x12d: {  	s19 =	sadd.s32 s4, s19;
	s6 =	simm.s32 @!p0 $0x1E84  }
0x12e: {  	[tilespmem:s0], [sflag:$0x1] =	stream.strided.gather [hbm4b:s19+s26], $0x1000, s28, s26, $0x38;
	[tilespmem:$0x14380] =	vst v63  }
0x12f: {  	s19 =	sadd.s32 $0x203, s20;
	s6 =	sshll.u32 s6, $0x7  }
0x130: {  	p0 =	slt.s32 s19, $0x1E84;
	s6 =	sadd.s32 s4, s6  }
0x131: {  	[tilespmem:s25], [sflag:$0x1] =	stream.strided.gather [hbm4b:s6+s26], $0x1000, s28, s26, $0x38;
	[tilespmem:$0x14380] =	vst v63  }
0x132: {  	s19 =	simm.s32 @!p0 $0x1E84;
	s6 =	sadd.s32 $0x204, s20  }
0x133: {  	s19 =	sshll.u32 s19, $0x7;
	p0 =	slt.s32 s6, $0x1E84  }
0x134: {  	s19 =	sadd.s32 s4, s19;
	s6 =	simm.s32 @!p0 $0x1E84  }
0x135: {  	[tilespmem:s30], [sflag:$0x1] =	stream.strided.gather [hbm4b:s19+s26], $0x1000, s28, s26, $0x38;
	[tilespmem:$0x14380] =	vst v63  }
0x136: {  	s19 =	sadd.s32 $0x205, s20;
	s6 =	sshll.u32 s6, $0x7  }
0x137: {  	p0 =	slt.s32 s19, $0x1E84;
	s6 =	sadd.s32 s4, s6  }
0x138: {  	[tilespmem:s2], [sflag:$0x1] =	stream.strided.gather [hbm4b:s6+s26], $0x1000, s28, s26, $0x38;
	[tilespmem:$0x14380] =	vst v63  }
0x139: {  	s19 =	simm.s32 @!p0 $0x1E84;
	s6 =	sadd.s32 $0x206, s20  }
0x13a: {  	s20 =	sadd.s32 $0x207, s20;
	s19 =	sshll.u32 s19, $0x7;
	p0 =	slt.s32 s6, $0x1E84  }
0x13b: {  	s19 =	sadd.s32 s4, s19;
	s6 =	simm.s32 @!p0 $0x1E84;
	p0 =	slt.s32 s20, $0x1E84  }
0x13c: {  	[tilespmem:s1], [sflag:$0x1] =	stream.strided.gather [hbm4b:s19+s26], $0x1000, s28, s26, $0x38;
	[tilespmem:$0x14380] =	vst v63  }
0x13d: {  	s6 =	sshll.u32 s6, $0x7;
	s20 =	simm.s32 @!p0 $0x1E84  }
0x13e: {  	s20 =	sshll.u32 s20, $0x7;
	s6 =	sadd.s32 s4, s6  }
0x13f: {  	[tilespmem:s3], [sflag:$0x1] =	stream.strided.gather [hbm4b:s6+s26], $0x1000, s28, s26, $0x38;
	[tilespmem:$0x14380] =	vst v63  }
0x140: {  	s21 =	sadd.s32 s4, s20  }
0x141: {  	[tilespmem:s7], [sflag:$0x1] =	stream.strided.gather [hbm4b:s21+s26], $0x1000, s28, s26, $0x38;
	[tilespmem:$0x14380] =	vst v63  }
0x142: {  	_ =	swait.ge [sflag:s18], $0x1000  }
0x143: {  	[sflag:s18] =	ssyncset.done $0x0  }
0x144: {  	[sflag:s18] =	ssyncadd.s32 $0xFFFFF000  }
0x145: {  	_ =	swait.ge [sflag:s18], $0x1000  }
0x146: {  	[sflag:s18] =	ssyncset.done $0x0  }
0x147: {  	[sflag:s18] =	ssyncadd.s32 $0xFFFFF000  }
0x148: {  	_ =	swait.ge [sflag:s18], $0x1000  }
0x149: {  	[sflag:s18] =	ssyncset.done $0x0  }
0x14a: {  	[sflag:s18] =	ssyncadd.s32 $0xFFFFF000  }
0x14b: {  	_ =	swait.ge [sflag:s18], $0x1000  }
0x14c: {  	[sflag:s18] =	ssyncset.done $0x0  }
0x14d: {  	[sflag:s18] =	ssyncadd.s32 $0xFFFFF000  }
0x14e: {  	_ =	swait.ge [sflag:s18], $0x1000  }
0x14f: {  	[sflag:s18] =	ssyncset.done $0x0  }
0x150: {  	[sflag:s18] =	ssyncadd.s32 $0xFFFFF000  }
0x151: {  	_ =	swait.ge [sflag:s18], $0x1000  }
0x152: {  	[sflag:s18] =	ssyncset.done $0x0  }
0x153: {  	[sflag:s18] =	ssyncadd.s32 $0xFFFFF000  }
0x154: {  	_ =	swait.ge [sflag:s18], $0x1000  }
0x155: {  	[sflag:s18] =	ssyncset.done $0x0  }
0x156: {  	[sflag:s18] =	ssyncadd.s32 $0xFFFFF000  }
0x157: {  	_ =	swait.ge [sflag:s18], $0x1000  }
0x158: {  	[sflag:s18] =	ssyncset.done $0x0  }
0x159: {  	[sflag:s18] =	ssyncadd.s32 $0xFFFFF000  }
0x15a: {  	_ =	swait.ge [sflag:s17], $0x1000  }
0x15b: {  	[sflag:s17] =	ssyncset.done $0x0  }
0x15c: {  	[sflag:s17] =	ssyncadd.s32 $0xFFFFF000  }
0x15d: {  	_ =	swait.ge [sflag:s17], $0x1000  }
0x15e: {  	[sflag:s17] =	ssyncset.done $0x0  }
0x15f: {  	[sflag:s17] =	ssyncadd.s32 $0xFFFFF000  }
0x160: {  	_ =	swait.ge [sflag:s17], $0x1000  }
0x161: {  	[sflag:s17] =	ssyncset.done $0x0  }
0x162: {  	[sflag:s17] =	ssyncadd.s32 $0xFFFFF000  }
0x163: {  	_ =	swait.ge [sflag:s17], $0x1000  }
0x164: {  	[sflag:s17] =	ssyncset.done $0x0  }
0x165: {  	[sflag:s17] =	ssyncadd.s32 $0xFFFFF000  }
0x166: {  	_ =	swait.ge [sflag:s17], $0x1000  }
0x167: {  	[sflag:s17] =	ssyncset.done $0x0  }
0x168: {  	[sflag:s17] =	ssyncadd.s32 $0xFFFFF000  }
0x169: {  	_ =	swait.ge [sflag:s17], $0x1000  }
0x16a: {  	[sflag:s17] =	ssyncset.done $0x0  }
0x16b: {  	[sflag:s17] =	ssyncadd.s32 $0xFFFFF000  }
0x16c: {  	_ =	swait.ge [sflag:s17], $0x1000  }
0x16d: {  	[sflag:s17] =	ssyncset.done $0x0  }
0x16e: {  	[sflag:s17] =	ssyncadd.s32 $0xFFFFF000  }
0x16f: {  	_ =	swait.ge [sflag:s17], $0x1000  }
0x170: {  	[sflag:s17] =	ssyncset.done $0x0  }
0x171: {  	[sflag:s17] =	ssyncadd.s32 $0xFFFFF000  }
0x172: {  	s22 =	simm.s32 $0x0;
	s29 =	simm.s32 $0x3;
	s23 =	rddreg [dreg:$0x1]  }
0x173: {  	[tilespmem:s22], [sflag:$0x3] =	stream.linear.gather [hbm4b:s23+s22], $0x4000, $0x38;
	[tilespmem:$0x14380] =	vst v63  }
0x174: {  	_ =	swait.ge [sflag:s29], $0x4000  }
0x175: {  	[sflag:s29] =	ssyncset.done $0x0  }
0x176: {  	[sflag:s29] =	ssyncadd.s32 $0xFFFFC000  }
0x177: {  	v2 =	vld [tilespmem:s22+$0x0];
	_ =	sdelay $0x4  }
0x178: {  	v3 =	vshrl.u32 v2, $0xA  }
0x179: {  	v3 =	vand.u32 $0x1F, v3  }
0x17a: {  	vm0 =	veq.s32 v3, v0  }
0x17b: {  	v3 =	vmpcnt.ones.xlane vm0;
	_ =	sdelay $0x1  }
0x17c: {  	(v2sf) =	vpush v3, $0x0;
	v3 =	vmov s22  }
0x17d: {  	v4 =	vshll.u32 v2, $0x9;
	v3 =	vshll.u32 v3, $0xA  }
0x17e: {  	v4 =	vand.u32 $0xFF000000, v4;
	v3 =	vor.u32 v1, v3  }
0x17f: {  	v2 =	vand.u32 $0x3FF, v2;
	v3 =	vadd.s32 v3, v4  }
0x180: {  	v2 =	vor.u32 v2, v3  }
0x181: {  	s6 =	simm.s32 $0x10;
	[tilespmem:s22+$0x14000] =	vst.msk vm0, v2  }
0x182: {  	v2 =	vld [tilespmem:s6+$0x0];
	_ =	sdelay $0x4  }
0x183: {  	v3 =	vshrl.u32 v2, $0xA  }
0x184: {  	v3 =	vand.u32 $0x1F, v3  }
0x185: {  	v62 =	vmov s6;
	vm0 =	veq.s32 v3, v0  }
0x186: {  	v4 =	vshll.u32 v62, $0xA;
	v5 =	vshll.u32 v2, $0x9;
	v63 =	vmpcnt.ones.xlane vm0  }
0x187: {  	v4 =	vor.u32 v1, v4;
	v3 =	vand.u32 $0xFF000000, v5;
	s31 =	spop (v2sf)  }
0x188: {  	v2 =	vand.u32 $0x3FF, v2;
	v3 =	vadd.s32 v4, v3;
	s20 =	sadd.s32 $0x0, s31;
	(v2sf) =	vpush v63, $0x0  }
0x189: {  	s0 =	simm.s32 $0x5000;
	s21 =	simm.s32 $0x20;
	v2 =	vor.u32 v2, v3;
	p1 =	slt.s32 s20, $0x300  }
.LBB2_6:
0x18a: {  	p0 =	sne.s32 s21, $0x3FF0  }
0x18b: {  	s20 =	simm.s32 @!p1 $0x300;
	s19 =	smov.u32 s21;
	s21 =	sadd.s32 $0x10, s21  }
0x18c: {  	s6 =	sadd.s32 $0x10, s6;
	[tilespmem:s20+$0x14000] =	vst.msk vm0, v2  }
0x18d: {  	v2 =	vld [tilespmem:s6+$0x0];
	_ =	sdelay $0x3  }
0x18e: {  	v3 =	vmov s19  }
0x18f: {  	v3 =	vshll.u32 v3, $0xA;
	v4 =	vshrl.u32 v2, $0xA;
	v5 =	vshll.u32 v2, $0x9  }
0x190: {  	v3 =	vor.u32 v1, v3;
	v4 =	vand.u32 $0x1F, v4;
	v5 =	vand.u32 $0xFF000000, v5  }
0x191: {  	v2 =	vand.u32 $0x3FF, v2;
	vm0 =	veq.s32 v4, v0;
	v3 =	vadd.s32 v3, v5  }
.Ltmp2:
0x192: {  	v2 =	vor.u32 v2, v3;
	v3 =	vmpcnt.ones.xlane vm0;
	(pc) =	sbr.rel @p0 .LBB2_6-.Ltmp2, $4  }
0x193: {  	_ = 	snop  }
0x194: {  	(v2sf) =	vpush v3, $0x0;
	s19 =	spop (v2sf)  }
0x195: {  	s20 =	sadd.s32 s20, s19  }
0x196: {  	p1 =	slt.s32 s20, $0x300  }
0x197: {  	s20 =	simm.s32 @!p1 $0x300  }
0x198: {  	s6 =	rddreg [dreg:$0xd];
	[tilespmem:s20+$0x14000] =	vst.msk vm0, v2  }
0x199: {  	[tilespmem:s24], [sflag:$0x1] =	stream.strided.gather [hbm4b:s6+s26], $0x1000, s28, s26, $0x38;
	[tilespmem:$0x14380] =	vst v63  }
0x19a: {  	s22 =	rddreg [dreg:$0xe]  }
0x19b: {  	[tilespmem:s0], [sflag:$0x1] =	stream.strided.gather [hbm4b:s22+s26], $0x1000, s28, s26, $0x38;
	[tilespmem:$0x14380] =	vst v63  }
0x19c: {  	s23 =	rddreg [dreg:$0xf]  }
0x19d: {  	[tilespmem:s25], [sflag:$0x1] =	stream.strided.gather [hbm4b:s23+s26], $0x1000, s28, s26, $0x38;
	[tilespmem:$0x14380] =	vst v63  }
0x19e: {  	s29 =	rddreg [dreg:$0x10]  }
0x19f: {  	[tilespmem:s30], [sflag:$0x1] =	stream.strided.gather [hbm4b:s29+s26], $0x1000, s28, s26, $0x38;
	[tilespmem:$0x14380] =	vst v63  }
0x1a0: {  	s31 =	rddreg [dreg:$0x11];
	s22 =	sadd.s32 $0x0, s14  }
0x1a1: {  	[tilespmem:s2], [sflag:$0x1] =	stream.strided.gather [hbm4b:s31+s26], $0x1000, s28, s26, $0x38;
	[tilespmem:$0x14380] =	vst v63  }
0x1a2: {  	s19 =	rddreg [dreg:$0x12];
	s6 =	sadd.s32 $0x100, s22  }
0x1a3: {  	[tilespmem:s1], [sflag:$0x1] =	stream.strided.gather [hbm4b:s19+s26], $0x1000, s28, s26, $0x38;
	[tilespmem:$0x14380] =	vst v63  }
0x1a4: {  	p0 =	slt.s32 s6, $0x1E84;
	s19 =	sadd.s32 $0x101, s22  }
0x1a5: {  	s20 =	rddreg [dreg:$0x13];
	s6 =	simm.s32 @!p0 $0x1E84;
	p1 =	slt.s32 s19, $0x1E84  }
0x1a6: {  	[tilespmem:s3], [sflag:$0x1] =	stream.strided.gather [hbm4b:s20+s26], $0x1000, s28, s26, $0x38;
	[tilespmem:$0x14380] =	vst v63  }
0x1a7: {  	s21 =	rddreg [dreg:$0x14];
	s6 =	sshll.u32 s6, $0x7;
	s19 =	simm.s32 @!p1 $0x1E84  }
0x1a8: {  	[tilespmem:s7], [sflag:$0x1] =	stream.strided.gather [hbm4b:s21+s26], $0x1000, s28, s26, $0x38;
	[tilespmem:$0x14380] =	vst v63  }
0x1a9: {  	s6 =	sadd.s32 s5, s6;
	s19 =	sshll.u32 s19, $0x7;
	s21 =	sadd.s32 $0x102, s22  }
0x1aa: {  	[tilespmem:s8], [sflag:$0x2] =	stream.strided.gather [hbm4b:s6+s26], $0x1000, s28, s26, $0x38;
	[tilespmem:$0x14380] =	vst v63  }
0x1ab: {  	s19 =	sadd.s32 s5, s19;
	p0 =	slt.s32 s21, $0x1E84;
	s6 =	sadd.s32 $0x103, s22  }
0x1ac: {  	[tilespmem:s9], [sflag:$0x2] =	stream.strided.gather [hbm4b:s19+s26], $0x1000, s28, s26, $0x38;
	[tilespmem:$0x14380] =	vst v63  }
0x1ad: {  	s21 =	simm.s32 @!p0 $0x1E84;
	p0 =	slt.s32 s6, $0x1E84;
	s19 =	sadd.s32 $0x104, s22  }
0x1ae: {  	s21 =	sshll.u32 s21, $0x7;
	s6 =	simm.s32 @!p0 $0x1E84;
	p0 =	slt.s32 s19, $0x1E84  }
0x1af: {  	s21 =	sadd.s32 s5, s21;
	s6 =	sshll.u32 s6, $0x7;
	s19 =	simm.s32 @!p0 $0x1E84  }
0x1b0: {  	[tilespmem:s10], [sflag:$0x2] =	stream.strided.gather [hbm4b:s21+s26], $0x1000, s28, s26, $0x38;
	[tilespmem:$0x14380] =	vst v63  }
0x1b1: {  	s21 =	sadd.s32 $0x105, s22;
	s6 =	sadd.s32 s5, s6;
	s19 =	sshll.u32 s19, $0x7  }
0x1b2: {  	[tilespmem:s11], [sflag:$0x2] =	stream.strided.gather [hbm4b:s6+s26], $0x1000, s28, s26, $0x38;
	[tilespmem:$0x14380] =	vst v63  }
0x1b3: {  	p0 =	slt.s32 s21, $0x1E84;
	s6 =	sadd.s32 $0x106, s22;
	s19 =	sadd.s32 s5, s19  }
0x1b4: {  	[tilespmem:s12], [sflag:$0x2] =	stream.strided.gather [hbm4b:s19+s26], $0x1000, s28, s26, $0x38;
	[tilespmem:$0x14380] =	vst v63  }
0x1b5: {  	s21 =	simm.s32 @!p0 $0x1E84;
	p0 =	slt.s32 s6, $0x1E84;
	s19 =	sadd.s32 $0x107, s22  }
0x1b6: {  	s21 =	sshll.u32 s21, $0x7;
	s6 =	simm.s32 @!p0 $0x1E84;
	p0 =	slt.s32 s19, $0x1E84  }
0x1b7: {  	s21 =	sadd.s32 s5, s21;
	s6 =	sshll.u32 s6, $0x7;
	s19 =	simm.s32 @!p0 $0x1E84  }
0x1b8: {  	[tilespmem:s13], [sflag:$0x2] =	stream.strided.gather [hbm4b:s21+s26], $0x1000, s28, s26, $0x38;
	[tilespmem:$0x14380] =	vst v63  }
0x1b9: {  	s6 =	sadd.s32 s5, s6;
	s19 =	sshll.u32 s19, $0x7  }
0x1ba: {  	[tilespmem:s15], [sflag:$0x2] =	stream.strided.gather [hbm4b:s6+s26], $0x1000, s28, s26, $0x38;
	[tilespmem:$0x14380] =	vst v63  }
0x1bb: {  	s23 =	spop (v2sf);
	s6 =	sadd.s32 s5, s19  }
0x1bc: {  	[tilespmem:s16], [sflag:$0x2] =	stream.strided.gather [hbm4b:s6+s26], $0x1000, s28, s26, $0x38;
	[tilespmem:$0x14380] =	vst v63  }
0x1bd: {  	_ =	swait.ge [sflag:s17], $0x1000  }
0x1be: {  	[sflag:s17] =	ssyncset.done $0x0  }
0x1bf: {  	[sflag:s17] =	ssyncadd.s32 $0xFFFFF000  }
0x1c0: {  	_ =	swait.ge [sflag:s17], $0x1000  }
0x1c1: {  	[sflag:s17] =	ssyncset.done $0x0  }
0x1c2: {  	[sflag:s17] =	ssyncadd.s32 $0xFFFFF000  }
0x1c3: {  	_ =	swait.ge [sflag:s17], $0x1000  }
0x1c4: {  	[sflag:s17] =	ssyncset.done $0x0  }
0x1c5: {  	[sflag:s17] =	ssyncadd.s32 $0xFFFFF000  }
0x1c6: {  	_ =	swait.ge [sflag:s17], $0x1000  }
0x1c7: {  	[sflag:s17] =	ssyncset.done $0x0  }
0x1c8: {  	[sflag:s17] =	ssyncadd.s32 $0xFFFFF000  }
0x1c9: {  	_ =	swait.ge [sflag:s17], $0x1000  }
0x1ca: {  	[sflag:s17] =	ssyncset.done $0x0  }
0x1cb: {  	[sflag:s17] =	ssyncadd.s32 $0xFFFFF000  }
0x1cc: {  	_ =	swait.ge [sflag:s17], $0x1000  }
0x1cd: {  	[sflag:s17] =	ssyncset.done $0x0  }
0x1ce: {  	[sflag:s17] =	ssyncadd.s32 $0xFFFFF000  }
0x1cf: {  	_ =	swait.ge [sflag:s17], $0x1000  }
0x1d0: {  	s20 =	sadd.s32 $0x207, s22;
	s6 =	sadd.s32 $0x200, s22;
	[sflag:s17] =	ssyncset.done $0x0  }
0x1d1: {  	s21 =	sadd.s32 $0x202, s22;
	p0 =	slt.s32 s6, $0x1E84;
	[sflag:s17] =	ssyncadd.s32 $0xFFFFF000  }
0x1d2: {  	s19 =	sadd.s32 $0x201, s22;
	s6 =	simm.s32 @!p0 $0x1E84;
	_ =	swait.ge [sflag:s17], $0x1000  }
0x1d3: {  	p0 =	slt.s32 s19, $0x1E84;
	s6 =	sshll.u32 s6, $0x7;
	[sflag:s17] =	ssyncset.done $0x0  }
0x1d4: {  	s19 =	simm.s32 @!p0 $0x1E84;
	s6 =	sadd.s32 s5, s6;
	[sflag:s17] =	ssyncadd.s32 $0xFFFFF000  }
0x1d5: {  	[tilespmem:s24], [sflag:$0x1] =	stream.strided.gather [hbm4b:s6+s26], $0x1000, s28, s26, $0x38;
	[tilespmem:$0x14380] =	vst v63  }
0x1d6: {  	p0 =	slt.s32 s21, $0x1E84;
	s24 =	sshll.u32 s19, $0x7;
	s19 =	sadd.s32 $0x203, s22  }
0x1d7: {  	s21 =	simm.s32 @!p0 $0x1E84;
	p0 =	slt.s32 s19, $0x1E84;
	s6 =	sadd.s32 s5, s24  }
0x1d8: {  	[tilespmem:s0], [sflag:$0x1] =	stream.strided.gather [hbm4b:s6+s26], $0x1000, s28, s26, $0x38;
	[tilespmem:$0x14380] =	vst v63  }
0x1d9: {  	s21 =	sshll.u32 s21, $0x7;
	s19 =	simm.s32 @!p0 $0x1E84;
	s6 =	sadd.s32 $0x204, s22  }
0x1da: {  	s21 =	sadd.s32 s5, s21;
	s19 =	sshll.u32 s19, $0x7;
	p0 =	slt.s32 s6, $0x1E84  }
0x1db: {  	[tilespmem:s25], [sflag:$0x1] =	stream.strided.gather [hbm4b:s21+s26], $0x1000, s28, s26, $0x38;
	[tilespmem:$0x14380] =	vst v63  }
0x1dc: {  	s21 =	sadd.s32 $0x205, s22;
	s6 =	simm.s32 @!p0 $0x1E84;
	s19 =	sadd.s32 s5, s19  }
0x1dd: {  	[tilespmem:s30], [sflag:$0x1] =	stream.strided.gather [hbm4b:s19+s26], $0x1000, s28, s26, $0x38;
	[tilespmem:$0x14380] =	vst v63  }
0x1de: {  	p0 =	slt.s32 s21, $0x1E84;
	s6 =	sshll.u32 s6, $0x7;
	s19 =	sadd.s32 $0x206, s22  }
0x1df: {  	s21 =	simm.s32 @!p0 $0x1E84;
	s6 =	sadd.s32 s5, s6;
	p0 =	slt.s32 s19, $0x1E84  }
0x1e0: {  	s21 =	sshll.u32 s21, $0x7;
	s19 =	simm.s32 @!p0 $0x1E84;
	p0 =	slt.s32 s20, $0x1E84  }
0x1e1: {  	[tilespmem:s2], [sflag:$0x1] =	stream.strided.gather [hbm4b:s6+s26], $0x1000, s28, s26, $0x38;
	[tilespmem:$0x14380] =	vst v63  }
0x1e2: {  	s29 =	sadd.s32 s5, s21;
	s25 =	sshll.u32 s19, $0x7;
	s20 =	simm.s32 @!p0 $0x1E84  }
0x1e3: {  	[tilespmem:s1], [sflag:$0x1] =	stream.strided.gather [hbm4b:s29+s26], $0x1000, s28, s26, $0x38;
	[tilespmem:$0x14380] =	vst v63  }
0x1e4: {  	s30 =	sshll.u32 s20, $0x7;
	s6 =	sadd.s32 s5, s25  }
0x1e5: {  	[tilespmem:s3], [sflag:$0x1] =	stream.strided.gather [hbm4b:s6+s26], $0x1000, s28, s26, $0x38;
	[tilespmem:$0x14380] =	vst v63  }
0x1e6: {  	s31 =	sadd.s32 s5, s30  }
0x1e7: {  	[tilespmem:s7], [sflag:$0x1] =	stream.strided.gather [hbm4b:s31+s26], $0x1000, s28, s26, $0x38;
	[tilespmem:$0x14380] =	vst v63  }
0x1e8: {  	_ =	swait.ge [sflag:s18], $0x1000  }
0x1e9: {  	[sflag:s18] =	ssyncset.done $0x0  }
0x1ea: {  	[sflag:s18] =	ssyncadd.s32 $0xFFFFF000  }
0x1eb: {  	_ =	swait.ge [sflag:s18], $0x1000  }
0x1ec: {  	[sflag:s18] =	ssyncset.done $0x0  }
0x1ed: {  	[sflag:s18] =	ssyncadd.s32 $0xFFFFF000  }
0x1ee: {  	_ =	swait.ge [sflag:s18], $0x1000  }
0x1ef: {  	[sflag:s18] =	ssyncset.done $0x0  }
0x1f0: {  	[sflag:s18] =	ssyncadd.s32 $0xFFFFF000  }
0x1f1: {  	_ =	swait.ge [sflag:s18], $0x1000  }
0x1f2: {  	[sflag:s18] =	ssyncset.done $0x0  }
0x1f3: {  	s0 =	simm.s32 $0x5000;
	[sflag:s18] =	ssyncadd.s32 $0xFFFFF000  }
0x1f4: {  	s22 =	simm.s32 $0x400;
	s20 =	sadd.s32 $0x200, s14;
	_ =	swait.ge [sflag:s18], $0x1000  }
0x1f5: {  	s19 =	sadd.s32 $0x101, s20;
	s6 =	sadd.s32 $0x100, s20;
	[sflag:s18] =	ssyncset.done $0x0  }
0x1f6: {  	p1 =	slt.s32 s19, $0x1E84;
	p0 =	slt.s32 s6, $0x1E84;
	[sflag:s18] =	ssyncadd.s32 $0xFFFFF000  }
0x1f7: {  	s19 =	simm.s32 @!p1 $0x1E84;
	s6 =	simm.s32 @!p0 $0x1E84;
	_ =	swait.ge [sflag:s18], $0x1000  }
0x1f8: {  	s21 =	sshll.u32 s6, $0x7;
	s6 =	sshll.u32 s19, $0x7;
	[sflag:s18] =	ssyncset.done $0x0  }
.LBB2_8:
0x1f9: {  	s19 =	sadd.s32 s5, s21  }
0x1fa: {  	s23 =	sadd.s32 $0x102, s20;
	[sflag:s18] =	ssyncadd.s32 $0xFFFFF000;
	s21 =	smov.u32 s22  }
0x1fb: {  	s24 =	sadd.s32 $0x103, s20;
	p0 =	slt.s32 s23, $0x1E84;
	_ =	swait.ge [sflag:s18], $0x1000  }
0x1fc: {  	s6 =	sadd.s32 s5, s6;
	s23 =	simm.s32 @!p0 $0x1E84;
	[sflag:s18] =	ssyncset.done $0x0  }
0x1fd: {  	p0 =	slt.s32 s24, $0x1E84;
	s23 =	sshll.u32 s23, $0x7;
	[sflag:s18] =	ssyncadd.s32 $0xFFFFF000  }
0x1fe: {  	s25 =	sadd.s32 $0x105, s20;
	s24 =	simm.s32 @!p0 $0x1E84;
	_ =	swait.ge [sflag:s18], $0x1000  }
0x1ff: {  	s29 =	sadd.s32 $0x104, s20;
	s24 =	sshll.u32 s24, $0x7;
	[sflag:s18] =	ssyncset.done $0x0  }
0x200: {  	p1 =	slt.s32 s25, $0x1E84;
	p0 =	slt.s32 s29, $0x1E84;
	[sflag:s18] =	ssyncadd.s32 $0xFFFFF000  }
0x201: {  	[tilespmem:s8], [sflag:$0x2] =	stream.strided.gather [hbm4b:s19+s26], $0x1000, s28, s26, $0x38;
	[tilespmem:$0x14380] =	vst v63  }
0x202: {  	s25 =	simm.s32 @!p1 $0x1E84;
	s29 =	simm.s32 @!p0 $0x1E84;
	s19 =	sadd.s32 $0x106, s20  }
0x203: {  	[tilespmem:s9], [sflag:$0x2] =	stream.strided.gather [hbm4b:s6+s26], $0x1000, s28, s26, $0x38;
	[tilespmem:$0x14380] =	vst v63  }
0x204: {  	s25 =	sshll.u32 s25, $0x7;
	s6 =	sadd.s32 s5, s23;
	s23 =	sshll.u32 s29, $0x7  }
0x205: {  	[tilespmem:s10], [sflag:$0x2] =	stream.strided.gather [hbm4b:s6+s26], $0x1000, s28, s26, $0x38;
	[tilespmem:$0x14380] =	vst v63  }
0x206: {  	p0 =	slt.s32 s19, $0x1E84;
	s6 =	sadd.s32 s5, s24;
	s24 =	sadd.s32 $0x107, s20  }
0x207: {  	[tilespmem:s11], [sflag:$0x2] =	stream.strided.gather [hbm4b:s6+s26], $0x1000, s28, s26, $0x38;
	[tilespmem:$0x14380] =	vst v63  }
0x208: {  	s19 =	simm.s32 @!p0 $0x1E84;
	p0 =	slt.s32 s24, $0x1E84;
	s6 =	sadd.s32 s5, s23  }
0x209: {  	[tilespmem:s12], [sflag:$0x2] =	stream.strided.gather [hbm4b:s6+s26], $0x1000, s28, s26, $0x38;
	[tilespmem:$0x14380] =	vst v63  }
0x20a: {  	s19 =	sshll.u32 s19, $0x7;
	s24 =	simm.s32 @!p0 $0x1E84;
	s6 =	sadd.s32 s5, s25  }
0x20b: {  	[tilespmem:s13], [sflag:$0x2] =	stream.strided.gather [hbm4b:s6+s26], $0x1000, s28, s26, $0x38;
	[tilespmem:$0x14380] =	vst v63  }
0x20c: {  	s23 =	sadd.s32 $0x200, s20;
	s6 =	sadd.s32 s5, s19;
	s19 =	sshll.u32 s24, $0x7  }
0x20d: {  	[tilespmem:s15], [sflag:$0x2] =	stream.strided.gather [hbm4b:s6+s26], $0x1000, s28, s26, $0x38;
	[tilespmem:$0x14380] =	vst v63  }
0x20e: {  	p0 =	slt.s32 s23, $0x1E84;
	s6 =	sadd.s32 s5, s19;
	s19 =	sadd.s32 $0x201, s20  }
0x20f: {  	[tilespmem:s16], [sflag:$0x2] =	stream.strided.gather [hbm4b:s6+s26], $0x1000, s28, s26, $0x38;
	[tilespmem:$0x14380] =	vst v63  }
0x210: {  	s23 =	simm.s32 @!p0 $0x1E84;
	p0 =	slt.s32 s19, $0x1E84;
	_ =	swait.ge [sflag:s17], $0x1000  }
0x211: {  	s24 =	sshll.u32 s23, $0x7;
	s19 =	simm.s32 @!p0 $0x1E84;
	[sflag:s17] =	ssyncset.done $0x0  }
0x212: {  	s6 =	sshll.u32 s19, $0x7;
	s19 =	sadd.s32 $0x202, s20;
	[sflag:s17] =	ssyncadd.s32 $0xFFFFF000  }
0x213: {  	s23 =	sadd.s32 $0x203, s20;
	p0 =	slt.s32 s19, $0x1E84;
	_ =	swait.ge [sflag:s17], $0x1000  }
0x214: {  	s19 =	simm.s32 @!p0 $0x1E84;
	p0 =	slt.s32 s23, $0x1E84;
	[sflag:s17] =	ssyncset.done $0x0  }
0x215: {  	s19 =	sshll.u32 s19, $0x7;
	s23 =	simm.s32 @!p0 $0x1E84;
	[sflag:s17] =	ssyncadd.s32 $0xFFFFF000  }
0x216: {  	s25 =	sshll.u32 s23, $0x7;
	s23 =	sadd.s32 $0x204, s20;
	_ =	swait.ge [sflag:s17], $0x1000  }
0x217: {  	s29 =	sadd.s32 $0x205, s20;
	p0 =	slt.s32 s23, $0x1E84;
	[sflag:s17] =	ssyncset.done $0x0  }
0x218: {  	s23 =	simm.s32 @!p0 $0x1E84;
	p0 =	slt.s32 s29, $0x1E84;
	[sflag:s17] =	ssyncadd.s32 $0xFFFFF000  }
0x219: {  	s30 =	sshll.u32 s23, $0x7;
	s29 =	simm.s32 @!p0 $0x1E84;
	_ =	swait.ge [sflag:s17], $0x1000  }
0x21a: {  	s23 =	sadd.s32 $0x206, s20;
	s29 =	sshll.u32 s29, $0x7;
	[sflag:s17] =	ssyncset.done $0x0  }
0x21b: {  	s20 =	sadd.s32 $0x207, s20;
	p0 =	slt.s32 s23, $0x1E84;
	[sflag:s17] =	ssyncadd.s32 $0xFFFFF000  }
0x21c: {  	s23 =	simm.s32 @!p0 $0x1E84;
	p0 =	slt.s32 s20, $0x1E84;
	_ =	swait.ge [sflag:s17], $0x1000  }
0x21d: {  	s31 =	sshll.u32 s23, $0x7;
	s20 =	simm.s32 @!p0 $0x1E84;
	[sflag:s17] =	ssyncset.done $0x0  }
0x21e: {  	s23 =	sadd.s32 $0x200, s22;
	s20 =	sshll.u32 s20, $0x7;
	[sflag:s17] =	ssyncadd.s32 $0xFFFFF000  }
0x21f: {  	p0 =	sne.s32 s22, $0x1E00;
	_ =	swait.ge [sflag:s17], $0x1000  }
0x220: {  	[sflag:s17] =	ssyncset.done $0x0  }
0x221: {  	[sflag:s17] =	ssyncadd.s32 $0xFFFFF000  }
0x222: {  	_ =	swait.ge [sflag:s17], $0x1000  }
0x223: {  	[sflag:s17] =	ssyncset.done $0x0  }
0x224: {  	[sflag:s17] =	ssyncadd.s32 $0xFFFFF000  }
0x225: {  	_ =	swait.ge [sflag:s17], $0x1000  }
0x226: {  	s22 =	sadd.s32 s5, s24;
	s24 =	simm.s32 $0x4000;
	[sflag:s17] =	ssyncset.done $0x0  }
0x227: {  	s6 =	sadd.s32 s5, s6;
	[sflag:s17] =	ssyncadd.s32 $0xFFFFF000  }
0x228: {  	[tilespmem:s24], [sflag:$0x1] =	stream.strided.gather [hbm4b:s22+s26], $0x1000, s28, s26, $0x38;
	[tilespmem:$0x14380] =	vst v63  }
0x229: {  	s19 =	sadd.s32 s5, s19  }
0x22a: {  	[tilespmem:s0], [sflag:$0x1] =	stream.strided.gather [hbm4b:s6+s26], $0x1000, s28, s26, $0x38;
	[tilespmem:$0x14380] =	vst v63  }
0x22b: {  	s6 =	sadd.s32 s5, s25;
	s25 =	simm.s32 $0x6000  }
0x22c: {  	[tilespmem:s25], [sflag:$0x1] =	stream.strided.gather [hbm4b:s19+s26], $0x1000, s28, s26, $0x38;
	[tilespmem:$0x14380] =	vst v63  }
0x22d: {  	s19 =	sadd.s32 s5, s30;
	s30 =	simm.s32 $0x7000  }
0x22e: {  	[tilespmem:s30], [sflag:$0x1] =	stream.strided.gather [hbm4b:s6+s26], $0x1000, s28, s26, $0x38;
	[tilespmem:$0x14380] =	vst v63  }
0x22f: {  	s6 =	sadd.s32 s5, s29  }
0x230: {  	[tilespmem:s2], [sflag:$0x1] =	stream.strided.gather [hbm4b:s19+s26], $0x1000, s28, s26, $0x38;
	[tilespmem:$0x14380] =	vst v63  }
0x231: {  	s19 =	sadd.s32 s5, s31  }
0x232: {  	[tilespmem:s1], [sflag:$0x1] =	stream.strided.gather [hbm4b:s6+s26], $0x1000, s28, s26, $0x38;
	[tilespmem:$0x14380] =	vst v63  }
0x233: {  	s6 =	sadd.s32 s5, s20  }
0x234: {  	[tilespmem:s3], [sflag:$0x1] =	stream.strided.gather [hbm4b:s19+s26], $0x1000, s28, s26, $0x38;
	[tilespmem:$0x14380] =	vst v63  }
0x235: {  	_ = 	snop  }
0x236: {  	[tilespmem:s7], [sflag:$0x1] =	stream.strided.gather [hbm4b:s6+s26], $0x1000, s28, s26, $0x38;
	[tilespmem:$0x14380] =	vst v63  }
0x237: {  	_ =	swait.ge [sflag:s18], $0x1000  }
0x238: {  	[sflag:s18] =	ssyncset.done $0x0  }
0x239: {  	[sflag:s18] =	ssyncadd.s32 $0xFFFFF000  }
0x23a: {  	_ =	swait.ge [sflag:s18], $0x1000  }
0x23b: {  	[sflag:s18] =	ssyncset.done $0x0  }
0x23c: {  	[sflag:s18] =	ssyncadd.s32 $0xFFFFF000  }
0x23d: {  	_ =	swait.ge [sflag:s18], $0x1000  }
0x23e: {  	[sflag:s18] =	ssyncset.done $0x0  }
0x23f: {  	[sflag:s18] =	ssyncadd.s32 $0xFFFFF000  }
0x240: {  	_ =	swait.ge [sflag:s18], $0x1000  }
0x241: {  	[sflag:s18] =	ssyncset.done $0x0  }
0x242: {  	s22 =	smov.u32 s23;
	[sflag:s18] =	ssyncadd.s32 $0xFFFFF000  }
.Ltmp3:
0x243: {  	s20 =	sadd.s32 s21, s14;
	_ =	swait.ge [sflag:s18], $0x1000;
	(pc) =	sbr.rel @p0 .LBB2_8-.Ltmp3, $4  }
0x244: {  	s19 =	sadd.s32 $0x101, s20;
	s6 =	sadd.s32 $0x100, s20;
	[sflag:s18] =	ssyncset.done $0x0  }
0x245: {  	p2 =	slt.s32 s19, $0x1E84;
	p1 =	slt.s32 s6, $0x1E84;
	[sflag:s18] =	ssyncadd.s32 $0xFFFFF000  }
0x246: {  	s19 =	simm.s32 @!p2 $0x1E84;
	s6 =	simm.s32 @!p1 $0x1E84;
	_ =	swait.ge [sflag:s18], $0x1000  }
0x247: {  	s21 =	sshll.u32 s6, $0x7;
	s6 =	sshll.u32 s19, $0x7;
	[sflag:s18] =	ssyncset.done $0x0  }
0x248: {  	[sflag:s18] =	ssyncadd.s32 $0xFFFFF000  }
0x249: {  	_ =	swait.ge [sflag:s18], $0x1000  }
0x24a: {  	[sflag:s18] =	ssyncset.done $0x0  }
0x24b: {  	[sflag:s18] =	ssyncadd.s32 $0xFFFFF000  }
0x24c: {  	_ =	swait.ge [sflag:s18], $0x1000  }
0x24d: {  	[sflag:s18] =	ssyncset.done $0x0  }
0x24e: {  	s19 =	sadd.s32 s5, s21;
	[sflag:s18] =	ssyncadd.s32 $0xFFFFF000  }
0x24f: {  	[tilespmem:s8], [sflag:$0x2] =	stream.strided.gather [hbm4b:s19+s26], $0x1000, s28, s26, $0x38;
	[tilespmem:$0x14380] =	vst v63  }
0x250: {  	s6 =	sadd.s32 s5, s6  }
0x251: {  	[tilespmem:s9], [sflag:$0x2] =	stream.strided.gather [hbm4b:s6+s26], $0x1000, s28, s26, $0x38;
	[tilespmem:$0x14380] =	vst v63  }
0x252: {  	s6 =	sadd.s32 $0x102, s20  }
0x253: {  	p0 =	slt.s32 s6, $0x1E84  }
0x254: {  	s6 =	simm.s32 @!p0 $0x1E84  }
0x255: {  	s6 =	sshll.u32 s6, $0x7  }
0x256: {  	s6 =	sadd.s32 s5, s6  }
0x257: {  	[tilespmem:s10], [sflag:$0x2] =	stream.strided.gather [hbm4b:s6+s26], $0x1000, s28, s26, $0x38;
	[tilespmem:$0x14380] =	vst v63  }
0x258: {  	s6 =	sadd.s32 $0x103, s20  }
0x259: {  	p0 =	slt.s32 s6, $0x1E84  }
0x25a: {  	s6 =	simm.s32 @!p0 $0x1E84  }
0x25b: {  	s6 =	sshll.u32 s6, $0x7  }
0x25c: {  	s6 =	sadd.s32 s5, s6  }
0x25d: {  	[tilespmem:s11], [sflag:$0x2] =	stream.strided.gather [hbm4b:s6+s26], $0x1000, s28, s26, $0x38;
	[tilespmem:$0x14380] =	vst v63  }
0x25e: {  	s6 =	sadd.s32 $0x104, s20  }
0x25f: {  	p0 =	slt.s32 s6, $0x1E84  }
0x260: {  	s6 =	simm.s32 @!p0 $0x1E84  }
0x261: {  	s6 =	sshll.u32 s6, $0x7  }
0x262: {  	s6 =	sadd.s32 s5, s6  }
0x263: {  	[tilespmem:s12], [sflag:$0x2] =	stream.strided.gather [hbm4b:s6+s26], $0x1000, s28, s26, $0x38;
	[tilespmem:$0x14380] =	vst v63  }
0x264: {  	s6 =	sadd.s32 $0x105, s20  }
0x265: {  	p0 =	slt.s32 s6, $0x1E84  }
0x266: {  	s6 =	simm.s32 @!p0 $0x1E84  }
0x267: {  	s6 =	sshll.u32 s6, $0x7  }
0x268: {  	s6 =	sadd.s32 s5, s6  }
0x269: {  	[tilespmem:s13], [sflag:$0x2] =	stream.strided.gather [hbm4b:s6+s26], $0x1000, s28, s26, $0x38;
	[tilespmem:$0x14380] =	vst v63  }
0x26a: {  	s6 =	sadd.s32 $0x106, s20  }
0x26b: {  	p0 =	slt.s32 s6, $0x1E84  }
0x26c: {  	s6 =	simm.s32 @!p0 $0x1E84  }
0x26d: {  	s6 =	sshll.u32 s6, $0x7  }
0x26e: {  	s6 =	sadd.s32 s5, s6  }
0x26f: {  	[tilespmem:s15], [sflag:$0x2] =	stream.strided.gather [hbm4b:s6+s26], $0x1000, s28, s26, $0x38;
	[tilespmem:$0x14380] =	vst v63  }
0x270: {  	s6 =	sadd.s32 $0x107, s20  }
0x271: {  	p0 =	slt.s32 s6, $0x1E84  }
0x272: {  	s6 =	simm.s32 @!p0 $0x1E84  }
0x273: {  	s6 =	sshll.u32 s6, $0x7  }
0x274: {  	s6 =	sadd.s32 s5, s6  }
0x275: {  	[tilespmem:s16], [sflag:$0x2] =	stream.strided.gather [hbm4b:s6+s26], $0x1000, s28, s26, $0x38;
	[tilespmem:$0x14380] =	vst v63  }
0x276: {  	_ =	swait.ge [sflag:s17], $0x1000  }
0x277: {  	[sflag:s17] =	ssyncset.done $0x0  }
0x278: {  	[sflag:s17] =	ssyncadd.s32 $0xFFFFF000  }
0x279: {  	_ =	swait.ge [sflag:s17], $0x1000  }
0x27a: {  	[sflag:s17] =	ssyncset.done $0x0  }
0x27b: {  	[sflag:s17] =	ssyncadd.s32 $0xFFFFF000  }
0x27c: {  	_ =	swait.ge [sflag:s17], $0x1000  }
0x27d: {  	[sflag:s17] =	ssyncset.done $0x0  }
0x27e: {  	[sflag:s17] =	ssyncadd.s32 $0xFFFFF000  }
0x27f: {  	_ =	swait.ge [sflag:s17], $0x1000  }
0x280: {  	[sflag:s17] =	ssyncset.done $0x0  }
0x281: {  	[sflag:s17] =	ssyncadd.s32 $0xFFFFF000  }
0x282: {  	_ =	swait.ge [sflag:s17], $0x1000  }
0x283: {  	[sflag:s17] =	ssyncset.done $0x0  }
0x284: {  	[sflag:s17] =	ssyncadd.s32 $0xFFFFF000  }
0x285: {  	_ =	swait.ge [sflag:s17], $0x1000  }
0x286: {  	[sflag:s17] =	ssyncset.done $0x0  }
0x287: {  	[sflag:s17] =	ssyncadd.s32 $0xFFFFF000  }
0x288: {  	_ =	swait.ge [sflag:s17], $0x1000  }
0x289: {  	s6 =	sadd.s32 $0x200, s20;
	[sflag:s17] =	ssyncset.done $0x0  }
0x28a: {  	p0 =	slt.s32 s6, $0x1E84;
	[sflag:s17] =	ssyncadd.s32 $0xFFFFF000  }
0x28b: {  	s6 =	simm.s32 @!p0 $0x1E84;
	_ =	swait.ge [sflag:s17], $0x1000  }
0x28c: {  	s6 =	sshll.u32 s6, $0x7;
	[sflag:s17] =	ssyncset.done $0x0  }
0x28d: {  	s6 =	sadd.s32 s5, s6;
	[sflag:s17] =	ssyncadd.s32 $0xFFFFF000  }
0x28e: {  	[tilespmem:s24], [sflag:$0x1] =	stream.strided.gather [hbm4b:s6+s26], $0x1000, s28, s26, $0x38;
	[tilespmem:$0x14380] =	vst v63  }
0x28f: {  	s6 =	sadd.s32 $0x201, s20  }
0x290: {  	p0 =	slt.s32 s6, $0x1E84  }
0x291: {  	s6 =	simm.s32 @!p0 $0x1E84  }
0x292: {  	s6 =	sshll.u32 s6, $0x7  }
0x293: {  	s6 =	sadd.s32 s5, s6  }
0x294: {  	[tilespmem:s0], [sflag:$0x1] =	stream.strided.gather [hbm4b:s6+s26], $0x1000, s28, s26, $0x38;
	[tilespmem:$0x14380] =	vst v63  }
0x295: {  	s6 =	sadd.s32 $0x202, s20  }
0x296: {  	p0 =	slt.s32 s6, $0x1E84  }
0x297: {  	s6 =	simm.s32 @!p0 $0x1E84  }
0x298: {  	s6 =	sshll.u32 s6, $0x7  }
0x299: {  	s6 =	sadd.s32 s5, s6  }
0x29a: {  	[tilespmem:s25], [sflag:$0x1] =	stream.strided.gather [hbm4b:s6+s26], $0x1000, s28, s26, $0x38;
	[tilespmem:$0x14380] =	vst v63  }
0x29b: {  	s6 =	sadd.s32 $0x203, s20  }
0x29c: {  	p0 =	slt.s32 s6, $0x1E84  }
0x29d: {  	s6 =	simm.s32 @!p0 $0x1E84  }
0x29e: {  	s6 =	sshll.u32 s6, $0x7  }
0x29f: {  	s6 =	sadd.s32 s5, s6  }
0x2a0: {  	[tilespmem:s30], [sflag:$0x1] =	stream.strided.gather [hbm4b:s6+s26], $0x1000, s28, s26, $0x38;
	[tilespmem:$0x14380] =	vst v63  }
0x2a1: {  	s6 =	sadd.s32 $0x204, s20  }
0x2a2: {  	p0 =	slt.s32 s6, $0x1E84  }
0x2a3: {  	s6 =	simm.s32 @!p0 $0x1E84  }
0x2a4: {  	s6 =	sshll.u32 s6, $0x7  }
0x2a5: {  	s6 =	sadd.s32 s5, s6  }
0x2a6: {  	[tilespmem:s2], [sflag:$0x1] =	stream.strided.gather [hbm4b:s6+s26], $0x1000, s28, s26, $0x38;
	[tilespmem:$0x14380] =	vst v63  }
0x2a7: {  	s6 =	sadd.s32 $0x205, s20  }
0x2a8: {  	p0 =	slt.s32 s6, $0x1E84  }
0x2a9: {  	s6 =	simm.s32 @!p0 $0x1E84  }
0x2aa: {  	s6 =	sshll.u32 s6, $0x7  }
0x2ab: {  	s6 =	sadd.s32 s5, s6  }
0x2ac: {  	[tilespmem:s1], [sflag:$0x1] =	stream.strided.gather [hbm4b:s6+s26], $0x1000, s28, s26, $0x38;
	[tilespmem:$0x14380] =	vst v63  }
0x2ad: {  	s6 =	sadd.s32 $0x206, s20  }
0x2ae: {  	p0 =	slt.s32 s6, $0x1E84  }
0x2af: {  	s6 =	simm.s32 @!p0 $0x1E84  }
0x2b0: {  	s6 =	sshll.u32 s6, $0x7  }
0x2b1: {  	s6 =	sadd.s32 s5, s6  }
0x2b2: {  	[tilespmem:s3], [sflag:$0x1] =	stream.strided.gather [hbm4b:s6+s26], $0x1000, s28, s26, $0x38;
	[tilespmem:$0x14380] =	vst v63  }
0x2b3: {  	s6 =	sadd.s32 $0x207, s20  }
0x2b4: {  	p0 =	slt.s32 s6, $0x1E84  }
0x2b5: {  	s6 =	simm.s32 @!p0 $0x1E84  }
0x2b6: {  	s6 =	sshll.u32 s6, $0x7  }
0x2b7: {  	s6 =	sadd.s32 s5, s6  }
0x2b8: {  	[tilespmem:s7], [sflag:$0x1] =	stream.strided.gather [hbm4b:s6+s26], $0x1000, s28, s26, $0x38;
	[tilespmem:$0x14380] =	vst v63  }
0x2b9: {  	_ =	swait.ge [sflag:s18], $0x1000  }
0x2ba: {  	[sflag:s18] =	ssyncset.done $0x0  }
0x2bb: {  	[sflag:s18] =	ssyncadd.s32 $0xFFFFF000  }
0x2bc: {  	_ =	swait.ge [sflag:s18], $0x1000  }
0x2bd: {  	[sflag:s18] =	ssyncset.done $0x0  }
0x2be: {  	[sflag:s18] =	ssyncadd.s32 $0xFFFFF000  }
0x2bf: {  	_ =	swait.ge [sflag:s18], $0x1000  }
0x2c0: {  	[sflag:s18] =	ssyncset.done $0x0  }
0x2c1: {  	[sflag:s18] =	ssyncadd.s32 $0xFFFFF000  }
0x2c2: {  	_ =	swait.ge [sflag:s18], $0x1000  }
0x2c3: {  	[sflag:s18] =	ssyncset.done $0x0  }
0x2c4: {  	[sflag:s18] =	ssyncadd.s32 $0xFFFFF000  }
0x2c5: {  	_ =	swait.ge [sflag:s18], $0x1000  }
0x2c6: {  	[sflag:s18] =	ssyncset.done $0x0  }
0x2c7: {  	[sflag:s18] =	ssyncadd.s32 $0xFFFFF000  }
0x2c8: {  	_ =	swait.ge [sflag:s18], $0x1000  }
0x2c9: {  	[sflag:s18] =	ssyncset.done $0x0  }
0x2ca: {  	[sflag:s18] =	ssyncadd.s32 $0xFFFFF000  }
0x2cb: {  	_ =	swait.ge [sflag:s18], $0x1000  }
0x2cc: {  	[sflag:s18] =	ssyncset.done $0x0  }
0x2cd: {  	[sflag:s18] =	ssyncadd.s32 $0xFFFFF000  }
0x2ce: {  	_ =	swait.ge [sflag:s18], $0x1000  }
0x2cf: {  	[sflag:s18] =	ssyncset.done $0x0  }
0x2d0: {  	[sflag:s18] =	ssyncadd.s32 $0xFFFFF000  }
0x2d1: {  	_ =	swait.ge [sflag:s17], $0x1000  }
0x2d2: {  	[sflag:s17] =	ssyncset.done $0x0  }
0x2d3: {  	[sflag:s17] =	ssyncadd.s32 $0xFFFFF000  }
0x2d4: {  	_ =	swait.ge [sflag:s17], $0x1000  }
0x2d5: {  	[sflag:s17] =	ssyncset.done $0x0  }
0x2d6: {  	[sflag:s17] =	ssyncadd.s32 $0xFFFFF000  }
0x2d7: {  	_ =	swait.ge [sflag:s17], $0x1000  }
0x2d8: {  	[sflag:s17] =	ssyncset.done $0x0  }
0x2d9: {  	[sflag:s17] =	ssyncadd.s32 $0xFFFFF000  }
0x2da: {  	_ =	swait.ge [sflag:s17], $0x1000  }
0x2db: {  	[sflag:s17] =	ssyncset.done $0x0  }
0x2dc: {  	[sflag:s17] =	ssyncadd.s32 $0xFFFFF000  }
0x2dd: {  	_ =	swait.ge [sflag:s17], $0x1000  }
0x2de: {  	[sflag:s17] =	ssyncset.done $0x0  }
0x2df: {  	[sflag:s17] =	ssyncadd.s32 $0xFFFFF000  }
0x2e0: {  	_ =	swait.ge [sflag:s17], $0x1000  }
0x2e1: {  	[sflag:s17] =	ssyncset.done $0x0  }
0x2e2: {  	[sflag:s17] =	ssyncadd.s32 $0xFFFFF000  }
0x2e3: {  	_ =	swait.ge [sflag:s17], $0x1000  }
0x2e4: {  	[sflag:s17] =	ssyncset.done $0x0  }
0x2e5: {  	[sflag:s17] =	ssyncadd.s32 $0xFFFFF000  }
0x2e6: {  	_ =	swait.ge [sflag:s17], $0x1000  }
0x2e7: {  	s29 =	rddreg [dreg:$0x16]  }
0x2e8: {  	s31 =	rddreg [dreg:$0x15];
	s19 =	sadd.s32 $0x1, s29  }
0x2e9: {  	p0 =	sne.s32 s19, s31  }
.Ltmp4:
0x2ea: {  	_ = 	snop;
	(pc) =	sbr.rel @p0 .LBB2_1-.Ltmp4, $3  }
0x2eb: {  	_ =	sdelay $0x1  }
0x2ec: {  	[sflag:s17] =	ssyncset.done $0x0  }
0x2ed: {  	s0 =	simm.s32 $0x5000;
	[sflag:s17] =	ssyncadd.s32 $0xFFFFF000  }
0x2ee: {  	_ =	sfence.sel $0x180000  }
0x2ef: {  	[bflag:$0x0] =	sbarrier.arrive $0xFFFF  }
0x2f0: {  	_ =	strace $0x90000047  }
0x2f1: {  	s0 =	stileid.u32;
	[bflag:$0x2] =	sbarrier.arrive $0xFFFF  }
0x2f2: {  	p0 =	sne.s32 s0, $0x0;
	s0 =	rddreg [dreg:$0x4]  }
0x2f3: {  	s0 =	sadd.s32 @!p0 $0x100000, s0  }
0x2f4: {  	[sflag:s0] =	ssyncadd.tile.s32 @!p0 $0x1;
	_ =	shalt  }
.Lfunc_end2:
_tile_overlayer_lowered:
.L_overlay_start_2:
0x2f5: {  	(tag) =	ssettag $0x2  }
0x2f6: {  	s0 =	rddreg [dreg:$0x0];
	s2 =	stileid.u32  }
0x2f7: {  	s1 =	rddreg [dreg:$0x1];
	p0 =	sne.s32 s2, $0x0  }
0x2f8: {  	s3 =	rddreg [dreg:$0x2];
	[bflag:$0x3] =	sbarrier.arrive $0xFFFF;
	s2 =	simm.s32 @!p0 $0x1C03  }
0x2f9: {  	[timem:s3], [sflag:s2] =	dma.local @!p0 [hbm:s0], s1  }
0x2fa: {  	s0 =	simm.s32 @!p0 $0x3  }
0x2fb: {  	_ =	swait.ge @!p0 [sflag:s0], s1  }
0x2fc: {  	s1 =	ssub.s32 @!p0 $0x0, s1;
	[sflag:s0] =	ssyncset.done @!p0 $0x0  }
0x2fd: {  	[sflag:s0] =	ssyncadd.s32 @!p0 s1  }
0x2fe: {  	[bflag:$0x3] =	sbarrier.arrive $0xFFFF  }
0x2ff: {  	_ =	shalt  }

// kernel: kernel.7.cloned.1.call-start
scs
__scs_entry_jumppad:
0x0: {  	(pc) =	sbr.rel $0x88, $3  }
0x1: {  	(tag) =	ssettag $0x0;
	lr =	simm.s32 $0x1  }
0x2: {  	[smem:$0x3F9A] =	sst lr;
	_ =	strace $0xD0000000  }
0x3: {  	_ = 	snop  }
0x4: {  	_ = 	snop  }
0x5: {  	_ = 	snop  }
0x6: {  	_ = 	snop  }
0x7: {  	_ = 	snop  }
__scs_overlays_trampoline_lowered:
0x8: {  	[smem:$0x3FA9] =	sst s0  }
0x9: {  	[smem:$0x3FAA] =	sst s1  }
0xa: {  	[smem:$0x3FAB] =	sst s2  }
0xb: {  	[smem:$0x3FAC] =	sst s3  }
0xc: {  	[smem:$0x3FAD] =	sst s4  }
0xd: {  	[smem:$0x3FAE] =	sst s5  }
0xe: {  	[smem:$0x3FAF] =	sst s6  }
0xf: {  	[smem:$0x3FB0] =	sst s7  }
0x10: {  	[smem:$0x3FB1] =	sst s8  }
0x11: {  	[smem:$0x3FB2] =	sst s9;
	s0 =	simm.s32 @!p0 $0x0  }
0x12: {  	s1 =	sld [smem:$0x3F98];
	s0 =	simm.s32 @p0 $0x1  }
0x13: {  	[smem:$0x3FB3] =	sst s0;
	s0 =	simm.s32 @!p1 $0x0  }
0x14: {  	s2 =	sld [smem:$0x3F97];
	s0 =	simm.s32 @p1 $0x1  }
0x15: {  	[smem:$0x3FB4] =	sst s0;
	s0 =	simm.s32 @!p2 $0x0  }
0x16: {  	s3 =	sld [smem:$0x3FDB];
	s0 =	simm.s32 @p2 $0x1  }
0x17: {  	s4 =	simm.s32 $0x1BF5;
	[smem:$0x3FB6] =	sst s0  }
0x18: {  	s0 =	sld [smem:$0x3F99];
	_ =	swait.ge [sflag:s4], $0x0  }
0x19: {  	s7 =	sld [smem:$0x3F9A]  }
0x1a: {  	s8 =	sadd.s32 $0xFFFFE003, lr  }
0x1b: {  	s9 =	sadd.s32 $0xFFFFFEF7, lr;
	s5 =	simm.s32 $0xFFFFFFFF;
	p2 =	slt.u32 s8, $0xFFFFF086  }
0x1c: {  	p1 =	slt.u32 s9, $0xF7A;
	s5 =	simm.s32 @!p2 $0x0  }
0x1d: {  	s5 =	simm.s32 @p1 $0x1;
	p0 =	seq.s32 s7, s2  }
0x1e: {  	s7 =	smul.u32 @!p0 $0xF7A, s2;
	p2 =	seq.s32 @!p0 s5, $0x0  }
0x1f: {  	s9 =	smul.u32 $0xF7A, s1;
	s8 =	simm.s32 @!p0 $0x1BF5;
	p2 =	por !p2, p0  }
0x20: {  	[sflag:s8] =	ssyncset.s32 @!p0 $0xFFFFF086;
	s6 =	sadd.s32 @!p0 s3, s7;
	s7 =	simm.s32 @!p0 $0x108  }
0x21: {  	s3 =	sadd.s32 s3, s9;
	s6 =	sadd.s32 @!p0 $0x88, s6;
	s7 =	simm.s32 @p2 $0x1082  }
0x22: {  	[simem:s7], [sflag:s8] =	dma.local @!p0 [hbm:s6], $0xF7A  }
0x23: {  	s9 =	sor.u32 $0xD0000000, s2;
	s6 =	simm.s32 $0x108;
	_ =	swait.ge @!p0 [sflag:s8], $0x0  }
0x24: {  	s3 =	sadd.s32 $0x88, s3;
	s6 =	simm.s32 @!p1 $0x1082;
	[sflag:s4] =	ssyncset.s32 $0xFFFFF086  }
0x25: {  	[simem:s6], [sflag:s4] =	dma.local [hbm:s3], $0xF7A  }
0x26: {  	[smem:$0x3F9A] =	sst s1;
	(tag) =	ssettag s2;
	_ =	strace s9  }
0x27: {  	s1 =	sld [smem:$0x3FAA]  }
0x28: {  	s2 =	sld [smem:$0x3FAB]  }
0x29: {  	s4 =	sld [smem:$0x3FAD]  }
0x2a: {  	p0 =	seq.s32 s5, $0x0;
	s5 =	sld [smem:$0x3FAE]  }
0x2b: {  	s6 =	sld [smem:$0x3FAF]  }
0x2c: {  	s7 =	sld [smem:$0x3FB0]  }
0x2d: {  	s3 =	simm.s32 $0x108;
	s8 =	sld [smem:$0x3FB1]  }
0x2e: {  	s3 =	simm.s32 @!p0 $0x1082;
	s9 =	sld [smem:$0x3FB2]  }
0x2f: {  	lr =	sadd.s32 s0, s3;
	s0 =	sld [smem:$0x3FA9]  }
0x30: {  	s3 =	sld [smem:$0x3FAC]  }
0x31: {  	[smem:$0x3FB5] =	sst s10  }
0x32: {  	s10 =	sld [smem:$0x3FB3];
	_ =	sdelay $0x3  }
0x33: {  	p0 =	seq.s32 s10, $0x1;
	s10 =	sld [smem:$0x3FB5];
	_ =	sdelay $0x3  }
0x34: {  	[smem:$0x3FB5] =	sst s10  }
0x35: {  	s10 =	sld [smem:$0x3FB4];
	_ =	sdelay $0x3  }
0x36: {  	p1 =	seq.s32 s10, $0x1;
	s10 =	sld [smem:$0x3FB5];
	_ =	sdelay $0x3  }
0x37: {  	[smem:$0x3FB5] =	sst s10  }
0x38: {  	s10 =	sld [smem:$0x3FB6]  }
0x39: {  	_ = 	snop;
	(pc) =	sbr.ind lr, $3  }
0x3a: {  	_ = 	snop  }
0x3b: {  	_ = 	snop  }
0x3c: {  	p2 =	seq.s32 s10, $0x1;
	s10 =	sld [smem:$0x3FB5]  }
0x3d: {  	_ =	shalt  }
0x3e: {  	_ =	shalt  }
0x3f: {  	_ =	shalt  }
0x40: {  	_ =	shalt  }
0x41: {  	_ =	shalt  }
0x42: {  	_ =	shalt  }
0x43: {  	_ =	shalt  }
0x44: {  	_ =	shalt  }
0x45: {  	_ =	shalt  }
0x46: {  	_ =	shalt  }
0x47: {  	_ =	shalt  }
0x48: {  	_ =	shalt  }
0x49: {  	_ =	shalt  }
0x4a: {  	_ =	shalt  }
0x4b: {  	_ =	shalt  }
0x4c: {  	_ =	shalt  }
0x4d: {  	_ =	shalt  }
0x4e: {  	_ =	shalt  }
0x4f: {  	_ =	shalt  }
0x50: {  	_ =	shalt  }
0x51: {  	_ =	shalt  }
0x52: {  	_ =	shalt  }
0x53: {  	_ =	shalt  }
0x54: {  	_ =	shalt  }
0x55: {  	_ =	shalt  }
0x56: {  	_ =	shalt  }
0x57: {  	_ =	shalt  }
0x58: {  	_ =	shalt  }
0x59: {  	_ =	shalt  }
0x5a: {  	_ =	shalt  }
0x5b: {  	_ =	shalt  }
0x5c: {  	_ =	shalt  }
0x5d: {  	_ =	shalt  }
0x5e: {  	_ =	shalt  }
0x5f: {  	_ =	shalt  }
0x60: {  	_ =	shalt  }
0x61: {  	_ =	shalt  }
0x62: {  	_ =	shalt  }
0x63: {  	_ =	shalt  }
0x64: {  	_ =	shalt  }
0x65: {  	_ =	shalt  }
0x66: {  	_ =	shalt  }
0x67: {  	_ =	shalt  }
0x68: {  	_ =	shalt  }
0x69: {  	_ =	shalt  }
0x6a: {  	_ =	shalt  }
0x6b: {  	_ =	shalt  }
0x6c: {  	_ =	shalt  }
0x6d: {  	_ =	shalt  }
0x6e: {  	_ =	shalt  }
0x6f: {  	_ =	shalt  }
0x70: {  	_ =	shalt  }
0x71: {  	_ =	shalt  }
0x72: {  	_ =	shalt  }
0x73: {  	_ =	shalt  }
0x74: {  	_ =	shalt  }
0x75: {  	_ =	shalt  }
0x76: {  	_ =	shalt  }
0x77: {  	_ =	shalt  }
0x78: {  	_ =	shalt  }
0x79: {  	_ =	shalt  }
0x7a: {  	_ =	shalt  }
0x7b: {  	_ =	shalt  }
0x7c: {  	_ =	shalt  }
0x7d: {  	_ =	shalt  }
0x7e: {  	_ =	shalt  }
0x7f: {  	_ =	shalt  }
0x80: {  	_ =	shalt  }
0x81: {  	_ =	shalt  }
0x82: {  	_ =	shalt  }
0x83: {  	_ =	shalt  }
0x84: {  	_ =	shalt  }
0x85: {  	_ =	shalt  }
0x86: {  	_ =	shalt  }
0x87: {  	_ =	shalt  }
.Lfunc_end0:
.L_simem_size_0:
called_computation.1_lowered:
.L_overlay_start_0:
0x88: {  	s2 =	sld [smem:$0x3FD9]  }
0x89: {  	s3 =	sld [smem:$0x3FFE];
	_ =	sdelay $0x1  }
0x8a: {  	s1 =	srdreg.scid  }
0x8b: {  	s0 =	sand.u32 $0x1, s1  }
0x8c: {  	s17 =	sshll.u32 s0, $0xA;
	s2 =	sadd.s32 s3, s2  }
0x8d: {  	s2 =	sadd.s32 s2, s17  }
0x8e: {  	[smem:$0x3FC1] =	sst s2  }
0x8f: {  	_ = 	snop  }
0x90: {  	s2 =	sld [smem:$0x3FC9]  }
0x91: {  	s18 =	sld [smem:$0x3FC8]  }
0x92: {  	s4 =	sld [smem:$0x3FD0];
	(tm) =	ssettm $0x1  }
0x93: {  	s5 =	sld [smem:$0x3FFB];
	_ =	sdelay $0x3  }
0x94: {  	_ =	strace s5  }
0x95: {  	s5 =	sld [smem:$0x3FFC];
	_ =	sdelay $0x3  }
0x96: {  	_ =	strace s5  }
0x97: {  	s5 =	sld [smem:$0x3FFD];
	_ =	sdelay $0x3  }
0x98: {  	_ =	strace s5  }
0x99: {  	_ =	strace $0x8FFFFFFF  }
0x9a: {  	s19 =	sld [smem:$0x3FDB];
	_ =	sdelay $0x1  }
0x9b: {  	s6 =	simm.s32 $_scs_section_size  }
0x9c: {  	s7 =	simm.s32 $_size__tile_overlayer_lowered;
	s8 =	simm.s32 $_tile_overlayer_lowered  }
0x9d: {  	s22 =	simm.s32 $0x1BFF;
	s21 =	sshll.u32 s8, $0x1;
	s5 =	sadd.s32 s6, s19  }
0x9e: {  	s9 =	simm.s32 $0x0;
	s20 =	sshll.u32 s7, $0x1;
	s7 =	sadd.s32 s21, s5  }
0x9f: {  	[timem:s9], [sflag:s22] =	dma.local [hbm:s7], s20  }
0xa0: {  	_ =	swait.ge [sflag:s22], s20  }
0xa1: {  	s6 =	ssub.s32 $0x0, s20;
	[sflag:s22] =	ssyncset.done $0x0  }
0xa2: {  	[sflag:s22] =	ssyncadd.s32 s6;
	_ =	sdelay $0x1  }
0xa3: {  	s23 =	simm.s32 $0x1B8B  }
0xa4: {  	_ =	swait.ge [sflag:s23], $0x1  }
0xa5: {  	[sflag:s23] =	ssyncset.done $0x0  }
0xa6: {  	s25 =	simm.s32 $0x1B8E;
	s24 =	sld [smem:$0x3FFE];
	[sflag:s23] =	ssyncadd.s32 $0xFFFFFFFF  }
0xa7: {  	s26 =	simm.s32 $execute0_lowered;
	[smem:$0x3FD2] =	sst s25  }
0xa8: {  	s7 =	sshll.u32 s26, $0x1;
	_ =	strace $0x80000049;
	[dreg:$0x1] =	wrdreg $0xFFFFFFFF  }
0xa9: {  	s28 =	simm.s32 $_size_execute0_lowered;
	s5 =	sadd.s32 s5, s7;
	[dreg:$0x0] =	wrdreg $0x0  }
0xaa: {  	s7 =	sshll.u32 s28, $0x1;
	[dreg:$0x2] =	wrdreg s5  }
0xab: {  	[dreg:$0x3] =	wrdreg s7  }
0xac: {  	[dreg:$0x4] =	wrdreg $0xC0  }
0xad: {  	_ =	task [dreg:s9], $0x5FFFF  }
0xae: {  	[dreg:$0x1] =	wrdreg $0xFFFFFFFF  }
0xaf: {  	[dreg:$0x0] =	wrdreg $0x60  }
0xb0: {  	[dreg:$0x2] =	wrdreg s2  }
0xb1: {  	[dreg:$0x3] =	wrdreg s18  }
0xb2: {  	[dreg:$0x4] =	wrdreg s24  }
0xb3: {  	[dreg:$0x5] =	wrdreg s4  }
0xb4: {  	[dreg:$0x6] =	wrdreg $0x9  }
0xb5: {  	_ =	task.clear_ibuf [dreg:s9], $0x7FFFF;
	_ =	strace $0x90000049  }
0xb6: {  	s29 =	simm.s32 $0x9;
	_ =	strace $0x8000004B  }
0xb7: {  	_ =	swait.ge [sflag:s29], $0x1  }
0xb8: {  	[sflag:s29] =	ssyncadd.s32 $0xFFFFFFFF  }
0xb9: {  	_ =	strace $0x9000004B  }
0xba: {  	_ =	sfence  }
0xbb: {  	s30 =	sld [smem:$0x0];
	_ =	sdelay $0x2  }
0xbc: {  	s31 =	sshll.u32 s1, $0xD;
	s1 =	sshrl.u32 s1, $0x2  }
0xbd: {  	s3 =	sand.u32 $0x4000, s31;
	s1 =	sadd.s32 s1, s30  }
0xbe: {  	s0 =	sor.u32 s3, s0;
	s1 =	sshll.u32 s1, $0x11  }
0xbf: {  	s0 =	sor.u32 s1, s0  }
0xc0: {  	s0 =	sadd.s32 $0x8F2B, s0  }
0xc1: {  	[sflag:s0] =	ssyncadd.remote.s32 $0x1  }
0xc2: {  	_ =	sfence.sel $0xFFFF  }
0xc3: {  	[dreg:$0x0] =	wrdreg $0xFFFFFFFF;
	(pc) =	sbr.abs _section_cstart, $3  }
0xc4: {  	[dreg:$0x1] =	wrdreg $0xFFFFFFFF  }
0xc5: {  	_ =	task.clear_ibuf [dreg:s9], $0x2FFFF;
	_ =	strace $0x9FFFFFFF  }
0xc6: {  	(tm) =	ssettm $0x7FFFFFFF  }
0xc7: {  	_ =	shalt  }
tec
execute0_lowered:
.L_overlay_start_1:
0x0: {  	(tag) =	ssettag $0x1  }
0x1: {  	s6 =	rddreg [dreg:$0x0]  }
0x2: {  	s7 =	rddreg [dreg:$0x1]  }
0x3: {  	s5 =	rddreg [dreg:$0x2];
	s1 =	srdreg.scid  }
0x4: {  	s0 =	stileid.u32;
	s10 =	rddreg [dreg:$0x3];
	s2 =	simm.s32 $0x0  }
0x5: {  	s13 =	simm.s32 $0x200;
	s14 =	simm.s32 $0x8A00;
	s15 =	simm.s32 $0x400  }
0x6: {  	s16 =	simm.s32 $0x4400;
	s17 =	simm.s32 $0x1;
	s18 =	simm.s32 $0x2  }
0x7: {  	s19 =	simm.s32 $0x8800;
	s3 =	sand.u32 $0x1, s1;
	s1 =	rddreg [dreg:$0x4]  }
0x8: {  	s20 =	simm.s32 $0x0;
	s4 =	sshll.u32 s0, $0x1;
	[smem:$0x7FF] =	sst s2  }
0x9: {  	v0 =	vlaneseq.u32;
	s8 =	sor.u32 s3, s4;
	_ =	strace $0x8000004A;
	s11 =	ssub.s32 $0x2, s3  }
0xa: {  	v0 =	vmul.u32 $0x20, v0;
	s3 =	sadd.s32 $0x20600, s5;
	s4 =	sshll.u32 s8, $0xB;
	s12 =	sshrl.u32 s11, $0x1  }
0xb: {  	s31 =	sshll.u32 s8, $0x6;
	s9 =	sadd.s32 s4, s5;
	s4 =	sadd.s32 $0x3F000, s5  }
0xc: {  	v1 =	vor.u32 $0x1, v0;
	s5 =	sadd.s32 $0x5DA00, s5;
	s11 =	ssub.s32 s11, s12;
	s6 =	sadd.s32 s6, s31  }
0xd: {  	v2 =	vor.u32 $0x2, v0;
	v3 =	vor.u32 $0x3, v0;
	v4 =	vor.u32 $0x4, v0;
	s7 =	sadd.s32 s7, s31;
	s10 =	sadd.s32 s10, s31;
	s12 =	simm.s32 $0x3  }
0xe: {  	v5 =	vor.u32 $0x5, v0;
	v6 =	vor.u32 $0x6, v0;
	v7 =	vor.u32 $0x7, v0;
	s8 =	sadd.s32 $0x600, s9;
	s9 =	sadd.s32 $0x10600, s9;
	s11 =	smax.u32 s11, $0x1  }
.LBB2_1:
0xf: {  	[tilespmem:s2], [sflag:$0x3] =	stream.linear.gather [hbm4b:s6+s2], $0x200, $0x38;
	[tilespmem:$0x8A10] =	vst v63  }
0x10: {  	_ =	swait.ge [sflag:s12], $0x200  }
0x11: {  	[sflag:s12] =	ssyncset.done $0x0  }
0x12: {  	[sflag:s12] =	ssyncadd.s32 $0xFFFFFE00  }
0x13: {  	[tilespmem:s13], [sflag:$0x3] =	stream.linear.gather [hbm4b:s7+s2], $0x200, $0x38;
	[tilespmem:$0x8A10] =	vst v63  }
0x14: {  	_ =	swait.ge [sflag:s12], $0x200  }
0x15: {  	[sflag:s12] =	ssyncset.done $0x0  }
0x16: {  	[sflag:s12] =	ssyncadd.s32 $0xFFFFFE00  }
0x17: {  	[tilespmem:s14], [sflag:$0x3] =	stream.linear.gather [hbm4b:s5+s2], $0x10, $0x38;
	[tilespmem:$0x8A10] =	vst v63  }
0x18: {  	_ =	swait.ge [sflag:s12], $0x10  }
0x19: {  	[sflag:s12] =	ssyncset.done $0x0  }
0x1a: {  	[sflag:s12] =	ssyncadd.s32 $0xFFFFFFF0  }
0x1b: {  	[tilespmem:s15], [sflag:$0x3] =	stream.linear.gather [hbm4b:s8+s2], $0x4000, $0x38;
	[tilespmem:$0x8A10] =	vst v63  }
0x1c: {  	_ =	swait.ge [sflag:s12], $0x4000  }
0x1d: {  	[sflag:s12] =	ssyncset.done $0x0  }
0x1e: {  	[sflag:s12] =	ssyncadd.s32 $0xFFFFC000  }
0x1f: {  	[tilespmem:s16], [sflag:$0x3] =	stream.linear.gather [hbm4b:s9+s2], $0x4000, $0x38;
	[tilespmem:$0x8A10] =	vst v63  }
0x20: {  	_ =	swait.ge [sflag:s12], $0x4000  }
0x21: {  	[sflag:s12] =	ssyncset.done $0x0  }
0x22: {  	s21 =	simm.s32 $0x8400;
	[sflag:s12] =	ssyncadd.s32 $0xFFFFC000  }
0x23: {  	[tilespmem:s21], [sflag:$0x1] =	stream.indirect.gather [hbm4b:s3+s13], $0x1, s2, s13, $0xb8;
	[tilespmem:$0x8A10] =	vst v63  }
0x24: {  	s22 =	simm.s32 $0x8600  }
0x25: {  	[tilespmem:s22], [sflag:$0x2] =	stream.indirect.gather [hbm4b:s4+s13], $0x1, s13, s13, $0xb8;
	[tilespmem:$0x8A10] =	vst v63  }
0x26: {  	_ =	swait.ge [sflag:s17], $0x200  }
0x27: {  	[sflag:s17] =	ssyncset.done $0x0  }
0x28: {  	[sflag:s17] =	ssyncadd.s32 $0xFFFFFE00  }
0x29: {  	s23 =	simm.s32 $0x0;
	_ =	swait.ge [sflag:s18], $0x200  }
0x2a: {  	v9 =	vor.u32 s23, v0;
	[sflag:s18] =	ssyncset.done $0x0  }
0x2b: {  	[sflag:s18] =	ssyncadd.s32 $0xFFFFFE00  }
0x2c: {  	v10 =	vor.u32 s23, v1;
	v8 =	vld [tilespmem:$0x8A00]  }
0x2d: {  	v11 =	vld [tilespmem:s22+$0x0]  }
0x2e: {  	v12 =	vor.u32 s23, v2;
	v13 =	vld [tilespmem:s21+$0x0]  }
0x2f: {  	v14 =	vld.idx.msk [tilespmem:v9+s15+$0x0], $0xffff  }
0x30: {  	v15 =	vor.u32 s23, v3;
	v9 =	vld.idx.msk [tilespmem:v9+s16+$0x0], $0xffff  }
0x31: {  	v16 =	vld.idx.msk [tilespmem:v10+s15+$0x0], $0xffff  }
0x32: {  	v17 =	vor.u32 s23, v4;
	v10 =	vld.idx.msk [tilespmem:v10+s16+$0x0], $0xffff  }
0x33: {  	v18 =	vld.idx.msk [tilespmem:v12+s15+$0x0], $0xffff;
	v11 =	vadd.f32 v11, v13  }
0x34: {  	v34 =	vor.u32 s23, v5;
	v12 =	vld.idx.msk [tilespmem:v12+s16+$0x0], $0xffff  }
0x35: {  	v19 =	vld.idx.msk [tilespmem:v15+s15+$0x0], $0xffff;
	v9 =	vmul.f32 v9, v14;
	v11 =	vadd.f32 v11, v8  }
0x36: {  	v36 =	vor.u32 s23, v6;
	v35 =	vld.idx.msk [tilespmem:v15+s16+$0x0], $0xffff  }
0x37: {  	v20 =	vld.idx.msk [tilespmem:v17+s15+$0x0], $0xffff;
	v10 =	vmul.f32 v10, v16;
	v9 =	vadd.f32 v9, v11  }
0x38: {  	v37 =	vor.u32 s23, v7;
	v11 =	vld.idx.msk [tilespmem:v17+s16+$0x0], $0xffff  }
0x39: {  	s31 =	simm.s32 $0x8;
	v38 =	vld.idx.msk [tilespmem:v34+s15+$0x0], $0xffff;
	v9 =	vadd.f32 v10, v9;
	v10 =	vmul.f32 v12, v18  }
0x3a: {  	v40 =	vor.u32 s31, v0;
	v39 =	vld.idx.msk [tilespmem:v34+s16+$0x0], $0xffff  }
0x3b: {  	v41 =	vld.idx.msk [tilespmem:v36+s15+$0x0], $0xffff;
	s22 =	simm.s32 $0x9;
	v9 =	vadd.f32 v10, v9;
	v10 =	vmul.f32 v35, v19  }
0x3c: {  	v42 =	vld.idx.msk [tilespmem:v36+s16+$0x0], $0xffff;
	v43 =	vor.u32 s22, v1  }
0x3d: {  	s23 =	simm.s32 $0xA;
	v44 =	vld.idx.msk [tilespmem:v37+s15+$0x0], $0xffff;
	v9 =	vadd.f32 v10, v9;
	v10 =	vmul.f32 v11, v20  }
0x3e: {  	v45 =	vor.u32 s23, v2;
	v11 =	vld.idx.msk [tilespmem:v37+s16+$0x0], $0xffff  }
0x3f: {  	s24 =	simm.s32 $0xB;
	v46 =	vld.idx.msk [tilespmem:v40+s15+$0x0], $0xffff;
	v9 =	vadd.f32 v10, v9;
	v10 =	vmul.f32 v39, v38  }
0x40: {  	v48 =	vor.u32 s24, v3;
	v47 =	vld.idx.msk [tilespmem:v40+s16+$0x0], $0xffff  }
0x41: {  	s25 =	simm.s32 $0xC;
	v49 =	vld.idx.msk [tilespmem:v43+s15+$0x0], $0xffff;
	v9 =	vadd.f32 v10, v9;
	v10 =	vmul.f32 v42, v41  }
0x42: {  	v51 =	vor.u32 s25, v4;
	v50 =	vld.idx.msk [tilespmem:v43+s16+$0x0], $0xffff  }
0x43: {  	s26 =	simm.s32 $0xD;
	v52 =	vld.idx.msk [tilespmem:v45+s15+$0x0], $0xffff;
	v9 =	vadd.f32 v10, v9;
	v10 =	vmul.f32 v11, v44  }
0x44: {  	v53 =	vor.u32 s26, v5;
	v11 =	vld.idx.msk [tilespmem:v45+s16+$0x0], $0xffff  }
0x45: {  	s28 =	simm.s32 $0xE;
	v54 =	vld.idx.msk [tilespmem:v48+s15+$0x0], $0xffff;
	v9 =	vadd.f32 v10, v9;
	v10 =	vmul.f32 v47, v46  }
0x46: {  	v56 =	vor.u32 s28, v6;
	v55 =	vld.idx.msk [tilespmem:v48+s16+$0x0], $0xffff  }
0x47: {  	s29 =	simm.s32 $0xF;
	v57 =	vld.idx.msk [tilespmem:v51+s15+$0x0], $0xffff;
	v9 =	vadd.f32 v10, v9;
	v10 =	vmul.f32 v50, v49  }
0x48: {  	v59 =	vor.u32 s29, v7;
	v58 =	vld.idx.msk [tilespmem:v51+s16+$0x0], $0xffff  }
0x49: {  	s30 =	simm.s32 $0x10;
	v60 =	vld.idx.msk [tilespmem:v53+s15+$0x0], $0xffff;
	v9 =	vadd.f32 v10, v9;
	v10 =	vmul.f32 v11, v52  }
0x4a: {  	v61 =	vor.u32 s30, v0;
	v11 =	vld.idx.msk [tilespmem:v53+s16+$0x0], $0xffff  }
0x4b: {  	s31 =	simm.s32 $0x11;
	v62 =	vld.idx.msk [tilespmem:v56+s15+$0x0], $0xffff;
	v9 =	vadd.f32 v10, v9;
	v10 =	vmul.f32 v55, v54  }
0x4c: {  	v24 =	vor.u32 s31, v1;
	v63 =	vld.idx.msk [tilespmem:v56+s16+$0x0], $0xffff  }
0x4d: {  	v25 =	vld.idx.msk [tilespmem:v59+s15+$0x0], $0xffff;
	s22 =	simm.s32 $0x12;
	v9 =	vadd.f32 v10, v9;
	v10 =	vmul.f32 v58, v57  }
0x4e: {  	v26 =	vld.idx.msk [tilespmem:v59+s16+$0x0], $0xffff;
	v27 =	vor.u32 s22, v2  }
0x4f: {  	s23 =	simm.s32 $0x13;
	v28 =	vld.idx.msk [tilespmem:v61+s15+$0x0], $0xffff;
	v9 =	vadd.f32 v10, v9;
	v10 =	vmul.f32 v11, v60  }
0x50: {  	v29 =	vor.u32 s23, v3;
	v11 =	vld.idx.msk [tilespmem:v61+s16+$0x0], $0xffff  }
0x51: {  	s24 =	simm.s32 $0x14;
	v30 =	vld.idx.msk [tilespmem:v24+s15+$0x0], $0xffff;
	v9 =	vadd.f32 v10, v9;
	v10 =	vmul.f32 v63, v62  }
0x52: {  	v32 =	vor.u32 s24, v4;
	v31 =	vld.idx.msk [tilespmem:v24+s16+$0x0], $0xffff  }
0x53: {  	s25 =	simm.s32 $0x15;
	v33 =	vld.idx.msk [tilespmem:v27+s15+$0x0], $0xffff;
	v9 =	vadd.f32 v10, v9;
	v10 =	vmul.f32 v26, v25  }
0x54: {  	v34 =	vld.idx.msk [tilespmem:v27+s16+$0x0], $0xffff;
	v35 =	vor.u32 s25, v5  }
0x55: {  	s26 =	simm.s32 $0x16;
	v36 =	vld.idx.msk [tilespmem:v29+s15+$0x0], $0xffff;
	v9 =	vadd.f32 v10, v9;
	v10 =	vmul.f32 v11, v28  }
0x56: {  	v37 =	vor.u32 s26, v6;
	v11 =	vld.idx.msk [tilespmem:v29+s16+$0x0], $0xffff  }
0x57: {  	s28 =	simm.s32 $0x17;
	v38 =	vld.idx.msk [tilespmem:v32+s15+$0x0], $0xffff;
	v9 =	vadd.f32 v10, v9;
	v10 =	vmul.f32 v31, v30  }
0x58: {  	v40 =	vor.u32 s28, v7;
	v39 =	vld.idx.msk [tilespmem:v32+s16+$0x0], $0xffff  }
0x59: {  	s29 =	simm.s32 $0x18;
	v41 =	vld.idx.msk [tilespmem:v35+s15+$0x0], $0xffff;
	v9 =	vadd.f32 v10, v9;
	v10 =	vmul.f32 v34, v33  }
0x5a: {  	v43 =	vor.u32 s29, v0;
	v42 =	vld.idx.msk [tilespmem:v35+s16+$0x0], $0xffff  }
0x5b: {  	s30 =	simm.s32 $0x19;
	v44 =	vld.idx.msk [tilespmem:v37+s15+$0x0], $0xffff;
	v9 =	vadd.f32 v10, v9;
	v10 =	vmul.f32 v11, v36  }
0x5c: {  	v45 =	vor.u32 s30, v1;
	v11 =	vld.idx.msk [tilespmem:v37+s16+$0x0], $0xffff  }
0x5d: {  	s31 =	simm.s32 $0x1A;
	v46 =	vld.idx.msk [tilespmem:v40+s15+$0x0], $0xffff;
	v9 =	vadd.f32 v10, v9;
	v10 =	vmul.f32 v39, v38  }
0x5e: {  	v48 =	vor.u32 s31, v2;
	v47 =	vld.idx.msk [tilespmem:v40+s16+$0x0], $0xffff  }
0x5f: {  	s22 =	simm.s32 $0x1B;
	v49 =	vld.idx.msk [tilespmem:v43+s15+$0x0], $0xffff;
	v9 =	vadd.f32 v10, v9;
	v10 =	vmul.f32 v42, v41  }
0x60: {  	v51 =	vor.u32 s22, v3;
	v50 =	vld.idx.msk [tilespmem:v43+s16+$0x0], $0xffff  }
0x61: {  	s23 =	simm.s32 $0x1C;
	v52 =	vld.idx.msk [tilespmem:v45+s15+$0x0], $0xffff;
	v9 =	vadd.f32 v10, v9;
	v10 =	vmul.f32 v11, v44  }
0x62: {  	v53 =	vor.u32 s23, v4;
	v11 =	vld.idx.msk [tilespmem:v45+s16+$0x0], $0xffff  }
0x63: {  	s24 =	simm.s32 $0x1D;
	v54 =	vld.idx.msk [tilespmem:v48+s15+$0x0], $0xffff;
	v9 =	vadd.f32 v10, v9;
	v10 =	vmul.f32 v47, v46  }
0x64: {  	v56 =	vor.u32 s24, v5;
	v55 =	vld.idx.msk [tilespmem:v48+s16+$0x0], $0xffff  }
0x65: {  	s25 =	simm.s32 $0x1E;
	v57 =	vld.idx.msk [tilespmem:v51+s15+$0x0], $0xffff;
	v9 =	vadd.f32 v10, v9;
	v10 =	vmul.f32 v50, v49  }
0x66: {  	v59 =	vor.u32 s25, v6;
	v58 =	vld.idx.msk [tilespmem:v51+s16+$0x0], $0xffff  }
0x67: {  	s26 =	simm.s32 $0x1F;
	v60 =	vld.idx.msk [tilespmem:v53+s15+$0x0], $0xffff;
	v9 =	vadd.f32 v10, v9;
	v10 =	vmul.f32 v11, v52  }
0x68: {  	v61 =	vor.u32 s26, v7;
	v11 =	vld.idx.msk [tilespmem:v53+s16+$0x0], $0xffff  }
0x69: {  	v62 =	vld.idx.msk [tilespmem:v56+s15+$0x0], $0xffff;
	v9 =	vadd.f32 v10, v9;
	v10 =	vmul.f32 v55, v54  }
0x6a: {  	v63 =	vld.idx.msk [tilespmem:v56+s16+$0x0], $0xffff  }
0x6b: {  	v18 =	vld.idx.msk [tilespmem:v59+s15+$0x0], $0xffff;
	v9 =	vadd.f32 v10, v9;
	v10 =	vmul.f32 v58, v57  }
0x6c: {  	v19 =	vld.idx.msk [tilespmem:v59+s16+$0x0], $0xffff  }
0x6d: {  	v21 =	vld.idx.msk [tilespmem:v61+s15+$0x0], $0xffff;
	v9 =	vadd.f32 v10, v9;
	v10 =	vmul.f32 v11, v60  }
0x6e: {  	v11 =	vld.idx.msk [tilespmem:v61+s16+$0x0], $0xffff  }
0x6f: {  	v9 =	vadd.f32 v10, v9;
	v10 =	vmul.f32 v63, v62;
	_ =	sdelay $0x1  }
0x70: {  	v9 =	vadd.f32 v10, v9;
	v10 =	vmul.f32 v19, v18;
	_ =	sdelay $0x1  }
0x71: {  	v9 =	vadd.f32 v10, v9;
	v10 =	vmul.f32 v11, v21;
	_ =	sdelay $0x1  }
0x72: {  	v9 =	vadd.f32 v10, v9;
	_ =	sdelay $0x1  }
0x73: {  	v9 =	vsub.f32 $0.0e+00, v9;
	_ =	sdelay $0x1  }
0x74: {  	v9 =	vmul.f32 $1.442695020e+00, v9;
	_ =	sdelay $0x1  }
0x75: {  	(erf) = vpow2.f32 v9;
	_ =	sdelay $0x8  }
0x76: {  	v9 =	vpop (erf)  }
0x77: {  	v9 =	vadd.f32 $1.000000000e+00, v9;
	_ =	sdelay $0x1  }
0x78: {  	(erf) = vrcp.f32 v9;
	_ =	sdelay $0x6  }
0x79: {  	s28 =	simm.s32 $0x200  }
0x7a: {  	v9 =	vor.u32 s28, v0  }
0x7b: {  	v10 =	vpop (erf)  }
0x7c: {  	s21 =	simm.s32 $0x8610;
	v11 =	vor.u32 s28, v1;
	[tilespmem:s19+$0x0] =	vst v10  }
0x7d: {  	s22 =	simm.s32 $0x8410;
	v10 =	vld [tilespmem:s21+$0x0]  }
0x7e: {  	v22 =	vor.u32 s28, v2;
	v23 =	vld [tilespmem:s22+$0x0]  }
0x7f: {  	v24 =	vld.idx.msk [tilespmem:v9+s15+$0x0], $0xffff  }
0x80: {  	v25 =	vor.u32 s28, v3;
	v9 =	vld.idx.msk [tilespmem:v9+s16+$0x0], $0xffff  }
0x81: {  	v26 =	vld.idx.msk [tilespmem:v11+s15+$0x0], $0xffff  }
0x82: {  	v27 =	vor.u32 s28, v4;
	v11 =	vld.idx.msk [tilespmem:v11+s16+$0x0], $0xffff  }
0x83: {  	v28 =	vld.idx.msk [tilespmem:v22+s15+$0x0], $0xffff;
	v10 =	vadd.f32 v10, v23  }
0x84: {  	v29 =	vor.u32 s28, v5;
	v12 =	vld.idx.msk [tilespmem:v22+s16+$0x0], $0xffff  }
0x85: {  	v30 =	vld.idx.msk [tilespmem:v25+s15+$0x0], $0xffff;
	v9 =	vmul.f32 v9, v24;
	v10 =	vadd.f32 v10, v8  }
0x86: {  	v32 =	vor.u32 s28, v6;
	v31 =	vld.idx.msk [tilespmem:v25+s16+$0x0], $0xffff  }
0x87: {  	v33 =	vld.idx.msk [tilespmem:v27+s15+$0x0], $0xffff;
	v9 =	vadd.f32 v9, v10;
	v10 =	vmul.f32 v11, v26  }
0x88: {  	v34 =	vor.u32 s28, v7;
	v11 =	vld.idx.msk [tilespmem:v27+s16+$0x0], $0xffff  }
0x89: {  	s29 =	simm.s32 $0x208;
	v35 =	vld.idx.msk [tilespmem:v29+s15+$0x0], $0xffff;
	v9 =	vadd.f32 v10, v9;
	v10 =	vmul.f32 v12, v28  }
0x8a: {  	v37 =	vor.u32 s29, v0;
	v36 =	vld.idx.msk [tilespmem:v29+s16+$0x0], $0xffff  }
0x8b: {  	s30 =	simm.s32 $0x209;
	v38 =	vld.idx.msk [tilespmem:v32+s15+$0x0], $0xffff;
	v9 =	vadd.f32 v10, v9;
	v10 =	vmul.f32 v31, v30  }
0x8c: {  	v40 =	vor.u32 s30, v1;
	v39 =	vld.idx.msk [tilespmem:v32+s16+$0x0], $0xffff  }
0x8d: {  	s31 =	simm.s32 $0x20A;
	v41 =	vld.idx.msk [tilespmem:v34+s15+$0x0], $0xffff;
	v9 =	vadd.f32 v10, v9;
	v10 =	vmul.f32 v11, v33  }
0x8e: {  	v42 =	vor.u32 s31, v2;
	v11 =	vld.idx.msk [tilespmem:v34+s16+$0x0], $0xffff  }
0x8f: {  	s24 =	simm.s32 $0x20B;
	v43 =	vld.idx.msk [tilespmem:v37+s15+$0x0], $0xffff;
	v9 =	vadd.f32 v10, v9;
	v10 =	vmul.f32 v36, v35  }
0x90: {  	v45 =	vor.u32 s24, v3;
	v44 =	vld.idx.msk [tilespmem:v37+s16+$0x0], $0xffff  }
0x91: {  	s25 =	simm.s32 $0x20C;
	v46 =	vld.idx.msk [tilespmem:v40+s15+$0x0], $0xffff;
	v9 =	vadd.f32 v10, v9;
	v10 =	vmul.f32 v39, v38  }
0x92: {  	v48 =	vor.u32 s25, v4;
	v47 =	vld.idx.msk [tilespmem:v40+s16+$0x0], $0xffff  }
0x93: {  	s26 =	simm.s32 $0x20D;
	v49 =	vld.idx.msk [tilespmem:v42+s15+$0x0], $0xffff;
	v9 =	vadd.f32 v10, v9;
	v10 =	vmul.f32 v11, v41  }
0x94: {  	v50 =	vor.u32 s26, v5;
	v11 =	vld.idx.msk [tilespmem:v42+s16+$0x0], $0xffff  }
0x95: {  	s28 =	simm.s32 $0x20E;
	v51 =	vld.idx.msk [tilespmem:v45+s15+$0x0], $0xffff;
	v9 =	vadd.f32 v10, v9;
	v10 =	vmul.f32 v44, v43  }
0x96: {  	v53 =	vor.u32 s28, v6;
	v52 =	vld.idx.msk [tilespmem:v45+s16+$0x0], $0xffff  }
0x97: {  	s29 =	simm.s32 $0x20F;
	v54 =	vld.idx.msk [tilespmem:v48+s15+$0x0], $0xffff;
	v9 =	vadd.f32 v10, v9;
	v10 =	vmul.f32 v47, v46  }
0x98: {  	v56 =	vor.u32 s29, v7;
	v55 =	vld.idx.msk [tilespmem:v48+s16+$0x0], $0xffff  }
0x99: {  	s30 =	simm.s32 $0x210;
	v57 =	vld.idx.msk [tilespmem:v50+s15+$0x0], $0xffff;
	v9 =	vadd.f32 v10, v9;
	v10 =	vmul.f32 v11, v49  }
0x9a: {  	v58 =	vor.u32 s30, v0;
	v11 =	vld.idx.msk [tilespmem:v50+s16+$0x0], $0xffff  }
0x9b: {  	s31 =	simm.s32 $0x211;
	v59 =	vld.idx.msk [tilespmem:v53+s15+$0x0], $0xffff;
	v9 =	vadd.f32 v10, v9;
	v10 =	vmul.f32 v52, v51  }
0x9c: {  	v61 =	vor.u32 s31, v1;
	v60 =	vld.idx.msk [tilespmem:v53+s16+$0x0], $0xffff  }
0x9d: {  	s24 =	simm.s32 $0x212;
	v62 =	vld.idx.msk [tilespmem:v56+s15+$0x0], $0xffff;
	v9 =	vadd.f32 v10, v9;
	v10 =	vmul.f32 v55, v54  }
0x9e: {  	v63 =	vld.idx.msk [tilespmem:v56+s16+$0x0], $0xffff;
	v24 =	vor.u32 s24, v2  }
0x9f: {  	s25 =	simm.s32 $0x213;
	v25 =	vld.idx.msk [tilespmem:v58+s15+$0x0], $0xffff;
	v9 =	vadd.f32 v10, v9;
	v10 =	vmul.f32 v11, v57  }
0xa0: {  	v26 =	vor.u32 s25, v3;
	v11 =	vld.idx.msk [tilespmem:v58+s16+$0x0], $0xffff  }
0xa1: {  	s26 =	simm.s32 $0x214;
	v27 =	vld.idx.msk [tilespmem:v61+s15+$0x0], $0xffff;
	v9 =	vadd.f32 v10, v9;
	v10 =	vmul.f32 v60, v59  }
0xa2: {  	v29 =	vor.u32 s26, v4;
	v28 =	vld.idx.msk [tilespmem:v61+s16+$0x0], $0xffff  }
0xa3: {  	s28 =	simm.s32 $0x215;
	v30 =	vld.idx.msk [tilespmem:v24+s15+$0x0], $0xffff;
	v9 =	vadd.f32 v10, v9;
	v10 =	vmul.f32 v63, v62  }
0xa4: {  	v32 =	vor.u32 s28, v5;
	v31 =	vld.idx.msk [tilespmem:v24+s16+$0x0], $0xffff  }
0xa5: {  	s29 =	simm.s32 $0x216;
	v33 =	vld.idx.msk [tilespmem:v26+s15+$0x0], $0xffff;
	v9 =	vadd.f32 v10, v9;
	v10 =	vmul.f32 v11, v25  }
0xa6: {  	v34 =	vor.u32 s29, v6;
	v11 =	vld.idx.msk [tilespmem:v26+s16+$0x0], $0xffff  }
0xa7: {  	s30 =	simm.s32 $0x217;
	v35 =	vld.idx.msk [tilespmem:v29+s15+$0x0], $0xffff;
	v9 =	vadd.f32 v10, v9;
	v10 =	vmul.f32 v28, v27  }
0xa8: {  	v37 =	vor.u32 s30, v7;
	v36 =	vld.idx.msk [tilespmem:v29+s16+$0x0], $0xffff  }
0xa9: {  	s31 =	simm.s32 $0x218;
	v38 =	vld.idx.msk [tilespmem:v32+s15+$0x0], $0xffff;
	v9 =	vadd.f32 v10, v9;
	v10 =	vmul.f32 v31, v30  }
0xaa: {  	v40 =	vor.u32 s31, v0;
	v39 =	vld.idx.msk [tilespmem:v32+s16+$0x0], $0xffff  }
0xab: {  	s24 =	simm.s32 $0x219;
	v41 =	vld.idx.msk [tilespmem:v34+s15+$0x0], $0xffff;
	v9 =	vadd.f32 v10, v9;
	v10 =	vmul.f32 v11, v33  }
0xac: {  	v42 =	vor.u32 s24, v1;
	v11 =	vld.idx.msk [tilespmem:v34+s16+$0x0], $0xffff  }
0xad: {  	s25 =	simm.s32 $0x21A;
	v43 =	vld.idx.msk [tilespmem:v37+s15+$0x0], $0xffff;
	v9 =	vadd.f32 v10, v9;
	v10 =	vmul.f32 v36, v35  }
0xae: {  	v45 =	vor.u32 s25, v2;
	v44 =	vld.idx.msk [tilespmem:v37+s16+$0x0], $0xffff  }
0xaf: {  	s26 =	simm.s32 $0x21B;
	v46 =	vld.idx.msk [tilespmem:v40+s15+$0x0], $0xffff;
	v9 =	vadd.f32 v10, v9;
	v10 =	vmul.f32 v39, v38  }
0xb0: {  	v48 =	vor.u32 s26, v3;
	v47 =	vld.idx.msk [tilespmem:v40+s16+$0x0], $0xffff  }
0xb1: {  	s28 =	simm.s32 $0x21C;
	v49 =	vld.idx.msk [tilespmem:v42+s15+$0x0], $0xffff;
	v9 =	vadd.f32 v10, v9;
	v10 =	vmul.f32 v11, v41  }
0xb2: {  	v50 =	vor.u32 s28, v4;
	v11 =	vld.idx.msk [tilespmem:v42+s16+$0x0], $0xffff  }
0xb3: {  	s29 =	simm.s32 $0x21D;
	v51 =	vld.idx.msk [tilespmem:v45+s15+$0x0], $0xffff;
	v9 =	vadd.f32 v10, v9;
	v10 =	vmul.f32 v44, v43  }
0xb4: {  	v53 =	vor.u32 s29, v5;
	v52 =	vld.idx.msk [tilespmem:v45+s16+$0x0], $0xffff  }
0xb5: {  	s30 =	simm.s32 $0x21E;
	v54 =	vld.idx.msk [tilespmem:v48+s15+$0x0], $0xffff;
	v9 =	vadd.f32 v10, v9;
	v10 =	vmul.f32 v47, v46  }
0xb6: {  	v56 =	vor.u32 s30, v6;
	v55 =	vld.idx.msk [tilespmem:v48+s16+$0x0], $0xffff  }
0xb7: {  	s31 =	simm.s32 $0x21F;
	v57 =	vld.idx.msk [tilespmem:v50+s15+$0x0], $0xffff;
	v9 =	vadd.f32 v10, v9;
	v10 =	vmul.f32 v11, v49  }
0xb8: {  	v58 =	vor.u32 s31, v7;
	v11 =	vld.idx.msk [tilespmem:v50+s16+$0x0], $0xffff  }
0xb9: {  	v59 =	vld.idx.msk [tilespmem:v53+s15+$0x0], $0xffff;
	v9 =	vadd.f32 v10, v9;
	v10 =	vmul.f32 v52, v51  }
0xba: {  	v60 =	vld.idx.msk [tilespmem:v53+s16+$0x0], $0xffff  }
0xbb: {  	v61 =	vld.idx.msk [tilespmem:v56+s15+$0x0], $0xffff;
	v9 =	vadd.f32 v10, v9;
	v10 =	vmul.f32 v55, v54  }
0xbc: {  	v62 =	vld.idx.msk [tilespmem:v56+s16+$0x0], $0xffff  }
0xbd: {  	v63 =	vld.idx.msk [tilespmem:v58+s15+$0x0], $0xffff;
	v9 =	vadd.f32 v10, v9;
	v10 =	vmul.f32 v11, v57  }
0xbe: {  	v11 =	vld.idx.msk [tilespmem:v58+s16+$0x0], $0xffff  }
0xbf: {  	v9 =	vadd.f32 v10, v9;
	v10 =	vmul.f32 v60, v59;
	_ =	sdelay $0x1  }
0xc0: {  	v9 =	vadd.f32 v10, v9;
	v10 =	vmul.f32 v62, v61;
	_ =	sdelay $0x1  }
0xc1: {  	v9 =	vadd.f32 v10, v9;
	v10 =	vmul.f32 v11, v63;
	_ =	sdelay $0x1  }
0xc2: {  	v9 =	vadd.f32 v10, v9;
	_ =	sdelay $0x1  }
0xc3: {  	v9 =	vsub.f32 $0.0e+00, v9;
	_ =	sdelay $0x1  }
0xc4: {  	v9 =	vmul.f32 $1.442695020e+00, v9;
	_ =	sdelay $0x1  }
0xc5: {  	(erf) = vpow2.f32 v9;
	_ =	sdelay $0x8  }
0xc6: {  	v9 =	vpop (erf)  }
0xc7: {  	v9 =	vadd.f32 $1.000000000e+00, v9;
	_ =	sdelay $0x1  }
0xc8: {  	(erf) = vrcp.f32 v9;
	_ =	sdelay $0x4  }
0xc9: {  	s26 =	simm.s32 $0x400  }
0xca: {  	v9 =	vor.u32 s26, v0;
	_ =	sdelay $0x1  }
0xcb: {  	s23 =	simm.s32 $0x41F;
	s25 =	simm.s32 $0x61F;
	s24 =	simm.s32 $0x8800  }
.LBB2_2:
0xcc: {  	p0 =	sne.s32 s25, $0x3E1F;
	v10 =	vpop (erf);
	s24 =	sadd.s32 $0x10, s24  }
0xcd: {  	v11 =	vor.u32 s26, v1;
	[tilespmem:s24+$0x0] =	vst v10  }
0xce: {  	s21 =	sadd.s32 $0x10, s21;
	v10 =	vld.idx.msk [tilespmem:v9+s15+$0x0], $0xffff  }
0xcf: {  	v13 =	vor.u32 s26, v2;
	s22 =	sadd.s32 $0x10, s22;
	v12 =	vld [tilespmem:s21+$0x0]  }
0xd0: {  	v14 =	vld [tilespmem:s22+$0x0]  }
0xd1: {  	v15 =	vor.u32 s26, v3;
	v9 =	vld.idx.msk [tilespmem:v9+s16+$0x0], $0xffff  }
0xd2: {  	v16 =	vld.idx.msk [tilespmem:v11+s15+$0x0], $0xffff  }
0xd3: {  	v17 =	vor.u32 s26, v4;
	v11 =	vld.idx.msk [tilespmem:v11+s16+$0x0], $0xffff  }
0xd4: {  	v18 =	vld.idx.msk [tilespmem:v13+s15+$0x0], $0xffff  }
0xd5: {  	v12 =	vadd.f32 v12, v14;
	v13 =	vld.idx.msk [tilespmem:v13+s16+$0x0], $0xffff;
	v14 =	vor.u32 s26, v5  }
0xd6: {  	v19 =	vld.idx.msk [tilespmem:v15+s15+$0x0], $0xffff  }
0xd7: {  	v9 =	vmul.f32 v9, v10;
	v12 =	vadd.f32 v12, v8;
	v10 =	vld.idx.msk [tilespmem:v15+s16+$0x0], $0xffff;
	v15 =	vor.u32 s26, v6  }
0xd8: {  	v20 =	vld.idx.msk [tilespmem:v17+s15+$0x0], $0xffff  }
0xd9: {  	v11 =	vmul.f32 v11, v16;
	v16 =	vor.u32 s26, v7;
	v9 =	vadd.f32 v9, v12;
	v12 =	vld.idx.msk [tilespmem:v17+s16+$0x0], $0xffff  }
0xda: {  	s26 =	sadd.s32 $0xFFFFFFE9, s23;
	v17 =	vld.idx.msk [tilespmem:v14+s15+$0x0], $0xffff  }
0xdb: {  	v9 =	vadd.f32 v11, v9;
	v11 =	vmul.f32 v13, v18;
	v13 =	vld.idx.msk [tilespmem:v14+s16+$0x0], $0xffff;
	v14 =	vor.u32 s26, v0  }
0xdc: {  	s26 =	sadd.s32 $0xFFFFFFEA, s23;
	v18 =	vld.idx.msk [tilespmem:v15+s15+$0x0], $0xffff  }
0xdd: {  	v10 =	vmul.f32 v10, v19;
	v9 =	vadd.f32 v11, v9;
	v11 =	vld.idx.msk [tilespmem:v15+s16+$0x0], $0xffff;
	v15 =	vor.u32 s26, v1  }
0xde: {  	s26 =	sadd.s32 $0xFFFFFFEB, s23;
	v19 =	vld.idx.msk [tilespmem:v16+s15+$0x0], $0xffff  }
0xdf: {  	v9 =	vadd.f32 v10, v9;
	v10 =	vmul.f32 v12, v20;
	v12 =	vld.idx.msk [tilespmem:v16+s16+$0x0], $0xffff;
	v16 =	vor.u32 s26, v2  }
0xe0: {  	s26 =	sadd.s32 $0xFFFFFFEC, s23;
	v20 =	vld.idx.msk [tilespmem:v14+s15+$0x0], $0xffff  }
0xe1: {  	v9 =	vadd.f32 v10, v9;
	v10 =	vmul.f32 v13, v17;
	v13 =	vld.idx.msk [tilespmem:v14+s16+$0x0], $0xffff;
	v14 =	vor.u32 s26, v3  }
0xe2: {  	s26 =	sadd.s32 $0xFFFFFFED, s23;
	v17 =	vld.idx.msk [tilespmem:v15+s15+$0x0], $0xffff  }
0xe3: {  	v9 =	vadd.f32 v10, v9;
	v10 =	vmul.f32 v11, v18;
	v11 =	vld.idx.msk [tilespmem:v15+s16+$0x0], $0xffff;
	v15 =	vor.u32 s26, v4  }
0xe4: {  	s26 =	sadd.s32 $0xFFFFFFEE, s23;
	v18 =	vld.idx.msk [tilespmem:v16+s15+$0x0], $0xffff  }
0xe5: {  	v9 =	vadd.f32 v10, v9;
	v10 =	vmul.f32 v12, v19;
	v12 =	vld.idx.msk [tilespmem:v16+s16+$0x0], $0xffff;
	v16 =	vor.u32 s26, v5  }
0xe6: {  	s26 =	sadd.s32 $0xFFFFFFEF, s23;
	v19 =	vld.idx.msk [tilespmem:v14+s15+$0x0], $0xffff  }
0xe7: {  	v9 =	vadd.f32 v10, v9;
	v10 =	vmul.f32 v13, v20;
	v13 =	vld.idx.msk [tilespmem:v14+s16+$0x0], $0xffff;
	v14 =	vor.u32 s26, v6  }
0xe8: {  	s26 =	sadd.s32 $0xFFFFFFF0, s23;
	v20 =	vld.idx.msk [tilespmem:v15+s15+$0x0], $0xffff  }
0xe9: {  	v9 =	vadd.f32 v10, v9;
	v10 =	vmul.f32 v11, v17;
	v11 =	vld.idx.msk [tilespmem:v15+s16+$0x0], $0xffff;
	v15 =	vor.u32 s26, v7  }
0xea: {  	s26 =	sadd.s32 $0xFFFFFFF1, s23;
	v17 =	vld.idx.msk [tilespmem:v16+s15+$0x0], $0xffff  }
0xeb: {  	v9 =	vadd.f32 v10, v9;
	v10 =	vmul.f32 v12, v18;
	v12 =	vld.idx.msk [tilespmem:v16+s16+$0x0], $0xffff;
	v16 =	vor.u32 s26, v0  }
0xec: {  	s26 =	sadd.s32 $0xFFFFFFF2, s23;
	v18 =	vld.idx.msk [tilespmem:v14+s15+$0x0], $0xffff  }
0xed: {  	v9 =	vadd.f32 v10, v9;
	v10 =	vmul.f32 v13, v19;
	v13 =	vld.idx.msk [tilespmem:v14+s16+$0x0], $0xffff;
	v14 =	vor.u32 s26, v1  }
0xee: {  	s26 =	sadd.s32 $0xFFFFFFF3, s23;
	v19 =	vld.idx.msk [tilespmem:v15+s15+$0x0], $0xffff  }
0xef: {  	v9 =	vadd.f32 v10, v9;
	v10 =	vmul.f32 v11, v20;
	v11 =	vld.idx.msk [tilespmem:v15+s16+$0x0], $0xffff;
	v15 =	vor.u32 s26, v2  }
0xf0: {  	s26 =	sadd.s32 $0xFFFFFFF4, s23;
	v20 =	vld.idx.msk [tilespmem:v16+s15+$0x0], $0xffff  }
0xf1: {  	v9 =	vadd.f32 v10, v9;
	v10 =	vmul.f32 v12, v17;
	v12 =	vld.idx.msk [tilespmem:v16+s16+$0x0], $0xffff;
	v16 =	vor.u32 s26, v3  }
0xf2: {  	s26 =	sadd.s32 $0xFFFFFFF5, s23;
	v17 =	vld.idx.msk [tilespmem:v14+s15+$0x0], $0xffff  }
0xf3: {  	v9 =	vadd.f32 v10, v9;
	v10 =	vmul.f32 v13, v18;
	v13 =	vld.idx.msk [tilespmem:v14+s16+$0x0], $0xffff;
	v14 =	vor.u32 s26, v4  }
0xf4: {  	s26 =	sadd.s32 $0xFFFFFFF6, s23;
	v18 =	vld.idx.msk [tilespmem:v15+s15+$0x0], $0xffff  }
0xf5: {  	v9 =	vadd.f32 v10, v9;
	v10 =	vmul.f32 v11, v19;
	v11 =	vld.idx.msk [tilespmem:v15+s16+$0x0], $0xffff;
	v15 =	vor.u32 s26, v5  }
0xf6: {  	s26 =	sadd.s32 $0xFFFFFFF7, s23;
	v19 =	vld.idx.msk [tilespmem:v16+s15+$0x0], $0xffff  }
0xf7: {  	v9 =	vadd.f32 v10, v9;
	v10 =	vmul.f32 v12, v20;
	v12 =	vld.idx.msk [tilespmem:v16+s16+$0x0], $0xffff;
	v16 =	vor.u32 s26, v6  }
0xf8: {  	s26 =	sadd.s32 $0xFFFFFFF8, s23;
	v20 =	vld.idx.msk [tilespmem:v14+s15+$0x0], $0xffff  }
0xf9: {  	v9 =	vadd.f32 v10, v9;
	v10 =	vmul.f32 v13, v17;
	v13 =	vld.idx.msk [tilespmem:v14+s16+$0x0], $0xffff;
	v14 =	vor.u32 s26, v7  }
0xfa: {  	s26 =	sadd.s32 $0xFFFFFFF9, s23;
	v17 =	vld.idx.msk [tilespmem:v15+s15+$0x0], $0xffff  }
0xfb: {  	v9 =	vadd.f32 v10, v9;
	v10 =	vmul.f32 v11, v18;
	v11 =	vld.idx.msk [tilespmem:v15+s16+$0x0], $0xffff;
	v15 =	vor.u32 s26, v0  }
0xfc: {  	s26 =	sadd.s32 $0xFFFFFFFA, s23;
	v18 =	vld.idx.msk [tilespmem:v16+s15+$0x0], $0xffff  }
0xfd: {  	v9 =	vadd.f32 v10, v9;
	v10 =	vmul.f32 v12, v19;
	v12 =	vld.idx.msk [tilespmem:v16+s16+$0x0], $0xffff;
	v16 =	vor.u32 s26, v1  }
0xfe: {  	s26 =	sadd.s32 $0xFFFFFFFB, s23;
	v19 =	vld.idx.msk [tilespmem:v14+s15+$0x0], $0xffff  }
0xff: {  	v9 =	vadd.f32 v10, v9;
	v10 =	vmul.f32 v13, v20;
	v13 =	vld.idx.msk [tilespmem:v14+s16+$0x0], $0xffff;
	v14 =	vor.u32 s26, v2  }
0x100: {  	s26 =	sadd.s32 $0xFFFFFFFC, s23;
	v20 =	vld.idx.msk [tilespmem:v15+s15+$0x0], $0xffff  }
0x101: {  	v9 =	vadd.f32 v10, v9;
	v10 =	vmul.f32 v11, v17;
	v11 =	vld.idx.msk [tilespmem:v15+s16+$0x0], $0xffff;
	v15 =	vor.u32 s26, v3  }
0x102: {  	s26 =	sadd.s32 $0xFFFFFFFD, s23;
	v17 =	vld.idx.msk [tilespmem:v16+s15+$0x0], $0xffff  }
0x103: {  	v9 =	vadd.f32 v10, v9;
	v10 =	vmul.f32 v12, v18;
	v12 =	vld.idx.msk [tilespmem:v16+s16+$0x0], $0xffff;
	v16 =	vor.u32 s26, v4  }
0x104: {  	s26 =	sadd.s32 $0xFFFFFFFE, s23;
	v18 =	vld.idx.msk [tilespmem:v14+s15+$0x0], $0xffff  }
0x105: {  	v9 =	vadd.f32 v10, v9;
	v10 =	vmul.f32 v13, v19;
	v13 =	vld.idx.msk [tilespmem:v14+s16+$0x0], $0xffff;
	v14 =	vor.u32 s26, v5  }
0x106: {  	s26 =	sadd.s32 $0xFFFFFFFF, s23;
	v19 =	vld.idx.msk [tilespmem:v15+s15+$0x0], $0xffff  }
0x107: {  	v9 =	vadd.f32 v10, v9;
	v10 =	vmul.f32 v11, v20;
	v11 =	vld.idx.msk [tilespmem:v15+s16+$0x0], $0xffff;
	v15 =	vor.u32 s26, v6  }
0x108: {  	v20 =	vld.idx.msk [tilespmem:v16+s15+$0x0], $0xffff  }
0x109: {  	v9 =	vadd.f32 v10, v9;
	v10 =	vmul.f32 v12, v17;
	v12 =	vld.idx.msk [tilespmem:v16+s16+$0x0], $0xffff;
	v16 =	vor.u32 s23, v7;
	s23 =	smov.u32 s25  }
0x10a: {  	v17 =	vld.idx.msk [tilespmem:v14+s15+$0x0], $0xffff  }
0x10b: {  	v9 =	vadd.f32 v10, v9;
	v10 =	vmul.f32 v13, v18;
	v13 =	vld.idx.msk [tilespmem:v14+s16+$0x0], $0xffff  }
0x10c: {  	v14 =	vld.idx.msk [tilespmem:v15+s15+$0x0], $0xffff  }
0x10d: {  	v9 =	vadd.f32 v10, v9;
	v10 =	vmul.f32 v11, v19;
	v11 =	vld.idx.msk [tilespmem:v15+s16+$0x0], $0xffff  }
0x10e: {  	v15 =	vld.idx.msk [tilespmem:v16+s15+$0x0], $0xffff  }
0x10f: {  	v9 =	vadd.f32 v10, v9;
	v10 =	vmul.f32 v12, v20;
	v12 =	vld.idx.msk [tilespmem:v16+s16+$0x0], $0xffff;
	_ =	sdelay $0x1  }
0x110: {  	v9 =	vadd.f32 v10, v9;
	v10 =	vmul.f32 v13, v17;
	_ =	sdelay $0x1  }
0x111: {  	v9 =	vadd.f32 v10, v9;
	v10 =	vmul.f32 v11, v14;
	_ =	sdelay $0x1  }
0x112: {  	v9 =	vadd.f32 v10, v9;
	v10 =	vmul.f32 v12, v15;
	_ =	sdelay $0x1  }
0x113: {  	v9 =	vadd.f32 v10, v9;
	_ =	sdelay $0x1  }
0x114: {  	v9 =	vsub.f32 $0.0e+00, v9;
	_ =	sdelay $0x1  }
0x115: {  	v9 =	vmul.f32 $1.442695020e+00, v9;
	_ =	sdelay $0x1  }
0x116: {  	(erf) = vpow2.f32 v9;
	_ =	sdelay $0x8  }
0x117: {  	v9 =	vpop (erf)  }
0x118: {  	v9 =	vadd.f32 $1.000000000e+00, v9;
	_ =	sdelay $0x1  }
0x119: {  	(erf) = vrcp.f32 v9;
	_ =	sdelay $0x3  }
.Ltmp0:
0x11a: {  	(pc) =	sbr.rel @p0 .LBB2_2-.Ltmp0, $3  }
0x11b: {  	s26 =	sadd.s32 $0xFFFFFFE1, s25  }
0x11c: {  	v9 =	vor.u32 s26, v0;
	_ =	sdelay $0x1  }
0x11d: {  	s25 =	sadd.s32 $0x200, s25  }
0x11e: {  	v10 =	vpop (erf);
	s24 =	sadd.s32 $0x10, s24  }
0x11f: {  	v11 =	vor.u32 s26, v1;
	s21 =	sadd.s32 $0x10, s21;
	[tilespmem:s24+$0x0] =	vst v10  }
0x120: {  	s28 =	sadd.s32 $0x10, s22;
	v10 =	vld [tilespmem:s21+$0x0]  }
0x121: {  	v12 =	vor.u32 s26, v2;
	v13 =	vld [tilespmem:s28+$0x0]  }
0x122: {  	v14 =	vld.idx.msk [tilespmem:v9+s15+$0x0], $0xffff  }
0x123: {  	v15 =	vor.u32 s26, v3;
	v34 =	vld.idx.msk [tilespmem:v9+s16+$0x0], $0xffff  }
0x124: {  	v16 =	vld.idx.msk [tilespmem:v11+s15+$0x0], $0xffff  }
0x125: {  	v17 =	vor.u32 s26, v4;
	v11 =	vld.idx.msk [tilespmem:v11+s16+$0x0], $0xffff  }
0x126: {  	v18 =	vld.idx.msk [tilespmem:v12+s15+$0x0], $0xffff;
	v10 =	vadd.f32 v10, v13  }
0x127: {  	v35 =	vor.u32 s26, v5;
	v12 =	vld.idx.msk [tilespmem:v12+s16+$0x0], $0xffff  }
0x128: {  	v19 =	vld.idx.msk [tilespmem:v15+s15+$0x0], $0xffff;
	v9 =	vmul.f32 v34, v14;
	v8 =	vadd.f32 v10, v8  }
0x129: {  	v37 =	vor.u32 s26, v6;
	v36 =	vld.idx.msk [tilespmem:v15+s16+$0x0], $0xffff  }
0x12a: {  	v38 =	vld.idx.msk [tilespmem:v17+s15+$0x0], $0xffff;
	v39 =	vmul.f32 v11, v16;
	v8 =	vadd.f32 v9, v8  }
0x12b: {  	v41 =	vor.u32 s26, v7;
	v40 =	vld.idx.msk [tilespmem:v17+s16+$0x0], $0xffff  }
0x12c: {  	s29 =	sadd.s32 $0xFFFFFFE9, s23;
	v42 =	vld.idx.msk [tilespmem:v35+s15+$0x0], $0xffff;
	v43 =	vmul.f32 v12, v18;
	v8 =	vadd.f32 v39, v8  }
0x12d: {  	v45 =	vor.u32 s29, v0;
	v44 =	vld.idx.msk [tilespmem:v35+s16+$0x0], $0xffff  }
0x12e: {  	s30 =	sadd.s32 $0xFFFFFFEA, s23;
	v46 =	vld.idx.msk [tilespmem:v37+s15+$0x0], $0xffff;
	v47 =	vmul.f32 v36, v19;
	v8 =	vadd.f32 v43, v8  }
0x12f: {  	v49 =	vor.u32 s30, v1;
	v48 =	vld.idx.msk [tilespmem:v37+s16+$0x0], $0xffff  }
0x130: {  	s31 =	sadd.s32 $0xFFFFFFEB, s23;
	v50 =	vld.idx.msk [tilespmem:v41+s15+$0x0], $0xffff;
	v51 =	vmul.f32 v40, v38;
	v8 =	vadd.f32 v47, v8  }
0x131: {  	v53 =	vor.u32 s31, v2;
	v52 =	vld.idx.msk [tilespmem:v41+s16+$0x0], $0xffff  }
0x132: {  	s22 =	sadd.s32 $0xFFFFFFEC, s23;
	v54 =	vld.idx.msk [tilespmem:v45+s15+$0x0], $0xffff;
	v55 =	vmul.f32 v44, v42;
	v8 =	vadd.f32 v51, v8  }
0x133: {  	v57 =	vor.u32 s22, v3;
	v56 =	vld.idx.msk [tilespmem:v45+s16+$0x0], $0xffff  }
0x134: {  	s25 =	sadd.s32 $0xFFFFFFED, s23;
	v58 =	vld.idx.msk [tilespmem:v49+s15+$0x0], $0xffff;
	v59 =	vmul.f32 v48, v46;
	v8 =	vadd.f32 v55, v8  }
0x135: {  	v61 =	vor.u32 s25, v4;
	v60 =	vld.idx.msk [tilespmem:v49+s16+$0x0], $0xffff  }
0x136: {  	s26 =	sadd.s32 $0xFFFFFFEE, s23;
	v62 =	vld.idx.msk [tilespmem:v53+s15+$0x0], $0xffff;
	v63 =	vmul.f32 v52, v50;
	v8 =	vadd.f32 v59, v8  }
0x137: {  	v22 =	vor.u32 s26, v5;
	v21 =	vld.idx.msk [tilespmem:v53+s16+$0x0], $0xffff  }
0x138: {  	s28 =	sadd.s32 $0xFFFFFFEF, s23;
	v23 =	vld.idx.msk [tilespmem:v57+s15+$0x0], $0xffff;
	v24 =	vmul.f32 v56, v54;
	v8 =	vadd.f32 v63, v8  }
0x139: {  	v26 =	vor.u32 s28, v6;
	v25 =	vld.idx.msk [tilespmem:v57+s16+$0x0], $0xffff  }
0x13a: {  	s29 =	sadd.s32 $0xFFFFFFF0, s23;
	v27 =	vld.idx.msk [tilespmem:v61+s15+$0x0], $0xffff;
	v28 =	vmul.f32 v60, v58;
	v8 =	vadd.f32 v24, v8  }
0x13b: {  	v30 =	vor.u32 s29, v7;
	v29 =	vld.idx.msk [tilespmem:v61+s16+$0x0], $0xffff  }
0x13c: {  	s30 =	sadd.s32 $0xFFFFFFF1, s23;
	v31 =	vld.idx.msk [tilespmem:v22+s15+$0x0], $0xffff;
	v32 =	vmul.f32 v21, v62;
	v8 =	vadd.f32 v28, v8  }
0x13d: {  	v33 =	vld.idx.msk [tilespmem:v22+s16+$0x0], $0xffff;
	v34 =	vor.u32 s30, v0  }
0x13e: {  	s31 =	sadd.s32 $0xFFFFFFF2, s23;
	v35 =	vld.idx.msk [tilespmem:v26+s15+$0x0], $0xffff;
	v36 =	vmul.f32 v25, v23;
	v8 =	vadd.f32 v32, v8  }
0x13f: {  	v37 =	vld.idx.msk [tilespmem:v26+s16+$0x0], $0xffff;
	v38 =	vor.u32 s31, v1  }
0x140: {  	s22 =	sadd.s32 $0xFFFFFFF3, s23;
	v41 =	vld.idx.msk [tilespmem:v30+s16+$0x0], $0xffff;
	v40 =	vmul.f32 v29, v27;
	v8 =	vadd.f32 v36, v8  }
0x141: {  	v42 =	vor.u32 s22, v2;
	v39 =	vld.idx.msk [tilespmem:v30+s15+$0x0], $0xffff  }
0x142: {  	s25 =	sadd.s32 $0xFFFFFFF4, s23;
	v44 =	vmul.f32 v33, v31;
	v45 =	vld.idx.msk [tilespmem:v34+s16+$0x0], $0xffff;
	v8 =	vadd.f32 v40, v8  }
0x143: {  	v46 =	vor.u32 s25, v3;
	v43 =	vld.idx.msk [tilespmem:v34+s15+$0x0], $0xffff  }
0x144: {  	s26 =	sadd.s32 $0xFFFFFFF5, s23;
	v48 =	vmul.f32 v37, v35;
	v49 =	vld.idx.msk [tilespmem:v38+s16+$0x0], $0xffff;
	v8 =	vadd.f32 v44, v8  }
0x145: {  	v50 =	vor.u32 s26, v4;
	v47 =	vld.idx.msk [tilespmem:v38+s15+$0x0], $0xffff  }
0x146: {  	s28 =	sadd.s32 $0xFFFFFFF6, s23;
	v53 =	vld.idx.msk [tilespmem:v42+s16+$0x0], $0xffff;
	v52 =	vmul.f32 v41, v39;
	v8 =	vadd.f32 v48, v8  }
0x147: {  	v54 =	vor.u32 s28, v5;
	v51 =	vld.idx.msk [tilespmem:v42+s15+$0x0], $0xffff  }
0x148: {  	s29 =	sadd.s32 $0xFFFFFFF7, s23;
	v57 =	vld.idx.msk [tilespmem:v46+s16+$0x0], $0xffff;
	v56 =	vmul.f32 v45, v43;
	v8 =	vadd.f32 v52, v8  }
0x149: {  	v58 =	vor.u32 s29, v6;
	v55 =	vld.idx.msk [tilespmem:v46+s15+$0x0], $0xffff  }
0x14a: {  	s30 =	sadd.s32 $0xFFFFFFF8, s23;
	v61 =	vld.idx.msk [tilespmem:v50+s16+$0x0], $0xffff;
	v60 =	vmul.f32 v49, v47;
	v8 =	vadd.f32 v56, v8  }
0x14b: {  	v62 =	vor.u32 s30, v7;
	v59 =	vld.idx.msk [tilespmem:v50+s15+$0x0], $0xffff  }
0x14c: {  	s31 =	sadd.s32 $0xFFFFFFF9, s23;
	v22 =	vld.idx.msk [tilespmem:v54+s16+$0x0], $0xffff;
	v21 =	vmul.f32 v53, v51;
	v8 =	vadd.f32 v60, v8  }
0x14d: {  	v23 =	vor.u32 s31, v0;
	v63 =	vld.idx.msk [tilespmem:v54+s15+$0x0], $0xffff  }
0x14e: {  	s22 =	sadd.s32 $0xFFFFFFFA, s23;
	v26 =	vld.idx.msk [tilespmem:v58+s16+$0x0], $0xffff;
	v25 =	vmul.f32 v57, v55;
	v8 =	vadd.f32 v21, v8  }
0x14f: {  	v27 =	vor.u32 s22, v1;
	v24 =	vld.idx.msk [tilespmem:v58+s15+$0x0], $0xffff  }
0x150: {  	s25 =	sadd.s32 $0xFFFFFFFB, s23;
	v30 =	vld.idx.msk [tilespmem:v62+s16+$0x0], $0xffff;
	v29 =	vmul.f32 v61, v59;
	v8 =	vadd.f32 v25, v8  }
0x151: {  	v31 =	vor.u32 s25, v2;
	v28 =	vld.idx.msk [tilespmem:v62+s15+$0x0], $0xffff  }
0x152: {  	s26 =	sadd.s32 $0xFFFFFFFC, s23;
	v34 =	vld.idx.msk [tilespmem:v23+s16+$0x0], $0xffff;
	v33 =	vmul.f32 v22, v63;
	v8 =	vadd.f32 v29, v8  }
0x153: {  	v35 =	vor.u32 s26, v3;
	v32 =	vld.idx.msk [tilespmem:v23+s15+$0x0], $0xffff  }
0x154: {  	s28 =	sadd.s32 $0xFFFFFFFD, s23;
	v38 =	vld.idx.msk [tilespmem:v27+s16+$0x0], $0xffff;
	v37 =	vmul.f32 v26, v24;
	v8 =	vadd.f32 v33, v8  }
0x155: {  	v39 =	vor.u32 s28, v4;
	v36 =	vld.idx.msk [tilespmem:v27+s15+$0x0], $0xffff  }
0x156: {  	s29 =	sadd.s32 $0xFFFFFFFE, s23;
	v42 =	vld.idx.msk [tilespmem:v31+s16+$0x0], $0xffff;
	v41 =	vmul.f32 v30, v28;
	v8 =	vadd.f32 v37, v8  }
0x157: {  	v43 =	vor.u32 s29, v5;
	v40 =	vld.idx.msk [tilespmem:v31+s15+$0x0], $0xffff  }
0x158: {  	s30 =	sadd.s32 $0xFFFFFFFF, s23;
	v46 =	vld.idx.msk [tilespmem:v35+s16+$0x0], $0xffff;
	v45 =	vmul.f32 v34, v32;
	v8 =	vadd.f32 v41, v8  }
0x159: {  	v47 =	vor.u32 s30, v6;
	v44 =	vld.idx.msk [tilespmem:v35+s15+$0x0], $0xffff  }
0x15a: {  	v50 =	vld.idx.msk [tilespmem:v39+s16+$0x0], $0xffff;
	v49 =	vmul.f32 v38, v36;
	v8 =	vadd.f32 v45, v8  }
0x15b: {  	v51 =	vor.u32 s23, v7;
	v48 =	vld.idx.msk [tilespmem:v39+s15+$0x0], $0xffff  }
0x15c: {  	v54 =	vld.idx.msk [tilespmem:v43+s16+$0x0], $0xffff;
	v53 =	vmul.f32 v42, v40;
	v8 =	vadd.f32 v49, v8  }
0x15d: {  	v52 =	vld.idx.msk [tilespmem:v43+s15+$0x0], $0xffff  }
0x15e: {  	v55 =	vld.idx.msk [tilespmem:v47+s15+$0x0], $0xffff;
	v56 =	vmul.f32 v46, v44;
	v8 =	vadd.f32 v53, v8  }
0x15f: {  	v57 =	vld.idx.msk [tilespmem:v47+s16+$0x0], $0xffff  }
0x160: {  	v58 =	vld.idx.msk [tilespmem:v51+s15+$0x0], $0xffff;
	v59 =	vmul.f32 v50, v48;
	v8 =	vadd.f32 v56, v8  }
0x161: {  	v60 =	vld.idx.msk [tilespmem:v51+s16+$0x0], $0xffff  }
0x162: {  	v61 =	vmul.f32 v54, v52;
	v8 =	vadd.f32 v59, v8;
	_ =	sdelay $0x1  }
0x163: {  	v62 =	vmul.f32 v57, v55;
	v8 =	vadd.f32 v61, v8;
	_ =	sdelay $0x1  }
0x164: {  	v63 =	vmul.f32 v60, v58;
	v8 =	vadd.f32 v62, v8;
	_ =	sdelay $0x1  }
0x165: {  	v8 =	vadd.f32 v63, v8;
	_ =	sdelay $0x1  }
0x166: {  	v8 =	vsub.f32 $0.0e+00, v8;
	_ =	sdelay $0x1  }
0x167: {  	v8 =	vmul.f32 $1.442695020e+00, v8;
	_ =	sdelay $0x1  }
0x168: {  	(erf) = vpow2.f32 v8;
	_ =	sdelay $0x8  }
0x169: {  	v8 =	vpop (erf)  }
0x16a: {  	v8 =	vadd.f32 $1.000000000e+00, v8;
	_ =	sdelay $0x1  }
0x16b: {  	(erf) = vrcp.f32 v8;
	_ =	sdelay $0x7  }
0x16c: {  	s20 =	sadd.s32 $0x1, s20  }
0x16d: {  	p0 =	sne.s32 s20, s11;
	s31 =	sadd.s32 $0x10, s24;
	v8 =	vpop (erf)  }
.Ltmp1:
0x16e: {  	[tilespmem:s31+$0x0] =	vst v8;
	(pc) =	sbr.rel @p0 .LBB2_1-.Ltmp1, $4  }
0x16f: {  	[hbm4b:s10+s2] =	stream.linear.scatter [tilespmem:s19], [sflag:$0x3], $0x200, $0x38;
	[tilespmem:$0x8A10] =	vst v63  }
0x170: {  	_ =	swait.ge [sflag:s12], $0x200  }
0x171: {  	[sflag:s12] =	ssyncset.done $0x0  }
0x172: {  	[sflag:s12] =	ssyncadd.s32 $0xFFFFFE00  }
0x173: {  	_ =	sfence.sel $0x180000  }
0x174: {  	[bflag:$0x0] =	sbarrier.arrive $0xFFFF  }
0x175: {  	p0 =	sne.s32 s0, $0x0;
	_ =	strace $0x9000004A  }
0x176: {  	s0 =	sadd.s32 @!p0 $0x100000, s1;
	[bflag:$0x2] =	sbarrier.arrive $0xFFFF  }
0x177: {  	[sflag:s0] =	ssyncadd.tile.s32 @!p0 $0x1;
	_ =	shalt  }
.Lfunc_end2:
_tile_overlayer_lowered:
.L_overlay_start_2:
0x178: {  	(tag) =	ssettag $0x2  }
0x179: {  	s0 =	rddreg [dreg:$0x0];
	s2 =	stileid.u32  }
0x17a: {  	s1 =	rddreg [dreg:$0x1];
	p0 =	sne.s32 s2, $0x0  }
0x17b: {  	s3 =	rddreg [dreg:$0x2];
	[bflag:$0x3] =	sbarrier.arrive $0xFFFF;
	s2 =	simm.s32 @!p0 $0x1C03  }
0x17c: {  	[timem:s3], [sflag:s2] =	dma.local @!p0 [hbm:s0], s1  }
0x17d: {  	s0 =	simm.s32 @!p0 $0x3  }
0x17e: {  	_ =	swait.ge @!p0 [sflag:s0], s1  }
0x17f: {  	s1 =	ssub.s32 @!p0 $0x0, s1;
	[sflag:s0] =	ssyncset.done @!p0 $0x0  }
0x180: {  	[sflag:s0] =	ssyncadd.s32 @!p0 s1  }
0x181: {  	[bflag:$0x3] =	sbarrier.arrive $0xFFFF  }
0x182: {  	_ =	shalt  }

</sc_bundles>
